<compile_context>
chip_gen: v7x
topology: tpu7x:2x2x1
jax: 0.10.2.dev20260603
libtpu: 0.0.44.dev20260713+nightly
codegen_flags: <defaults>
</compile_context>

<pallas_src>
import functools

import jax
import jax.numpy as jnp
from jax import lax
from jax.experimental import pallas as pl
from jax.experimental.pallas import tpu as pltpu
from jax.experimental.pallas import tpu_sc as plsc

B, C, H, W = 8, 128, 224, 224
HW = H * W
HID = 64
K = 30
KP = 32
HCH = H // 4
CH = HW // 4
WV = W // 16
T0 = 0.995
T1 = 0.5
NEG = -2.0
BIGI = 1 << 30
CG = C // 4


def _extract_topk(src_v, src_i, dst_v, dst_i, nvregs):
    iota = lax.iota(jnp.int32, 16)
    bigv = jnp.full((16,), BIGI, jnp.int32)
    negv16 = jnp.full((16,), NEG, jnp.float32)

    def body(k, _):
        def mx(j, carry):
            bv, bi_ = carry
            v = src_v[pl.ds(j * 16, 16)]
            ii = src_i[pl.ds(j * 16, 16)]
            gt = v > bv
            eq = v == bv
            bi_ = jnp.where(gt, ii, jnp.where(eq, jnp.minimum(bi_, ii), bi_))
            return jnp.maximum(bv, v), bi_
        bv, bi_ = lax.fori_loop(0, nvregs, mx, (negv16, bigv))
        maxs = jnp.max(bv)
        maxv = jnp.full((16,), maxs, jnp.float32)
        bi = jnp.min(jnp.where(bv == maxv, bi_, bigv))
        biv = jnp.full((16,), bi, jnp.int32)

        def cl(j, _2):
            v = src_v[pl.ds(j * 16, 16)]
            ii = src_i[pl.ds(j * 16, 16)]
            src_v[pl.ds(j * 16, 16)] = jnp.where(
                (v == maxv) & (ii == biv), negv16, v)
            return 0
        lax.fori_loop(0, nvregs, cl, 0)
        lane0 = iota == 0
        kk = jnp.full((16,), k, jnp.int32)
        plsc.store_scatter(dst_v, [kk], jnp.full((16,), maxs, jnp.float32),
                           mask=lane0)
        plsc.store_scatter(dst_i, [kk], jnp.full((16,), bi, jnp.int32),
                           mask=lane0)
        return 0
    lax.fori_loop(0, K, body, 0)


def _sc_select_gather(object_mask, featsv):
    mesh = plsc.VectorSubcoreMesh(core_axis_name="c", subcore_axis_name="s",
                                  num_cores=2, num_subcores=16)

    @functools.partial(
        pl.kernel,
        out_type=[
            jax.ShapeDtypeStruct((B, KP, C), jnp.float32),
            jax.ShapeDtypeStruct((B, KP), jnp.float32),
        ],
        mesh=mesh,
        compiler_params=pltpu.CompilerParams(needs_layout_passes=False),
        scratch_types=[
            pltpu.VMEM((HCH, W), jnp.float32),
            pltpu.VMEM((CH + 16,), jnp.float32),
            pltpu.VMEM((CH + 16,), jnp.int32),
            pltpu.VMEM((KP,), jnp.float32),
            pltpu.VMEM((KP,), jnp.int32),
            pltpu.VMEM((4 * KP,), jnp.float32),
            pltpu.VMEM((4 * KP,), jnp.int32),
            pltpu.VMEM((KP,), jnp.float32),
            pltpu.VMEM((KP,), jnp.int32),
            pltpu.VMEM((KP,), jnp.float32),
            pltpu.VMEM((KP,), jnp.int32),
            pltpu.VMEM((16,), jnp.int32),
            pltpu.VMEM((16 * 16,), jnp.int32),
            pltpu.VMEM((KP, C), jnp.float32),
            pltpu.VMEM_SHARED((16 * 16,), jnp.int32),
            pltpu.VMEM_SHARED((16 * KP,), jnp.float32),
            pltpu.VMEM_SHARED((16 * KP,), jnp.int32),
            pltpu.SemaphoreType.DMA,
        ],
    )
    def k(mask_hbm, feat_hbm, gout_hbm, ex_hbm,
          chunk, cand_v, cand_i, loc_v, loc_i, grp_v, grp_i, mrg_v, mrg_i,
          exv, ridx, cnt_v, counts_all, rows_v,
          s_counts, s_loc_v, s_loc_i, sem):
        cid = lax.axis_index("c")
        sid = lax.axis_index("s")
        bb = sid // 4
        q = sid % 4
        b = cid * 4 + bb
        iota = lax.iota(jnp.int32, 16)

        t0v = jnp.full((16,), T0, jnp.float32)
        t1v = jnp.full((16,), T1, jnp.float32)
        one = jnp.full((16,), 1, jnp.int32)
        zero = jnp.zeros((16,), jnp.int32)
        NBLK = HCH // 8
        copies = [
            pltpu.async_copy(
                mask_hbm.at[b, 0, pl.ds(q * HCH + blk * 8, 8), :],
                chunk.at[pl.ds(blk * 8, 8), :], sem)
            for blk in range(NBLK)
        ]
        def cbody(hh, cc):
            a0, a1 = cc
            for wv in range(WV):
                v = chunk[hh, pl.ds(wv * 16, 16)]
                a0 = a0 + jnp.where(v > t0v, one, zero)
                a1 = a1 + jnp.where(v > t1v, one, zero)
            return (a0, a1)
        acc = (zero, zero)
        for blk in range(NBLK):
            copies[blk].wait()
            acc = lax.fori_loop(blk * 8, blk * 8 + 8, cbody, acc)
        a0, a1 = acc
        c0v = jnp.full((16,), jnp.sum(a0), jnp.int32)
        c1v = jnp.full((16,), jnp.sum(a1), jnp.int32)
        cv = jnp.where(iota == 0, c0v, jnp.where(iota == 1, c1v,
                                                 jnp.zeros((16,), jnp.int32)))
        cnt_v[...] = cv
        pltpu.sync_copy(cnt_v, s_counts.at[pl.ds(sid * 16, 16)])
        plsc.subcore_barrier()

        pltpu.sync_copy(s_counts, counts_all)
        g0 = jnp.int32(0)
        g1 = jnp.int32(0)
        for t in range(4):
            cvec = counts_all[pl.ds((bb * 4 + t) * 16, 16)]
            g0 = g0 + jnp.minimum(cvec[0], K)
            g1 = g1 + jnp.minimum(cvec[1], K)
        T = jnp.where(g0 >= K, T0, jnp.where(g1 >= K, T1, -1.0))

        tv = jnp.full((16,), T, jnp.float32)

        def pbody(hh, off_v):
            basev = jnp.full((16,), q * CH + hh * W, jnp.int32) + iota
            for wv in range(WV):
                v = chunk[hh, pl.ds(wv * 16, 16)]
                m = v > tv
                off_s = off_v[0]
                plsc.store_compressed(cand_v.at[pl.ds(off_s, 16)], v, mask=m)
                plsc.store_compressed(cand_i.at[pl.ds(off_s, 16)],
                                      basev + wv * 16, mask=m)
                off_v = off_v + plsc.all_reduce_population_count(m)
            return off_v
        n = lax.fori_loop(0, HCH, pbody, jnp.zeros((16,), jnp.int32))[0]
        nv16 = jnp.full((16,), n, jnp.int32) + iota
        plsc.store_scatter(cand_v, [nv16], jnp.full((16,), NEG, jnp.float32))
        plsc.store_scatter(cand_i, [nv16], jnp.zeros((16,), jnp.int32))

        negv = jnp.full((16,), NEG, jnp.float32)
        zi = jnp.zeros((16,), jnp.int32)
        loc_v[pl.ds(0, 16)] = negv
        loc_v[pl.ds(16, 16)] = negv
        loc_i[pl.ds(0, 16)] = zi
        loc_i[pl.ds(16, 16)] = zi
        _extract_topk(cand_v, cand_i, loc_v, loc_i, (n + 15) // 16)

        pltpu.sync_copy(loc_v, s_loc_v.at[pl.ds(sid * KP, KP)])
        pltpu.sync_copy(loc_i, s_loc_i.at[pl.ds(sid * KP, KP)])
        plsc.subcore_barrier()

        @pl.when(q == 0)
        def _merge():
            pltpu.sync_copy(s_loc_v.at[pl.ds(bb * 4 * KP, 4 * KP)], grp_v)
            pltpu.sync_copy(s_loc_i.at[pl.ds(bb * 4 * KP, 4 * KP)], grp_i)
            mrg_v[pl.ds(0, 16)] = negv
            mrg_v[pl.ds(16, 16)] = negv
            mrg_i[pl.ds(0, 16)] = zi
            mrg_i[pl.ds(16, 16)] = zi
            _extract_topk(grp_v, grp_i, mrg_v, mrg_i, (4 * KP) // 16)
            exv[pl.ds(0, 16)] = (mrg_v[pl.ds(0, 16)] > 0.5).astype(jnp.float32)
            exv[pl.ds(16, 16)] = (mrg_v[pl.ds(16, 16)] > 0.5).astype(jnp.float32)
            pltpu.sync_copy(exv, ex_hbm.at[b])
            base = jnp.full((16,), b * HW, jnp.int32)
            ridx[pl.ds(0, 16)] = base + mrg_i[pl.ds(0, 16)]
            ridx[pl.ds(16, 16)] = base + mrg_i[pl.ds(16, 16)]
            pltpu.async_copy(feat_hbm.at[ridx], rows_v, sem).wait()
            pltpu.sync_copy(rows_v, gout_hbm.at[b])

    return k(object_mask, featsv)


def _tc_project(x, w1t, b1r, w2t, b2r):
    def mm(x_ref, w1_ref, b1_ref, w2_ref, b2_ref, o_ref):
        h = jnp.dot(x_ref[...], w1_ref[...],
                    preferred_element_type=jnp.float32) + b1_ref[...]
        h = jnp.maximum(h, 0.0)
        o_ref[...] = jnp.dot(h, w2_ref[...],
                             preferred_element_type=jnp.float32) + b2_ref[...]
    return pl.pallas_call(
        mm,
        out_shape=jax.ShapeDtypeStruct((B * KP, HID), jnp.float32),
    )(x, w1t, b1r, w2t, b2r)


def kernel(features, object_mask, W1, b1, W2, b2):
    featsv = features.transpose(0, 2, 3, 1).reshape(B * HW, C)
    gathered, exists = _sc_select_gather(object_mask, featsv)
    proj = _tc_project(gathered.reshape(B * KP, C), W1.T, b1[None, :],
                       W2.T, b2[None, :])
    selected = proj.reshape(B, KP, HID)[:, :K, :]
    return (selected, exists[:, :K])

# --- scband reference (transcript-rebuilt; emitter-appended) ---
"""Pipeline reference for scband-sequential-object-processor-670014898355 (READ-ONLY COPY).

The authoritative reference and input builder live on the scoring server;
editing this copy changes nothing except your own understanding.
"""

import jax, jax.numpy as jnp
import numpy as np

B, C, H, W = 8, 128, 224, 224
HID = 64
MAX_OBJECTS = 30

def setup_inputs(seed: int = 0) -> dict:
    key = jax.random.key(seed)
    k1, k2, k3, k4 = jax.random.split(key, 4)
    features = jax.random.normal(k1, (B, C, H, W), dtype=jnp.float32)
    object_mask = jax.random.uniform(k2, (B, 1, H, W), dtype=jnp.float32)
    W1 = jax.random.normal(k3, (64, C), dtype=jnp.float32) * 0.05
    b1 = jnp.zeros((64,), dtype=jnp.float32)
    W2 = jax.random.normal(k4, (HID, 64), dtype=jnp.float32) * 0.05
    b2 = jnp.zeros((HID,), dtype=jnp.float32)
    return {"features": features, "object_mask": object_mask, "W1": W1, "b1": b1, "W2": W2, "b2": b2}

def reference(features, object_mask, W1, b1, W2, b2):
    b, c, h, w = features.shape
    # object_encoder: Conv2d(128,64,1) -> ReLU -> Conv2d(64,hidden,1) as 1x1 convs == channel matmuls
    x = jnp.einsum('bchw,oc->bohw', features, W1) + b1[None, :, None, None]
    x = jax.nn.relu(x)
    x = jnp.einsum('bchw,oc->bohw', x, W2) + b2[None, :, None, None]
    # permute(0,2,3,1).reshape(b, h*w, -1)
    obj_features_flat = jnp.transpose(x, (0, 2, 3, 1)).reshape(b, h * w, -1)
    object_mask_flat = object_mask[:, 0, :, :].reshape(b, h * w)
    k = min(MAX_OBJECTS, h * w)
    topk_values, topk_indices = jax.lax.top_k(object_mask_flat, k)
    # gather: obj_features_flat[batch_indices, topk_indices]
    selected_features = jnp.take_along_axis(obj_features_flat, topk_indices[:, :, None], axis=1)
    object_exists = (topk_values > 0.5).astype(jnp.float32)
    return (selected_features, object_exists)

if __name__ == "__main__":
    import jax
    _d = setup_inputs()
    print(jax.jit(kernel)(*tuple(_d.values())))

</pallas_src>

<mosaic_0001>
#map = affine_map<(d0, d1) -> (0, 0, 0, 0)>
#map1 = affine_map<(d0, d1) -> (0, 0)>
#map2 = affine_map<(d0, d1) -> (0, 0, 0)>
module attributes {stable_mosaic.version = 14 : i64} {
  func.func @k(%arg0: i32, %arg1: i32, %arg2: memref<8x1x224x224xf32, #tpu.memory_space<hbm>>, %arg3: memref<401408x128xf32, #tpu.memory_space<hbm>>, %arg4: memref<8x32x128xf32, #tpu.memory_space<hbm>>, %arg5: memref<8x32xf32, #tpu.memory_space<hbm>>, %arg6: memref<56x224xf32, #tpu.memory_space<vmem>>, %arg7: memref<12560xf32, #tpu.memory_space<vmem>>, %arg8: memref<12560xi32, #tpu.memory_space<vmem>>, %arg9: memref<32xf32, #tpu.memory_space<vmem>>, %arg10: memref<32xi32, #tpu.memory_space<vmem>>, %arg11: memref<128xf32, #tpu.memory_space<vmem>>, %arg12: memref<128xi32, #tpu.memory_space<vmem>>, %arg13: memref<32xf32, #tpu.memory_space<vmem>>, %arg14: memref<32xi32, #tpu.memory_space<vmem>>, %arg15: memref<32xf32, #tpu.memory_space<vmem>>, %arg16: memref<32xi32, #tpu.memory_space<vmem>>, %arg17: memref<16xi32, #tpu.memory_space<vmem>>, %arg18: memref<256xi32, #tpu.memory_space<vmem>>, %arg19: memref<32x128xf32, #tpu.memory_space<vmem>>, %arg20: memref<256xi32, #tpu.memory_space<vmem_shared>>, %arg21: memref<512xf32, #tpu.memory_space<vmem_shared>>, %arg22: memref<512xi32, #tpu.memory_space<vmem_shared>>, %arg23: memref<!tpu.dma_semaphore, #tpu.memory_space<semaphore_mem>>) attributes {dimension_semantics = [#tpu.dimension_semantics<core_parallel>, #tpu.dimension_semantics<subcore_parallel>], iteration_bounds = array<i64: 2, 16>, scalar_prefetch = 0 : i64, scratch_operands = 18 : i64, tpu.core_type = #tpu.core_type<sc_vector_subcore>, window_params = [{transform_indices = #map}, {transform_indices = #map1}, {transform_indices = #map2}, {transform_indices = #map1}]} {
    %jit3A = arith.constant 4 : i32
    %div3A = arith.divsi %arg1, %jit3A : i32
    %sign3A = arith.constant 0 : i32
    %sign3A_0 = arith.cmpi sgt, %arg1, %sign3A : i32
    %sign3A_1 = arith.extui %sign3A_0 : i1 to i32
    %sign3A_2 = arith.constant 0 : i32
    %sign3A_3 = arith.cmpi slt, %arg1, %sign3A_2 : i32
    %sign3A_4 = arith.extui %sign3A_3 : i1 to i32
    %sign3A_5 = arith.subi %sign3A_1, %sign3A_4 : i32
    %sign3A_6 = arith.constant 0 : i32
    %sign3A_7 = arith.cmpi sgt, %jit3A, %sign3A_6 : i32
    %sign3A_8 = arith.extui %sign3A_7 : i1 to i32
    %sign3A_9 = arith.constant 0 : i32
    %sign3A_10 = arith.cmpi slt, %jit3A, %sign3A_9 : i32
    %sign3A_11 = arith.extui %sign3A_10 : i1 to i32
    %sign3A_12 = arith.subi %sign3A_8, %sign3A_11 : i32
    %ne3A = arith.cmpi ne, %sign3A_5, %sign3A_12 : i32
    %rem3A = arith.remsi %arg1, %jit3A : i32
    %ne3A_13 = arith.constant 0 : i32
    %ne3A_14 = arith.cmpi ne, %rem3A, %ne3A_13 : i32
    %and3A = arith.andi %ne3A, %ne3A_14 : i1
    %sub3A = arith.constant 1 : i32
    %sub3A_15 = arith.subi %div3A, %sub3A : i32
    %select_n3A = arith.select %and3A, %sub3A_15, %div3A : i32
    %jit3A_16 = arith.constant 4 : i32
    %eq3A = arith.constant 0 : i32
    %eq3A_17 = arith.cmpi eq, %jit3A_16, %eq3A : i32
    %jit3A_18 = arith.constant 1 : i32
    %select_n3A_19 = arith.select %eq3A_17, %jit3A_18, %jit3A_16 : i32
    %rem3A_20 = arith.remsi %arg1, %select_n3A_19 : i32
    %ne3A_21 = arith.constant 0 : i32
    %ne3A_22 = arith.cmpi ne, %rem3A_20, %ne3A_21 : i32
    %lt3A = arith.constant 0 : i32
    %lt3A_23 = arith.cmpi slt, %rem3A_20, %lt3A : i32
    %lt3A_24 = arith.constant 0 : i32
    %lt3A_25 = arith.cmpi slt, %select_n3A_19, %lt3A_24 : i32
    %ne3A_26 = arith.xori %lt3A_23, %lt3A_25 : i1
    %and3A_27 = arith.andi %ne3A_26, %ne3A_22 : i1
    %add3A = arith.addi %rem3A_20, %select_n3A_19 : i32
    %select_n3A_28 = arith.select %and3A_27, %add3A, %rem3A_20 : i32
    %mul3A = arith.constant 4 : i32
    %mul3A_29 = arith.muli %arg0, %mul3A : i32
    %add3A_30 = arith.addi %mul3A_29, %select_n3A : i32
    %iota3A = tpu.iota {dimensions = array<i32: 0>} : vector<16xi32>
    %broadcast_in_dim3A = arith.constant 9.950000e-01 : f32
    %broadcast_in_dim3A_31 = vector.broadcast %broadcast_in_dim3A : f32 to vector<16xf32>
    %broadcast_in_dim3A_32 = arith.constant 5.000000e-01 : f32
    %broadcast_in_dim3A_33 = vector.broadcast %broadcast_in_dim3A_32 : f32 to vector<16xf32>
    %broadcast_in_dim3A_34 = arith.constant 1 : i32
    %broadcast_in_dim3A_35 = vector.broadcast %broadcast_in_dim3A_34 : i32 to vector<16xi32>
    %broadcast_in_dim3A_36 = arith.constant 0 : i32
    %broadcast_in_dim3A_37 = vector.broadcast %broadcast_in_dim3A_36 : i32 to vector<16xi32>
    %mul3A_38 = arith.constant 56 : i32
    %mul3A_39 = arith.muli %select_n3A_28, %mul3A_38 : i32
    %add3A_40 = arith.constant 0 : i32
    %add3A_41 = arith.addi %mul3A_39, %add3A_40 : i32
    %dma_start3A = arith.constant 0 : i32
    %dma_start3A_42 = arith.constant 0 : i32
    %dma_start3A_43 = arith.constant 0 : i32
    %dma_start3A_44 = tpu.memref_slice %arg6[%dma_start3A_42, %dma_start3A_43] : memref<56x224xf32, #tpu.memory_space<vmem>> -> memref<8x224xf32, #tpu.memory_space<vmem>>
    %dma_start3A_45 = arith.constant 0 : i32
    %dma_start3A_46 = tpu.memref_slice %arg2[%add3A_30, %dma_start3A, %add3A_41, %dma_start3A_45] : memref<8x1x224x224xf32, #tpu.memory_space<hbm>> -> memref<1x1x8x224xf32, #tpu.memory_space<hbm>>
    %dma_start3A_47 = tpu.memref_squeeze %dma_start3A_46 : memref<1x1x8x224xf32, #tpu.memory_space<hbm>> -> memref<8x224xf32, #tpu.memory_space<hbm>>
    %dma_start3A_48 = arith.constant 0 : i32
    %dma_start3A_49 = arith.constant 0 : i32
    %dma_start3A_50 = tpu.memref_slice %arg6[%dma_start3A_48, %dma_start3A_49] : memref<56x224xf32, #tpu.memory_space<vmem>> -> memref<8x224xf32, #tpu.memory_space<vmem>>
    %dma_start3A_51 = arith.constant 0 : i32
    %dma_start3A_52 = tpu.memref_slice %arg2[%add3A_30, %dma_start3A, %add3A_41, %dma_start3A_51] : memref<8x1x224x224xf32, #tpu.memory_space<hbm>> -> memref<1x1x8x224xf32, #tpu.memory_space<hbm>>
    %dma_start3A_53 = tpu.memref_squeeze %dma_start3A_52 : memref<1x1x8x224xf32, #tpu.memory_space<hbm>> -> memref<8x224xf32, #tpu.memory_space<hbm>>
    tpu.enqueue_dma source(%dma_start3A_53 : memref<8x224xf32, #tpu.memory_space<hbm>>) target(%dma_start3A_50 : memref<8x224xf32, #tpu.memory_space<vmem>>) target_semaphore(%arg23 : memref<!tpu.dma_semaphore, #tpu.memory_space<semaphore_mem>>)
    %mul3A_54 = arith.constant 56 : i32
    %mul3A_55 = arith.muli %select_n3A_28, %mul3A_54 : i32
    %add3A_56 = arith.constant 8 : i32
    %add3A_57 = arith.addi %mul3A_55, %add3A_56 : i32
    %dma_start3A_58 = arith.constant 0 : i32
    %dma_start3A_59 = arith.constant 8 : i32
    %dma_start3A_60 = arith.constant 0 : i32
    %dma_start3A_61 = tpu.memref_slice %arg6[%dma_start3A_59, %dma_start3A_60] : memref<56x224xf32, #tpu.memory_space<vmem>> -> memref<8x224xf32, #tpu.memory_space<vmem>>
    %dma_start3A_62 = arith.constant 0 : i32
    %dma_start3A_63 = tpu.memref_slice %arg2[%add3A_30, %dma_start3A_58, %add3A_57, %dma_start3A_62] : memref<8x1x224x224xf32, #tpu.memory_space<hbm>> -> memref<1x1x8x224xf32, #tpu.memory_space<hbm>>
    %dma_start3A_64 = tpu.memref_squeeze %dma_start3A_63 : memref<1x1x8x224xf32, #tpu.memory_space<hbm>> -> memref<8x224xf32, #tpu.memory_space<hbm>>
    %dma_start3A_65 = arith.constant 8 : i32
    %dma_start3A_66 = arith.constant 0 : i32
    %dma_start3A_67 = tpu.memref_slice %arg6[%dma_start3A_65, %dma_start3A_66] : memref<56x224xf32, #tpu.memory_space<vmem>> -> memref<8x224xf32, #tpu.memory_space<vmem>>
    %dma_start3A_68 = arith.constant 0 : i32
    %dma_start3A_69 = tpu.memref_slice %arg2[%add3A_30, %dma_start3A_58, %add3A_57, %dma_start3A_68] : memref<8x1x224x224xf32, #tpu.memory_space<hbm>> -> memref<1x1x8x224xf32, #tpu.memory_space<hbm>>
    %dma_start3A_70 = tpu.memref_squeeze %dma_start3A_69 : memref<1x1x8x224xf32, #tpu.memory_space<hbm>> -> memref<8x224xf32, #tpu.memory_space<hbm>>
    tpu.enqueue_dma source(%dma_start3A_70 : memref<8x224xf32, #tpu.memory_space<hbm>>) target(%dma_start3A_67 : memref<8x224xf32, #tpu.memory_space<vmem>>) target_semaphore(%arg23 : memref<!tpu.dma_semaphore, #tpu.memory_space<semaphore_mem>>)
    %mul3A_71 = arith.constant 56 : i32
    %mul3A_72 = arith.muli %select_n3A_28, %mul3A_71 : i32
    %add3A_73 = arith.constant 16 : i32
    %add3A_74 = arith.addi %mul3A_72, %add3A_73 : i32
    %dma_start3A_75 = arith.constant 0 : i32
    %dma_start3A_76 = arith.constant 16 : i32
    %dma_start3A_77 = arith.constant 0 : i32
    %dma_start3A_78 = tpu.memref_slice %arg6[%dma_start3A_76, %dma_start3A_77] : memref<56x224xf32, #tpu.memory_space<vmem>> -> memref<8x224xf32, #tpu.memory_space<vmem>>
    %dma_start3A_79 = arith.constant 0 : i32
    %dma_start3A_80 = tpu.memref_slice %arg2[%add3A_30, %dma_start3A_75, %add3A_74, %dma_start3A_79] : memref<8x1x224x224xf32, #tpu.memory_space<hbm>> -> memref<1x1x8x224xf32, #tpu.memory_space<hbm>>
    %dma_start3A_81 = tpu.memref_squeeze %dma_start3A_80 : memref<1x1x8x224xf32, #tpu.memory_space<hbm>> -> memref<8x224xf32, #tpu.memory_space<hbm>>
    %dma_start3A_82 = arith.constant 16 : i32
    %dma_start3A_83 = arith.constant 0 : i32
    %dma_start3A_84 = tpu.memref_slice %arg6[%dma_start3A_82, %dma_start3A_83] : memref<56x224xf32, #tpu.memory_space<vmem>> -> memref<8x224xf32, #tpu.memory_space<vmem>>
    %dma_start3A_85 = arith.constant 0 : i32
    %dma_start3A_86 = tpu.memref_slice %arg2[%add3A_30, %dma_start3A_75, %add3A_74, %dma_start3A_85] : memref<8x1x224x224xf32, #tpu.memory_space<hbm>> -> memref<1x1x8x224xf32, #tpu.memory_space<hbm>>
    %dma_start3A_87 = tpu.memref_squeeze %dma_start3A_86 : memref<1x1x8x224xf32, #tpu.memory_space<hbm>> -> memref<8x224xf32, #tpu.memory_space<hbm>>
    tpu.enqueue_dma source(%dma_start3A_87 : memref<8x224xf32, #tpu.memory_space<hbm>>) target(%dma_start3A_84 : memref<8x224xf32, #tpu.memory_space<vmem>>) target_semaphore(%arg23 : memref<!tpu.dma_semaphore, #tpu.memory_space<semaphore_mem>>)
    %mul3A_88 = arith.constant 56 : i32
    %mul3A_89 = arith.muli %select_n3A_28, %mul3A_88 : i32
    %add3A_90 = arith.constant 24 : i32
    %add3A_91 = arith.addi %mul3A_89, %add3A_90 : i32
    %dma_start3A_92 = arith.constant 0 : i32
    %dma_start3A_93 = arith.constant 24 : i32
    %dma_start3A_94 = arith.constant 0 : i32
    %dma_start3A_95 = tpu.memref_slice %arg6[%dma_start3A_93, %dma_start3A_94] : memref<56x224xf32, #tpu.memory_space<vmem>> -> memref<8x224xf32, #tpu.memory_space<vmem>>
    %dma_start3A_96 = arith.constant 0 : i32
    %dma_start3A_97 = tpu.memref_slice %arg2[%add3A_30, %dma_start3A_92, %add3A_91, %dma_start3A_96] : memref<8x1x224x224xf32, #tpu.memory_space<hbm>> -> memref<1x1x8x224xf32, #tpu.memory_space<hbm>>
    %dma_start3A_98 = tpu.memref_squeeze %dma_start3A_97 : memref<1x1x8x224xf32, #tpu.memory_space<hbm>> -> memref<8x224xf32, #tpu.memory_space<hbm>>
    %dma_start3A_99 = arith.constant 24 : i32
    %dma_start3A_100 = arith.constant 0 : i32
    %dma_start3A_101 = tpu.memref_slice %arg6[%dma_start3A_99, %dma_start3A_100] : memref<56x224xf32, #tpu.memory_space<vmem>> -> memref<8x224xf32, #tpu.memory_space<vmem>>
    %dma_start3A_102 = arith.constant 0 : i32
    %dma_start3A_103 = tpu.memref_slice %arg2[%add3A_30, %dma_start3A_92, %add3A_91, %dma_start3A_102] : memref<8x1x224x224xf32, #tpu.memory_space<hbm>> -> memref<1x1x8x224xf32, #tpu.memory_space<hbm>>
    %dma_start3A_104 = tpu.memref_squeeze %dma_start3A_103 : memref<1x1x8x224xf32, #tpu.memory_space<hbm>> -> memref<8x224xf32, #tpu.memory_space<hbm>>
    tpu.enqueue_dma source(%dma_start3A_104 : memref<8x224xf32, #tpu.memory_space<hbm>>) target(%dma_start3A_101 : memref<8x224xf32, #tpu.memory_space<vmem>>) target_semaphore(%arg23 : memref<!tpu.dma_semaphore, #tpu.memory_space<semaphore_mem>>)
    %mul3A_105 = arith.constant 56 : i32
    %mul3A_106 = arith.muli %select_n3A_28, %mul3A_105 : i32
    %add3A_107 = arith.constant 32 : i32
    %add3A_108 = arith.addi %mul3A_106, %add3A_107 : i32
    %dma_start3A_109 = arith.constant 0 : i32
    %dma_start3A_110 = arith.constant 32 : i32
    %dma_start3A_111 = arith.constant 0 : i32
    %dma_start3A_112 = tpu.memref_slice %arg6[%dma_start3A_110, %dma_start3A_111] : memref<56x224xf32, #tpu.memory_space<vmem>> -> memref<8x224xf32, #tpu.memory_space<vmem>>
    %dma_start3A_113 = arith.constant 0 : i32
    %dma_start3A_114 = tpu.memref_slice %arg2[%add3A_30, %dma_start3A_109, %add3A_108, %dma_start3A_113] : memref<8x1x224x224xf32, #tpu.memory_space<hbm>> -> memref<1x1x8x224xf32, #tpu.memory_space<hbm>>
    %dma_start3A_115 = tpu.memref_squeeze %dma_start3A_114 : memref<1x1x8x224xf32, #tpu.memory_space<hbm>> -> memref<8x224xf32, #tpu.memory_space<hbm>>
    %dma_start3A_116 = arith.constant 32 : i32
    %dma_start3A_117 = arith.constant 0 : i32
    %dma_start3A_118 = tpu.memref_slice %arg6[%dma_start3A_116, %dma_start3A_117] : memref<56x224xf32, #tpu.memory_space<vmem>> -> memref<8x224xf32, #tpu.memory_space<vmem>>
    %dma_start3A_119 = arith.constant 0 : i32
    %dma_start3A_120 = tpu.memref_slice %arg2[%add3A_30, %dma_start3A_109, %add3A_108, %dma_start3A_119] : memref<8x1x224x224xf32, #tpu.memory_space<hbm>> -> memref<1x1x8x224xf32, #tpu.memory_space<hbm>>
    %dma_start3A_121 = tpu.memref_squeeze %dma_start3A_120 : memref<1x1x8x224xf32, #tpu.memory_space<hbm>> -> memref<8x224xf32, #tpu.memory_space<hbm>>
    tpu.enqueue_dma source(%dma_start3A_121 : memref<8x224xf32, #tpu.memory_space<hbm>>) target(%dma_start3A_118 : memref<8x224xf32, #tpu.memory_space<vmem>>) target_semaphore(%arg23 : memref<!tpu.dma_semaphore, #tpu.memory_space<semaphore_mem>>)
    %mul3A_122 = arith.constant 56 : i32
    %mul3A_123 = arith.muli %select_n3A_28, %mul3A_122 : i32
    %add3A_124 = arith.constant 40 : i32
    %add3A_125 = arith.addi %mul3A_123, %add3A_124 : i32
    %dma_start3A_126 = arith.constant 0 : i32
    %dma_start3A_127 = arith.constant 40 : i32
    %dma_start3A_128 = arith.constant 0 : i32
    %dma_start3A_129 = tpu.memref_slice %arg6[%dma_start3A_127, %dma_start3A_128] : memref<56x224xf32, #tpu.memory_space<vmem>> -> memref<8x224xf32, #tpu.memory_space<vmem>>
    %dma_start3A_130 = arith.constant 0 : i32
    %dma_start3A_131 = tpu.memref_slice %arg2[%add3A_30, %dma_start3A_126, %add3A_125, %dma_start3A_130] : memref<8x1x224x224xf32, #tpu.memory_space<hbm>> -> memref<1x1x8x224xf32, #tpu.memory_space<hbm>>
    %dma_start3A_132 = tpu.memref_squeeze %dma_start3A_131 : memref<1x1x8x224xf32, #tpu.memory_space<hbm>> -> memref<8x224xf32, #tpu.memory_space<hbm>>
    %dma_start3A_133 = arith.constant 40 : i32
    %dma_start3A_134 = arith.constant 0 : i32
    %dma_start3A_135 = tpu.memref_slice %arg6[%dma_start3A_133, %dma_start3A_134] : memref<56x224xf32, #tpu.memory_space<vmem>> -> memref<8x224xf32, #tpu.memory_space<vmem>>
    %dma_start3A_136 = arith.constant 0 : i32
    %dma_start3A_137 = tpu.memref_slice %arg2[%add3A_30, %dma_start3A_126, %add3A_125, %dma_start3A_136] : memref<8x1x224x224xf32, #tpu.memory_space<hbm>> -> memref<1x1x8x224xf32, #tpu.memory_space<hbm>>
    %dma_start3A_138 = tpu.memref_squeeze %dma_start3A_137 : memref<1x1x8x224xf32, #tpu.memory_space<hbm>> -> memref<8x224xf32, #tpu.memory_space<hbm>>
    tpu.enqueue_dma source(%dma_start3A_138 : memref<8x224xf32, #tpu.memory_space<hbm>>) target(%dma_start3A_135 : memref<8x224xf32, #tpu.memory_space<vmem>>) target_semaphore(%arg23 : memref<!tpu.dma_semaphore, #tpu.memory_space<semaphore_mem>>)
    %mul3A_139 = arith.constant 56 : i32
    %mul3A_140 = arith.muli %select_n3A_28, %mul3A_139 : i32
    %add3A_141 = arith.constant 48 : i32
    %add3A_142 = arith.addi %mul3A_140, %add3A_141 : i32
    %dma_start3A_143 = arith.constant 0 : i32
    %dma_start3A_144 = arith.constant 48 : i32
    %dma_start3A_145 = arith.constant 0 : i32
    %dma_start3A_146 = tpu.memref_slice %arg6[%dma_start3A_144, %dma_start3A_145] : memref<56x224xf32, #tpu.memory_space<vmem>> -> memref<8x224xf32, #tpu.memory_space<vmem>>
    %dma_start3A_147 = arith.constant 0 : i32
    %dma_start3A_148 = tpu.memref_slice %arg2[%add3A_30, %dma_start3A_143, %add3A_142, %dma_start3A_147] : memref<8x1x224x224xf32, #tpu.memory_space<hbm>> -> memref<1x1x8x224xf32, #tpu.memory_space<hbm>>
    %dma_start3A_149 = tpu.memref_squeeze %dma_start3A_148 : memref<1x1x8x224xf32, #tpu.memory_space<hbm>> -> memref<8x224xf32, #tpu.memory_space<hbm>>
    %dma_start3A_150 = arith.constant 48 : i32
    %dma_start3A_151 = arith.constant 0 : i32
    %dma_start3A_152 = tpu.memref_slice %arg6[%dma_start3A_150, %dma_start3A_151] : memref<56x224xf32, #tpu.memory_space<vmem>> -> memref<8x224xf32, #tpu.memory_space<vmem>>
    %dma_start3A_153 = arith.constant 0 : i32
    %dma_start3A_154 = tpu.memref_slice %arg2[%add3A_30, %dma_start3A_143, %add3A_142, %dma_start3A_153] : memref<8x1x224x224xf32, #tpu.memory_space<hbm>> -> memref<1x1x8x224xf32, #tpu.memory_space<hbm>>
    %dma_start3A_155 = tpu.memref_squeeze %dma_start3A_154 : memref<1x1x8x224xf32, #tpu.memory_space<hbm>> -> memref<8x224xf32, #tpu.memory_space<hbm>>
    tpu.enqueue_dma source(%dma_start3A_155 : memref<8x224xf32, #tpu.memory_space<hbm>>) target(%dma_start3A_152 : memref<8x224xf32, #tpu.memory_space<vmem>>) target_semaphore(%arg23 : memref<!tpu.dma_semaphore, #tpu.memory_space<semaphore_mem>>)
    %dma_wait3A = arith.constant 0 : i32
    %dma_wait3A_156 = arith.constant 0 : i32
    %dma_wait3A_157 = arith.constant 0 : i32
    %dma_wait3A_158 = tpu.memref_slice %arg6[%dma_wait3A_156, %dma_wait3A_157] : memref<56x224xf32, #tpu.memory_space<vmem>> -> memref<8x224xf32, #tpu.memory_space<vmem>>
    %dma_wait3A_159 = arith.constant 0 : i32
    %dma_wait3A_160 = tpu.memref_slice %arg2[%add3A_30, %dma_wait3A, %add3A_41, %dma_wait3A_159] : memref<8x1x224x224xf32, #tpu.memory_space<hbm>> -> memref<1x1x8x224xf32, #tpu.memory_space<hbm>>
    %dma_wait3A_161 = tpu.memref_squeeze %dma_wait3A_160 : memref<1x1x8x224xf32, #tpu.memory_space<hbm>> -> memref<8x224xf32, #tpu.memory_space<hbm>>
    %dma_wait3A_162 = arith.constant 0 : i32
    %dma_wait3A_163 = arith.constant 0 : i32
    %dma_wait3A_164 = tpu.memref_slice %arg6[%dma_wait3A_162, %dma_wait3A_163] : memref<56x224xf32, #tpu.memory_space<vmem>> -> memref<8x224xf32, #tpu.memory_space<vmem>>
    %dma_wait3A_165 = arith.constant 0 : i32
    %dma_wait3A_166 = tpu.memref_slice %arg2[%add3A_30, %dma_wait3A, %add3A_41, %dma_wait3A_165] : memref<8x1x224x224xf32, #tpu.memory_space<hbm>> -> memref<1x1x8x224xf32, #tpu.memory_space<hbm>>
    %dma_wait3A_167 = tpu.memref_squeeze %dma_wait3A_166 : memref<1x1x8x224xf32, #tpu.memory_space<hbm>> -> memref<8x224xf32, #tpu.memory_space<hbm>>
    tpu.wait_dma2 semaphore(%arg23 : memref<!tpu.dma_semaphore, #tpu.memory_space<semaphore_mem>>) src(%dma_wait3A_167 : memref<8x224xf32, #tpu.memory_space<hbm>>) dst(%dma_wait3A_164 : memref<8x224xf32, #tpu.memory_space<vmem>>)
    %scan3A = arith.constant 0 : i32
    %scan3A_168 = arith.constant 8 : i32
    %scan3A_169 = arith.addi %scan3A, %scan3A_168 : i32
    %scan3A_170 = arith.constant 1 : i32
    %scan3A_171:2 = scf.for %scan3A_462 = %scan3A to %scan3A_169 step %scan3A_170 iter_args(%scan3A_463 = %broadcast_in_dim3A_37, %scan3A_464 = %broadcast_in_dim3A_37) -> (vector<16xi32>, vector<16xi32>)  : i32 {
      %get3A_465 = arith.index_cast %scan3A_462 : i32 to index
      %get3A_466 = arith.constant 0 : index
      %get3A_467 = tpu.vector_load %arg6[%get3A_465, %get3A_466] {strides = array<i32>} : memref<56x224xf32, #tpu.memory_space<vmem>>, vector<16xf32>,
      %gt3A = arith.cmpf ogt, %get3A_467, %broadcast_in_dim3A_31 : vector<16xf32>
      %select_n3A_468 = arith.select %gt3A, %broadcast_in_dim3A_35, %broadcast_in_dim3A_37 : vector<16xi1>, vector<16xi32>
      %add3A_469 = arith.addi %scan3A_463, %select_n3A_468 : vector<16xi32>
      %gt3A_470 = arith.cmpf ogt, %get3A_467, %broadcast_in_dim3A_33 : vector<16xf32>
      %select_n3A_471 = arith.select %gt3A_470, %broadcast_in_dim3A_35, %broadcast_in_dim3A_37 : vector<16xi1>, vector<16xi32>
      %add3A_472 = arith.addi %scan3A_464, %select_n3A_471 : vector<16xi32>
      %get3A_473 = arith.index_cast %scan3A_462 : i32 to index
      %get3A_474 = arith.constant 16 : index
      %get3A_475 = tpu.vector_load %arg6[%get3A_473, %get3A_474] {strides = array<i32>} : memref<56x224xf32, #tpu.memory_space<vmem>>, vector<16xf32>,
      %gt3A_476 = arith.cmpf ogt, %get3A_475, %broadcast_in_dim3A_31 : vector<16xf32>
      %select_n3A_477 = arith.select %gt3A_476, %broadcast_in_dim3A_35, %broadcast_in_dim3A_37 : vector<16xi1>, vector<16xi32>
      %add3A_478 = arith.addi %add3A_469, %select_n3A_477 : vector<16xi32>
      %gt3A_479 = arith.cmpf ogt, %get3A_475, %broadcast_in_dim3A_33 : vector<16xf32>
      %select_n3A_480 = arith.select %gt3A_479, %broadcast_in_dim3A_35, %broadcast_in_dim3A_37 : vector<16xi1>, vector<16xi32>
      %add3A_481 = arith.addi %add3A_472, %select_n3A_480 : vector<16xi32>
      %get3A_482 = arith.index_cast %scan3A_462 : i32 to index
      %get3A_483 = arith.constant 32 : index
      %get3A_484 = tpu.vector_load %arg6[%get3A_482, %get3A_483] {strides = array<i32>} : memref<56x224xf32, #tpu.memory_space<vmem>>, vector<16xf32>,
      %gt3A_485 = arith.cmpf ogt, %get3A_484, %broadcast_in_dim3A_31 : vector<16xf32>
      %select_n3A_486 = arith.select %gt3A_485, %broadcast_in_dim3A_35, %broadcast_in_dim3A_37 : vector<16xi1>, vector<16xi32>
      %add3A_487 = arith.addi %add3A_478, %select_n3A_486 : vector<16xi32>
      %gt3A_488 = arith.cmpf ogt, %get3A_484, %broadcast_in_dim3A_33 : vector<16xf32>
      %select_n3A_489 = arith.select %gt3A_488, %broadcast_in_dim3A_35, %broadcast_in_dim3A_37 : vector<16xi1>, vector<16xi32>
      %add3A_490 = arith.addi %add3A_481, %select_n3A_489 : vector<16xi32>
      %get3A_491 = arith.index_cast %scan3A_462 : i32 to index
      %get3A_492 = arith.constant 48 : index
      %get3A_493 = tpu.vector_load %arg6[%get3A_491, %get3A_492] {strides = array<i32>} : memref<56x224xf32, #tpu.memory_space<vmem>>, vector<16xf32>,
      %gt3A_494 = arith.cmpf ogt, %get3A_493, %broadcast_in_dim3A_31 : vector<16xf32>
      %select_n3A_495 = arith.select %gt3A_494, %broadcast_in_dim3A_35, %broadcast_in_dim3A_37 : vector<16xi1>, vector<16xi32>
      %add3A_496 = arith.addi %add3A_487, %select_n3A_495 : vector<16xi32>
      %gt3A_497 = arith.cmpf ogt, %get3A_493, %broadcast_in_dim3A_33 : vector<16xf32>
      %select_n3A_498 = arith.select %gt3A_497, %broadcast_in_dim3A_35, %broadcast_in_dim3A_37 : vector<16xi1>, vector<16xi32>
      %add3A_499 = arith.addi %add3A_490, %select_n3A_498 : vector<16xi32>
      %get3A_500 = arith.index_cast %scan3A_462 : i32 to index
      %get3A_501 = arith.constant 64 : index
      %get3A_502 = tpu.vector_load %arg6[%get3A_500, %get3A_501] {strides = array<i32>} : memref<56x224xf32, #tpu.memory_space<vmem>>, vector<16xf32>,
      %gt3A_503 = arith.cmpf ogt, %get3A_502, %broadcast_in_dim3A_31 : vector<16xf32>
      %select_n3A_504 = arith.select %gt3A_503, %broadcast_in_dim3A_35, %broadcast_in_dim3A_37 : vector<16xi1>, vector<16xi32>
      %add3A_505 = arith.addi %add3A_496, %select_n3A_504 : vector<16xi32>
      %gt3A_506 = arith.cmpf ogt, %get3A_502, %broadcast_in_dim3A_33 : vector<16xf32>
      %select_n3A_507 = arith.select %gt3A_506, %broadcast_in_dim3A_35, %broadcast_in_dim3A_37 : vector<16xi1>, vector<16xi32>
      %add3A_508 = arith.addi %add3A_499, %select_n3A_507 : vector<16xi32>
      %get3A_509 = arith.index_cast %scan3A_462 : i32 to index
      %get3A_510 = arith.constant 80 : index
      %get3A_511 = tpu.vector_load %arg6[%get3A_509, %get3A_510] {strides = array<i32>} : memref<56x224xf32, #tpu.memory_space<vmem>>, vector<16xf32>,
      %gt3A_512 = arith.cmpf ogt, %get3A_511, %broadcast_in_dim3A_31 : vector<16xf32>
      %select_n3A_513 = arith.select %gt3A_512, %broadcast_in_dim3A_35, %broadcast_in_dim3A_37 : vector<16xi1>, vector<16xi32>
      %add3A_514 = arith.addi %add3A_505, %select_n3A_513 : vector<16xi32>
      %gt3A_515 = arith.cmpf ogt, %get3A_511, %broadcast_in_dim3A_33 : vector<16xf32>
      %select_n3A_516 = arith.select %gt3A_515, %broadcast_in_dim3A_35, %broadcast_in_dim3A_37 : vector<16xi1>, vector<16xi32>
      %add3A_517 = arith.addi %add3A_508, %select_n3A_516 : vector<16xi32>
      %get3A_518 = arith.index_cast %scan3A_462 : i32 to index
      %get3A_519 = arith.constant 96 : index
      %get3A_520 = tpu.vector_load %arg6[%get3A_518, %get3A_519] {strides = array<i32>} : memref<56x224xf32, #tpu.memory_space<vmem>>, vector<16xf32>,
      %gt3A_521 = arith.cmpf ogt, %get3A_520, %broadcast_in_dim3A_31 : vector<16xf32>
      %select_n3A_522 = arith.select %gt3A_521, %broadcast_in_dim3A_35, %broadcast_in_dim3A_37 : vector<16xi1>, vector<16xi32>
      %add3A_523 = arith.addi %add3A_514, %select_n3A_522 : vector<16xi32>
      %gt3A_524 = arith.cmpf ogt, %get3A_520, %broadcast_in_dim3A_33 : vector<16xf32>
      %select_n3A_525 = arith.select %gt3A_524, %broadcast_in_dim3A_35, %broadcast_in_dim3A_37 : vector<16xi1>, vector<16xi32>
      %add3A_526 = arith.addi %add3A_517, %select_n3A_525 : vector<16xi32>
      %get3A_527 = arith.index_cast %scan3A_462 : i32 to index
      %get3A_528 = arith.constant 112 : index
      %get3A_529 = tpu.vector_load %arg6[%get3A_527, %get3A_528] {strides = array<i32>} : memref<56x224xf32, #tpu.memory_space<vmem>>, vector<16xf32>,
      %gt3A_530 = arith.cmpf ogt, %get3A_529, %broadcast_in_dim3A_31 : vector<16xf32>
      %select_n3A_531 = arith.select %gt3A_530, %broadcast_in_dim3A_35, %broadcast_in_dim3A_37 : vector<16xi1>, vector<16xi32>
      %add3A_532 = arith.addi %add3A_523, %select_n3A_531 : vector<16xi32>
      %gt3A_533 = arith.cmpf ogt, %get3A_529, %broadcast_in_dim3A_33 : vector<16xf32>
      %select_n3A_534 = arith.select %gt3A_533, %broadcast_in_dim3A_35, %broadcast_in_dim3A_37 : vector<16xi1>, vector<16xi32>
      %add3A_535 = arith.addi %add3A_526, %select_n3A_534 : vector<16xi32>
      %get3A_536 = arith.index_cast %scan3A_462 : i32 to index
      %get3A_537 = arith.constant 128 : index
      %get3A_538 = tpu.vector_load %arg6[%get3A_536, %get3A_537] {strides = array<i32>} : memref<56x224xf32, #tpu.memory_space<vmem>>, vector<16xf32>,
      %gt3A_539 = arith.cmpf ogt, %get3A_538, %broadcast_in_dim3A_31 : vector<16xf32>
      %select_n3A_540 = arith.select %gt3A_539, %broadcast_in_dim3A_35, %broadcast_in_dim3A_37 : vector<16xi1>, vector<16xi32>
      %add3A_541 = arith.addi %add3A_532, %select_n3A_540 : vector<16xi32>
      %gt3A_542 = arith.cmpf ogt, %get3A_538, %broadcast_in_dim3A_33 : vector<16xf32>
      %select_n3A_543 = arith.select %gt3A_542, %broadcast_in_dim3A_35, %broadcast_in_dim3A_37 : vector<16xi1>, vector<16xi32>
      %add3A_544 = arith.addi %add3A_535, %select_n3A_543 : vector<16xi32>
      %get3A_545 = arith.index_cast %scan3A_462 : i32 to index
      %get3A_546 = arith.constant 144 : index
      %get3A_547 = tpu.vector_load %arg6[%get3A_545, %get3A_546] {strides = array<i32>} : memref<56x224xf32, #tpu.memory_space<vmem>>, vector<16xf32>,
      %gt3A_548 = arith.cmpf ogt, %get3A_547, %broadcast_in_dim3A_31 : vector<16xf32>
      %select_n3A_549 = arith.select %gt3A_548, %broadcast_in_dim3A_35, %broadcast_in_dim3A_37 : vector<16xi1>, vector<16xi32>
      %add3A_550 = arith.addi %add3A_541, %select_n3A_549 : vector<16xi32>
      %gt3A_551 = arith.cmpf ogt, %get3A_547, %broadcast_in_dim3A_33 : vector<16xf32>
      %select_n3A_552 = arith.select %gt3A_551, %broadcast_in_dim3A_35, %broadcast_in_dim3A_37 : vector<16xi1>, vector<16xi32>
      %add3A_553 = arith.addi %add3A_544, %select_n3A_552 : vector<16xi32>
      %get3A_554 = arith.index_cast %scan3A_462 : i32 to index
      %get3A_555 = arith.constant 160 : index
      %get3A_556 = tpu.vector_load %arg6[%get3A_554, %get3A_555] {strides = array<i32>} : memref<56x224xf32, #tpu.memory_space<vmem>>, vector<16xf32>,
      %gt3A_557 = arith.cmpf ogt, %get3A_556, %broadcast_in_dim3A_31 : vector<16xf32>
      %select_n3A_558 = arith.select %gt3A_557, %broadcast_in_dim3A_35, %broadcast_in_dim3A_37 : vector<16xi1>, vector<16xi32>
      %add3A_559 = arith.addi %add3A_550, %select_n3A_558 : vector<16xi32>
      %gt3A_560 = arith.cmpf ogt, %get3A_556, %broadcast_in_dim3A_33 : vector<16xf32>
      %select_n3A_561 = arith.select %gt3A_560, %broadcast_in_dim3A_35, %broadcast_in_dim3A_37 : vector<16xi1>, vector<16xi32>
      %add3A_562 = arith.addi %add3A_553, %select_n3A_561 : vector<16xi32>
      %get3A_563 = arith.index_cast %scan3A_462 : i32 to index
      %get3A_564 = arith.constant 176 : index
      %get3A_565 = tpu.vector_load %arg6[%get3A_563, %get3A_564] {strides = array<i32>} : memref<56x224xf32, #tpu.memory_space<vmem>>, vector<16xf32>,
      %gt3A_566 = arith.cmpf ogt, %get3A_565, %broadcast_in_dim3A_31 : vector<16xf32>
      %select_n3A_567 = arith.select %gt3A_566, %broadcast_in_dim3A_35, %broadcast_in_dim3A_37 : vector<16xi1>, vector<16xi32>
      %add3A_568 = arith.addi %add3A_559, %select_n3A_567 : vector<16xi32>
      %gt3A_569 = arith.cmpf ogt, %get3A_565, %broadcast_in_dim3A_33 : vector<16xf32>
      %select_n3A_570 = arith.select %gt3A_569, %broadcast_in_dim3A_35, %broadcast_in_dim3A_37 : vector<16xi1>, vector<16xi32>
      %add3A_571 = arith.addi %add3A_562, %select_n3A_570 : vector<16xi32>
      %get3A_572 = arith.index_cast %scan3A_462 : i32 to index
      %get3A_573 = arith.constant 192 : index
      %get3A_574 = tpu.vector_load %arg6[%get3A_572, %get3A_573] {strides = array<i32>} : memref<56x224xf32, #tpu.memory_space<vmem>>, vector<16xf32>,
      %gt3A_575 = arith.cmpf ogt, %get3A_574, %broadcast_in_dim3A_31 : vector<16xf32>
      %select_n3A_576 = arith.select %gt3A_575, %broadcast_in_dim3A_35, %broadcast_in_dim3A_37 : vector<16xi1>, vector<16xi32>
      %add3A_577 = arith.addi %add3A_568, %select_n3A_576 : vector<16xi32>
      %gt3A_578 = arith.cmpf ogt, %get3A_574, %broadcast_in_dim3A_33 : vector<16xf32>
      %select_n3A_579 = arith.select %gt3A_578, %broadcast_in_dim3A_35, %broadcast_in_dim3A_37 : vector<16xi1>, vector<16xi32>
      %add3A_580 = arith.addi %add3A_571, %select_n3A_579 : vector<16xi32>
      %get3A_581 = arith.index_cast %scan3A_462 : i32 to index
      %get3A_582 = arith.constant 208 : index
      %get3A_583 = tpu.vector_load %arg6[%get3A_581, %get3A_582] {strides = array<i32>} : memref<56x224xf32, #tpu.memory_space<vmem>>, vector<16xf32>,
      %gt3A_584 = arith.cmpf ogt, %get3A_583, %broadcast_in_dim3A_31 : vector<16xf32>
      %select_n3A_585 = arith.select %gt3A_584, %broadcast_in_dim3A_35, %broadcast_in_dim3A_37 : vector<16xi1>, vector<16xi32>
      %add3A_586 = arith.addi %add3A_577, %select_n3A_585 : vector<16xi32>
      %gt3A_587 = arith.cmpf ogt, %get3A_583, %broadcast_in_dim3A_33 : vector<16xf32>
      %select_n3A_588 = arith.select %gt3A_587, %broadcast_in_dim3A_35, %broadcast_in_dim3A_37 : vector<16xi1>, vector<16xi32>
      %add3A_589 = arith.addi %add3A_580, %select_n3A_588 : vector<16xi32>
      scf.yield %add3A_586, %add3A_589 : vector<16xi32>, vector<16xi32>
    }
    %scan3A_172 = arith.constant 8 : i32
    %dma_wait3A_173 = arith.constant 0 : i32
    %dma_wait3A_174 = arith.constant 8 : i32
    %dma_wait3A_175 = arith.constant 0 : i32
    %dma_wait3A_176 = tpu.memref_slice %arg6[%dma_wait3A_174, %dma_wait3A_175] : memref<56x224xf32, #tpu.memory_space<vmem>> -> memref<8x224xf32, #tpu.memory_space<vmem>>
    %dma_wait3A_177 = arith.constant 0 : i32
    %dma_wait3A_178 = tpu.memref_slice %arg2[%add3A_30, %dma_wait3A_173, %add3A_57, %dma_wait3A_177] : memref<8x1x224x224xf32, #tpu.memory_space<hbm>> -> memref<1x1x8x224xf32, #tpu.memory_space<hbm>>
    %dma_wait3A_179 = tpu.memref_squeeze %dma_wait3A_178 : memref<1x1x8x224xf32, #tpu.memory_space<hbm>> -> memref<8x224xf32, #tpu.memory_space<hbm>>
    %dma_wait3A_180 = arith.constant 8 : i32
    %dma_wait3A_181 = arith.constant 0 : i32
    %dma_wait3A_182 = tpu.memref_slice %arg6[%dma_wait3A_180, %dma_wait3A_181] : memref<56x224xf32, #tpu.memory_space<vmem>> -> memref<8x224xf32, #tpu.memory_space<vmem>>
    %dma_wait3A_183 = arith.constant 0 : i32
    %dma_wait3A_184 = tpu.memref_slice %arg2[%add3A_30, %dma_wait3A_173, %add3A_57, %dma_wait3A_183] : memref<8x1x224x224xf32, #tpu.memory_space<hbm>> -> memref<1x1x8x224xf32, #tpu.memory_space<hbm>>
    %dma_wait3A_185 = tpu.memref_squeeze %dma_wait3A_184 : memref<1x1x8x224xf32, #tpu.memory_space<hbm>> -> memref<8x224xf32, #tpu.memory_space<hbm>>
    tpu.wait_dma2 semaphore(%arg23 : memref<!tpu.dma_semaphore, #tpu.memory_space<semaphore_mem>>) src(%dma_wait3A_185 : memref<8x224xf32, #tpu.memory_space<hbm>>) dst(%dma_wait3A_182 : memref<8x224xf32, #tpu.memory_space<vmem>>)
    %scan3A_186 = arith.constant 8 : i32
    %scan3A_187 = arith.constant 8 : i32
    %scan3A_188 = arith.addi %scan3A_186, %scan3A_187 : i32
    %scan3A_189 = arith.constant 1 : i32
    %scan3A_190:2 = scf.for %scan3A_462 = %scan3A_186 to %scan3A_188 step %scan3A_189 iter_args(%scan3A_463 = %scan3A_171#0, %scan3A_464 = %scan3A_171#1) -> (vector<16xi32>, vector<16xi32>)  : i32 {
      %get3A_465 = arith.index_cast %scan3A_462 : i32 to index
      %get3A_466 = arith.constant 0 : index
      %get3A_467 = tpu.vector_load %arg6[%get3A_465, %get3A_466] {strides = array<i32>} : memref<56x224xf32, #tpu.memory_space<vmem>>, vector<16xf32>,
      %gt3A = arith.cmpf ogt, %get3A_467, %broadcast_in_dim3A_31 : vector<16xf32>
      %select_n3A_468 = arith.select %gt3A, %broadcast_in_dim3A_35, %broadcast_in_dim3A_37 : vector<16xi1>, vector<16xi32>
      %add3A_469 = arith.addi %scan3A_463, %select_n3A_468 : vector<16xi32>
      %gt3A_470 = arith.cmpf ogt, %get3A_467, %broadcast_in_dim3A_33 : vector<16xf32>
      %select_n3A_471 = arith.select %gt3A_470, %broadcast_in_dim3A_35, %broadcast_in_dim3A_37 : vector<16xi1>, vector<16xi32>
      %add3A_472 = arith.addi %scan3A_464, %select_n3A_471 : vector<16xi32>
      %get3A_473 = arith.index_cast %scan3A_462 : i32 to index
      %get3A_474 = arith.constant 16 : index
      %get3A_475 = tpu.vector_load %arg6[%get3A_473, %get3A_474] {strides = array<i32>} : memref<56x224xf32, #tpu.memory_space<vmem>>, vector<16xf32>,
      %gt3A_476 = arith.cmpf ogt, %get3A_475, %broadcast_in_dim3A_31 : vector<16xf32>
      %select_n3A_477 = arith.select %gt3A_476, %broadcast_in_dim3A_35, %broadcast_in_dim3A_37 : vector<16xi1>, vector<16xi32>
      %add3A_478 = arith.addi %add3A_469, %select_n3A_477 : vector<16xi32>
      %gt3A_479 = arith.cmpf ogt, %get3A_475, %broadcast_in_dim3A_33 : vector<16xf32>
      %select_n3A_480 = arith.select %gt3A_479, %broadcast_in_dim3A_35, %broadcast_in_dim3A_37 : vector<16xi1>, vector<16xi32>
      %add3A_481 = arith.addi %add3A_472, %select_n3A_480 : vector<16xi32>
      %get3A_482 = arith.index_cast %scan3A_462 : i32 to index
      %get3A_483 = arith.constant 32 : index
      %get3A_484 = tpu.vector_load %arg6[%get3A_482, %get3A_483] {strides = array<i32>} : memref<56x224xf32, #tpu.memory_space<vmem>>, vector<16xf32>,
      %gt3A_485 = arith.cmpf ogt, %get3A_484, %broadcast_in_dim3A_31 : vector<16xf32>
      %select_n3A_486 = arith.select %gt3A_485, %broadcast_in_dim3A_35, %broadcast_in_dim3A_37 : vector<16xi1>, vector<16xi32>
      %add3A_487 = arith.addi %add3A_478, %select_n3A_486 : vector<16xi32>
      %gt3A_488 = arith.cmpf ogt, %get3A_484, %broadcast_in_dim3A_33 : vector<16xf32>
      %select_n3A_489 = arith.select %gt3A_488, %broadcast_in_dim3A_35, %broadcast_in_dim3A_37 : vector<16xi1>, vector<16xi32>
      %add3A_490 = arith.addi %add3A_481, %select_n3A_489 : vector<16xi32>
      %get3A_491 = arith.index_cast %scan3A_462 : i32 to index
      %get3A_492 = arith.constant 48 : index
      %get3A_493 = tpu.vector_load %arg6[%get3A_491, %get3A_492] {strides = array<i32>} : memref<56x224xf32, #tpu.memory_space<vmem>>, vector<16xf32>,
      %gt3A_494 = arith.cmpf ogt, %get3A_493, %broadcast_in_dim3A_31 : vector<16xf32>
      %select_n3A_495 = arith.select %gt3A_494, %broadcast_in_dim3A_35, %broadcast_in_dim3A_37 : vector<16xi1>, vector<16xi32>
      %add3A_496 = arith.addi %add3A_487, %select_n3A_495 : vector<16xi32>
      %gt3A_497 = arith.cmpf ogt, %get3A_493, %broadcast_in_dim3A_33 : vector<16xf32>
      %select_n3A_498 = arith.select %gt3A_497, %broadcast_in_dim3A_35, %broadcast_in_dim3A_37 : vector<16xi1>, vector<16xi32>
      %add3A_499 = arith.addi %add3A_490, %select_n3A_498 : vector<16xi32>
      %get3A_500 = arith.index_cast %scan3A_462 : i32 to index
      %get3A_501 = arith.constant 64 : index
      %get3A_502 = tpu.vector_load %arg6[%get3A_500, %get3A_501] {strides = array<i32>} : memref<56x224xf32, #tpu.memory_space<vmem>>, vector<16xf32>,
      %gt3A_503 = arith.cmpf ogt, %get3A_502, %broadcast_in_dim3A_31 : vector<16xf32>
      %select_n3A_504 = arith.select %gt3A_503, %broadcast_in_dim3A_35, %broadcast_in_dim3A_37 : vector<16xi1>, vector<16xi32>
      %add3A_505 = arith.addi %add3A_496, %select_n3A_504 : vector<16xi32>
      %gt3A_506 = arith.cmpf ogt, %get3A_502, %broadcast_in_dim3A_33 : vector<16xf32>
      %select_n3A_507 = arith.select %gt3A_506, %broadcast_in_dim3A_35, %broadcast_in_dim3A_37 : vector<16xi1>, vector<16xi32>
      %add3A_508 = arith.addi %add3A_499, %select_n3A_507 : vector<16xi32>
      %get3A_509 = arith.index_cast %scan3A_462 : i32 to index
      %get3A_510 = arith.constant 80 : index
      %get3A_511 = tpu.vector_load %arg6[%get3A_509, %get3A_510] {strides = array<i32>} : memref<56x224xf32, #tpu.memory_space<vmem>>, vector<16xf32>,
      %gt3A_512 = arith.cmpf ogt, %get3A_511, %broadcast_in_dim3A_31 : vector<16xf32>
      %select_n3A_513 = arith.select %gt3A_512, %broadcast_in_dim3A_35, %broadcast_in_dim3A_37 : vector<16xi1>, vector<16xi32>
      %add3A_514 = arith.addi %add3A_505, %select_n3A_513 : vector<16xi32>
      %gt3A_515 = arith.cmpf ogt, %get3A_511, %broadcast_in_dim3A_33 : vector<16xf32>
      %select_n3A_516 = arith.select %gt3A_515, %broadcast_in_dim3A_35, %broadcast_in_dim3A_37 : vector<16xi1>, vector<16xi32>
      %add3A_517 = arith.addi %add3A_508, %select_n3A_516 : vector<16xi32>
      %get3A_518 = arith.index_cast %scan3A_462 : i32 to index
      %get3A_519 = arith.constant 96 : index
      %get3A_520 = tpu.vector_load %arg6[%get3A_518, %get3A_519] {strides = array<i32>} : memref<56x224xf32, #tpu.memory_space<vmem>>, vector<16xf32>,
      %gt3A_521 = arith.cmpf ogt, %get3A_520, %broadcast_in_dim3A_31 : vector<16xf32>
      %select_n3A_522 = arith.select %gt3A_521, %broadcast_in_dim3A_35, %broadcast_in_dim3A_37 : vector<16xi1>, vector<16xi32>
      %add3A_523 = arith.addi %add3A_514, %select_n3A_522 : vector<16xi32>
      %gt3A_524 = arith.cmpf ogt, %get3A_520, %broadcast_in_dim3A_33 : vector<16xf32>
      %select_n3A_525 = arith.select %gt3A_524, %broadcast_in_dim3A_35, %broadcast_in_dim3A_37 : vector<16xi1>, vector<16xi32>
      %add3A_526 = arith.addi %add3A_517, %select_n3A_525 : vector<16xi32>
      %get3A_527 = arith.index_cast %scan3A_462 : i32 to index
      %get3A_528 = arith.constant 112 : index
      %get3A_529 = tpu.vector_load %arg6[%get3A_527, %get3A_528] {strides = array<i32>} : memref<56x224xf32, #tpu.memory_space<vmem>>, vector<16xf32>,
      %gt3A_530 = arith.cmpf ogt, %get3A_529, %broadcast_in_dim3A_31 : vector<16xf32>
      %select_n3A_531 = arith.select %gt3A_530, %broadcast_in_dim3A_35, %broadcast_in_dim3A_37 : vector<16xi1>, vector<16xi32>
      %add3A_532 = arith.addi %add3A_523, %select_n3A_531 : vector<16xi32>
      %gt3A_533 = arith.cmpf ogt, %get3A_529, %broadcast_in_dim3A_33 : vector<16xf32>
      %select_n3A_534 = arith.select %gt3A_533, %broadcast_in_dim3A_35, %broadcast_in_dim3A_37 : vector<16xi1>, vector<16xi32>
      %add3A_535 = arith.addi %add3A_526, %select_n3A_534 : vector<16xi32>
      %get3A_536 = arith.index_cast %scan3A_462 : i32 to index
      %get3A_537 = arith.constant 128 : index
      %get3A_538 = tpu.vector_load %arg6[%get3A_536, %get3A_537] {strides = array<i32>} : memref<56x224xf32, #tpu.memory_space<vmem>>, vector<16xf32>,
      %gt3A_539 = arith.cmpf ogt, %get3A_538, %broadcast_in_dim3A_31 : vector<16xf32>
      %select_n3A_540 = arith.select %gt3A_539, %broadcast_in_dim3A_35, %broadcast_in_dim3A_37 : vector<16xi1>, vector<16xi32>
      %add3A_541 = arith.addi %add3A_532, %select_n3A_540 : vector<16xi32>
      %gt3A_542 = arith.cmpf ogt, %get3A_538, %broadcast_in_dim3A_33 : vector<16xf32>
      %select_n3A_543 = arith.select %gt3A_542, %broadcast_in_dim3A_35, %broadcast_in_dim3A_37 : vector<16xi1>, vector<16xi32>
      %add3A_544 = arith.addi %add3A_535, %select_n3A_543 : vector<16xi32>
      %get3A_545 = arith.index_cast %scan3A_462 : i32 to index
      %get3A_546 = arith.constant 144 : index
      %get3A_547 = tpu.vector_load %arg6[%get3A_545, %get3A_546] {strides = array<i32>} : memref<56x224xf32, #tpu.memory_space<vmem>>, vector<16xf32>,
      %gt3A_548 = arith.cmpf ogt, %get3A_547, %broadcast_in_dim3A_31 : vector<16xf32>
      %select_n3A_549 = arith.select %gt3A_548, %broadcast_in_dim3A_35, %broadcast_in_dim3A_37 : vector<16xi1>, vector<16xi32>
      %add3A_550 = arith.addi %add3A_541, %select_n3A_549 : vector<16xi32>
      %gt3A_551 = arith.cmpf ogt, %get3A_547, %broadcast_in_dim3A_33 : vector<16xf32>
      %select_n3A_552 = arith.select %gt3A_551, %broadcast_in_dim3A_35, %broadcast_in_dim3A_37 : vector<16xi1>, vector<16xi32>
      %add3A_553 = arith.addi %add3A_544, %select_n3A_552 : vector<16xi32>
      %get3A_554 = arith.index_cast %scan3A_462 : i32 to index
      %get3A_555 = arith.constant 160 : index
      %get3A_556 = tpu.vector_load %arg6[%get3A_554, %get3A_555] {strides = array<i32>} : memref<56x224xf32, #tpu.memory_space<vmem>>, vector<16xf32>,
      %gt3A_557 = arith.cmpf ogt, %get3A_556, %broadcast_in_dim3A_31 : vector<16xf32>
      %select_n3A_558 = arith.select %gt3A_557, %broadcast_in_dim3A_35, %broadcast_in_dim3A_37 : vector<16xi1>, vector<16xi32>
      %add3A_559 = arith.addi %add3A_550, %select_n3A_558 : vector<16xi32>
      %gt3A_560 = arith.cmpf ogt, %get3A_556, %broadcast_in_dim3A_33 : vector<16xf32>
      %select_n3A_561 = arith.select %gt3A_560, %broadcast_in_dim3A_35, %broadcast_in_dim3A_37 : vector<16xi1>, vector<16xi32>
      %add3A_562 = arith.addi %add3A_553, %select_n3A_561 : vector<16xi32>
      %get3A_563 = arith.index_cast %scan3A_462 : i32 to index
      %get3A_564 = arith.constant 176 : index
      %get3A_565 = tpu.vector_load %arg6[%get3A_563, %get3A_564] {strides = array<i32>} : memref<56x224xf32, #tpu.memory_space<vmem>>, vector<16xf32>,
      %gt3A_566 = arith.cmpf ogt, %get3A_565, %broadcast_in_dim3A_31 : vector<16xf32>
      %select_n3A_567 = arith.select %gt3A_566, %broadcast_in_dim3A_35, %broadcast_in_dim3A_37 : vector<16xi1>, vector<16xi32>
      %add3A_568 = arith.addi %add3A_559, %select_n3A_567 : vector<16xi32>
      %gt3A_569 = arith.cmpf ogt, %get3A_565, %broadcast_in_dim3A_33 : vector<16xf32>
      %select_n3A_570 = arith.select %gt3A_569, %broadcast_in_dim3A_35, %broadcast_in_dim3A_37 : vector<16xi1>, vector<16xi32>
      %add3A_571 = arith.addi %add3A_562, %select_n3A_570 : vector<16xi32>
      %get3A_572 = arith.index_cast %scan3A_462 : i32 to index
      %get3A_573 = arith.constant 192 : index
      %get3A_574 = tpu.vector_load %arg6[%get3A_572, %get3A_573] {strides = array<i32>} : memref<56x224xf32, #tpu.memory_space<vmem>>, vector<16xf32>,
      %gt3A_575 = arith.cmpf ogt, %get3A_574, %broadcast_in_dim3A_31 : vector<16xf32>
      %select_n3A_576 = arith.select %gt3A_575, %broadcast_in_dim3A_35, %broadcast_in_dim3A_37 : vector<16xi1>, vector<16xi32>
      %add3A_577 = arith.addi %add3A_568, %select_n3A_576 : vector<16xi32>
      %gt3A_578 = arith.cmpf ogt, %get3A_574, %broadcast_in_dim3A_33 : vector<16xf32>
      %select_n3A_579 = arith.select %gt3A_578, %broadcast_in_dim3A_35, %broadcast_in_dim3A_37 : vector<16xi1>, vector<16xi32>
      %add3A_580 = arith.addi %add3A_571, %select_n3A_579 : vector<16xi32>
      %get3A_581 = arith.index_cast %scan3A_462 : i32 to index
      %get3A_582 = arith.constant 208 : index
      %get3A_583 = tpu.vector_load %arg6[%get3A_581, %get3A_582] {strides = array<i32>} : memref<56x224xf32, #tpu.memory_space<vmem>>, vector<16xf32>,
      %gt3A_584 = arith.cmpf ogt, %get3A_583, %broadcast_in_dim3A_31 : vector<16xf32>
      %select_n3A_585 = arith.select %gt3A_584, %broadcast_in_dim3A_35, %broadcast_in_dim3A_37 : vector<16xi1>, vector<16xi32>
      %add3A_586 = arith.addi %add3A_577, %select_n3A_585 : vector<16xi32>
      %gt3A_587 = arith.cmpf ogt, %get3A_583, %broadcast_in_dim3A_33 : vector<16xf32>
      %select_n3A_588 = arith.select %gt3A_587, %broadcast_in_dim3A_35, %broadcast_in_dim3A_37 : vector<16xi1>, vector<16xi32>
      %add3A_589 = arith.addi %add3A_580, %select_n3A_588 : vector<16xi32>
      scf.yield %add3A_586, %add3A_589 : vector<16xi32>, vector<16xi32>
    }
    %scan3A_191 = arith.constant 8 : i32
    %dma_wait3A_192 = arith.constant 0 : i32
    %dma_wait3A_193 = arith.constant 16 : i32
    %dma_wait3A_194 = arith.constant 0 : i32
    %dma_wait3A_195 = tpu.memref_slice %arg6[%dma_wait3A_193, %dma_wait3A_194] : memref<56x224xf32, #tpu.memory_space<vmem>> -> memref<8x224xf32, #tpu.memory_space<vmem>>
    %dma_wait3A_196 = arith.constant 0 : i32
    %dma_wait3A_197 = tpu.memref_slice %arg2[%add3A_30, %dma_wait3A_192, %add3A_74, %dma_wait3A_196] : memref<8x1x224x224xf32, #tpu.memory_space<hbm>> -> memref<1x1x8x224xf32, #tpu.memory_space<hbm>>
    %dma_wait3A_198 = tpu.memref_squeeze %dma_wait3A_197 : memref<1x1x8x224xf32, #tpu.memory_space<hbm>> -> memref<8x224xf32, #tpu.memory_space<hbm>>
    %dma_wait3A_199 = arith.constant 16 : i32
    %dma_wait3A_200 = arith.constant 0 : i32
    %dma_wait3A_201 = tpu.memref_slice %arg6[%dma_wait3A_199, %dma_wait3A_200] : memref<56x224xf32, #tpu.memory_space<vmem>> -> memref<8x224xf32, #tpu.memory_space<vmem>>
    %dma_wait3A_202 = arith.constant 0 : i32
    %dma_wait3A_203 = tpu.memref_slice %arg2[%add3A_30, %dma_wait3A_192, %add3A_74, %dma_wait3A_202] : memref<8x1x224x224xf32, #tpu.memory_space<hbm>> -> memref<1x1x8x224xf32, #tpu.memory_space<hbm>>
    %dma_wait3A_204 = tpu.memref_squeeze %dma_wait3A_203 : memref<1x1x8x224xf32, #tpu.memory_space<hbm>> -> memref<8x224xf32, #tpu.memory_space<hbm>>
    tpu.wait_dma2 semaphore(%arg23 : memref<!tpu.dma_semaphore, #tpu.memory_space<semaphore_mem>>) src(%dma_wait3A_204 : memref<8x224xf32, #tpu.memory_space<hbm>>) dst(%dma_wait3A_201 : memref<8x224xf32, #tpu.memory_space<vmem>>)
    %scan3A_205 = arith.constant 16 : i32
    %scan3A_206 = arith.constant 8 : i32
    %scan3A_207 = arith.addi %scan3A_205, %scan3A_206 : i32
    %scan3A_208 = arith.constant 1 : i32
    %scan3A_209:2 = scf.for %scan3A_462 = %scan3A_205 to %scan3A_207 step %scan3A_208 iter_args(%scan3A_463 = %scan3A_190#0, %scan3A_464 = %scan3A_190#1) -> (vector<16xi32>, vector<16xi32>)  : i32 {
      %get3A_465 = arith.index_cast %scan3A_462 : i32 to index
      %get3A_466 = arith.constant 0 : index
      %get3A_467 = tpu.vector_load %arg6[%get3A_465, %get3A_466] {strides = array<i32>} : memref<56x224xf32, #tpu.memory_space<vmem>>, vector<16xf32>,
      %gt3A = arith.cmpf ogt, %get3A_467, %broadcast_in_dim3A_31 : vector<16xf32>
      %select_n3A_468 = arith.select %gt3A, %broadcast_in_dim3A_35, %broadcast_in_dim3A_37 : vector<16xi1>, vector<16xi32>
      %add3A_469 = arith.addi %scan3A_463, %select_n3A_468 : vector<16xi32>
      %gt3A_470 = arith.cmpf ogt, %get3A_467, %broadcast_in_dim3A_33 : vector<16xf32>
      %select_n3A_471 = arith.select %gt3A_470, %broadcast_in_dim3A_35, %broadcast_in_dim3A_37 : vector<16xi1>, vector<16xi32>
      %add3A_472 = arith.addi %scan3A_464, %select_n3A_471 : vector<16xi32>
      %get3A_473 = arith.index_cast %scan3A_462 : i32 to index
      %get3A_474 = arith.constant 16 : index
      %get3A_475 = tpu.vector_load %arg6[%get3A_473, %get3A_474] {strides = array<i32>} : memref<56x224xf32, #tpu.memory_space<vmem>>, vector<16xf32>,
      %gt3A_476 = arith.cmpf ogt, %get3A_475, %broadcast_in_dim3A_31 : vector<16xf32>
      %select_n3A_477 = arith.select %gt3A_476, %broadcast_in_dim3A_35, %broadcast_in_dim3A_37 : vector<16xi1>, vector<16xi32>
      %add3A_478 = arith.addi %add3A_469, %select_n3A_477 : vector<16xi32>
      %gt3A_479 = arith.cmpf ogt, %get3A_475, %broadcast_in_dim3A_33 : vector<16xf32>
      %select_n3A_480 = arith.select %gt3A_479, %broadcast_in_dim3A_35, %broadcast_in_dim3A_37 : vector<16xi1>, vector<16xi32>
      %add3A_481 = arith.addi %add3A_472, %select_n3A_480 : vector<16xi32>
      %get3A_482 = arith.index_cast %scan3A_462 : i32 to index
      %get3A_483 = arith.constant 32 : index
      %get3A_484 = tpu.vector_load %arg6[%get3A_482, %get3A_483] {strides = array<i32>} : memref<56x224xf32, #tpu.memory_space<vmem>>, vector<16xf32>,
      %gt3A_485 = arith.cmpf ogt, %get3A_484, %broadcast_in_dim3A_31 : vector<16xf32>
      %select_n3A_486 = arith.select %gt3A_485, %broadcast_in_dim3A_35, %broadcast_in_dim3A_37 : vector<16xi1>, vector<16xi32>
      %add3A_487 = arith.addi %add3A_478, %select_n3A_486 : vector<16xi32>
      %gt3A_488 = arith.cmpf ogt, %get3A_484, %broadcast_in_dim3A_33 : vector<16xf32>
      %select_n3A_489 = arith.select %gt3A_488, %broadcast_in_dim3A_35, %broadcast_in_dim3A_37 : vector<16xi1>, vector<16xi32>
      %add3A_490 = arith.addi %add3A_481, %select_n3A_489 : vector<16xi32>
      %get3A_491 = arith.index_cast %scan3A_462 : i32 to index
      %get3A_492 = arith.constant 48 : index
      %get3A_493 = tpu.vector_load %arg6[%get3A_491, %get3A_492] {strides = array<i32>} : memref<56x224xf32, #tpu.memory_space<vmem>>, vector<16xf32>,
      %gt3A_494 = arith.cmpf ogt, %get3A_493, %broadcast_in_dim3A_31 : vector<16xf32>
      %select_n3A_495 = arith.select %gt3A_494, %broadcast_in_dim3A_35, %broadcast_in_dim3A_37 : vector<16xi1>, vector<16xi32>
      %add3A_496 = arith.addi %add3A_487, %select_n3A_495 : vector<16xi32>
      %gt3A_497 = arith.cmpf ogt, %get3A_493, %broadcast_in_dim3A_33 : vector<16xf32>
      %select_n3A_498 = arith.select %gt3A_497, %broadcast_in_dim3A_35, %broadcast_in_dim3A_37 : vector<16xi1>, vector<16xi32>
      %add3A_499 = arith.addi %add3A_490, %select_n3A_498 : vector<16xi32>
      %get3A_500 = arith.index_cast %scan3A_462 : i32 to index
      %get3A_501 = arith.constant 64 : index
      %get3A_502 = tpu.vector_load %arg6[%get3A_500, %get3A_501] {strides = array<i32>} : memref<56x224xf32, #tpu.memory_space<vmem>>, vector<16xf32>,
      %gt3A_503 = arith.cmpf ogt, %get3A_502, %broadcast_in_dim3A_31 : vector<16xf32>
      %select_n3A_504 = arith.select %gt3A_503, %broadcast_in_dim3A_35, %broadcast_in_dim3A_37 : vector<16xi1>, vector<16xi32>
      %add3A_505 = arith.addi %add3A_496, %select_n3A_504 : vector<16xi32>
      %gt3A_506 = arith.cmpf ogt, %get3A_502, %broadcast_in_dim3A_33 : vector<16xf32>
      %select_n3A_507 = arith.select %gt3A_506, %broadcast_in_dim3A_35, %broadcast_in_dim3A_37 : vector<16xi1>, vector<16xi32>
      %add3A_508 = arith.addi %add3A_499, %select_n3A_507 : vector<16xi32>
      %get3A_509 = arith.index_cast %scan3A_462 : i32 to index
      %get3A_510 = arith.constant 80 : index
      %get3A_511 = tpu.vector_load %arg6[%get3A_509, %get3A_510] {strides = array<i32>} : memref<56x224xf32, #tpu.memory_space<vmem>>, vector<16xf32>,
      %gt3A_512 = arith.cmpf ogt, %get3A_511, %broadcast_in_dim3A_31 : vector<16xf32>
      %select_n3A_513 = arith.select %gt3A_512, %broadcast_in_dim3A_35, %broadcast_in_dim3A_37 : vector<16xi1>, vector<16xi32>
      %add3A_514 = arith.addi %add3A_505, %select_n3A_513 : vector<16xi32>
      %gt3A_515 = arith.cmpf ogt, %get3A_511, %broadcast_in_dim3A_33 : vector<16xf32>
      %select_n3A_516 = arith.select %gt3A_515, %broadcast_in_dim3A_35, %broadcast_in_dim3A_37 : vector<16xi1>, vector<16xi32>
      %add3A_517 = arith.addi %add3A_508, %select_n3A_516 : vector<16xi32>
      %get3A_518 = arith.index_cast %scan3A_462 : i32 to index
      %get3A_519 = arith.constant 96 : index
      %get3A_520 = tpu.vector_load %arg6[%get3A_518, %get3A_519] {strides = array<i32>} : memref<56x224xf32, #tpu.memory_space<vmem>>, vector<16xf32>,
      %gt3A_521 = arith.cmpf ogt, %get3A_520, %broadcast_in_dim3A_31 : vector<16xf32>
      %select_n3A_522 = arith.select %gt3A_521, %broadcast_in_dim3A_35, %broadcast_in_dim3A_37 : vector<16xi1>, vector<16xi32>
      %add3A_523 = arith.addi %add3A_514, %select_n3A_522 : vector<16xi32>
      %gt3A_524 = arith.cmpf ogt, %get3A_520, %broadcast_in_dim3A_33 : vector<16xf32>
      %select_n3A_525 = arith.select %gt3A_524, %broadcast_in_dim3A_35, %broadcast_in_dim3A_37 : vector<16xi1>, vector<16xi32>
      %add3A_526 = arith.addi %add3A_517, %select_n3A_525 : vector<16xi32>
      %get3A_527 = arith.index_cast %scan3A_462 : i32 to index
      %get3A_528 = arith.constant 112 : index
      %get3A_529 = tpu.vector_load %arg6[%get3A_527, %get3A_528] {strides = array<i32>} : memref<56x224xf32, #tpu.memory_space<vmem>>, vector<16xf32>,
      %gt3A_530 = arith.cmpf ogt, %get3A_529, %broadcast_in_dim3A_31 : vector<16xf32>
      %select_n3A_531 = arith.select %gt3A_530, %broadcast_in_dim3A_35, %broadcast_in_dim3A_37 : vector<16xi1>, vector<16xi32>
      %add3A_532 = arith.addi %add3A_523, %select_n3A_531 : vector<16xi32>
      %gt3A_533 = arith.cmpf ogt, %get3A_529, %broadcast_in_dim3A_33 : vector<16xf32>
      %select_n3A_534 = arith.select %gt3A_533, %broadcast_in_dim3A_35, %broadcast_in_dim3A_37 : vector<16xi1>, vector<16xi32>
      %add3A_535 = arith.addi %add3A_526, %select_n3A_534 : vector<16xi32>
      %get3A_536 = arith.index_cast %scan3A_462 : i32 to index
      %get3A_537 = arith.constant 128 : index
      %get3A_538 = tpu.vector_load %arg6[%get3A_536, %get3A_537] {strides = array<i32>} : memref<56x224xf32, #tpu.memory_space<vmem>>, vector<16xf32>,
      %gt3A_539 = arith.cmpf ogt, %get3A_538, %broadcast_in_dim3A_31 : vector<16xf32>
      %select_n3A_540 = arith.select %gt3A_539, %broadcast_in_dim3A_35, %broadcast_in_dim3A_37 : vector<16xi1>, vector<16xi32>
      %add3A_541 = arith.addi %add3A_532, %select_n3A_540 : vector<16xi32>
      %gt3A_542 = arith.cmpf ogt, %get3A_538, %broadcast_in_dim3A_33 : vector<16xf32>
      %select_n3A_543 = arith.select %gt3A_542, %broadcast_in_dim3A_35, %broadcast_in_dim3A_37 : vector<16xi1>, vector<16xi32>
      %add3A_544 = arith.addi %add3A_535, %select_n3A_543 : vector<16xi32>
      %get3A_545 = arith.index_cast %scan3A_462 : i32 to index
      %get3A_546 = arith.constant 144 : index
      %get3A_547 = tpu.vector_load %arg6[%get3A_545, %get3A_546] {strides = array<i32>} : memref<56x224xf32, #tpu.memory_space<vmem>>, vector<16xf32>,
      %gt3A_548 = arith.cmpf ogt, %get3A_547, %broadcast_in_dim3A_31 : vector<16xf32>
      %select_n3A_549 = arith.select %gt3A_548, %broadcast_in_dim3A_35, %broadcast_in_dim3A_37 : vector<16xi1>, vector<16xi32>
      %add3A_550 = arith.addi %add3A_541, %select_n3A_549 : vector<16xi32>
      %gt3A_551 = arith.cmpf ogt, %get3A_547, %broadcast_in_dim3A_33 : vector<16xf32>
      %select_n3A_552 = arith.select %gt3A_551, %broadcast_in_dim3A_35, %broadcast_in_dim3A_37 : vector<16xi1>, vector<16xi32>
      %add3A_553 = arith.addi %add3A_544, %select_n3A_552 : vector<16xi32>
      %get3A_554 = arith.index_cast %scan3A_462 : i32 to index
      %get3A_555 = arith.constant 160 : index
      %get3A_556 = tpu.vector_load %arg6[%get3A_554, %get3A_555] {strides = array<i32>} : memref<56x224xf32, #tpu.memory_space<vmem>>, vector<16xf32>,
      %gt3A_557 = arith.cmpf ogt, %get3A_556, %broadcast_in_dim3A_31 : vector<16xf32>
      %select_n3A_558 = arith.select %gt3A_557, %broadcast_in_dim3A_35, %broadcast_in_dim3A_37 : vector<16xi1>, vector<16xi32>
      %add3A_559 = arith.addi %add3A_550, %select_n3A_558 : vector<16xi32>
      %gt3A_560 = arith.cmpf ogt, %get3A_556, %broadcast_in_dim3A_33 : vector<16xf32>
      %select_n3A_561 = arith.select %gt3A_560, %broadcast_in_dim3A_35, %broadcast_in_dim3A_37 : vector<16xi1>, vector<16xi32>
      %add3A_562 = arith.addi %add3A_553, %select_n3A_561 : vector<16xi32>
      %get3A_563 = arith.index_cast %scan3A_462 : i32 to index
      %get3A_564 = arith.constant 176 : index
      %get3A_565 = tpu.vector_load %arg6[%get3A_563, %get3A_564] {strides = array<i32>} : memref<56x224xf32, #tpu.memory_space<vmem>>, vector<16xf32>,
      %gt3A_566 = arith.cmpf ogt, %get3A_565, %broadcast_in_dim3A_31 : vector<16xf32>
      %select_n3A_567 = arith.select %gt3A_566, %broadcast_in_dim3A_35, %broadcast_in_dim3A_37 : vector<16xi1>, vector<16xi32>
      %add3A_568 = arith.addi %add3A_559, %select_n3A_567 : vector<16xi32>
      %gt3A_569 = arith.cmpf ogt, %get3A_565, %broadcast_in_dim3A_33 : vector<16xf32>
      %select_n3A_570 = arith.select %gt3A_569, %broadcast_in_dim3A_35, %broadcast_in_dim3A_37 : vector<16xi1>, vector<16xi32>
      %add3A_571 = arith.addi %add3A_562, %select_n3A_570 : vector<16xi32>
      %get3A_572 = arith.index_cast %scan3A_462 : i32 to index
      %get3A_573 = arith.constant 192 : index
      %get3A_574 = tpu.vector_load %arg6[%get3A_572, %get3A_573] {strides = array<i32>} : memref<56x224xf32, #tpu.memory_space<vmem>>, vector<16xf32>,
      %gt3A_575 = arith.cmpf ogt, %get3A_574, %broadcast_in_dim3A_31 : vector<16xf32>
      %select_n3A_576 = arith.select %gt3A_575, %broadcast_in_dim3A_35, %broadcast_in_dim3A_37 : vector<16xi1>, vector<16xi32>
      %add3A_577 = arith.addi %add3A_568, %select_n3A_576 : vector<16xi32>
      %gt3A_578 = arith.cmpf ogt, %get3A_574, %broadcast_in_dim3A_33 : vector<16xf32>
      %select_n3A_579 = arith.select %gt3A_578, %broadcast_in_dim3A_35, %broadcast_in_dim3A_37 : vector<16xi1>, vector<16xi32>
      %add3A_580 = arith.addi %add3A_571, %select_n3A_579 : vector<16xi32>
      %get3A_581 = arith.index_cast %scan3A_462 : i32 to index
      %get3A_582 = arith.constant 208 : index
      %get3A_583 = tpu.vector_load %arg6[%get3A_581, %get3A_582] {strides = array<i32>} : memref<56x224xf32, #tpu.memory_space<vmem>>, vector<16xf32>,
      %gt3A_584 = arith.cmpf ogt, %get3A_583, %broadcast_in_dim3A_31 : vector<16xf32>
      %select_n3A_585 = arith.select %gt3A_584, %broadcast_in_dim3A_35, %broadcast_in_dim3A_37 : vector<16xi1>, vector<16xi32>
      %add3A_586 = arith.addi %add3A_577, %select_n3A_585 : vector<16xi32>
      %gt3A_587 = arith.cmpf ogt, %get3A_583, %broadcast_in_dim3A_33 : vector<16xf32>
      %select_n3A_588 = arith.select %gt3A_587, %broadcast_in_dim3A_35, %broadcast_in_dim3A_37 : vector<16xi1>, vector<16xi32>
      %add3A_589 = arith.addi %add3A_580, %select_n3A_588 : vector<16xi32>
      scf.yield %add3A_586, %add3A_589 : vector<16xi32>, vector<16xi32>
    }
    %scan3A_210 = arith.constant 8 : i32
    %dma_wait3A_211 = arith.constant 0 : i32
    %dma_wait3A_212 = arith.constant 24 : i32
    %dma_wait3A_213 = arith.constant 0 : i32
    %dma_wait3A_214 = tpu.memref_slice %arg6[%dma_wait3A_212, %dma_wait3A_213] : memref<56x224xf32, #tpu.memory_space<vmem>> -> memref<8x224xf32, #tpu.memory_space<vmem>>
    %dma_wait3A_215 = arith.constant 0 : i32
    %dma_wait3A_216 = tpu.memref_slice %arg2[%add3A_30, %dma_wait3A_211, %add3A_91, %dma_wait3A_215] : memref<8x1x224x224xf32, #tpu.memory_space<hbm>> -> memref<1x1x8x224xf32, #tpu.memory_space<hbm>>
    %dma_wait3A_217 = tpu.memref_squeeze %dma_wait3A_216 : memref<1x1x8x224xf32, #tpu.memory_space<hbm>> -> memref<8x224xf32, #tpu.memory_space<hbm>>
    %dma_wait3A_218 = arith.constant 24 : i32
    %dma_wait3A_219 = arith.constant 0 : i32
    %dma_wait3A_220 = tpu.memref_slice %arg6[%dma_wait3A_218, %dma_wait3A_219] : memref<56x224xf32, #tpu.memory_space<vmem>> -> memref<8x224xf32, #tpu.memory_space<vmem>>
    %dma_wait3A_221 = arith.constant 0 : i32
    %dma_wait3A_222 = tpu.memref_slice %arg2[%add3A_30, %dma_wait3A_211, %add3A_91, %dma_wait3A_221] : memref<8x1x224x224xf32, #tpu.memory_space<hbm>> -> memref<1x1x8x224xf32, #tpu.memory_space<hbm>>
    %dma_wait3A_223 = tpu.memref_squeeze %dma_wait3A_222 : memref<1x1x8x224xf32, #tpu.memory_space<hbm>> -> memref<8x224xf32, #tpu.memory_space<hbm>>
    tpu.wait_dma2 semaphore(%arg23 : memref<!tpu.dma_semaphore, #tpu.memory_space<semaphore_mem>>) src(%dma_wait3A_223 : memref<8x224xf32, #tpu.memory_space<hbm>>) dst(%dma_wait3A_220 : memref<8x224xf32, #tpu.memory_space<vmem>>)
    %scan3A_224 = arith.constant 24 : i32
    %scan3A_225 = arith.constant 8 : i32
    %scan3A_226 = arith.addi %scan3A_224, %scan3A_225 : i32
    %scan3A_227 = arith.constant 1 : i32
    %scan3A_228:2 = scf.for %scan3A_462 = %scan3A_224 to %scan3A_226 step %scan3A_227 iter_args(%scan3A_463 = %scan3A_209#0, %scan3A_464 = %scan3A_209#1) -> (vector<16xi32>, vector<16xi32>)  : i32 {
      %get3A_465 = arith.index_cast %scan3A_462 : i32 to index
      %get3A_466 = arith.constant 0 : index
      %get3A_467 = tpu.vector_load %arg6[%get3A_465, %get3A_466] {strides = array<i32>} : memref<56x224xf32, #tpu.memory_space<vmem>>, vector<16xf32>,
      %gt3A = arith.cmpf ogt, %get3A_467, %broadcast_in_dim3A_31 : vector<16xf32>
      %select_n3A_468 = arith.select %gt3A, %broadcast_in_dim3A_35, %broadcast_in_dim3A_37 : vector<16xi1>, vector<16xi32>
      %add3A_469 = arith.addi %scan3A_463, %select_n3A_468 : vector<16xi32>
      %gt3A_470 = arith.cmpf ogt, %get3A_467, %broadcast_in_dim3A_33 : vector<16xf32>
      %select_n3A_471 = arith.select %gt3A_470, %broadcast_in_dim3A_35, %broadcast_in_dim3A_37 : vector<16xi1>, vector<16xi32>
      %add3A_472 = arith.addi %scan3A_464, %select_n3A_471 : vector<16xi32>
      %get3A_473 = arith.index_cast %scan3A_462 : i32 to index
      %get3A_474 = arith.constant 16 : index
      %get3A_475 = tpu.vector_load %arg6[%get3A_473, %get3A_474] {strides = array<i32>} : memref<56x224xf32, #tpu.memory_space<vmem>>, vector<16xf32>,
      %gt3A_476 = arith.cmpf ogt, %get3A_475, %broadcast_in_dim3A_31 : vector<16xf32>
      %select_n3A_477 = arith.select %gt3A_476, %broadcast_in_dim3A_35, %broadcast_in_dim3A_37 : vector<16xi1>, vector<16xi32>
      %add3A_478 = arith.addi %add3A_469, %select_n3A_477 : vector<16xi32>
      %gt3A_479 = arith.cmpf ogt, %get3A_475, %broadcast_in_dim3A_33 : vector<16xf32>
      %select_n3A_480 = arith.select %gt3A_479, %broadcast_in_dim3A_35, %broadcast_in_dim3A_37 : vector<16xi1>, vector<16xi32>
      %add3A_481 = arith.addi %add3A_472, %select_n3A_480 : vector<16xi32>
      %get3A_482 = arith.index_cast %scan3A_462 : i32 to index
      %get3A_483 = arith.constant 32 : index
      %get3A_484 = tpu.vector_load %arg6[%get3A_482, %get3A_483] {strides = array<i32>} : memref<56x224xf32, #tpu.memory_space<vmem>>, vector<16xf32>,
      %gt3A_485 = arith.cmpf ogt, %get3A_484, %broadcast_in_dim3A_31 : vector<16xf32>
      %select_n3A_486 = arith.select %gt3A_485, %broadcast_in_dim3A_35, %broadcast_in_dim3A_37 : vector<16xi1>, vector<16xi32>
      %add3A_487 = arith.addi %add3A_478, %select_n3A_486 : vector<16xi32>
      %gt3A_488 = arith.cmpf ogt, %get3A_484, %broadcast_in_dim3A_33 : vector<16xf32>
      %select_n3A_489 = arith.select %gt3A_488, %broadcast_in_dim3A_35, %broadcast_in_dim3A_37 : vector<16xi1>, vector<16xi32>
      %add3A_490 = arith.addi %add3A_481, %select_n3A_489 : vector<16xi32>
      %get3A_491 = arith.index_cast %scan3A_462 : i32 to index
      %get3A_492 = arith.constant 48 : index
      %get3A_493 = tpu.vector_load %arg6[%get3A_491, %get3A_492] {strides = array<i32>} : memref<56x224xf32, #tpu.memory_space<vmem>>, vector<16xf32>,
      %gt3A_494 = arith.cmpf ogt, %get3A_493, %broadcast_in_dim3A_31 : vector<16xf32>
      %select_n3A_495 = arith.select %gt3A_494, %broadcast_in_dim3A_35, %broadcast_in_dim3A_37 : vector<16xi1>, vector<16xi32>
      %add3A_496 = arith.addi %add3A_487, %select_n3A_495 : vector<16xi32>
      %gt3A_497 = arith.cmpf ogt, %get3A_493, %broadcast_in_dim3A_33 : vector<16xf32>
      %select_n3A_498 = arith.select %gt3A_497, %broadcast_in_dim3A_35, %broadcast_in_dim3A_37 : vector<16xi1>, vector<16xi32>
      %add3A_499 = arith.addi %add3A_490, %select_n3A_498 : vector<16xi32>
      %get3A_500 = arith.index_cast %scan3A_462 : i32 to index
      %get3A_501 = arith.constant 64 : index
      %get3A_502 = tpu.vector_load %arg6[%get3A_500, %get3A_501] {strides = array<i32>} : memref<56x224xf32, #tpu.memory_space<vmem>>, vector<16xf32>,
      %gt3A_503 = arith.cmpf ogt, %get3A_502, %broadcast_in_dim3A_31 : vector<16xf32>
      %select_n3A_504 = arith.select %gt3A_503, %broadcast_in_dim3A_35, %broadcast_in_dim3A_37 : vector<16xi1>, vector<16xi32>
      %add3A_505 = arith.addi %add3A_496, %select_n3A_504 : vector<16xi32>
      %gt3A_506 = arith.cmpf ogt, %get3A_502, %broadcast_in_dim3A_33 : vector<16xf32>
      %select_n3A_507 = arith.select %gt3A_506, %broadcast_in_dim3A_35, %broadcast_in_dim3A_37 : vector<16xi1>, vector<16xi32>
      %add3A_508 = arith.addi %add3A_499, %select_n3A_507 : vector<16xi32>
      %get3A_509 = arith.index_cast %scan3A_462 : i32 to index
      %get3A_510 = arith.constant 80 : index
      %get3A_511 = tpu.vector_load %arg6[%get3A_509, %get3A_510] {strides = array<i32>} : memref<56x224xf32, #tpu.memory_space<vmem>>, vector<16xf32>,
      %gt3A_512 = arith.cmpf ogt, %get3A_511, %broadcast_in_dim3A_31 : vector<16xf32>
      %select_n3A_513 = arith.select %gt3A_512, %broadcast_in_dim3A_35, %broadcast_in_dim3A_37 : vector<16xi1>, vector<16xi32>
      %add3A_514 = arith.addi %add3A_505, %select_n3A_513 : vector<16xi32>
      %gt3A_515 = arith.cmpf ogt, %get3A_511, %broadcast_in_dim3A_33 : vector<16xf32>
      %select_n3A_516 = arith.select %gt3A_515, %broadcast_in_dim3A_35, %broadcast_in_dim3A_37 : vector<16xi1>, vector<16xi32>
      %add3A_517 = arith.addi %add3A_508, %select_n3A_516 : vector<16xi32>
      %get3A_518 = arith.index_cast %scan3A_462 : i32 to index
      %get3A_519 = arith.constant 96 : index
      %get3A_520 = tpu.vector_load %arg6[%get3A_518, %get3A_519] {strides = array<i32>} : memref<56x224xf32, #tpu.memory_space<vmem>>, vector<16xf32>,
      %gt3A_521 = arith.cmpf ogt, %get3A_520, %broadcast_in_dim3A_31 : vector<16xf32>
      %select_n3A_522 = arith.select %gt3A_521, %broadcast_in_dim3A_35, %broadcast_in_dim3A_37 : vector<16xi1>, vector<16xi32>
      %add3A_523 = arith.addi %add3A_514, %select_n3A_522 : vector<16xi32>
      %gt3A_524 = arith.cmpf ogt, %get3A_520, %broadcast_in_dim3A_33 : vector<16xf32>
      %select_n3A_525 = arith.select %gt3A_524, %broadcast_in_dim3A_35, %broadcast_in_dim3A_37 : vector<16xi1>, vector<16xi32>
      %add3A_526 = arith.addi %add3A_517, %select_n3A_525 : vector<16xi32>
      %get3A_527 = arith.index_cast %scan3A_462 : i32 to index
      %get3A_528 = arith.constant 112 : index
      %get3A_529 = tpu.vector_load %arg6[%get3A_527, %get3A_528] {strides = array<i32>} : memref<56x224xf32, #tpu.memory_space<vmem>>, vector<16xf32>,
      %gt3A_530 = arith.cmpf ogt, %get3A_529, %broadcast_in_dim3A_31 : vector<16xf32>
      %select_n3A_531 = arith.select %gt3A_530, %broadcast_in_dim3A_35, %broadcast_in_dim3A_37 : vector<16xi1>, vector<16xi32>
      %add3A_532 = arith.addi %add3A_523, %select_n3A_531 : vector<16xi32>
      %gt3A_533 = arith.cmpf ogt, %get3A_529, %broadcast_in_dim3A_33 : vector<16xf32>
      %select_n3A_534 = arith.select %gt3A_533, %broadcast_in_dim3A_35, %broadcast_in_dim3A_37 : vector<16xi1>, vector<16xi32>
      %add3A_535 = arith.addi %add3A_526, %select_n3A_534 : vector<16xi32>
      %get3A_536 = arith.index_cast %scan3A_462 : i32 to index
      %get3A_537 = arith.constant 128 : index
      %get3A_538 = tpu.vector_load %arg6[%get3A_536, %get3A_537] {strides = array<i32>} : memref<56x224xf32, #tpu.memory_space<vmem>>, vector<16xf32>,
      %gt3A_539 = arith.cmpf ogt, %get3A_538, %broadcast_in_dim3A_31 : vector<16xf32>
      %select_n3A_540 = arith.select %gt3A_539, %broadcast_in_dim3A_35, %broadcast_in_dim3A_37 : vector<16xi1>, vector<16xi32>
      %add3A_541 = arith.addi %add3A_532, %select_n3A_540 : vector<16xi32>
      %gt3A_542 = arith.cmpf ogt, %get3A_538, %broadcast_in_dim3A_33 : vector<16xf32>
      %select_n3A_543 = arith.select %gt3A_542, %broadcast_in_dim3A_35, %broadcast_in_dim3A_37 : vector<16xi1>, vector<16xi32>
      %add3A_544 = arith.addi %add3A_535, %select_n3A_543 : vector<16xi32>
      %get3A_545 = arith.index_cast %scan3A_462 : i32 to index
      %get3A_546 = arith.constant 144 : index
      %get3A_547 = tpu.vector_load %arg6[%get3A_545, %get3A_546] {strides = array<i32>} : memref<56x224xf32, #tpu.memory_space<vmem>>, vector<16xf32>,
      %gt3A_548 = arith.cmpf ogt, %get3A_547, %broadcast_in_dim3A_31 : vector<16xf32>
      %select_n3A_549 = arith.select %gt3A_548, %broadcast_in_dim3A_35, %broadcast_in_dim3A_37 : vector<16xi1>, vector<16xi32>
      %add3A_550 = arith.addi %add3A_541, %select_n3A_549 : vector<16xi32>
      %gt3A_551 = arith.cmpf ogt, %get3A_547, %broadcast_in_dim3A_33 : vector<16xf32>
      %select_n3A_552 = arith.select %gt3A_551, %broadcast_in_dim3A_35, %broadcast_in_dim3A_37 : vector<16xi1>, vector<16xi32>
      %add3A_553 = arith.addi %add3A_544, %select_n3A_552 : vector<16xi32>
      %get3A_554 = arith.index_cast %scan3A_462 : i32 to index
      %get3A_555 = arith.constant 160 : index
      %get3A_556 = tpu.vector_load %arg6[%get3A_554, %get3A_555] {strides = array<i32>} : memref<56x224xf32, #tpu.memory_space<vmem>>, vector<16xf32>,
      %gt3A_557 = arith.cmpf ogt, %get3A_556, %broadcast_in_dim3A_31 : vector<16xf32>
      %select_n3A_558 = arith.select %gt3A_557, %broadcast_in_dim3A_35, %broadcast_in_dim3A_37 : vector<16xi1>, vector<16xi32>
      %add3A_559 = arith.addi %add3A_550, %select_n3A_558 : vector<16xi32>
      %gt3A_560 = arith.cmpf ogt, %get3A_556, %broadcast_in_dim3A_33 : vector<16xf32>
      %select_n3A_561 = arith.select %gt3A_560, %broadcast_in_dim3A_35, %broadcast_in_dim3A_37 : vector<16xi1>, vector<16xi32>
      %add3A_562 = arith.addi %add3A_553, %select_n3A_561 : vector<16xi32>
      %get3A_563 = arith.index_cast %scan3A_462 : i32 to index
      %get3A_564 = arith.constant 176 : index
      %get3A_565 = tpu.vector_load %arg6[%get3A_563, %get3A_564] {strides = array<i32>} : memref<56x224xf32, #tpu.memory_space<vmem>>, vector<16xf32>,
      %gt3A_566 = arith.cmpf ogt, %get3A_565, %broadcast_in_dim3A_31 : vector<16xf32>
      %select_n3A_567 = arith.select %gt3A_566, %broadcast_in_dim3A_35, %broadcast_in_dim3A_37 : vector<16xi1>, vector<16xi32>
      %add3A_568 = arith.addi %add3A_559, %select_n3A_567 : vector<16xi32>
      %gt3A_569 = arith.cmpf ogt, %get3A_565, %broadcast_in_dim3A_33 : vector<16xf32>
      %select_n3A_570 = arith.select %gt3A_569, %broadcast_in_dim3A_35, %broadcast_in_dim3A_37 : vector<16xi1>, vector<16xi32>
      %add3A_571 = arith.addi %add3A_562, %select_n3A_570 : vector<16xi32>
      %get3A_572 = arith.index_cast %scan3A_462 : i32 to index
      %get3A_573 = arith.constant 192 : index
      %get3A_574 = tpu.vector_load %arg6[%get3A_572, %get3A_573] {strides = array<i32>} : memref<56x224xf32, #tpu.memory_space<vmem>>, vector<16xf32>,
      %gt3A_575 = arith.cmpf ogt, %get3A_574, %broadcast_in_dim3A_31 : vector<16xf32>
      %select_n3A_576 = arith.select %gt3A_575, %broadcast_in_dim3A_35, %broadcast_in_dim3A_37 : vector<16xi1>, vector<16xi32>
      %add3A_577 = arith.addi %add3A_568, %select_n3A_576 : vector<16xi32>
      %gt3A_578 = arith.cmpf ogt, %get3A_574, %broadcast_in_dim3A_33 : vector<16xf32>
      %select_n3A_579 = arith.select %gt3A_578, %broadcast_in_dim3A_35, %broadcast_in_dim3A_37 : vector<16xi1>, vector<16xi32>
      %add3A_580 = arith.addi %add3A_571, %select_n3A_579 : vector<16xi32>
      %get3A_581 = arith.index_cast %scan3A_462 : i32 to index
      %get3A_582 = arith.constant 208 : index
      %get3A_583 = tpu.vector_load %arg6[%get3A_581, %get3A_582] {strides = array<i32>} : memref<56x224xf32, #tpu.memory_space<vmem>>, vector<16xf32>,
      %gt3A_584 = arith.cmpf ogt, %get3A_583, %broadcast_in_dim3A_31 : vector<16xf32>
      %select_n3A_585 = arith.select %gt3A_584, %broadcast_in_dim3A_35, %broadcast_in_dim3A_37 : vector<16xi1>, vector<16xi32>
      %add3A_586 = arith.addi %add3A_577, %select_n3A_585 : vector<16xi32>
      %gt3A_587 = arith.cmpf ogt, %get3A_583, %broadcast_in_dim3A_33 : vector<16xf32>
      %select_n3A_588 = arith.select %gt3A_587, %broadcast_in_dim3A_35, %broadcast_in_dim3A_37 : vector<16xi1>, vector<16xi32>
      %add3A_589 = arith.addi %add3A_580, %select_n3A_588 : vector<16xi32>
      scf.yield %add3A_586, %add3A_589 : vector<16xi32>, vector<16xi32>
    }
    %scan3A_229 = arith.constant 8 : i32
    %dma_wait3A_230 = arith.constant 0 : i32
    %dma_wait3A_231 = arith.constant 32 : i32
    %dma_wait3A_232 = arith.constant 0 : i32
    %dma_wait3A_233 = tpu.memref_slice %arg6[%dma_wait3A_231, %dma_wait3A_232] : memref<56x224xf32, #tpu.memory_space<vmem>> -> memref<8x224xf32, #tpu.memory_space<vmem>>
    %dma_wait3A_234 = arith.constant 0 : i32
    %dma_wait3A_235 = tpu.memref_slice %arg2[%add3A_30, %dma_wait3A_230, %add3A_108, %dma_wait3A_234] : memref<8x1x224x224xf32, #tpu.memory_space<hbm>> -> memref<1x1x8x224xf32, #tpu.memory_space<hbm>>
    %dma_wait3A_236 = tpu.memref_squeeze %dma_wait3A_235 : memref<1x1x8x224xf32, #tpu.memory_space<hbm>> -> memref<8x224xf32, #tpu.memory_space<hbm>>
    %dma_wait3A_237 = arith.constant 32 : i32
    %dma_wait3A_238 = arith.constant 0 : i32
    %dma_wait3A_239 = tpu.memref_slice %arg6[%dma_wait3A_237, %dma_wait3A_238] : memref<56x224xf32, #tpu.memory_space<vmem>> -> memref<8x224xf32, #tpu.memory_space<vmem>>
    %dma_wait3A_240 = arith.constant 0 : i32
    %dma_wait3A_241 = tpu.memref_slice %arg2[%add3A_30, %dma_wait3A_230, %add3A_108, %dma_wait3A_240] : memref<8x1x224x224xf32, #tpu.memory_space<hbm>> -> memref<1x1x8x224xf32, #tpu.memory_space<hbm>>
    %dma_wait3A_242 = tpu.memref_squeeze %dma_wait3A_241 : memref<1x1x8x224xf32, #tpu.memory_space<hbm>> -> memref<8x224xf32, #tpu.memory_space<hbm>>
    tpu.wait_dma2 semaphore(%arg23 : memref<!tpu.dma_semaphore, #tpu.memory_space<semaphore_mem>>) src(%dma_wait3A_242 : memref<8x224xf32, #tpu.memory_space<hbm>>) dst(%dma_wait3A_239 : memref<8x224xf32, #tpu.memory_space<vmem>>)
    %scan3A_243 = arith.constant 32 : i32
    %scan3A_244 = arith.constant 8 : i32
    %scan3A_245 = arith.addi %scan3A_243, %scan3A_244 : i32
    %scan3A_246 = arith.constant 1 : i32
    %scan3A_247:2 = scf.for %scan3A_462 = %scan3A_243 to %scan3A_245 step %scan3A_246 iter_args(%scan3A_463 = %scan3A_228#0, %scan3A_464 = %scan3A_228#1) -> (vector<16xi32>, vector<16xi32>)  : i32 {
      %get3A_465 = arith.index_cast %scan3A_462 : i32 to index
      %get3A_466 = arith.constant 0 : index
      %get3A_467 = tpu.vector_load %arg6[%get3A_465, %get3A_466] {strides = array<i32>} : memref<56x224xf32, #tpu.memory_space<vmem>>, vector<16xf32>,
      %gt3A = arith.cmpf ogt, %get3A_467, %broadcast_in_dim3A_31 : vector<16xf32>
      %select_n3A_468 = arith.select %gt3A, %broadcast_in_dim3A_35, %broadcast_in_dim3A_37 : vector<16xi1>, vector<16xi32>
      %add3A_469 = arith.addi %scan3A_463, %select_n3A_468 : vector<16xi32>
      %gt3A_470 = arith.cmpf ogt, %get3A_467, %broadcast_in_dim3A_33 : vector<16xf32>
      %select_n3A_471 = arith.select %gt3A_470, %broadcast_in_dim3A_35, %broadcast_in_dim3A_37 : vector<16xi1>, vector<16xi32>
      %add3A_472 = arith.addi %scan3A_464, %select_n3A_471 : vector<16xi32>
      %get3A_473 = arith.index_cast %scan3A_462 : i32 to index
      %get3A_474 = arith.constant 16 : index
      %get3A_475 = tpu.vector_load %arg6[%get3A_473, %get3A_474] {strides = array<i32>} : memref<56x224xf32, #tpu.memory_space<vmem>>, vector<16xf32>,
      %gt3A_476 = arith.cmpf ogt, %get3A_475, %broadcast_in_dim3A_31 : vector<16xf32>
      %select_n3A_477 = arith.select %gt3A_476, %broadcast_in_dim3A_35, %broadcast_in_dim3A_37 : vector<16xi1>, vector<16xi32>
      %add3A_478 = arith.addi %add3A_469, %select_n3A_477 : vector<16xi32>
      %gt3A_479 = arith.cmpf ogt, %get3A_475, %broadcast_in_dim3A_33 : vector<16xf32>
      %select_n3A_480 = arith.select %gt3A_479, %broadcast_in_dim3A_35, %broadcast_in_dim3A_37 : vector<16xi1>, vector<16xi32>
      %add3A_481 = arith.addi %add3A_472, %select_n3A_480 : vector<16xi32>
      %get3A_482 = arith.index_cast %scan3A_462 : i32 to index
      %get3A_483 = arith.constant 32 : index
      %get3A_484 = tpu.vector_load %arg6[%get3A_482, %get3A_483] {strides = array<i32>} : memref<56x224xf32, #tpu.memory_space<vmem>>, vector<16xf32>,
      %gt3A_485 = arith.cmpf ogt, %get3A_484, %broadcast_in_dim3A_31 : vector<16xf32>
      %select_n3A_486 = arith.select %gt3A_485, %broadcast_in_dim3A_35, %broadcast_in_dim3A_37 : vector<16xi1>, vector<16xi32>
      %add3A_487 = arith.addi %add3A_478, %select_n3A_486 : vector<16xi32>
      %gt3A_488 = arith.cmpf ogt, %get3A_484, %broadcast_in_dim3A_33 : vector<16xf32>
      %select_n3A_489 = arith.select %gt3A_488, %broadcast_in_dim3A_35, %broadcast_in_dim3A_37 : vector<16xi1>, vector<16xi32>
      %add3A_490 = arith.addi %add3A_481, %select_n3A_489 : vector<16xi32>
      %get3A_491 = arith.index_cast %scan3A_462 : i32 to index
      %get3A_492 = arith.constant 48 : index
      %get3A_493 = tpu.vector_load %arg6[%get3A_491, %get3A_492] {strides = array<i32>} : memref<56x224xf32, #tpu.memory_space<vmem>>, vector<16xf32>,
      %gt3A_494 = arith.cmpf ogt, %get3A_493, %broadcast_in_dim3A_31 : vector<16xf32>
      %select_n3A_495 = arith.select %gt3A_494, %broadcast_in_dim3A_35, %broadcast_in_dim3A_37 : vector<16xi1>, vector<16xi32>
      %add3A_496 = arith.addi %add3A_487, %select_n3A_495 : vector<16xi32>
      %gt3A_497 = arith.cmpf ogt, %get3A_493, %broadcast_in_dim3A_33 : vector<16xf32>
      %select_n3A_498 = arith.select %gt3A_497, %broadcast_in_dim3A_35, %broadcast_in_dim3A_37 : vector<16xi1>, vector<16xi32>
      %add3A_499 = arith.addi %add3A_490, %select_n3A_498 : vector<16xi32>
      %get3A_500 = arith.index_cast %scan3A_462 : i32 to index
      %get3A_501 = arith.constant 64 : index
      %get3A_502 = tpu.vector_load %arg6[%get3A_500, %get3A_501] {strides = array<i32>} : memref<56x224xf32, #tpu.memory_space<vmem>>, vector<16xf32>,
      %gt3A_503 = arith.cmpf ogt, %get3A_502, %broadcast_in_dim3A_31 : vector<16xf32>
      %select_n3A_504 = arith.select %gt3A_503, %broadcast_in_dim3A_35, %broadcast_in_dim3A_37 : vector<16xi1>, vector<16xi32>
      %add3A_505 = arith.addi %add3A_496, %select_n3A_504 : vector<16xi32>
      %gt3A_506 = arith.cmpf ogt, %get3A_502, %broadcast_in_dim3A_33 : vector<16xf32>
      %select_n3A_507 = arith.select %gt3A_506, %broadcast_in_dim3A_35, %broadcast_in_dim3A_37 : vector<16xi1>, vector<16xi32>
      %add3A_508 = arith.addi %add3A_499, %select_n3A_507 : vector<16xi32>
      %get3A_509 = arith.index_cast %scan3A_462 : i32 to index
      %get3A_510 = arith.constant 80 : index
      %get3A_511 = tpu.vector_load %arg6[%get3A_509, %get3A_510] {strides = array<i32>} : memref<56x224xf32, #tpu.memory_space<vmem>>, vector<16xf32>,
      %gt3A_512 = arith.cmpf ogt, %get3A_511, %broadcast_in_dim3A_31 : vector<16xf32>
      %select_n3A_513 = arith.select %gt3A_512, %broadcast_in_dim3A_35, %broadcast_in_dim3A_37 : vector<16xi1>, vector<16xi32>
      %add3A_514 = arith.addi %add3A_505, %select_n3A_513 : vector<16xi32>
      %gt3A_515 = arith.cmpf ogt, %get3A_511, %broadcast_in_dim3A_33 : vector<16xf32>
      %select_n3A_516 = arith.select %gt3A_515, %broadcast_in_dim3A_35, %broadcast_in_dim3A_37 : vector<16xi1>, vector<16xi32>
      %add3A_517 = arith.addi %add3A_508, %select_n3A_516 : vector<16xi32>
      %get3A_518 = arith.index_cast %scan3A_462 : i32 to index
      %get3A_519 = arith.constant 96 : index
      %get3A_520 = tpu.vector_load %arg6[%get3A_518, %get3A_519] {strides = array<i32>} : memref<56x224xf32, #tpu.memory_space<vmem>>, vector<16xf32>,
      %gt3A_521 = arith.cmpf ogt, %get3A_520, %broadcast_in_dim3A_31 : vector<16xf32>
      %select_n3A_522 = arith.select %gt3A_521, %broadcast_in_dim3A_35, %broadcast_in_dim3A_37 : vector<16xi1>, vector<16xi32>
      %add3A_523 = arith.addi %add3A_514, %select_n3A_522 : vector<16xi32>
      %gt3A_524 = arith.cmpf ogt, %get3A_520, %broadcast_in_dim3A_33 : vector<16xf32>
      %select_n3A_525 = arith.select %gt3A_524, %broadcast_in_dim3A_35, %broadcast_in_dim3A_37 : vector<16xi1>, vector<16xi32>
      %add3A_526 = arith.addi %add3A_517, %select_n3A_525 : vector<16xi32>
      %get3A_527 = arith.index_cast %scan3A_462 : i32 to index
      %get3A_528 = arith.constant 112 : index
      %get3A_529 = tpu.vector_load %arg6[%get3A_527, %get3A_528] {strides = array<i32>} : memref<56x224xf32, #tpu.memory_space<vmem>>, vector<16xf32>,
      %gt3A_530 = arith.cmpf ogt, %get3A_529, %broadcast_in_dim3A_31 : vector<16xf32>
      %select_n3A_531 = arith.select %gt3A_530, %broadcast_in_dim3A_35, %broadcast_in_dim3A_37 : vector<16xi1>, vector<16xi32>
      %add3A_532 = arith.addi %add3A_523, %select_n3A_531 : vector<16xi32>
      %gt3A_533 = arith.cmpf ogt, %get3A_529, %broadcast_in_dim3A_33 : vector<16xf32>
      %select_n3A_534 = arith.select %gt3A_533, %broadcast_in_dim3A_35, %broadcast_in_dim3A_37 : vector<16xi1>, vector<16xi32>
      %add3A_535 = arith.addi %add3A_526, %select_n3A_534 : vector<16xi32>
      %get3A_536 = arith.index_cast %scan3A_462 : i32 to index
      %get3A_537 = arith.constant 128 : index
      %get3A_538 = tpu.vector_load %arg6[%get3A_536, %get3A_537] {strides = array<i32>} : memref<56x224xf32, #tpu.memory_space<vmem>>, vector<16xf32>,
      %gt3A_539 = arith.cmpf ogt, %get3A_538, %broadcast_in_dim3A_31 : vector<16xf32>
      %select_n3A_540 = arith.select %gt3A_539, %broadcast_in_dim3A_35, %broadcast_in_dim3A_37 : vector<16xi1>, vector<16xi32>
      %add3A_541 = arith.addi %add3A_532, %select_n3A_540 : vector<16xi32>
      %gt3A_542 = arith.cmpf ogt, %get3A_538, %broadcast_in_dim3A_33 : vector<16xf32>
      %select_n3A_543 = arith.select %gt3A_542, %broadcast_in_dim3A_35, %broadcast_in_dim3A_37 : vector<16xi1>, vector<16xi32>
      %add3A_544 = arith.addi %add3A_535, %select_n3A_543 : vector<16xi32>
      %get3A_545 = arith.index_cast %scan3A_462 : i32 to index
      %get3A_546 = arith.constant 144 : index
      %get3A_547 = tpu.vector_load %arg6[%get3A_545, %get3A_546] {strides = array<i32>} : memref<56x224xf32, #tpu.memory_space<vmem>>, vector<16xf32>,
      %gt3A_548 = arith.cmpf ogt, %get3A_547, %broadcast_in_dim3A_31 : vector<16xf32>
      %select_n3A_549 = arith.select %gt3A_548, %broadcast_in_dim3A_35, %broadcast_in_dim3A_37 : vector<16xi1>, vector<16xi32>
      %add3A_550 = arith.addi %add3A_541, %select_n3A_549 : vector<16xi32>
      %gt3A_551 = arith.cmpf ogt, %get3A_547, %broadcast_in_dim3A_33 : vector<16xf32>
      %select_n3A_552 = arith.select %gt3A_551, %broadcast_in_dim3A_35, %broadcast_in_dim3A_37 : vector<16xi1>, vector<16xi32>
      %add3A_553 = arith.addi %add3A_544, %select_n3A_552 : vector<16xi32>
      %get3A_554 = arith.index_cast %scan3A_462 : i32 to index
      %get3A_555 = arith.constant 160 : index
      %get3A_556 = tpu.vector_load %arg6[%get3A_554, %get3A_555] {strides = array<i32>} : memref<56x224xf32, #tpu.memory_space<vmem>>, vector<16xf32>,
      %gt3A_557 = arith.cmpf ogt, %get3A_556, %broadcast_in_dim3A_31 : vector<16xf32>
      %select_n3A_558 = arith.select %gt3A_557, %broadcast_in_dim3A_35, %broadcast_in_dim3A_37 : vector<16xi1>, vector<16xi32>
      %add3A_559 = arith.addi %add3A_550, %select_n3A_558 : vector<16xi32>
      %gt3A_560 = arith.cmpf ogt, %get3A_556, %broadcast_in_dim3A_33 : vector<16xf32>
      %select_n3A_561 = arith.select %gt3A_560, %broadcast_in_dim3A_35, %broadcast_in_dim3A_37 : vector<16xi1>, vector<16xi32>
      %add3A_562 = arith.addi %add3A_553, %select_n3A_561 : vector<16xi32>
      %get3A_563 = arith.index_cast %scan3A_462 : i32 to index
      %get3A_564 = arith.constant 176 : index
      %get3A_565 = tpu.vector_load %arg6[%get3A_563, %get3A_564] {strides = array<i32>} : memref<56x224xf32, #tpu.memory_space<vmem>>, vector<16xf32>,
      %gt3A_566 = arith.cmpf ogt, %get3A_565, %broadcast_in_dim3A_31 : vector<16xf32>
      %select_n3A_567 = arith.select %gt3A_566, %broadcast_in_dim3A_35, %broadcast_in_dim3A_37 : vector<16xi1>, vector<16xi32>
      %add3A_568 = arith.addi %add3A_559, %select_n3A_567 : vector<16xi32>
      %gt3A_569 = arith.cmpf ogt, %get3A_565, %broadcast_in_dim3A_33 : vector<16xf32>
      %select_n3A_570 = arith.select %gt3A_569, %broadcast_in_dim3A_35, %broadcast_in_dim3A_37 : vector<16xi1>, vector<16xi32>
      %add3A_571 = arith.addi %add3A_562, %select_n3A_570 : vector<16xi32>
      %get3A_572 = arith.index_cast %scan3A_462 : i32 to index
      %get3A_573 = arith.constant 192 : index
      %get3A_574 = tpu.vector_load %arg6[%get3A_572, %get3A_573] {strides = array<i32>} : memref<56x224xf32, #tpu.memory_space<vmem>>, vector<16xf32>,
      %gt3A_575 = arith.cmpf ogt, %get3A_574, %broadcast_in_dim3A_31 : vector<16xf32>
      %select_n3A_576 = arith.select %gt3A_575, %broadcast_in_dim3A_35, %broadcast_in_dim3A_37 : vector<16xi1>, vector<16xi32>
      %add3A_577 = arith.addi %add3A_568, %select_n3A_576 : vector<16xi32>
      %gt3A_578 = arith.cmpf ogt, %get3A_574, %broadcast_in_dim3A_33 : vector<16xf32>
      %select_n3A_579 = arith.select %gt3A_578, %broadcast_in_dim3A_35, %broadcast_in_dim3A_37 : vector<16xi1>, vector<16xi32>
      %add3A_580 = arith.addi %add3A_571, %select_n3A_579 : vector<16xi32>
      %get3A_581 = arith.index_cast %scan3A_462 : i32 to index
      %get3A_582 = arith.constant 208 : index
      %get3A_583 = tpu.vector_load %arg6[%get3A_581, %get3A_582] {strides = array<i32>} : memref<56x224xf32, #tpu.memory_space<vmem>>, vector<16xf32>,
      %gt3A_584 = arith.cmpf ogt, %get3A_583, %broadcast_in_dim3A_31 : vector<16xf32>
      %select_n3A_585 = arith.select %gt3A_584, %broadcast_in_dim3A_35, %broadcast_in_dim3A_37 : vector<16xi1>, vector<16xi32>
      %add3A_586 = arith.addi %add3A_577, %select_n3A_585 : vector<16xi32>
      %gt3A_587 = arith.cmpf ogt, %get3A_583, %broadcast_in_dim3A_33 : vector<16xf32>
      %select_n3A_588 = arith.select %gt3A_587, %broadcast_in_dim3A_35, %broadcast_in_dim3A_37 : vector<16xi1>, vector<16xi32>
      %add3A_589 = arith.addi %add3A_580, %select_n3A_588 : vector<16xi32>
      scf.yield %add3A_586, %add3A_589 : vector<16xi32>, vector<16xi32>
    }
    %scan3A_248 = arith.constant 8 : i32
    %dma_wait3A_249 = arith.constant 0 : i32
    %dma_wait3A_250 = arith.constant 40 : i32
    %dma_wait3A_251 = arith.constant 0 : i32
    %dma_wait3A_252 = tpu.memref_slice %arg6[%dma_wait3A_250, %dma_wait3A_251] : memref<56x224xf32, #tpu.memory_space<vmem>> -> memref<8x224xf32, #tpu.memory_space<vmem>>
    %dma_wait3A_253 = arith.constant 0 : i32
    %dma_wait3A_254 = tpu.memref_slice %arg2[%add3A_30, %dma_wait3A_249, %add3A_125, %dma_wait3A_253] : memref<8x1x224x224xf32, #tpu.memory_space<hbm>> -> memref<1x1x8x224xf32, #tpu.memory_space<hbm>>
    %dma_wait3A_255 = tpu.memref_squeeze %dma_wait3A_254 : memref<1x1x8x224xf32, #tpu.memory_space<hbm>> -> memref<8x224xf32, #tpu.memory_space<hbm>>
    %dma_wait3A_256 = arith.constant 40 : i32
    %dma_wait3A_257 = arith.constant 0 : i32
    %dma_wait3A_258 = tpu.memref_slice %arg6[%dma_wait3A_256, %dma_wait3A_257] : memref<56x224xf32, #tpu.memory_space<vmem>> -> memref<8x224xf32, #tpu.memory_space<vmem>>
    %dma_wait3A_259 = arith.constant 0 : i32
    %dma_wait3A_260 = tpu.memref_slice %arg2[%add3A_30, %dma_wait3A_249, %add3A_125, %dma_wait3A_259] : memref<8x1x224x224xf32, #tpu.memory_space<hbm>> -> memref<1x1x8x224xf32, #tpu.memory_space<hbm>>
    %dma_wait3A_261 = tpu.memref_squeeze %dma_wait3A_260 : memref<1x1x8x224xf32, #tpu.memory_space<hbm>> -> memref<8x224xf32, #tpu.memory_space<hbm>>
    tpu.wait_dma2 semaphore(%arg23 : memref<!tpu.dma_semaphore, #tpu.memory_space<semaphore_mem>>) src(%dma_wait3A_261 : memref<8x224xf32, #tpu.memory_space<hbm>>) dst(%dma_wait3A_258 : memref<8x224xf32, #tpu.memory_space<vmem>>)
    %scan3A_262 = arith.constant 40 : i32
    %scan3A_263 = arith.constant 8 : i32
    %scan3A_264 = arith.addi %scan3A_262, %scan3A_263 : i32
    %scan3A_265 = arith.constant 1 : i32
    %scan3A_266:2 = scf.for %scan3A_462 = %scan3A_262 to %scan3A_264 step %scan3A_265 iter_args(%scan3A_463 = %scan3A_247#0, %scan3A_464 = %scan3A_247#1) -> (vector<16xi32>, vector<16xi32>)  : i32 {
      %get3A_465 = arith.index_cast %scan3A_462 : i32 to index
      %get3A_466 = arith.constant 0 : index
      %get3A_467 = tpu.vector_load %arg6[%get3A_465, %get3A_466] {strides = array<i32>} : memref<56x224xf32, #tpu.memory_space<vmem>>, vector<16xf32>,
      %gt3A = arith.cmpf ogt, %get3A_467, %broadcast_in_dim3A_31 : vector<16xf32>
      %select_n3A_468 = arith.select %gt3A, %broadcast_in_dim3A_35, %broadcast_in_dim3A_37 : vector<16xi1>, vector<16xi32>
      %add3A_469 = arith.addi %scan3A_463, %select_n3A_468 : vector<16xi32>
      %gt3A_470 = arith.cmpf ogt, %get3A_467, %broadcast_in_dim3A_33 : vector<16xf32>
      %select_n3A_471 = arith.select %gt3A_470, %broadcast_in_dim3A_35, %broadcast_in_dim3A_37 : vector<16xi1>, vector<16xi32>
      %add3A_472 = arith.addi %scan3A_464, %select_n3A_471 : vector<16xi32>
      %get3A_473 = arith.index_cast %scan3A_462 : i32 to index
      %get3A_474 = arith.constant 16 : index
      %get3A_475 = tpu.vector_load %arg6[%get3A_473, %get3A_474] {strides = array<i32>} : memref<56x224xf32, #tpu.memory_space<vmem>>, vector<16xf32>,
      %gt3A_476 = arith.cmpf ogt, %get3A_475, %broadcast_in_dim3A_31 : vector<16xf32>
      %select_n3A_477 = arith.select %gt3A_476, %broadcast_in_dim3A_35, %broadcast_in_dim3A_37 : vector<16xi1>, vector<16xi32>
      %add3A_478 = arith.addi %add3A_469, %select_n3A_477 : vector<16xi32>
      %gt3A_479 = arith.cmpf ogt, %get3A_475, %broadcast_in_dim3A_33 : vector<16xf32>
      %select_n3A_480 = arith.select %gt3A_479, %broadcast_in_dim3A_35, %broadcast_in_dim3A_37 : vector<16xi1>, vector<16xi32>
      %add3A_481 = arith.addi %add3A_472, %select_n3A_480 : vector<16xi32>
      %get3A_482 = arith.index_cast %scan3A_462 : i32 to index
      %get3A_483 = arith.constant 32 : index
      %get3A_484 = tpu.vector_load %arg6[%get3A_482, %get3A_483] {strides = array<i32>} : memref<56x224xf32, #tpu.memory_space<vmem>>, vector<16xf32>,
      %gt3A_485 = arith.cmpf ogt, %get3A_484, %broadcast_in_dim3A_31 : vector<16xf32>
      %select_n3A_486 = arith.select %gt3A_485, %broadcast_in_dim3A_35, %broadcast_in_dim3A_37 : vector<16xi1>, vector<16xi32>
      %add3A_487 = arith.addi %add3A_478, %select_n3A_486 : vector<16xi32>
      %gt3A_488 = arith.cmpf ogt, %get3A_484, %broadcast_in_dim3A_33 : vector<16xf32>
      %select_n3A_489 = arith.select %gt3A_488, %broadcast_in_dim3A_35, %broadcast_in_dim3A_37 : vector<16xi1>, vector<16xi32>
      %add3A_490 = arith.addi %add3A_481, %select_n3A_489 : vector<16xi32>
      %get3A_491 = arith.index_cast %scan3A_462 : i32 to index
      %get3A_492 = arith.constant 48 : index
      %get3A_493 = tpu.vector_load %arg6[%get3A_491, %get3A_492] {strides = array<i32>} : memref<56x224xf32, #tpu.memory_space<vmem>>, vector<16xf32>,
      %gt3A_494 = arith.cmpf ogt, %get3A_493, %broadcast_in_dim3A_31 : vector<16xf32>
      %select_n3A_495 = arith.select %gt3A_494, %broadcast_in_dim3A_35, %broadcast_in_dim3A_37 : vector<16xi1>, vector<16xi32>
      %add3A_496 = arith.addi %add3A_487, %select_n3A_495 : vector<16xi32>
      %gt3A_497 = arith.cmpf ogt, %get3A_493, %broadcast_in_dim3A_33 : vector<16xf32>
      %select_n3A_498 = arith.select %gt3A_497, %broadcast_in_dim3A_35, %broadcast_in_dim3A_37 : vector<16xi1>, vector<16xi32>
      %add3A_499 = arith.addi %add3A_490, %select_n3A_498 : vector<16xi32>
      %get3A_500 = arith.index_cast %scan3A_462 : i32 to index
      %get3A_501 = arith.constant 64 : index
      %get3A_502 = tpu.vector_load %arg6[%get3A_500, %get3A_501] {strides = array<i32>} : memref<56x224xf32, #tpu.memory_space<vmem>>, vector<16xf32>,
      %gt3A_503 = arith.cmpf ogt, %get3A_502, %broadcast_in_dim3A_31 : vector<16xf32>
      %select_n3A_504 = arith.select %gt3A_503, %broadcast_in_dim3A_35, %broadcast_in_dim3A_37 : vector<16xi1>, vector<16xi32>
      %add3A_505 = arith.addi %add3A_496, %select_n3A_504 : vector<16xi32>
      %gt3A_506 = arith.cmpf ogt, %get3A_502, %broadcast_in_dim3A_33 : vector<16xf32>
      %select_n3A_507 = arith.select %gt3A_506, %broadcast_in_dim3A_35, %broadcast_in_dim3A_37 : vector<16xi1>, vector<16xi32>
      %add3A_508 = arith.addi %add3A_499, %select_n3A_507 : vector<16xi32>
      %get3A_509 = arith.index_cast %scan3A_462 : i32 to index
      %get3A_510 = arith.constant 80 : index
      %get3A_511 = tpu.vector_load %arg6[%get3A_509, %get3A_510] {strides = array<i32>} : memref<56x224xf32, #tpu.memory_space<vmem>>, vector<16xf32>,
      %gt3A_512 = arith.cmpf ogt, %get3A_511, %broadcast_in_dim3A_31 : vector<16xf32>
      %select_n3A_513 = arith.select %gt3A_512, %broadcast_in_dim3A_35, %broadcast_in_dim3A_37 : vector<16xi1>, vector<16xi32>
      %add3A_514 = arith.addi %add3A_505, %select_n3A_513 : vector<16xi32>
      %gt3A_515 = arith.cmpf ogt, %get3A_511, %broadcast_in_dim3A_33 : vector<16xf32>
      %select_n3A_516 = arith.select %gt3A_515, %broadcast_in_dim3A_35, %broadcast_in_dim3A_37 : vector<16xi1>, vector<16xi32>
      %add3A_517 = arith.addi %add3A_508, %select_n3A_516 : vector<16xi32>
      %get3A_518 = arith.index_cast %scan3A_462 : i32 to index
      %get3A_519 = arith.constant 96 : index
      %get3A_520 = tpu.vector_load %arg6[%get3A_518, %get3A_519] {strides = array<i32>} : memref<56x224xf32, #tpu.memory_space<vmem>>, vector<16xf32>,
      %gt3A_521 = arith.cmpf ogt, %get3A_520, %broadcast_in_dim3A_31 : vector<16xf32>
      %select_n3A_522 = arith.select %gt3A_521, %broadcast_in_dim3A_35, %broadcast_in_dim3A_37 : vector<16xi1>, vector<16xi32>
      %add3A_523 = arith.addi %add3A_514, %select_n3A_522 : vector<16xi32>
      %gt3A_524 = arith.cmpf ogt, %get3A_520, %broadcast_in_dim3A_33 : vector<16xf32>
      %select_n3A_525 = arith.select %gt3A_524, %broadcast_in_dim3A_35, %broadcast_in_dim3A_37 : vector<16xi1>, vector<16xi32>
      %add3A_526 = arith.addi %add3A_517, %select_n3A_525 : vector<16xi32>
      %get3A_527 = arith.index_cast %scan3A_462 : i32 to index
      %get3A_528 = arith.constant 112 : index
      %get3A_529 = tpu.vector_load %arg6[%get3A_527, %get3A_528] {strides = array<i32>} : memref<56x224xf32, #tpu.memory_space<vmem>>, vector<16xf32>,
      %gt3A_530 = arith.cmpf ogt, %get3A_529, %broadcast_in_dim3A_31 : vector<16xf32>
      %select_n3A_531 = arith.select %gt3A_530, %broadcast_in_dim3A_35, %broadcast_in_dim3A_37 : vector<16xi1>, vector<16xi32>
      %add3A_532 = arith.addi %add3A_523, %select_n3A_531 : vector<16xi32>
      %gt3A_533 = arith.cmpf ogt, %get3A_529, %broadcast_in_dim3A_33 : vector<16xf32>
      %select_n3A_534 = arith.select %gt3A_533, %broadcast_in_dim3A_35, %broadcast_in_dim3A_37 : vector<16xi1>, vector<16xi32>
      %add3A_535 = arith.addi %add3A_526, %select_n3A_534 : vector<16xi32>
      %get3A_536 = arith.index_cast %scan3A_462 : i32 to index
      %get3A_537 = arith.constant 128 : index
      %get3A_538 = tpu.vector_load %arg6[%get3A_536, %get3A_537] {strides = array<i32>} : memref<56x224xf32, #tpu.memory_space<vmem>>, vector<16xf32>,
      %gt3A_539 = arith.cmpf ogt, %get3A_538, %broadcast_in_dim3A_31 : vector<16xf32>
      %select_n3A_540 = arith.select %gt3A_539, %broadcast_in_dim3A_35, %broadcast_in_dim3A_37 : vector<16xi1>, vector<16xi32>
      %add3A_541 = arith.addi %add3A_532, %select_n3A_540 : vector<16xi32>
      %gt3A_542 = arith.cmpf ogt, %get3A_538, %broadcast_in_dim3A_33 : vector<16xf32>
      %select_n3A_543 = arith.select %gt3A_542, %broadcast_in_dim3A_35, %broadcast_in_dim3A_37 : vector<16xi1>, vector<16xi32>
      %add3A_544 = arith.addi %add3A_535, %select_n3A_543 : vector<16xi32>
      %get3A_545 = arith.index_cast %scan3A_462 : i32 to index
      %get3A_546 = arith.constant 144 : index
      %get3A_547 = tpu.vector_load %arg6[%get3A_545, %get3A_546] {strides = array<i32>} : memref<56x224xf32, #tpu.memory_space<vmem>>, vector<16xf32>,
      %gt3A_548 = arith.cmpf ogt, %get3A_547, %broadcast_in_dim3A_31 : vector<16xf32>
      %select_n3A_549 = arith.select %gt3A_548, %broadcast_in_dim3A_35, %broadcast_in_dim3A_37 : vector<16xi1>, vector<16xi32>
      %add3A_550 = arith.addi %add3A_541, %select_n3A_549 : vector<16xi32>
      %gt3A_551 = arith.cmpf ogt, %get3A_547, %broadcast_in_dim3A_33 : vector<16xf32>
      %select_n3A_552 = arith.select %gt3A_551, %broadcast_in_dim3A_35, %broadcast_in_dim3A_37 : vector<16xi1>, vector<16xi32>
      %add3A_553 = arith.addi %add3A_544, %select_n3A_552 : vector<16xi32>
      %get3A_554 = arith.index_cast %scan3A_462 : i32 to index
      %get3A_555 = arith.constant 160 : index
      %get3A_556 = tpu.vector_load %arg6[%get3A_554, %get3A_555] {strides = array<i32>} : memref<56x224xf32, #tpu.memory_space<vmem>>, vector<16xf32>,
      %gt3A_557 = arith.cmpf ogt, %get3A_556, %broadcast_in_dim3A_31 : vector<16xf32>
      %select_n3A_558 = arith.select %gt3A_557, %broadcast_in_dim3A_35, %broadcast_in_dim3A_37 : vector<16xi1>, vector<16xi32>
      %add3A_559 = arith.addi %add3A_550, %select_n3A_558 : vector<16xi32>
      %gt3A_560 = arith.cmpf ogt, %get3A_556, %broadcast_in_dim3A_33 : vector<16xf32>
      %select_n3A_561 = arith.select %gt3A_560, %broadcast_in_dim3A_35, %broadcast_in_dim3A_37 : vector<16xi1>, vector<16xi32>
      %add3A_562 = arith.addi %add3A_553, %select_n3A_561 : vector<16xi32>
      %get3A_563 = arith.index_cast %scan3A_462 : i32 to index
      %get3A_564 = arith.constant 176 : index
      %get3A_565 = tpu.vector_load %arg6[%get3A_563, %get3A_564] {strides = array<i32>} : memref<56x224xf32, #tpu.memory_space<vmem>>, vector<16xf32>,
      %gt3A_566 = arith.cmpf ogt, %get3A_565, %broadcast_in_dim3A_31 : vector<16xf32>
      %select_n3A_567 = arith.select %gt3A_566, %broadcast_in_dim3A_35, %broadcast_in_dim3A_37 : vector<16xi1>, vector<16xi32>
      %add3A_568 = arith.addi %add3A_559, %select_n3A_567 : vector<16xi32>
      %gt3A_569 = arith.cmpf ogt, %get3A_565, %broadcast_in_dim3A_33 : vector<16xf32>
      %select_n3A_570 = arith.select %gt3A_569, %broadcast_in_dim3A_35, %broadcast_in_dim3A_37 : vector<16xi1>, vector<16xi32>
      %add3A_571 = arith.addi %add3A_562, %select_n3A_570 : vector<16xi32>
      %get3A_572 = arith.index_cast %scan3A_462 : i32 to index
      %get3A_573 = arith.constant 192 : index
      %get3A_574 = tpu.vector_load %arg6[%get3A_572, %get3A_573] {strides = array<i32>} : memref<56x224xf32, #tpu.memory_space<vmem>>, vector<16xf32>,
      %gt3A_575 = arith.cmpf ogt, %get3A_574, %broadcast_in_dim3A_31 : vector<16xf32>
      %select_n3A_576 = arith.select %gt3A_575, %broadcast_in_dim3A_35, %broadcast_in_dim3A_37 : vector<16xi1>, vector<16xi32>
      %add3A_577 = arith.addi %add3A_568, %select_n3A_576 : vector<16xi32>
      %gt3A_578 = arith.cmpf ogt, %get3A_574, %broadcast_in_dim3A_33 : vector<16xf32>
      %select_n3A_579 = arith.select %gt3A_578, %broadcast_in_dim3A_35, %broadcast_in_dim3A_37 : vector<16xi1>, vector<16xi32>
      %add3A_580 = arith.addi %add3A_571, %select_n3A_579 : vector<16xi32>
      %get3A_581 = arith.index_cast %scan3A_462 : i32 to index
      %get3A_582 = arith.constant 208 : index
      %get3A_583 = tpu.vector_load %arg6[%get3A_581, %get3A_582] {strides = array<i32>} : memref<56x224xf32, #tpu.memory_space<vmem>>, vector<16xf32>,
      %gt3A_584 = arith.cmpf ogt, %get3A_583, %broadcast_in_dim3A_31 : vector<16xf32>
      %select_n3A_585 = arith.select %gt3A_584, %broadcast_in_dim3A_35, %broadcast_in_dim3A_37 : vector<16xi1>, vector<16xi32>
      %add3A_586 = arith.addi %add3A_577, %select_n3A_585 : vector<16xi32>
      %gt3A_587 = arith.cmpf ogt, %get3A_583, %broadcast_in_dim3A_33 : vector<16xf32>
      %select_n3A_588 = arith.select %gt3A_587, %broadcast_in_dim3A_35, %broadcast_in_dim3A_37 : vector<16xi1>, vector<16xi32>
      %add3A_589 = arith.addi %add3A_580, %select_n3A_588 : vector<16xi32>
      scf.yield %add3A_586, %add3A_589 : vector<16xi32>, vector<16xi32>
    }
    %scan3A_267 = arith.constant 8 : i32
    %dma_wait3A_268 = arith.constant 0 : i32
    %dma_wait3A_269 = arith.constant 48 : i32
    %dma_wait3A_270 = arith.constant 0 : i32
    %dma_wait3A_271 = tpu.memref_slice %arg6[%dma_wait3A_269, %dma_wait3A_270] : memref<56x224xf32, #tpu.memory_space<vmem>> -> memref<8x224xf32, #tpu.memory_space<vmem>>
    %dma_wait3A_272 = arith.constant 0 : i32
    %dma_wait3A_273 = tpu.memref_slice %arg2[%add3A_30, %dma_wait3A_268, %add3A_142, %dma_wait3A_272] : memref<8x1x224x224xf32, #tpu.memory_space<hbm>> -> memref<1x1x8x224xf32, #tpu.memory_space<hbm>>
    %dma_wait3A_274 = tpu.memref_squeeze %dma_wait3A_273 : memref<1x1x8x224xf32, #tpu.memory_space<hbm>> -> memref<8x224xf32, #tpu.memory_space<hbm>>
    %dma_wait3A_275 = arith.constant 48 : i32
    %dma_wait3A_276 = arith.constant 0 : i32
    %dma_wait3A_277 = tpu.memref_slice %arg6[%dma_wait3A_275, %dma_wait3A_276] : memref<56x224xf32, #tpu.memory_space<vmem>> -> memref<8x224xf32, #tpu.memory_space<vmem>>
    %dma_wait3A_278 = arith.constant 0 : i32
    %dma_wait3A_279 = tpu.memref_slice %arg2[%add3A_30, %dma_wait3A_268, %add3A_142, %dma_wait3A_278] : memref<8x1x224x224xf32, #tpu.memory_space<hbm>> -> memref<1x1x8x224xf32, #tpu.memory_space<hbm>>
    %dma_wait3A_280 = tpu.memref_squeeze %dma_wait3A_279 : memref<1x1x8x224xf32, #tpu.memory_space<hbm>> -> memref<8x224xf32, #tpu.memory_space<hbm>>
    tpu.wait_dma2 semaphore(%arg23 : memref<!tpu.dma_semaphore, #tpu.memory_space<semaphore_mem>>) src(%dma_wait3A_280 : memref<8x224xf32, #tpu.memory_space<hbm>>) dst(%dma_wait3A_277 : memref<8x224xf32, #tpu.memory_space<vmem>>)
    %scan3A_281 = arith.constant 48 : i32
    %scan3A_282 = arith.constant 8 : i32
    %scan3A_283 = arith.addi %scan3A_281, %scan3A_282 : i32
    %scan3A_284 = arith.constant 1 : i32
    %scan3A_285:2 = scf.for %scan3A_462 = %scan3A_281 to %scan3A_283 step %scan3A_284 iter_args(%scan3A_463 = %scan3A_266#0, %scan3A_464 = %scan3A_266#1) -> (vector<16xi32>, vector<16xi32>)  : i32 {
      %get3A_465 = arith.index_cast %scan3A_462 : i32 to index
      %get3A_466 = arith.constant 0 : index
      %get3A_467 = tpu.vector_load %arg6[%get3A_465, %get3A_466] {strides = array<i32>} : memref<56x224xf32, #tpu.memory_space<vmem>>, vector<16xf32>,
      %gt3A = arith.cmpf ogt, %get3A_467, %broadcast_in_dim3A_31 : vector<16xf32>
      %select_n3A_468 = arith.select %gt3A, %broadcast_in_dim3A_35, %broadcast_in_dim3A_37 : vector<16xi1>, vector<16xi32>
      %add3A_469 = arith.addi %scan3A_463, %select_n3A_468 : vector<16xi32>
      %gt3A_470 = arith.cmpf ogt, %get3A_467, %broadcast_in_dim3A_33 : vector<16xf32>
      %select_n3A_471 = arith.select %gt3A_470, %broadcast_in_dim3A_35, %broadcast_in_dim3A_37 : vector<16xi1>, vector<16xi32>
      %add3A_472 = arith.addi %scan3A_464, %select_n3A_471 : vector<16xi32>
      %get3A_473 = arith.index_cast %scan3A_462 : i32 to index
      %get3A_474 = arith.constant 16 : index
      %get3A_475 = tpu.vector_load %arg6[%get3A_473, %get3A_474] {strides = array<i32>} : memref<56x224xf32, #tpu.memory_space<vmem>>, vector<16xf32>,
      %gt3A_476 = arith.cmpf ogt, %get3A_475, %broadcast_in_dim3A_31 : vector<16xf32>
      %select_n3A_477 = arith.select %gt3A_476, %broadcast_in_dim3A_35, %broadcast_in_dim3A_37 : vector<16xi1>, vector<16xi32>
      %add3A_478 = arith.addi %add3A_469, %select_n3A_477 : vector<16xi32>
      %gt3A_479 = arith.cmpf ogt, %get3A_475, %broadcast_in_dim3A_33 : vector<16xf32>
      %select_n3A_480 = arith.select %gt3A_479, %broadcast_in_dim3A_35, %broadcast_in_dim3A_37 : vector<16xi1>, vector<16xi32>
      %add3A_481 = arith.addi %add3A_472, %select_n3A_480 : vector<16xi32>
      %get3A_482 = arith.index_cast %scan3A_462 : i32 to index
      %get3A_483 = arith.constant 32 : index
      %get3A_484 = tpu.vector_load %arg6[%get3A_482, %get3A_483] {strides = array<i32>} : memref<56x224xf32, #tpu.memory_space<vmem>>, vector<16xf32>,
      %gt3A_485 = arith.cmpf ogt, %get3A_484, %broadcast_in_dim3A_31 : vector<16xf32>
      %select_n3A_486 = arith.select %gt3A_485, %broadcast_in_dim3A_35, %broadcast_in_dim3A_37 : vector<16xi1>, vector<16xi32>
      %add3A_487 = arith.addi %add3A_478, %select_n3A_486 : vector<16xi32>
      %gt3A_488 = arith.cmpf ogt, %get3A_484, %broadcast_in_dim3A_33 : vector<16xf32>
      %select_n3A_489 = arith.select %gt3A_488, %broadcast_in_dim3A_35, %broadcast_in_dim3A_37 : vector<16xi1>, vector<16xi32>
      %add3A_490 = arith.addi %add3A_481, %select_n3A_489 : vector<16xi32>
      %get3A_491 = arith.index_cast %scan3A_462 : i32 to index
      %get3A_492 = arith.constant 48 : index
      %get3A_493 = tpu.vector_load %arg6[%get3A_491, %get3A_492] {strides = array<i32>} : memref<56x224xf32, #tpu.memory_space<vmem>>, vector<16xf32>,
      %gt3A_494 = arith.cmpf ogt, %get3A_493, %broadcast_in_dim3A_31 : vector<16xf32>
      %select_n3A_495 = arith.select %gt3A_494, %broadcast_in_dim3A_35, %broadcast_in_dim3A_37 : vector<16xi1>, vector<16xi32>
      %add3A_496 = arith.addi %add3A_487, %select_n3A_495 : vector<16xi32>
      %gt3A_497 = arith.cmpf ogt, %get3A_493, %broadcast_in_dim3A_33 : vector<16xf32>
      %select_n3A_498 = arith.select %gt3A_497, %broadcast_in_dim3A_35, %broadcast_in_dim3A_37 : vector<16xi1>, vector<16xi32>
      %add3A_499 = arith.addi %add3A_490, %select_n3A_498 : vector<16xi32>
      %get3A_500 = arith.index_cast %scan3A_462 : i32 to index
      %get3A_501 = arith.constant 64 : index
      %get3A_502 = tpu.vector_load %arg6[%get3A_500, %get3A_501] {strides = array<i32>} : memref<56x224xf32, #tpu.memory_space<vmem>>, vector<16xf32>,
      %gt3A_503 = arith.cmpf ogt, %get3A_502, %broadcast_in_dim3A_31 : vector<16xf32>
      %select_n3A_504 = arith.select %gt3A_503, %broadcast_in_dim3A_35, %broadcast_in_dim3A_37 : vector<16xi1>, vector<16xi32>
      %add3A_505 = arith.addi %add3A_496, %select_n3A_504 : vector<16xi32>
      %gt3A_506 = arith.cmpf ogt, %get3A_502, %broadcast_in_dim3A_33 : vector<16xf32>
      %select_n3A_507 = arith.select %gt3A_506, %broadcast_in_dim3A_35, %broadcast_in_dim3A_37 : vector<16xi1>, vector<16xi32>
      %add3A_508 = arith.addi %add3A_499, %select_n3A_507 : vector<16xi32>
      %get3A_509 = arith.index_cast %scan3A_462 : i32 to index
      %get3A_510 = arith.constant 80 : index
      %get3A_511 = tpu.vector_load %arg6[%get3A_509, %get3A_510] {strides = array<i32>} : memref<56x224xf32, #tpu.memory_space<vmem>>, vector<16xf32>,
      %gt3A_512 = arith.cmpf ogt, %get3A_511, %broadcast_in_dim3A_31 : vector<16xf32>
      %select_n3A_513 = arith.select %gt3A_512, %broadcast_in_dim3A_35, %broadcast_in_dim3A_37 : vector<16xi1>, vector<16xi32>
      %add3A_514 = arith.addi %add3A_505, %select_n3A_513 : vector<16xi32>
      %gt3A_515 = arith.cmpf ogt, %get3A_511, %broadcast_in_dim3A_33 : vector<16xf32>
      %select_n3A_516 = arith.select %gt3A_515, %broadcast_in_dim3A_35, %broadcast_in_dim3A_37 : vector<16xi1>, vector<16xi32>
      %add3A_517 = arith.addi %add3A_508, %select_n3A_516 : vector<16xi32>
      %get3A_518 = arith.index_cast %scan3A_462 : i32 to index
      %get3A_519 = arith.constant 96 : index
      %get3A_520 = tpu.vector_load %arg6[%get3A_518, %get3A_519] {strides = array<i32>} : memref<56x224xf32, #tpu.memory_space<vmem>>, vector<16xf32>,
      %gt3A_521 = arith.cmpf ogt, %get3A_520, %broadcast_in_dim3A_31 : vector<16xf32>
      %select_n3A_522 = arith.select %gt3A_521, %broadcast_in_dim3A_35, %broadcast_in_dim3A_37 : vector<16xi1>, vector<16xi32>
      %add3A_523 = arith.addi %add3A_514, %select_n3A_522 : vector<16xi32>
      %gt3A_524 = arith.cmpf ogt, %get3A_520, %broadcast_in_dim3A_33 : vector<16xf32>
      %select_n3A_525 = arith.select %gt3A_524, %broadcast_in_dim3A_35, %broadcast_in_dim3A_37 : vector<16xi1>, vector<16xi32>
      %add3A_526 = arith.addi %add3A_517, %select_n3A_525 : vector<16xi32>
      %get3A_527 = arith.index_cast %scan3A_462 : i32 to index
      %get3A_528 = arith.constant 112 : index
      %get3A_529 = tpu.vector_load %arg6[%get3A_527, %get3A_528] {strides = array<i32>} : memref<56x224xf32, #tpu.memory_space<vmem>>, vector<16xf32>,
      %gt3A_530 = arith.cmpf ogt, %get3A_529, %broadcast_in_dim3A_31 : vector<16xf32>
      %select_n3A_531 = arith.select %gt3A_530, %broadcast_in_dim3A_35, %broadcast_in_dim3A_37 : vector<16xi1>, vector<16xi32>
      %add3A_532 = arith.addi %add3A_523, %select_n3A_531 : vector<16xi32>
      %gt3A_533 = arith.cmpf ogt, %get3A_529, %broadcast_in_dim3A_33 : vector<16xf32>
      %select_n3A_534 = arith.select %gt3A_533, %broadcast_in_dim3A_35, %broadcast_in_dim3A_37 : vector<16xi1>, vector<16xi32>
      %add3A_535 = arith.addi %add3A_526, %select_n3A_534 : vector<16xi32>
      %get3A_536 = arith.index_cast %scan3A_462 : i32 to index
      %get3A_537 = arith.constant 128 : index
      %get3A_538 = tpu.vector_load %arg6[%get3A_536, %get3A_537] {strides = array<i32>} : memref<56x224xf32, #tpu.memory_space<vmem>>, vector<16xf32>,
      %gt3A_539 = arith.cmpf ogt, %get3A_538, %broadcast_in_dim3A_31 : vector<16xf32>
      %select_n3A_540 = arith.select %gt3A_539, %broadcast_in_dim3A_35, %broadcast_in_dim3A_37 : vector<16xi1>, vector<16xi32>
      %add3A_541 = arith.addi %add3A_532, %select_n3A_540 : vector<16xi32>
      %gt3A_542 = arith.cmpf ogt, %get3A_538, %broadcast_in_dim3A_33 : vector<16xf32>
      %select_n3A_543 = arith.select %gt3A_542, %broadcast_in_dim3A_35, %broadcast_in_dim3A_37 : vector<16xi1>, vector<16xi32>
      %add3A_544 = arith.addi %add3A_535, %select_n3A_543 : vector<16xi32>
      %get3A_545 = arith.index_cast %scan3A_462 : i32 to index
      %get3A_546 = arith.constant 144 : index
      %get3A_547 = tpu.vector_load %arg6[%get3A_545, %get3A_546] {strides = array<i32>} : memref<56x224xf32, #tpu.memory_space<vmem>>, vector<16xf32>,
      %gt3A_548 = arith.cmpf ogt, %get3A_547, %broadcast_in_dim3A_31 : vector<16xf32>
      %select_n3A_549 = arith.select %gt3A_548, %broadcast_in_dim3A_35, %broadcast_in_dim3A_37 : vector<16xi1>, vector<16xi32>
      %add3A_550 = arith.addi %add3A_541, %select_n3A_549 : vector<16xi32>
      %gt3A_551 = arith.cmpf ogt, %get3A_547, %broadcast_in_dim3A_33 : vector<16xf32>
      %select_n3A_552 = arith.select %gt3A_551, %broadcast_in_dim3A_35, %broadcast_in_dim3A_37 : vector<16xi1>, vector<16xi32>
      %add3A_553 = arith.addi %add3A_544, %select_n3A_552 : vector<16xi32>
      %get3A_554 = arith.index_cast %scan3A_462 : i32 to index
      %get3A_555 = arith.constant 160 : index
      %get3A_556 = tpu.vector_load %arg6[%get3A_554, %get3A_555] {strides = array<i32>} : memref<56x224xf32, #tpu.memory_space<vmem>>, vector<16xf32>,
      %gt3A_557 = arith.cmpf ogt, %get3A_556, %broadcast_in_dim3A_31 : vector<16xf32>
      %select_n3A_558 = arith.select %gt3A_557, %broadcast_in_dim3A_35, %broadcast_in_dim3A_37 : vector<16xi1>, vector<16xi32>
      %add3A_559 = arith.addi %add3A_550, %select_n3A_558 : vector<16xi32>
      %gt3A_560 = arith.cmpf ogt, %get3A_556, %broadcast_in_dim3A_33 : vector<16xf32>
      %select_n3A_561 = arith.select %gt3A_560, %broadcast_in_dim3A_35, %broadcast_in_dim3A_37 : vector<16xi1>, vector<16xi32>
      %add3A_562 = arith.addi %add3A_553, %select_n3A_561 : vector<16xi32>
      %get3A_563 = arith.index_cast %scan3A_462 : i32 to index
      %get3A_564 = arith.constant 176 : index
      %get3A_565 = tpu.vector_load %arg6[%get3A_563, %get3A_564] {strides = array<i32>} : memref<56x224xf32, #tpu.memory_space<vmem>>, vector<16xf32>,
      %gt3A_566 = arith.cmpf ogt, %get3A_565, %broadcast_in_dim3A_31 : vector<16xf32>
      %select_n3A_567 = arith.select %gt3A_566, %broadcast_in_dim3A_35, %broadcast_in_dim3A_37 : vector<16xi1>, vector<16xi32>
      %add3A_568 = arith.addi %add3A_559, %select_n3A_567 : vector<16xi32>
      %gt3A_569 = arith.cmpf ogt, %get3A_565, %broadcast_in_dim3A_33 : vector<16xf32>
      %select_n3A_570 = arith.select %gt3A_569, %broadcast_in_dim3A_35, %broadcast_in_dim3A_37 : vector<16xi1>, vector<16xi32>
      %add3A_571 = arith.addi %add3A_562, %select_n3A_570 : vector<16xi32>
      %get3A_572 = arith.index_cast %scan3A_462 : i32 to index
      %get3A_573 = arith.constant 192 : index
      %get3A_574 = tpu.vector_load %arg6[%get3A_572, %get3A_573] {strides = array<i32>} : memref<56x224xf32, #tpu.memory_space<vmem>>, vector<16xf32>,
      %gt3A_575 = arith.cmpf ogt, %get3A_574, %broadcast_in_dim3A_31 : vector<16xf32>
      %select_n3A_576 = arith.select %gt3A_575, %broadcast_in_dim3A_35, %broadcast_in_dim3A_37 : vector<16xi1>, vector<16xi32>
      %add3A_577 = arith.addi %add3A_568, %select_n3A_576 : vector<16xi32>
      %gt3A_578 = arith.cmpf ogt, %get3A_574, %broadcast_in_dim3A_33 : vector<16xf32>
      %select_n3A_579 = arith.select %gt3A_578, %broadcast_in_dim3A_35, %broadcast_in_dim3A_37 : vector<16xi1>, vector<16xi32>
      %add3A_580 = arith.addi %add3A_571, %select_n3A_579 : vector<16xi32>
      %get3A_581 = arith.index_cast %scan3A_462 : i32 to index
      %get3A_582 = arith.constant 208 : index
      %get3A_583 = tpu.vector_load %arg6[%get3A_581, %get3A_582] {strides = array<i32>} : memref<56x224xf32, #tpu.memory_space<vmem>>, vector<16xf32>,
      %gt3A_584 = arith.cmpf ogt, %get3A_583, %broadcast_in_dim3A_31 : vector<16xf32>
      %select_n3A_585 = arith.select %gt3A_584, %broadcast_in_dim3A_35, %broadcast_in_dim3A_37 : vector<16xi1>, vector<16xi32>
      %add3A_586 = arith.addi %add3A_577, %select_n3A_585 : vector<16xi32>
      %gt3A_587 = arith.cmpf ogt, %get3A_583, %broadcast_in_dim3A_33 : vector<16xf32>
      %select_n3A_588 = arith.select %gt3A_587, %broadcast_in_dim3A_35, %broadcast_in_dim3A_37 : vector<16xi1>, vector<16xi32>
      %add3A_589 = arith.addi %add3A_580, %select_n3A_588 : vector<16xi32>
      scf.yield %add3A_586, %add3A_589 : vector<16xi32>, vector<16xi32>
    }
    %scan3A_286 = arith.constant 8 : i32
    %reduce_sum3A = arith.constant true
    %reduce_sum3A_287 = vector.broadcast %reduce_sum3A : i1 to vector<16xi1>
    %reduce_sum3A_288 = tpu.scan <sum>, %scan3A_285#0 masked %reduce_sum3A_287 : vector<16xi32>, vector<16xi1> -> vector<16xi32>
    %reduce_sum3A_289 = vector.extract %reduce_sum3A_288[15] : i32 from vector<16xi32>
    %broadcast_in_dim3A_290 = vector.broadcast %reduce_sum3A_289 : i32 to vector<16xi32>
    %reduce_sum3A_291 = arith.constant true
    %reduce_sum3A_292 = vector.broadcast %reduce_sum3A_291 : i1 to vector<16xi1>
    %reduce_sum3A_293 = tpu.scan <sum>, %scan3A_285#1 masked %reduce_sum3A_292 : vector<16xi32>, vector<16xi1> -> vector<16xi32>
    %reduce_sum3A_294 = vector.extract %reduce_sum3A_293[15] : i32 from vector<16xi32>
    %broadcast_in_dim3A_295 = vector.broadcast %reduce_sum3A_294 : i32 to vector<16xi32>
    %eq3A_296 = arith.constant 0 : i32
    %eq3A_297 = vector.broadcast %eq3A_296 : i32 to vector<16xi32>
    %eq3A_298 = arith.cmpi eq, %iota3A, %eq3A_297 : vector<16xi32>
    %eq3A_299 = arith.constant 1 : i32
    %eq3A_300 = vector.broadcast %eq3A_299 : i32 to vector<16xi32>
    %eq3A_301 = arith.cmpi eq, %iota3A, %eq3A_300 : vector<16xi32>
    %broadcast_in_dim3A_302 = arith.constant 0 : i32
    %broadcast_in_dim3A_303 = vector.broadcast %broadcast_in_dim3A_302 : i32 to vector<16xi32>
    %select_n3A_304 = arith.select %eq3A_301, %broadcast_in_dim3A_295, %broadcast_in_dim3A_303 : vector<16xi1>, vector<16xi32>
    %select_n3A_305 = arith.select %eq3A_298, %broadcast_in_dim3A_290, %select_n3A_304 : vector<16xi1>, vector<16xi32>
    %swap3A = arith.constant 0 : index
    %swap3A_306 = tpu.vector_load %arg17[%swap3A] {strides = array<i32>} : memref<16xi32, #tpu.memory_space<vmem>>, vector<16xi32>,
    tpu.vector_store %arg17[%swap3A], %select_n3A_305 {strides = array<i32>} : memref<16xi32, #tpu.memory_space<vmem>>, vector<16xi32>,
    %mul3A_307 = arith.constant 16 : i32
    %mul3A_308 = arith.muli %arg1, %mul3A_307 : i32
    "tpu.region"() ({
      %run_scoped3A = tpu.sem_alloc : memref<!tpu.dma_semaphore, #tpu.memory_space<semaphore_mem>>
      %dma_start3A_462 = tpu.memref_slice %arg20[%mul3A_308] : memref<256xi32, #tpu.memory_space<vmem_shared>> -> memref<16xi32, #tpu.memory_space<vmem_shared>>
      %dma_start3A_463 = tpu.memref_slice %arg20[%mul3A_308] : memref<256xi32, #tpu.memory_space<vmem_shared>> -> memref<16xi32, #tpu.memory_space<vmem_shared>>
      tpu.enqueue_dma source(%arg17 : memref<16xi32, #tpu.memory_space<vmem>>) target(%dma_start3A_463 : memref<16xi32, #tpu.memory_space<vmem_shared>>) target_semaphore(%run_scoped3A : memref<!tpu.dma_semaphore, #tpu.memory_space<semaphore_mem>>)
      %dma_wait3A_464 = tpu.memref_slice %arg20[%mul3A_308] : memref<256xi32, #tpu.memory_space<vmem_shared>> -> memref<16xi32, #tpu.memory_space<vmem_shared>>
      %dma_wait3A_465 = tpu.memref_slice %arg20[%mul3A_308] : memref<256xi32, #tpu.memory_space<vmem_shared>> -> memref<16xi32, #tpu.memory_space<vmem_shared>>
      tpu.wait_dma2 semaphore(%run_scoped3A : memref<!tpu.dma_semaphore, #tpu.memory_space<semaphore_mem>>) src(%arg17 : memref<16xi32, #tpu.memory_space<vmem>>) dst(%dma_wait3A_465 : memref<16xi32, #tpu.memory_space<vmem_shared>>)
      tpu.yield
    }) : () -> ()
    %barrier3A = arith.constant 0 : index
    tpu.barrier barrier_id(%barrier3A)
    "tpu.region"() ({
      %run_scoped3A = tpu.sem_alloc : memref<!tpu.dma_semaphore, #tpu.memory_space<semaphore_mem>>
      tpu.enqueue_dma source(%arg20 : memref<256xi32, #tpu.memory_space<vmem_shared>>) target(%arg18 : memref<256xi32, #tpu.memory_space<vmem>>) target_semaphore(%run_scoped3A : memref<!tpu.dma_semaphore, #tpu.memory_space<semaphore_mem>>)
      tpu.wait_dma2 semaphore(%run_scoped3A : memref<!tpu.dma_semaphore, #tpu.memory_space<semaphore_mem>>) src(%arg20 : memref<256xi32, #tpu.memory_space<vmem_shared>>) dst(%arg18 : memref<256xi32, #tpu.memory_space<vmem>>)
      tpu.yield
    }) : () -> ()
    %mul3A_309 = arith.constant 4 : i32
    %mul3A_310 = arith.muli %select_n3A, %mul3A_309 : i32
    %add3A_311 = arith.constant 0 : i32
    %add3A_312 = arith.addi %mul3A_310, %add3A_311 : i32
    %mul3A_313 = arith.constant 16 : i32
    %mul3A_314 = arith.muli %add3A_312, %mul3A_313 : i32
    %get3A = arith.index_cast %mul3A_314 : i32 to index
    %get3A_315 = tpu.vector_load %arg18[%get3A] {strides = array<i32>} : memref<256xi32, #tpu.memory_space<vmem>>, vector<16xi32>,
    %slice3A = vector.extract_strided_slice %get3A_315 {offsets = [0], sizes = [1], strides = [1]} : vector<16xi32> to vector<1xi32>
    %squeeze3A = vector.extract %slice3A[0] : i32 from vector<1xi32>
    %min3A = arith.constant 30 : i32
    %min3A_316 = arith.minsi %squeeze3A, %min3A : i32
    %add3A_317 = arith.constant 0 : i32
    %add3A_318 = arith.addi %add3A_317, %min3A_316 : i32
    %slice3A_319 = vector.extract_strided_slice %get3A_315 {offsets = [1], sizes = [1], strides = [1]} : vector<16xi32> to vector<1xi32>
    %squeeze3A_320 = vector.extract %slice3A_319[0] : i32 from vector<1xi32>
    %min3A_321 = arith.constant 30 : i32
    %min3A_322 = arith.minsi %squeeze3A_320, %min3A_321 : i32
    %add3A_323 = arith.constant 0 : i32
    %add3A_324 = arith.addi %add3A_323, %min3A_322 : i32
    %mul3A_325 = arith.constant 4 : i32
    %mul3A_326 = arith.muli %select_n3A, %mul3A_325 : i32
    %add3A_327 = arith.constant 1 : i32
    %add3A_328 = arith.addi %mul3A_326, %add3A_327 : i32
    %mul3A_329 = arith.constant 16 : i32
    %mul3A_330 = arith.muli %add3A_328, %mul3A_329 : i32
    %get3A_331 = arith.index_cast %mul3A_330 : i32 to index
    %get3A_332 = tpu.vector_load %arg18[%get3A_331] {strides = array<i32>} : memref<256xi32, #tpu.memory_space<vmem>>, vector<16xi32>,
    %slice3A_333 = vector.extract_strided_slice %get3A_332 {offsets = [0], sizes = [1], strides = [1]} : vector<16xi32> to vector<1xi32>
    %squeeze3A_334 = vector.extract %slice3A_333[0] : i32 from vector<1xi32>
    %min3A_335 = arith.constant 30 : i32
    %min3A_336 = arith.minsi %squeeze3A_334, %min3A_335 : i32
    %add3A_337 = arith.addi %add3A_318, %min3A_336 : i32
    %slice3A_338 = vector.extract_strided_slice %get3A_332 {offsets = [1], sizes = [1], strides = [1]} : vector<16xi32> to vector<1xi32>
    %squeeze3A_339 = vector.extract %slice3A_338[0] : i32 from vector<1xi32>
    %min3A_340 = arith.constant 30 : i32
    %min3A_341 = arith.minsi %squeeze3A_339, %min3A_340 : i32
    %add3A_342 = arith.addi %add3A_324, %min3A_341 : i32
    %mul3A_343 = arith.constant 4 : i32
    %mul3A_344 = arith.muli %select_n3A, %mul3A_343 : i32
    %add3A_345 = arith.constant 2 : i32
    %add3A_346 = arith.addi %mul3A_344, %add3A_345 : i32
    %mul3A_347 = arith.constant 16 : i32
    %mul3A_348 = arith.muli %add3A_346, %mul3A_347 : i32
    %get3A_349 = arith.index_cast %mul3A_348 : i32 to index
    %get3A_350 = tpu.vector_load %arg18[%get3A_349] {strides = array<i32>} : memref<256xi32, #tpu.memory_space<vmem>>, vector<16xi32>,
    %slice3A_351 = vector.extract_strided_slice %get3A_350 {offsets = [0], sizes = [1], strides = [1]} : vector<16xi32> to vector<1xi32>
    %squeeze3A_352 = vector.extract %slice3A_351[0] : i32 from vector<1xi32>
    %min3A_353 = arith.constant 30 : i32
    %min3A_354 = arith.minsi %squeeze3A_352, %min3A_353 : i32
    %add3A_355 = arith.addi %add3A_337, %min3A_354 : i32
    %slice3A_356 = vector.extract_strided_slice %get3A_350 {offsets = [1], sizes = [1], strides = [1]} : vector<16xi32> to vector<1xi32>
    %squeeze3A_357 = vector.extract %slice3A_356[0] : i32 from vector<1xi32>
    %min3A_358 = arith.constant 30 : i32
    %min3A_359 = arith.minsi %squeeze3A_357, %min3A_358 : i32
    %add3A_360 = arith.addi %add3A_342, %min3A_359 : i32
    %mul3A_361 = arith.constant 4 : i32
    %mul3A_362 = arith.muli %select_n3A, %mul3A_361 : i32
    %add3A_363 = arith.constant 3 : i32
    %add3A_364 = arith.addi %mul3A_362, %add3A_363 : i32
    %mul3A_365 = arith.constant 16 : i32
    %mul3A_366 = arith.muli %add3A_364, %mul3A_365 : i32
    %get3A_367 = arith.index_cast %mul3A_366 : i32 to index
    %get3A_368 = tpu.vector_load %arg18[%get3A_367] {strides = array<i32>} : memref<256xi32, #tpu.memory_space<vmem>>, vector<16xi32>,
    %slice3A_369 = vector.extract_strided_slice %get3A_368 {offsets = [0], sizes = [1], strides = [1]} : vector<16xi32> to vector<1xi32>
    %squeeze3A_370 = vector.extract %slice3A_369[0] : i32 from vector<1xi32>
    %min3A_371 = arith.constant 30 : i32
    %min3A_372 = arith.minsi %squeeze3A_370, %min3A_371 : i32
    %add3A_373 = arith.addi %add3A_355, %min3A_372 : i32
    %slice3A_374 = vector.extract_strided_slice %get3A_368 {offsets = [1], sizes = [1], strides = [1]} : vector<16xi32> to vector<1xi32>
    %squeeze3A_375 = vector.extract %slice3A_374[0] : i32 from vector<1xi32>
    %min3A_376 = arith.constant 30 : i32
    %min3A_377 = arith.minsi %squeeze3A_375, %min3A_376 : i32
    %add3A_378 = arith.addi %add3A_360, %min3A_377 : i32
    %ge3A = arith.constant 30 : i32
    %ge3A_379 = arith.cmpi sge, %add3A_373, %ge3A : i32
    %ge3A_380 = arith.constant 30 : i32
    %ge3A_381 = arith.cmpi sge, %add3A_378, %ge3A_380 : i32
    %jit3A_382 = arith.constant 5.000000e-01 : f32
    %jit3A_383 = arith.constant -1.000000e+00 : f32
    %select_n3A_384 = arith.select %ge3A_381, %jit3A_382, %jit3A_383 : f32
    %jit3A_385 = arith.constant 9.950000e-01 : f32
    %select_n3A_386 = arith.select %ge3A_379, %jit3A_385, %select_n3A_384 : f32
    %broadcast_in_dim3A_387 = vector.broadcast %select_n3A_386 : f32 to vector<16xf32>
    %broadcast_in_dim3A_388 = arith.constant 0 : i32
    %broadcast_in_dim3A_389 = vector.broadcast %broadcast_in_dim3A_388 : i32 to vector<16xi32>
    %scan3A_390 = arith.constant 0 : i32
    %scan3A_391 = arith.constant 56 : i32
    %scan3A_392 = arith.addi %scan3A_390, %scan3A_391 : i32
    %scan3A_393 = arith.constant 1 : i32
    %scan3A_394 = scf.for %scan3A_462 = %scan3A_390 to %scan3A_392 step %scan3A_393 iter_args(%scan3A_463 = %broadcast_in_dim3A_389) -> (vector<16xi32>)  : i32 {
      %mul3A_464 = arith.constant 12544 : i32
      %mul3A_465 = arith.muli %select_n3A_28, %mul3A_464 : i32
      %mul3A_466 = arith.constant 224 : i32
      %mul3A_467 = arith.muli %scan3A_462, %mul3A_466 : i32
      %add3A_468 = arith.addi %mul3A_465, %mul3A_467 : i32
      %broadcast_in_dim3A_469 = vector.broadcast %add3A_468 : i32 to vector<16xi32>
      %add3A_470 = arith.addi %broadcast_in_dim3A_469, %iota3A : vector<16xi32>
      %get3A_471 = arith.index_cast %scan3A_462 : i32 to index
      %get3A_472 = arith.constant 0 : index
      %get3A_473 = tpu.vector_load %arg6[%get3A_471, %get3A_472] {strides = array<i32>} : memref<56x224xf32, #tpu.memory_space<vmem>>, vector<16xf32>,
      %gt3A = arith.cmpf ogt, %get3A_473, %broadcast_in_dim3A_387 : vector<16xf32>
      %slice3A_474 = vector.extract_strided_slice %scan3A_463 {offsets = [0], sizes = [1], strides = [1]} : vector<16xi32> to vector<1xi32>
      %squeeze3A_475 = vector.extract %slice3A_474[0] : i32 from vector<1xi32>
      %swap3A_476 = arith.index_cast %squeeze3A_475 : i32 to index
      %swap3A_477 = tpu.vector_load %arg7[%swap3A_476] masked %gt3A {strides = array<i32>} : memref<12560xf32, #tpu.memory_space<vmem>>, vector<16xf32>, vector<16xi1>
      tpu.vector_store %arg7[%swap3A_476], %get3A_473 masked %gt3A {strides = array<i32>} : memref<12560xf32, #tpu.memory_space<vmem>>, vector<16xf32>, vector<16xi1>
      %add3A_478 = arith.constant 0 : i32
      %add3A_479 = vector.broadcast %add3A_478 : i32 to vector<16xi32>
      %add3A_480 = arith.addi %add3A_470, %add3A_479 : vector<16xi32>
      %swap3A_481 = arith.index_cast %squeeze3A_475 : i32 to index
      %swap3A_482 = tpu.vector_load %arg8[%swap3A_481] masked %gt3A {strides = array<i32>} : memref<12560xi32, #tpu.memory_space<vmem>>, vector<16xi32>, vector<16xi1>
      tpu.vector_store %arg8[%swap3A_481], %add3A_480 masked %gt3A {strides = array<i32>} : memref<12560xi32, #tpu.memory_space<vmem>>, vector<16xi32>, vector<16xi1>
      %all_reduce_population_count3A = tpu.all_reduce %gt3A {dim = 0 : i64, kind = #tpu.reduction_kind<sum>} : vector<16xi1> -> vector<16xi32>
      %add3A_483 = arith.addi %scan3A_463, %all_reduce_population_count3A : vector<16xi32>
      %get3A_484 = arith.index_cast %scan3A_462 : i32 to index
      %get3A_485 = arith.constant 16 : index
      %get3A_486 = tpu.vector_load %arg6[%get3A_484, %get3A_485] {strides = array<i32>} : memref<56x224xf32, #tpu.memory_space<vmem>>, vector<16xf32>,
      %gt3A_487 = arith.cmpf ogt, %get3A_486, %broadcast_in_dim3A_387 : vector<16xf32>
      %slice3A_488 = vector.extract_strided_slice %add3A_483 {offsets = [0], sizes = [1], strides = [1]} : vector<16xi32> to vector<1xi32>
      %squeeze3A_489 = vector.extract %slice3A_488[0] : i32 from vector<1xi32>
      %swap3A_490 = arith.index_cast %squeeze3A_489 : i32 to index
      %swap3A_491 = tpu.vector_load %arg7[%swap3A_490] masked %gt3A_487 {strides = array<i32>} : memref<12560xf32, #tpu.memory_space<vmem>>, vector<16xf32>, vector<16xi1>
      tpu.vector_store %arg7[%swap3A_490], %get3A_486 masked %gt3A_487 {strides = array<i32>} : memref<12560xf32, #tpu.memory_space<vmem>>, vector<16xf32>, vector<16xi1>
      %add3A_492 = arith.constant 16 : i32
      %add3A_493 = vector.broadcast %add3A_492 : i32 to vector<16xi32>
      %add3A_494 = arith.addi %add3A_470, %add3A_493 : vector<16xi32>
      %swap3A_495 = arith.index_cast %squeeze3A_489 : i32 to index
      %swap3A_496 = tpu.vector_load %arg8[%swap3A_495] masked %gt3A_487 {strides = array<i32>} : memref<12560xi32, #tpu.memory_space<vmem>>, vector<16xi32>, vector<16xi1>
      tpu.vector_store %arg8[%swap3A_495], %add3A_494 masked %gt3A_487 {strides = array<i32>} : memref<12560xi32, #tpu.memory_space<vmem>>, vector<16xi32>, vector<16xi1>
      %all_reduce_population_count3A_497 = tpu.all_reduce %gt3A_487 {dim = 0 : i64, kind = #tpu.reduction_kind<sum>} : vector<16xi1> -> vector<16xi32>
      %add3A_498 = arith.addi %add3A_483, %all_reduce_population_count3A_497 : vector<16xi32>
      %get3A_499 = arith.index_cast %scan3A_462 : i32 to index
      %get3A_500 = arith.constant 32 : index
      %get3A_501 = tpu.vector_load %arg6[%get3A_499, %get3A_500] {strides = array<i32>} : memref<56x224xf32, #tpu.memory_space<vmem>>, vector<16xf32>,
      %gt3A_502 = arith.cmpf ogt, %get3A_501, %broadcast_in_dim3A_387 : vector<16xf32>
      %slice3A_503 = vector.extract_strided_slice %add3A_498 {offsets = [0], sizes = [1], strides = [1]} : vector<16xi32> to vector<1xi32>
      %squeeze3A_504 = vector.extract %slice3A_503[0] : i32 from vector<1xi32>
      %swap3A_505 = arith.index_cast %squeeze3A_504 : i32 to index
      %swap3A_506 = tpu.vector_load %arg7[%swap3A_505] masked %gt3A_502 {strides = array<i32>} : memref<12560xf32, #tpu.memory_space<vmem>>, vector<16xf32>, vector<16xi1>
      tpu.vector_store %arg7[%swap3A_505], %get3A_501 masked %gt3A_502 {strides = array<i32>} : memref<12560xf32, #tpu.memory_space<vmem>>, vector<16xf32>, vector<16xi1>
      %add3A_507 = arith.constant 32 : i32
      %add3A_508 = vector.broadcast %add3A_507 : i32 to vector<16xi32>
      %add3A_509 = arith.addi %add3A_470, %add3A_508 : vector<16xi32>
      %swap3A_510 = arith.index_cast %squeeze3A_504 : i32 to index
      %swap3A_511 = tpu.vector_load %arg8[%swap3A_510] masked %gt3A_502 {strides = array<i32>} : memref<12560xi32, #tpu.memory_space<vmem>>, vector<16xi32>, vector<16xi1>
      tpu.vector_store %arg8[%swap3A_510], %add3A_509 masked %gt3A_502 {strides = array<i32>} : memref<12560xi32, #tpu.memory_space<vmem>>, vector<16xi32>, vector<16xi1>
      %all_reduce_population_count3A_512 = tpu.all_reduce %gt3A_502 {dim = 0 : i64, kind = #tpu.reduction_kind<sum>} : vector<16xi1> -> vector<16xi32>
      %add3A_513 = arith.addi %add3A_498, %all_reduce_population_count3A_512 : vector<16xi32>
      %get3A_514 = arith.index_cast %scan3A_462 : i32 to index
      %get3A_515 = arith.constant 48 : index
      %get3A_516 = tpu.vector_load %arg6[%get3A_514, %get3A_515] {strides = array<i32>} : memref<56x224xf32, #tpu.memory_space<vmem>>, vector<16xf32>,
      %gt3A_517 = arith.cmpf ogt, %get3A_516, %broadcast_in_dim3A_387 : vector<16xf32>
      %slice3A_518 = vector.extract_strided_slice %add3A_513 {offsets = [0], sizes = [1], strides = [1]} : vector<16xi32> to vector<1xi32>
      %squeeze3A_519 = vector.extract %slice3A_518[0] : i32 from vector<1xi32>
      %swap3A_520 = arith.index_cast %squeeze3A_519 : i32 to index
      %swap3A_521 = tpu.vector_load %arg7[%swap3A_520] masked %gt3A_517 {strides = array<i32>} : memref<12560xf32, #tpu.memory_space<vmem>>, vector<16xf32>, vector<16xi1>
      tpu.vector_store %arg7[%swap3A_520], %get3A_516 masked %gt3A_517 {strides = array<i32>} : memref<12560xf32, #tpu.memory_space<vmem>>, vector<16xf32>, vector<16xi1>
      %add3A_522 = arith.constant 48 : i32
      %add3A_523 = vector.broadcast %add3A_522 : i32 to vector<16xi32>
      %add3A_524 = arith.addi %add3A_470, %add3A_523 : vector<16xi32>
      %swap3A_525 = arith.index_cast %squeeze3A_519 : i32 to index
      %swap3A_526 = tpu.vector_load %arg8[%swap3A_525] masked %gt3A_517 {strides = array<i32>} : memref<12560xi32, #tpu.memory_space<vmem>>, vector<16xi32>, vector<16xi1>
      tpu.vector_store %arg8[%swap3A_525], %add3A_524 masked %gt3A_517 {strides = array<i32>} : memref<12560xi32, #tpu.memory_space<vmem>>, vector<16xi32>, vector<16xi1>
      %all_reduce_population_count3A_527 = tpu.all_reduce %gt3A_517 {dim = 0 : i64, kind = #tpu.reduction_kind<sum>} : vector<16xi1> -> vector<16xi32>
      %add3A_528 = arith.addi %add3A_513, %all_reduce_population_count3A_527 : vector<16xi32>
      %get3A_529 = arith.index_cast %scan3A_462 : i32 to index
      %get3A_530 = arith.constant 64 : index
      %get3A_531 = tpu.vector_load %arg6[%get3A_529, %get3A_530] {strides = array<i32>} : memref<56x224xf32, #tpu.memory_space<vmem>>, vector<16xf32>,
      %gt3A_532 = arith.cmpf ogt, %get3A_531, %broadcast_in_dim3A_387 : vector<16xf32>
      %slice3A_533 = vector.extract_strided_slice %add3A_528 {offsets = [0], sizes = [1], strides = [1]} : vector<16xi32> to vector<1xi32>
      %squeeze3A_534 = vector.extract %slice3A_533[0] : i32 from vector<1xi32>
      %swap3A_535 = arith.index_cast %squeeze3A_534 : i32 to index
      %swap3A_536 = tpu.vector_load %arg7[%swap3A_535] masked %gt3A_532 {strides = array<i32>} : memref<12560xf32, #tpu.memory_space<vmem>>, vector<16xf32>, vector<16xi1>
      tpu.vector_store %arg7[%swap3A_535], %get3A_531 masked %gt3A_532 {strides = array<i32>} : memref<12560xf32, #tpu.memory_space<vmem>>, vector<16xf32>, vector<16xi1>
      %add3A_537 = arith.constant 64 : i32
      %add3A_538 = vector.broadcast %add3A_537 : i32 to vector<16xi32>
      %add3A_539 = arith.addi %add3A_470, %add3A_538 : vector<16xi32>
      %swap3A_540 = arith.index_cast %squeeze3A_534 : i32 to index
      %swap3A_541 = tpu.vector_load %arg8[%swap3A_540] masked %gt3A_532 {strides = array<i32>} : memref<12560xi32, #tpu.memory_space<vmem>>, vector<16xi32>, vector<16xi1>
      tpu.vector_store %arg8[%swap3A_540], %add3A_539 masked %gt3A_532 {strides = array<i32>} : memref<12560xi32, #tpu.memory_space<vmem>>, vector<16xi32>, vector<16xi1>
      %all_reduce_population_count3A_542 = tpu.all_reduce %gt3A_532 {dim = 0 : i64, kind = #tpu.reduction_kind<sum>} : vector<16xi1> -> vector<16xi32>
      %add3A_543 = arith.addi %add3A_528, %all_reduce_population_count3A_542 : vector<16xi32>
      %get3A_544 = arith.index_cast %scan3A_462 : i32 to index
      %get3A_545 = arith.constant 80 : index
      %get3A_546 = tpu.vector_load %arg6[%get3A_544, %get3A_545] {strides = array<i32>} : memref<56x224xf32, #tpu.memory_space<vmem>>, vector<16xf32>,
      %gt3A_547 = arith.cmpf ogt, %get3A_546, %broadcast_in_dim3A_387 : vector<16xf32>
      %slice3A_548 = vector.extract_strided_slice %add3A_543 {offsets = [0], sizes = [1], strides = [1]} : vector<16xi32> to vector<1xi32>
      %squeeze3A_549 = vector.extract %slice3A_548[0] : i32 from vector<1xi32>
      %swap3A_550 = arith.index_cast %squeeze3A_549 : i32 to index
      %swap3A_551 = tpu.vector_load %arg7[%swap3A_550] masked %gt3A_547 {strides = array<i32>} : memref<12560xf32, #tpu.memory_space<vmem>>, vector<16xf32>, vector<16xi1>
      tpu.vector_store %arg7[%swap3A_550], %get3A_546 masked %gt3A_547 {strides = array<i32>} : memref<12560xf32, #tpu.memory_space<vmem>>, vector<16xf32>, vector<16xi1>
      %add3A_552 = arith.constant 80 : i32
      %add3A_553 = vector.broadcast %add3A_552 : i32 to vector<16xi32>
      %add3A_554 = arith.addi %add3A_470, %add3A_553 : vector<16xi32>
      %swap3A_555 = arith.index_cast %squeeze3A_549 : i32 to index
      %swap3A_556 = tpu.vector_load %arg8[%swap3A_555] masked %gt3A_547 {strides = array<i32>} : memref<12560xi32, #tpu.memory_space<vmem>>, vector<16xi32>, vector<16xi1>
      tpu.vector_store %arg8[%swap3A_555], %add3A_554 masked %gt3A_547 {strides = array<i32>} : memref<12560xi32, #tpu.memory_space<vmem>>, vector<16xi32>, vector<16xi1>
      %all_reduce_population_count3A_557 = tpu.all_reduce %gt3A_547 {dim = 0 : i64, kind = #tpu.reduction_kind<sum>} : vector<16xi1> -> vector<16xi32>
      %add3A_558 = arith.addi %add3A_543, %all_reduce_population_count3A_557 : vector<16xi32>
      %get3A_559 = arith.index_cast %scan3A_462 : i32 to index
      %get3A_560 = arith.constant 96 : index
      %get3A_561 = tpu.vector_load %arg6[%get3A_559, %get3A_560] {strides = array<i32>} : memref<56x224xf32, #tpu.memory_space<vmem>>, vector<16xf32>,
      %gt3A_562 = arith.cmpf ogt, %get3A_561, %broadcast_in_dim3A_387 : vector<16xf32>
      %slice3A_563 = vector.extract_strided_slice %add3A_558 {offsets = [0], sizes = [1], strides = [1]} : vector<16xi32> to vector<1xi32>
      %squeeze3A_564 = vector.extract %slice3A_563[0] : i32 from vector<1xi32>
      %swap3A_565 = arith.index_cast %squeeze3A_564 : i32 to index
      %swap3A_566 = tpu.vector_load %arg7[%swap3A_565] masked %gt3A_562 {strides = array<i32>} : memref<12560xf32, #tpu.memory_space<vmem>>, vector<16xf32>, vector<16xi1>
      tpu.vector_store %arg7[%swap3A_565], %get3A_561 masked %gt3A_562 {strides = array<i32>} : memref<12560xf32, #tpu.memory_space<vmem>>, vector<16xf32>, vector<16xi1>
      %add3A_567 = arith.constant 96 : i32
      %add3A_568 = vector.broadcast %add3A_567 : i32 to vector<16xi32>
      %add3A_569 = arith.addi %add3A_470, %add3A_568 : vector<16xi32>
      %swap3A_570 = arith.index_cast %squeeze3A_564 : i32 to index
      %swap3A_571 = tpu.vector_load %arg8[%swap3A_570] masked %gt3A_562 {strides = array<i32>} : memref<12560xi32, #tpu.memory_space<vmem>>, vector<16xi32>, vector<16xi1>
      tpu.vector_store %arg8[%swap3A_570], %add3A_569 masked %gt3A_562 {strides = array<i32>} : memref<12560xi32, #tpu.memory_space<vmem>>, vector<16xi32>, vector<16xi1>
      %all_reduce_population_count3A_572 = tpu.all_reduce %gt3A_562 {dim = 0 : i64, kind = #tpu.reduction_kind<sum>} : vector<16xi1> -> vector<16xi32>
      %add3A_573 = arith.addi %add3A_558, %all_reduce_population_count3A_572 : vector<16xi32>
      %get3A_574 = arith.index_cast %scan3A_462 : i32 to index
      %get3A_575 = arith.constant 112 : index
      %get3A_576 = tpu.vector_load %arg6[%get3A_574, %get3A_575] {strides = array<i32>} : memref<56x224xf32, #tpu.memory_space<vmem>>, vector<16xf32>,
      %gt3A_577 = arith.cmpf ogt, %get3A_576, %broadcast_in_dim3A_387 : vector<16xf32>
      %slice3A_578 = vector.extract_strided_slice %add3A_573 {offsets = [0], sizes = [1], strides = [1]} : vector<16xi32> to vector<1xi32>
      %squeeze3A_579 = vector.extract %slice3A_578[0] : i32 from vector<1xi32>
      %swap3A_580 = arith.index_cast %squeeze3A_579 : i32 to index
      %swap3A_581 = tpu.vector_load %arg7[%swap3A_580] masked %gt3A_577 {strides = array<i32>} : memref<12560xf32, #tpu.memory_space<vmem>>, vector<16xf32>, vector<16xi1>
      tpu.vector_store %arg7[%swap3A_580], %get3A_576 masked %gt3A_577 {strides = array<i32>} : memref<12560xf32, #tpu.memory_space<vmem>>, vector<16xf32>, vector<16xi1>
      %add3A_582 = arith.constant 112 : i32
      %add3A_583 = vector.broadcast %add3A_582 : i32 to vector<16xi32>
      %add3A_584 = arith.addi %add3A_470, %add3A_583 : vector<16xi32>
      %swap3A_585 = arith.index_cast %squeeze3A_579 : i32 to index
      %swap3A_586 = tpu.vector_load %arg8[%swap3A_585] masked %gt3A_577 {strides = array<i32>} : memref<12560xi32, #tpu.memory_space<vmem>>, vector<16xi32>, vector<16xi1>
      tpu.vector_store %arg8[%swap3A_585], %add3A_584 masked %gt3A_577 {strides = array<i32>} : memref<12560xi32, #tpu.memory_space<vmem>>, vector<16xi32>, vector<16xi1>
      %all_reduce_population_count3A_587 = tpu.all_reduce %gt3A_577 {dim = 0 : i64, kind = #tpu.reduction_kind<sum>} : vector<16xi1> -> vector<16xi32>
      %add3A_588 = arith.addi %add3A_573, %all_reduce_population_count3A_587 : vector<16xi32>
      %get3A_589 = arith.index_cast %scan3A_462 : i32 to index
      %get3A_590 = arith.constant 128 : index
      %get3A_591 = tpu.vector_load %arg6[%get3A_589, %get3A_590] {strides = array<i32>} : memref<56x224xf32, #tpu.memory_space<vmem>>, vector<16xf32>,
      %gt3A_592 = arith.cmpf ogt, %get3A_591, %broadcast_in_dim3A_387 : vector<16xf32>
      %slice3A_593 = vector.extract_strided_slice %add3A_588 {offsets = [0], sizes = [1], strides = [1]} : vector<16xi32> to vector<1xi32>
      %squeeze3A_594 = vector.extract %slice3A_593[0] : i32 from vector<1xi32>
      %swap3A_595 = arith.index_cast %squeeze3A_594 : i32 to index
      %swap3A_596 = tpu.vector_load %arg7[%swap3A_595] masked %gt3A_592 {strides = array<i32>} : memref<12560xf32, #tpu.memory_space<vmem>>, vector<16xf32>, vector<16xi1>
      tpu.vector_store %arg7[%swap3A_595], %get3A_591 masked %gt3A_592 {strides = array<i32>} : memref<12560xf32, #tpu.memory_space<vmem>>, vector<16xf32>, vector<16xi1>
      %add3A_597 = arith.constant 128 : i32
      %add3A_598 = vector.broadcast %add3A_597 : i32 to vector<16xi32>
      %add3A_599 = arith.addi %add3A_470, %add3A_598 : vector<16xi32>
      %swap3A_600 = arith.index_cast %squeeze3A_594 : i32 to index
      %swap3A_601 = tpu.vector_load %arg8[%swap3A_600] masked %gt3A_592 {strides = array<i32>} : memref<12560xi32, #tpu.memory_space<vmem>>, vector<16xi32>, vector<16xi1>
      tpu.vector_store %arg8[%swap3A_600], %add3A_599 masked %gt3A_592 {strides = array<i32>} : memref<12560xi32, #tpu.memory_space<vmem>>, vector<16xi32>, vector<16xi1>
      %all_reduce_population_count3A_602 = tpu.all_reduce %gt3A_592 {dim = 0 : i64, kind = #tpu.reduction_kind<sum>} : vector<16xi1> -> vector<16xi32>
      %add3A_603 = arith.addi %add3A_588, %all_reduce_population_count3A_602 : vector<16xi32>
      %get3A_604 = arith.index_cast %scan3A_462 : i32 to index
      %get3A_605 = arith.constant 144 : index
      %get3A_606 = tpu.vector_load %arg6[%get3A_604, %get3A_605] {strides = array<i32>} : memref<56x224xf32, #tpu.memory_space<vmem>>, vector<16xf32>,
      %gt3A_607 = arith.cmpf ogt, %get3A_606, %broadcast_in_dim3A_387 : vector<16xf32>
      %slice3A_608 = vector.extract_strided_slice %add3A_603 {offsets = [0], sizes = [1], strides = [1]} : vector<16xi32> to vector<1xi32>
      %squeeze3A_609 = vector.extract %slice3A_608[0] : i32 from vector<1xi32>
      %swap3A_610 = arith.index_cast %squeeze3A_609 : i32 to index
      %swap3A_611 = tpu.vector_load %arg7[%swap3A_610] masked %gt3A_607 {strides = array<i32>} : memref<12560xf32, #tpu.memory_space<vmem>>, vector<16xf32>, vector<16xi1>
      tpu.vector_store %arg7[%swap3A_610], %get3A_606 masked %gt3A_607 {strides = array<i32>} : memref<12560xf32, #tpu.memory_space<vmem>>, vector<16xf32>, vector<16xi1>
      %add3A_612 = arith.constant 144 : i32
      %add3A_613 = vector.broadcast %add3A_612 : i32 to vector<16xi32>
      %add3A_614 = arith.addi %add3A_470, %add3A_613 : vector<16xi32>
      %swap3A_615 = arith.index_cast %squeeze3A_609 : i32 to index
      %swap3A_616 = tpu.vector_load %arg8[%swap3A_615] masked %gt3A_607 {strides = array<i32>} : memref<12560xi32, #tpu.memory_space<vmem>>, vector<16xi32>, vector<16xi1>
      tpu.vector_store %arg8[%swap3A_615], %add3A_614 masked %gt3A_607 {strides = array<i32>} : memref<12560xi32, #tpu.memory_space<vmem>>, vector<16xi32>, vector<16xi1>
      %all_reduce_population_count3A_617 = tpu.all_reduce %gt3A_607 {dim = 0 : i64, kind = #tpu.reduction_kind<sum>} : vector<16xi1> -> vector<16xi32>
      %add3A_618 = arith.addi %add3A_603, %all_reduce_population_count3A_617 : vector<16xi32>
      %get3A_619 = arith.index_cast %scan3A_462 : i32 to index
      %get3A_620 = arith.constant 160 : index
      %get3A_621 = tpu.vector_load %arg6[%get3A_619, %get3A_620] {strides = array<i32>} : memref<56x224xf32, #tpu.memory_space<vmem>>, vector<16xf32>,
      %gt3A_622 = arith.cmpf ogt, %get3A_621, %broadcast_in_dim3A_387 : vector<16xf32>
      %slice3A_623 = vector.extract_strided_slice %add3A_618 {offsets = [0], sizes = [1], strides = [1]} : vector<16xi32> to vector<1xi32>
      %squeeze3A_624 = vector.extract %slice3A_623[0] : i32 from vector<1xi32>
      %swap3A_625 = arith.index_cast %squeeze3A_624 : i32 to index
      %swap3A_626 = tpu.vector_load %arg7[%swap3A_625] masked %gt3A_622 {strides = array<i32>} : memref<12560xf32, #tpu.memory_space<vmem>>, vector<16xf32>, vector<16xi1>
      tpu.vector_store %arg7[%swap3A_625], %get3A_621 masked %gt3A_622 {strides = array<i32>} : memref<12560xf32, #tpu.memory_space<vmem>>, vector<16xf32>, vector<16xi1>
      %add3A_627 = arith.constant 160 : i32
      %add3A_628 = vector.broadcast %add3A_627 : i32 to vector<16xi32>
      %add3A_629 = arith.addi %add3A_470, %add3A_628 : vector<16xi32>
      %swap3A_630 = arith.index_cast %squeeze3A_624 : i32 to index
      %swap3A_631 = tpu.vector_load %arg8[%swap3A_630] masked %gt3A_622 {strides = array<i32>} : memref<12560xi32, #tpu.memory_space<vmem>>, vector<16xi32>, vector<16xi1>
      tpu.vector_store %arg8[%swap3A_630], %add3A_629 masked %gt3A_622 {strides = array<i32>} : memref<12560xi32, #tpu.memory_space<vmem>>, vector<16xi32>, vector<16xi1>
      %all_reduce_population_count3A_632 = tpu.all_reduce %gt3A_622 {dim = 0 : i64, kind = #tpu.reduction_kind<sum>} : vector<16xi1> -> vector<16xi32>
      %add3A_633 = arith.addi %add3A_618, %all_reduce_population_count3A_632 : vector<16xi32>
      %get3A_634 = arith.index_cast %scan3A_462 : i32 to index
      %get3A_635 = arith.constant 176 : index
      %get3A_636 = tpu.vector_load %arg6[%get3A_634, %get3A_635] {strides = array<i32>} : memref<56x224xf32, #tpu.memory_space<vmem>>, vector<16xf32>,
      %gt3A_637 = arith.cmpf ogt, %get3A_636, %broadcast_in_dim3A_387 : vector<16xf32>
      %slice3A_638 = vector.extract_strided_slice %add3A_633 {offsets = [0], sizes = [1], strides = [1]} : vector<16xi32> to vector<1xi32>
      %squeeze3A_639 = vector.extract %slice3A_638[0] : i32 from vector<1xi32>
      %swap3A_640 = arith.index_cast %squeeze3A_639 : i32 to index
      %swap3A_641 = tpu.vector_load %arg7[%swap3A_640] masked %gt3A_637 {strides = array<i32>} : memref<12560xf32, #tpu.memory_space<vmem>>, vector<16xf32>, vector<16xi1>
      tpu.vector_store %arg7[%swap3A_640], %get3A_636 masked %gt3A_637 {strides = array<i32>} : memref<12560xf32, #tpu.memory_space<vmem>>, vector<16xf32>, vector<16xi1>
      %add3A_642 = arith.constant 176 : i32
      %add3A_643 = vector.broadcast %add3A_642 : i32 to vector<16xi32>
      %add3A_644 = arith.addi %add3A_470, %add3A_643 : vector<16xi32>
      %swap3A_645 = arith.index_cast %squeeze3A_639 : i32 to index
      %swap3A_646 = tpu.vector_load %arg8[%swap3A_645] masked %gt3A_637 {strides = array<i32>} : memref<12560xi32, #tpu.memory_space<vmem>>, vector<16xi32>, vector<16xi1>
      tpu.vector_store %arg8[%swap3A_645], %add3A_644 masked %gt3A_637 {strides = array<i32>} : memref<12560xi32, #tpu.memory_space<vmem>>, vector<16xi32>, vector<16xi1>
      %all_reduce_population_count3A_647 = tpu.all_reduce %gt3A_637 {dim = 0 : i64, kind = #tpu.reduction_kind<sum>} : vector<16xi1> -> vector<16xi32>
      %add3A_648 = arith.addi %add3A_633, %all_reduce_population_count3A_647 : vector<16xi32>
      %get3A_649 = arith.index_cast %scan3A_462 : i32 to index
      %get3A_650 = arith.constant 192 : index
      %get3A_651 = tpu.vector_load %arg6[%get3A_649, %get3A_650] {strides = array<i32>} : memref<56x224xf32, #tpu.memory_space<vmem>>, vector<16xf32>,
      %gt3A_652 = arith.cmpf ogt, %get3A_651, %broadcast_in_dim3A_387 : vector<16xf32>
      %slice3A_653 = vector.extract_strided_slice %add3A_648 {offsets = [0], sizes = [1], strides = [1]} : vector<16xi32> to vector<1xi32>
      %squeeze3A_654 = vector.extract %slice3A_653[0] : i32 from vector<1xi32>
      %swap3A_655 = arith.index_cast %squeeze3A_654 : i32 to index
      %swap3A_656 = tpu.vector_load %arg7[%swap3A_655] masked %gt3A_652 {strides = array<i32>} : memref<12560xf32, #tpu.memory_space<vmem>>, vector<16xf32>, vector<16xi1>
      tpu.vector_store %arg7[%swap3A_655], %get3A_651 masked %gt3A_652 {strides = array<i32>} : memref<12560xf32, #tpu.memory_space<vmem>>, vector<16xf32>, vector<16xi1>
      %add3A_657 = arith.constant 192 : i32
      %add3A_658 = vector.broadcast %add3A_657 : i32 to vector<16xi32>
      %add3A_659 = arith.addi %add3A_470, %add3A_658 : vector<16xi32>
      %swap3A_660 = arith.index_cast %squeeze3A_654 : i32 to index
      %swap3A_661 = tpu.vector_load %arg8[%swap3A_660] masked %gt3A_652 {strides = array<i32>} : memref<12560xi32, #tpu.memory_space<vmem>>, vector<16xi32>, vector<16xi1>
      tpu.vector_store %arg8[%swap3A_660], %add3A_659 masked %gt3A_652 {strides = array<i32>} : memref<12560xi32, #tpu.memory_space<vmem>>, vector<16xi32>, vector<16xi1>
      %all_reduce_population_count3A_662 = tpu.all_reduce %gt3A_652 {dim = 0 : i64, kind = #tpu.reduction_kind<sum>} : vector<16xi1> -> vector<16xi32>
      %add3A_663 = arith.addi %add3A_648, %all_reduce_population_count3A_662 : vector<16xi32>
      %get3A_664 = arith.index_cast %scan3A_462 : i32 to index
      %get3A_665 = arith.constant 208 : index
      %get3A_666 = tpu.vector_load %arg6[%get3A_664, %get3A_665] {strides = array<i32>} : memref<56x224xf32, #tpu.memory_space<vmem>>, vector<16xf32>,
      %gt3A_667 = arith.cmpf ogt, %get3A_666, %broadcast_in_dim3A_387 : vector<16xf32>
      %slice3A_668 = vector.extract_strided_slice %add3A_663 {offsets = [0], sizes = [1], strides = [1]} : vector<16xi32> to vector<1xi32>
      %squeeze3A_669 = vector.extract %slice3A_668[0] : i32 from vector<1xi32>
      %swap3A_670 = arith.index_cast %squeeze3A_669 : i32 to index
      %swap3A_671 = tpu.vector_load %arg7[%swap3A_670] masked %gt3A_667 {strides = array<i32>} : memref<12560xf32, #tpu.memory_space<vmem>>, vector<16xf32>, vector<16xi1>
      tpu.vector_store %arg7[%swap3A_670], %get3A_666 masked %gt3A_667 {strides = array<i32>} : memref<12560xf32, #tpu.memory_space<vmem>>, vector<16xf32>, vector<16xi1>
      %add3A_672 = arith.constant 208 : i32
      %add3A_673 = vector.broadcast %add3A_672 : i32 to vector<16xi32>
      %add3A_674 = arith.addi %add3A_470, %add3A_673 : vector<16xi32>
      %swap3A_675 = arith.index_cast %squeeze3A_669 : i32 to index
      %swap3A_676 = tpu.vector_load %arg8[%swap3A_675] masked %gt3A_667 {strides = array<i32>} : memref<12560xi32, #tpu.memory_space<vmem>>, vector<16xi32>, vector<16xi1>
      tpu.vector_store %arg8[%swap3A_675], %add3A_674 masked %gt3A_667 {strides = array<i32>} : memref<12560xi32, #tpu.memory_space<vmem>>, vector<16xi32>, vector<16xi1>
      %all_reduce_population_count3A_677 = tpu.all_reduce %gt3A_667 {dim = 0 : i64, kind = #tpu.reduction_kind<sum>} : vector<16xi1> -> vector<16xi32>
      %add3A_678 = arith.addi %add3A_663, %all_reduce_population_count3A_677 : vector<16xi32>
      scf.yield %add3A_678 : vector<16xi32>
    }
    %scan3A_395 = arith.constant 56 : i32
    %slice3A_396 = vector.extract_strided_slice %scan3A_394 {offsets = [0], sizes = [1], strides = [1]} : vector<16xi32> to vector<1xi32>
    %squeeze3A_397 = vector.extract %slice3A_396[0] : i32 from vector<1xi32>
    %broadcast_in_dim3A_398 = vector.broadcast %squeeze3A_397 : i32 to vector<16xi32>
    %add3A_399 = arith.addi %broadcast_in_dim3A_398, %iota3A : vector<16xi32>
    %broadcast_in_dim3A_400 = arith.constant -2.000000e+00 : f32
    %broadcast_in_dim3A_401 = vector.broadcast %broadcast_in_dim3A_400 : f32 to vector<16xf32>
    tpu.vector_store_idx %arg7[%add3A_399], %broadcast_in_dim3A_401 : memref<12560xf32, #tpu.memory_space<vmem>>[vector<16xi32>], vector<16xf32>,
    %broadcast_in_dim3A_402 = arith.constant 0 : i32
    %broadcast_in_dim3A_403 = vector.broadcast %broadcast_in_dim3A_402 : i32 to vector<16xi32>
    tpu.vector_store_idx %arg8[%add3A_399], %broadcast_in_dim3A_403 : memref<12560xi32, #tpu.memory_space<vmem>>[vector<16xi32>], vector<16xi32>,
    %broadcast_in_dim3A_404 = arith.constant -2.000000e+00 : f32
    %broadcast_in_dim3A_405 = vector.broadcast %broadcast_in_dim3A_404 : f32 to vector<16xf32>
    %broadcast_in_dim3A_406 = arith.constant 0 : i32
    %broadcast_in_dim3A_407 = vector.broadcast %broadcast_in_dim3A_406 : i32 to vector<16xi32>
    %swap3A_408 = arith.constant 0 : index
    %swap3A_409 = tpu.vector_load %arg9[%swap3A_408] {strides = array<i32>} : memref<32xf32, #tpu.memory_space<vmem>>, vector<16xf32>,
    tpu.vector_store %arg9[%swap3A_408], %broadcast_in_dim3A_405 {strides = array<i32>} : memref<32xf32, #tpu.memory_space<vmem>>, vector<16xf32>,
    %swap3A_410 = arith.constant 16 : index
    %swap3A_411 = tpu.vector_load %arg9[%swap3A_410] {strides = array<i32>} : memref<32xf32, #tpu.memory_space<vmem>>, vector<16xf32>,
    tpu.vector_store %arg9[%swap3A_410], %broadcast_in_dim3A_405 {strides = array<i32>} : memref<32xf32, #tpu.memory_space<vmem>>, vector<16xf32>,
    %swap3A_412 = arith.constant 0 : index
    %swap3A_413 = tpu.vector_load %arg10[%swap3A_412] {strides = array<i32>} : memref<32xi32, #tpu.memory_space<vmem>>, vector<16xi32>,
    tpu.vector_store %arg10[%swap3A_412], %broadcast_in_dim3A_407 {strides = array<i32>} : memref<32xi32, #tpu.memory_space<vmem>>, vector<16xi32>,
    %swap3A_414 = arith.constant 16 : index
    %swap3A_415 = tpu.vector_load %arg10[%swap3A_414] {strides = array<i32>} : memref<32xi32, #tpu.memory_space<vmem>>, vector<16xi32>,
    tpu.vector_store %arg10[%swap3A_414], %broadcast_in_dim3A_407 {strides = array<i32>} : memref<32xi32, #tpu.memory_space<vmem>>, vector<16xi32>,
    %add3A_416 = arith.constant 15 : i32
    %add3A_417 = arith.addi %squeeze3A_397, %add3A_416 : i32
    %jit3A_418 = arith.constant 16 : i32
    %div3A_419 = arith.divsi %add3A_417, %jit3A_418 : i32
    %sign3A_420 = arith.constant 0 : i32
    %sign3A_421 = arith.cmpi sgt, %add3A_417, %sign3A_420 : i32
    %sign3A_422 = arith.extui %sign3A_421 : i1 to i32
    %sign3A_423 = arith.constant 0 : i32
    %sign3A_424 = arith.cmpi slt, %add3A_417, %sign3A_423 : i32
    %sign3A_425 = arith.extui %sign3A_424 : i1 to i32
    %sign3A_426 = arith.subi %sign3A_422, %sign3A_425 : i32
    %sign3A_427 = arith.constant 0 : i32
    %sign3A_428 = arith.cmpi sgt, %jit3A_418, %sign3A_427 : i32
    %sign3A_429 = arith.extui %sign3A_428 : i1 to i32
    %sign3A_430 = arith.constant 0 : i32
    %sign3A_431 = arith.cmpi slt, %jit3A_418, %sign3A_430 : i32
    %sign3A_432 = arith.extui %sign3A_431 : i1 to i32
    %sign3A_433 = arith.subi %sign3A_429, %sign3A_432 : i32
    %ne3A_434 = arith.cmpi ne, %sign3A_426, %sign3A_433 : i32
    %rem3A_435 = arith.remsi %add3A_417, %jit3A_418 : i32
    %ne3A_436 = arith.constant 0 : i32
    %ne3A_437 = arith.cmpi ne, %rem3A_435, %ne3A_436 : i32
    %and3A_438 = arith.andi %ne3A_434, %ne3A_437 : i1
    %sub3A_439 = arith.constant 1 : i32
    %sub3A_440 = arith.subi %div3A_419, %sub3A_439 : i32
    %select_n3A_441 = arith.select %and3A_438, %sub3A_440, %div3A_419 : i32
    %iota3A_442 = tpu.iota {dimensions = array<i32: 0>} : vector<16xi32>
    %broadcast_in_dim3A_443 = arith.constant 1073741824 : i32
    %broadcast_in_dim3A_444 = vector.broadcast %broadcast_in_dim3A_443 : i32 to vector<16xi32>
    %broadcast_in_dim3A_445 = arith.constant -2.000000e+00 : f32
    %broadcast_in_dim3A_446 = vector.broadcast %broadcast_in_dim3A_445 : f32 to vector<16xf32>
    %scan3A_447 = arith.constant 0 : i32
    %scan3A_448 = arith.constant 0 : i32
    %scan3A_449 = arith.constant 30 : i32
    %scan3A_450 = arith.addi %scan3A_448, %scan3A_449 : i32
    %scan3A_451 = arith.constant 1 : i32
    %scan3A_452 = scf.for %scan3A_462 = %scan3A_448 to %scan3A_450 step %scan3A_451 iter_args(%scan3A_463 = %scan3A_447) -> (i32)  : i32 {
      %while3A = arith.constant 0 : i32
      %while3A_464 = arith.subi %select_n3A_441, %while3A : i32
      %while3A_465 = arith.addi %while3A, %while3A_464 : i32
      %while3A_466 = arith.constant 1 : i32
      %while3A_467 = arith.divsi %while3A_464, %while3A_466 : i32
      %while3A_468 = arith.muli %while3A_467, %while3A_466 : i32
      %while3A_469 = arith.addi %while3A, %while3A_468 : i32
      %while3A_470 = arith.constant 1 : i32
      %while3A_471:2 = scf.for %while3A_507 = %while3A to %while3A_469 step %while3A_470 iter_args(%while3A_508 = %broadcast_in_dim3A_446, %while3A_509 = %broadcast_in_dim3A_444) -> (vector<16xf32>, vector<16xi32>)  : i32 {
        %mul3A_510 = arith.constant 16 : i32
        %mul3A_511 = arith.muli %while3A_507, %mul3A_510 : i32
        %get3A_512 = arith.index_cast %mul3A_511 : i32 to index
        %get3A_513 = tpu.vector_load %arg7[%get3A_512] {strides = array<i32>} : memref<12560xf32, #tpu.memory_space<vmem>>, vector<16xf32>,
        %mul3A_514 = arith.constant 16 : i32
        %mul3A_515 = arith.muli %while3A_507, %mul3A_514 : i32
        %get3A_516 = arith.index_cast %mul3A_515 : i32 to index
        %get3A_517 = tpu.vector_load %arg8[%get3A_516] {strides = array<i32>} : memref<12560xi32, #tpu.memory_space<vmem>>, vector<16xi32>,
        %gt3A = arith.cmpf ogt, %get3A_513, %while3A_508 : vector<16xf32>
        %eq3A_518 = arith.cmpf oeq, %get3A_513, %while3A_508 : vector<16xf32>
        %min3A_519 = arith.minsi %while3A_509, %get3A_517 : vector<16xi32>
        %select_n3A_520 = arith.select %eq3A_518, %min3A_519, %while3A_509 : vector<16xi1>, vector<16xi32>
        %select_n3A_521 = arith.select %gt3A, %get3A_517, %select_n3A_520 : vector<16xi1>, vector<16xi32>
        %max3A = arith.maximumf %while3A_508, %get3A_513 : vector<16xf32>
        scf.yield %max3A, %select_n3A_521 : vector<16xf32>, vector<16xi32>
      }
      %while3A_472 = arith.constant 1 : i32
      %while3A_473:2 = scf.for %while3A_507 = %while3A_469 to %while3A_465 step %while3A_472 iter_args(%while3A_508 = %while3A_471#0, %while3A_509 = %while3A_471#1) -> (vector<16xf32>, vector<16xi32>)  : i32 {
        %mul3A_510 = arith.constant 16 : i32
        %mul3A_511 = arith.muli %while3A_507, %mul3A_510 : i32
        %get3A_512 = arith.index_cast %mul3A_511 : i32 to index
        %get3A_513 = tpu.vector_load %arg7[%get3A_512] {strides = array<i32>} : memref<12560xf32, #tpu.memory_space<vmem>>, vector<16xf32>,
        %mul3A_514 = arith.constant 16 : i32
        %mul3A_515 = arith.muli %while3A_507, %mul3A_514 : i32
        %get3A_516 = arith.index_cast %mul3A_515 : i32 to index
        %get3A_517 = tpu.vector_load %arg8[%get3A_516] {strides = array<i32>} : memref<12560xi32, #tpu.memory_space<vmem>>, vector<16xi32>,
        %gt3A = arith.cmpf ogt, %get3A_513, %while3A_508 : vector<16xf32>
        %eq3A_518 = arith.cmpf oeq, %get3A_513, %while3A_508 : vector<16xf32>
        %min3A_519 = arith.minsi %while3A_509, %get3A_517 : vector<16xi32>
        %select_n3A_520 = arith.select %eq3A_518, %min3A_519, %while3A_509 : vector<16xi1>, vector<16xi32>
        %select_n3A_521 = arith.select %gt3A, %get3A_517, %select_n3A_520 : vector<16xi1>, vector<16xi32>
        %max3A = arith.maximumf %while3A_508, %get3A_513 : vector<16xf32>
        scf.yield %max3A, %select_n3A_521 : vector<16xf32>, vector<16xi32>
      }
      %reduce_max3A = arith.constant true
      %reduce_max3A_474 = vector.broadcast %reduce_max3A : i1 to vector<16xi1>
      %reduce_max3A_475 = tpu.scan <max>, %while3A_473#0 masked %reduce_max3A_474 : vector<16xf32>, vector<16xi1> -> vector<16xf32>
      %reduce_max3A_476 = vector.extract %reduce_max3A_475[15] : f32 from vector<16xf32>
      %broadcast_in_dim3A_477 = vector.broadcast %reduce_max3A_476 : f32 to vector<16xf32>
      %eq3A_478 = arith.cmpf oeq, %while3A_473#0, %broadcast_in_dim3A_477 : vector<16xf32>
      %select_n3A_479 = arith.select %eq3A_478, %while3A_473#1, %broadcast_in_dim3A_444 : vector<16xi1>, vector<16xi32>
      %reduce_min3A = arith.constant true
      %reduce_min3A_480 = vector.broadcast %reduce_min3A : i1 to vector<16xi1>
      %reduce_min3A_481 = arith.constant -2147483648 : i32
      %reduce_min3A_482 = vector.broadcast %reduce_min3A_481 : i32 to vector<16xi32>
      %reduce_min3A_483 = arith.xori %select_n3A_479, %reduce_min3A_482 : vector<16xi32>
      %reduce_min3A_484 = tpu.scan <min>, %reduce_min3A_483 masked %reduce_min3A_480 : vector<16xi32>, vector<16xi1> -> vector<16xi32>
      %reduce_min3A_485 = arith.xori %reduce_min3A_484, %reduce_min3A_482 : vector<16xi32>
      %reduce_min3A_486 = vector.extract %reduce_min3A_485[15] : i32 from vector<16xi32>
      %broadcast_in_dim3A_487 = vector.broadcast %reduce_min3A_486 : i32 to vector<16xi32>
      %while3A_488 = arith.constant 0 : i32
      %while3A_489 = arith.constant 0 : i32
      %while3A_490 = arith.subi %select_n3A_441, %while3A_488 : i32
      %while3A_491 = arith.addi %while3A_488, %while3A_490 : i32
      %while3A_492 = arith.constant 1 : i32
      %while3A_493 = arith.divsi %while3A_490, %while3A_492 : i32
      %while3A_494 = arith.muli %while3A_493, %while3A_492 : i32
      %while3A_495 = arith.addi %while3A_488, %while3A_494 : i32
      %while3A_496 = arith.constant 1 : i32
      %while3A_497 = scf.for %while3A_507 = %while3A_488 to %while3A_495 step %while3A_496 iter_args(%while3A_508 = %while3A_489) -> (i32)  : i32 {
        %mul3A_509 = arith.constant 16 : i32
        %mul3A_510 = arith.muli %while3A_507, %mul3A_509 : i32
        %get3A_511 = arith.index_cast %mul3A_510 : i32 to index
        %get3A_512 = tpu.vector_load %arg7[%get3A_511] {strides = array<i32>} : memref<12560xf32, #tpu.memory_space<vmem>>, vector<16xf32>,
        %mul3A_513 = arith.constant 16 : i32
        %mul3A_514 = arith.muli %while3A_507, %mul3A_513 : i32
        %get3A_515 = arith.index_cast %mul3A_514 : i32 to index
        %get3A_516 = tpu.vector_load %arg8[%get3A_515] {strides = array<i32>} : memref<12560xi32, #tpu.memory_space<vmem>>, vector<16xi32>,
        %eq3A_517 = arith.cmpf oeq, %get3A_512, %broadcast_in_dim3A_477 : vector<16xf32>
        %eq3A_518 = arith.cmpi eq, %get3A_516, %broadcast_in_dim3A_487 : vector<16xi32>
        %and3A_519 = arith.andi %eq3A_517, %eq3A_518 : vector<16xi1>
        %select_n3A_520 = arith.select %and3A_519, %broadcast_in_dim3A_446, %get3A_512 : vector<16xi1>, vector<16xf32>
        %mul3A_521 = arith.constant 16 : i32
        %mul3A_522 = arith.muli %while3A_507, %mul3A_521 : i32
        %swap3A_523 = arith.index_cast %mul3A_522 : i32 to index
        %swap3A_524 = tpu.vector_load %arg7[%swap3A_523] {strides = array<i32>} : memref<12560xf32, #tpu.memory_space<vmem>>, vector<16xf32>,
        tpu.vector_store %arg7[%swap3A_523], %select_n3A_520 {strides = array<i32>} : memref<12560xf32, #tpu.memory_space<vmem>>, vector<16xf32>,
        %while3A_525 = arith.constant 0 : i32
        scf.yield %while3A_525 : i32
      }
      %while3A_498 = arith.constant 1 : i32
      %while3A_499 = scf.for %while3A_507 = %while3A_495 to %while3A_491 step %while3A_498 iter_args(%while3A_508 = %while3A_497) -> (i32)  : i32 {
        %mul3A_509 = arith.constant 16 : i32
        %mul3A_510 = arith.muli %while3A_507, %mul3A_509 : i32
        %get3A_511 = arith.index_cast %mul3A_510 : i32 to index
        %get3A_512 = tpu.vector_load %arg7[%get3A_511] {strides = array<i32>} : memref<12560xf32, #tpu.memory_space<vmem>>, vector<16xf32>,
        %mul3A_513 = arith.constant 16 : i32
        %mul3A_514 = arith.muli %while3A_507, %mul3A_513 : i32
        %get3A_515 = arith.index_cast %mul3A_514 : i32 to index
        %get3A_516 = tpu.vector_load %arg8[%get3A_515] {strides = array<i32>} : memref<12560xi32, #tpu.memory_space<vmem>>, vector<16xi32>,
        %eq3A_517 = arith.cmpf oeq, %get3A_512, %broadcast_in_dim3A_477 : vector<16xf32>
        %eq3A_518 = arith.cmpi eq, %get3A_516, %broadcast_in_dim3A_487 : vector<16xi32>
        %and3A_519 = arith.andi %eq3A_517, %eq3A_518 : vector<16xi1>
        %select_n3A_520 = arith.select %and3A_519, %broadcast_in_dim3A_446, %get3A_512 : vector<16xi1>, vector<16xf32>
        %mul3A_521 = arith.constant 16 : i32
        %mul3A_522 = arith.muli %while3A_507, %mul3A_521 : i32
        %swap3A_523 = arith.index_cast %mul3A_522 : i32 to index
        %swap3A_524 = tpu.vector_load %arg7[%swap3A_523] {strides = array<i32>} : memref<12560xf32, #tpu.memory_space<vmem>>, vector<16xf32>,
        tpu.vector_store %arg7[%swap3A_523], %select_n3A_520 {strides = array<i32>} : memref<12560xf32, #tpu.memory_space<vmem>>, vector<16xf32>,
        %while3A_525 = arith.constant 0 : i32
        scf.yield %while3A_525 : i32
      }
      %eq3A_500 = arith.constant 0 : i32
      %eq3A_501 = vector.broadcast %eq3A_500 : i32 to vector<16xi32>
      %eq3A_502 = arith.cmpi eq, %iota3A_442, %eq3A_501 : vector<16xi32>
      %broadcast_in_dim3A_503 = vector.broadcast %scan3A_462 : i32 to vector<16xi32>
      %broadcast_in_dim3A_504 = vector.broadcast %reduce_max3A_476 : f32 to vector<16xf32>
      tpu.vector_store_idx %arg9[%broadcast_in_dim3A_503], %broadcast_in_dim3A_504 masked %eq3A_502 : memref<32xf32, #tpu.memory_space<vmem>>[vector<16xi32>], vector<16xf32>, vector<16xi1>
      %broadcast_in_dim3A_505 = vector.broadcast %reduce_min3A_486 : i32 to vector<16xi32>
      tpu.vector_store_idx %arg10[%broadcast_in_dim3A_503], %broadcast_in_dim3A_505 masked %eq3A_502 : memref<32xi32, #tpu.memory_space<vmem>>[vector<16xi32>], vector<16xi32>, vector<16xi1>
      %scan3A_506 = arith.constant 0 : i32
      scf.yield %scan3A_506 : i32
    }
    %scan3A_453 = arith.constant 30 : i32
    %mul3A_454 = arith.constant 32 : i32
    %mul3A_455 = arith.muli %arg1, %mul3A_454 : i32
    "tpu.region"() ({
      %run_scoped3A = tpu.sem_alloc : memref<!tpu.dma_semaphore, #tpu.memory_space<semaphore_mem>>
      %dma_start3A_462 = tpu.memref_slice %arg21[%mul3A_455] : memref<512xf32, #tpu.memory_space<vmem_shared>> -> memref<32xf32, #tpu.memory_space<vmem_shared>>
      %dma_start3A_463 = tpu.memref_slice %arg21[%mul3A_455] : memref<512xf32, #tpu.memory_space<vmem_shared>> -> memref<32xf32, #tpu.memory_space<vmem_shared>>
      tpu.enqueue_dma source(%arg9 : memref<32xf32, #tpu.memory_space<vmem>>) target(%dma_start3A_463 : memref<32xf32, #tpu.memory_space<vmem_shared>>) target_semaphore(%run_scoped3A : memref<!tpu.dma_semaphore, #tpu.memory_space<semaphore_mem>>)
      %dma_wait3A_464 = tpu.memref_slice %arg21[%mul3A_455] : memref<512xf32, #tpu.memory_space<vmem_shared>> -> memref<32xf32, #tpu.memory_space<vmem_shared>>
      %dma_wait3A_465 = tpu.memref_slice %arg21[%mul3A_455] : memref<512xf32, #tpu.memory_space<vmem_shared>> -> memref<32xf32, #tpu.memory_space<vmem_shared>>
      tpu.wait_dma2 semaphore(%run_scoped3A : memref<!tpu.dma_semaphore, #tpu.memory_space<semaphore_mem>>) src(%arg9 : memref<32xf32, #tpu.memory_space<vmem>>) dst(%dma_wait3A_465 : memref<32xf32, #tpu.memory_space<vmem_shared>>)
      tpu.yield
    }) : () -> ()
    %mul3A_456 = arith.constant 32 : i32
    %mul3A_457 = arith.muli %arg1, %mul3A_456 : i32
    "tpu.region"() ({
      %run_scoped3A = tpu.sem_alloc : memref<!tpu.dma_semaphore, #tpu.memory_space<semaphore_mem>>
      %dma_start3A_462 = tpu.memref_slice %arg22[%mul3A_457] : memref<512xi32, #tpu.memory_space<vmem_shared>> -> memref<32xi32, #tpu.memory_space<vmem_shared>>
      %dma_start3A_463 = tpu.memref_slice %arg22[%mul3A_457] : memref<512xi32, #tpu.memory_space<vmem_shared>> -> memref<32xi32, #tpu.memory_space<vmem_shared>>
      tpu.enqueue_dma source(%arg10 : memref<32xi32, #tpu.memory_space<vmem>>) target(%dma_start3A_463 : memref<32xi32, #tpu.memory_space<vmem_shared>>) target_semaphore(%run_scoped3A : memref<!tpu.dma_semaphore, #tpu.memory_space<semaphore_mem>>)
      %dma_wait3A_464 = tpu.memref_slice %arg22[%mul3A_457] : memref<512xi32, #tpu.memory_space<vmem_shared>> -> memref<32xi32, #tpu.memory_space<vmem_shared>>
      %dma_wait3A_465 = tpu.memref_slice %arg22[%mul3A_457] : memref<512xi32, #tpu.memory_space<vmem_shared>> -> memref<32xi32, #tpu.memory_space<vmem_shared>>
      tpu.wait_dma2 semaphore(%run_scoped3A : memref<!tpu.dma_semaphore, #tpu.memory_space<semaphore_mem>>) src(%arg10 : memref<32xi32, #tpu.memory_space<vmem>>) dst(%dma_wait3A_465 : memref<32xi32, #tpu.memory_space<vmem_shared>>)
      tpu.yield
    }) : () -> ()
    %barrier3A_458 = arith.constant 0 : index
    tpu.barrier barrier_id(%barrier3A_458)
    %eq3A_459 = arith.constant 0 : i32
    %eq3A_460 = arith.cmpi eq, %select_n3A_28, %eq3A_459 : i32
    %convert_element_type3A = arith.extui %eq3A_460 : i1 to i32
    %cond3A = arith.constant 0 : i32
    %cond3A_461 = arith.cmpi ne, %convert_element_type3A, %cond3A : i32
    scf.if %cond3A_461 {
      %mul3A_462 = arith.constant 4 : i32
      %mul3A_463 = arith.muli %select_n3A, %mul3A_462 : i32
      %mul3A_464 = arith.constant 32 : i32
      %mul3A_465 = arith.muli %mul3A_463, %mul3A_464 : i32
      "tpu.region"() ({
        %run_scoped3A = tpu.sem_alloc : memref<!tpu.dma_semaphore, #tpu.memory_space<semaphore_mem>>
        %dma_start3A_526 = tpu.memref_slice %arg21[%mul3A_465] : memref<512xf32, #tpu.memory_space<vmem_shared>> -> memref<128xf32, #tpu.memory_space<vmem_shared>>
        %dma_start3A_527 = tpu.memref_slice %arg21[%mul3A_465] : memref<512xf32, #tpu.memory_space<vmem_shared>> -> memref<128xf32, #tpu.memory_space<vmem_shared>>
        tpu.enqueue_dma source(%dma_start3A_527 : memref<128xf32, #tpu.memory_space<vmem_shared>>) target(%arg11 : memref<128xf32, #tpu.memory_space<vmem>>) target_semaphore(%run_scoped3A : memref<!tpu.dma_semaphore, #tpu.memory_space<semaphore_mem>>)
        %dma_wait3A_528 = tpu.memref_slice %arg21[%mul3A_465] : memref<512xf32, #tpu.memory_space<vmem_shared>> -> memref<128xf32, #tpu.memory_space<vmem_shared>>
        %dma_wait3A_529 = tpu.memref_slice %arg21[%mul3A_465] : memref<512xf32, #tpu.memory_space<vmem_shared>> -> memref<128xf32, #tpu.memory_space<vmem_shared>>
        tpu.wait_dma2 semaphore(%run_scoped3A : memref<!tpu.dma_semaphore, #tpu.memory_space<semaphore_mem>>) src(%dma_wait3A_529 : memref<128xf32, #tpu.memory_space<vmem_shared>>) dst(%arg11 : memref<128xf32, #tpu.memory_space<vmem>>)
        tpu.yield
      }) : () -> ()
      %mul3A_466 = arith.constant 4 : i32
      %mul3A_467 = arith.muli %select_n3A, %mul3A_466 : i32
      %mul3A_468 = arith.constant 32 : i32
      %mul3A_469 = arith.muli %mul3A_467, %mul3A_468 : i32
      "tpu.region"() ({
        %run_scoped3A = tpu.sem_alloc : memref<!tpu.dma_semaphore, #tpu.memory_space<semaphore_mem>>
        %dma_start3A_526 = tpu.memref_slice %arg22[%mul3A_469] : memref<512xi32, #tpu.memory_space<vmem_shared>> -> memref<128xi32, #tpu.memory_space<vmem_shared>>
        %dma_start3A_527 = tpu.memref_slice %arg22[%mul3A_469] : memref<512xi32, #tpu.memory_space<vmem_shared>> -> memref<128xi32, #tpu.memory_space<vmem_shared>>
        tpu.enqueue_dma source(%dma_start3A_527 : memref<128xi32, #tpu.memory_space<vmem_shared>>) target(%arg12 : memref<128xi32, #tpu.memory_space<vmem>>) target_semaphore(%run_scoped3A : memref<!tpu.dma_semaphore, #tpu.memory_space<semaphore_mem>>)
        %dma_wait3A_528 = tpu.memref_slice %arg22[%mul3A_469] : memref<512xi32, #tpu.memory_space<vmem_shared>> -> memref<128xi32, #tpu.memory_space<vmem_shared>>
        %dma_wait3A_529 = tpu.memref_slice %arg22[%mul3A_469] : memref<512xi32, #tpu.memory_space<vmem_shared>> -> memref<128xi32, #tpu.memory_space<vmem_shared>>
        tpu.wait_dma2 semaphore(%run_scoped3A : memref<!tpu.dma_semaphore, #tpu.memory_space<semaphore_mem>>) src(%dma_wait3A_529 : memref<128xi32, #tpu.memory_space<vmem_shared>>) dst(%arg12 : memref<128xi32, #tpu.memory_space<vmem>>)
        tpu.yield
      }) : () -> ()
      %swap3A_470 = arith.constant 0 : index
      %swap3A_471 = tpu.vector_load %arg13[%swap3A_470] {strides = array<i32>} : memref<32xf32, #tpu.memory_space<vmem>>, vector<16xf32>,
      tpu.vector_store %arg13[%swap3A_470], %broadcast_in_dim3A_405 {strides = array<i32>} : memref<32xf32, #tpu.memory_space<vmem>>, vector<16xf32>,
      %swap3A_472 = arith.constant 16 : index
      %swap3A_473 = tpu.vector_load %arg13[%swap3A_472] {strides = array<i32>} : memref<32xf32, #tpu.memory_space<vmem>>, vector<16xf32>,
      tpu.vector_store %arg13[%swap3A_472], %broadcast_in_dim3A_405 {strides = array<i32>} : memref<32xf32, #tpu.memory_space<vmem>>, vector<16xf32>,
      %swap3A_474 = arith.constant 0 : index
      %swap3A_475 = tpu.vector_load %arg14[%swap3A_474] {strides = array<i32>} : memref<32xi32, #tpu.memory_space<vmem>>, vector<16xi32>,
      tpu.vector_store %arg14[%swap3A_474], %broadcast_in_dim3A_407 {strides = array<i32>} : memref<32xi32, #tpu.memory_space<vmem>>, vector<16xi32>,
      %swap3A_476 = arith.constant 16 : index
      %swap3A_477 = tpu.vector_load %arg14[%swap3A_476] {strides = array<i32>} : memref<32xi32, #tpu.memory_space<vmem>>, vector<16xi32>,
      tpu.vector_store %arg14[%swap3A_476], %broadcast_in_dim3A_407 {strides = array<i32>} : memref<32xi32, #tpu.memory_space<vmem>>, vector<16xi32>,
      %iota3A_478 = tpu.iota {dimensions = array<i32: 0>} : vector<16xi32>
      %broadcast_in_dim3A_479 = arith.constant 1073741824 : i32
      %broadcast_in_dim3A_480 = vector.broadcast %broadcast_in_dim3A_479 : i32 to vector<16xi32>
      %broadcast_in_dim3A_481 = arith.constant -2.000000e+00 : f32
      %broadcast_in_dim3A_482 = vector.broadcast %broadcast_in_dim3A_481 : f32 to vector<16xf32>
      %scan3A_483 = arith.constant 0 : i32
      %scan3A_484 = arith.constant 0 : i32
      %scan3A_485 = arith.constant 30 : i32
      %scan3A_486 = arith.addi %scan3A_484, %scan3A_485 : i32
      %scan3A_487 = arith.constant 1 : i32
      %scan3A_488 = scf.for %scan3A_526 = %scan3A_484 to %scan3A_486 step %scan3A_487 iter_args(%scan3A_527 = %scan3A_483) -> (i32)  : i32 {
        %scan3A_528 = arith.constant 0 : i32
        %scan3A_529 = arith.constant 8 : i32
        %scan3A_530 = arith.addi %scan3A_528, %scan3A_529 : i32
        %scan3A_531 = arith.constant 1 : i32
        %scan3A_532:2 = scf.for %scan3A_562 = %scan3A_528 to %scan3A_530 step %scan3A_531 iter_args(%scan3A_563 = %broadcast_in_dim3A_482, %scan3A_564 = %broadcast_in_dim3A_480) -> (vector<16xf32>, vector<16xi32>)  : i32 {
          %mul3A_565 = arith.constant 16 : i32
          %mul3A_566 = arith.muli %scan3A_562, %mul3A_565 : i32
          %get3A_567 = arith.index_cast %mul3A_566 : i32 to index
          %get3A_568 = tpu.vector_load %arg11[%get3A_567] {strides = array<i32>} : memref<128xf32, #tpu.memory_space<vmem>>, vector<16xf32>,
          %mul3A_569 = arith.constant 16 : i32
          %mul3A_570 = arith.muli %scan3A_562, %mul3A_569 : i32
          %get3A_571 = arith.index_cast %mul3A_570 : i32 to index
          %get3A_572 = tpu.vector_load %arg12[%get3A_571] {strides = array<i32>} : memref<128xi32, #tpu.memory_space<vmem>>, vector<16xi32>,
          %gt3A_573 = arith.cmpf ogt, %get3A_568, %scan3A_563 : vector<16xf32>
          %eq3A_574 = arith.cmpf oeq, %get3A_568, %scan3A_563 : vector<16xf32>
          %min3A_575 = arith.minsi %scan3A_564, %get3A_572 : vector<16xi32>
          %select_n3A_576 = arith.select %eq3A_574, %min3A_575, %scan3A_564 : vector<16xi1>, vector<16xi32>
          %select_n3A_577 = arith.select %gt3A_573, %get3A_572, %select_n3A_576 : vector<16xi1>, vector<16xi32>
          %max3A = arith.maximumf %scan3A_563, %get3A_568 : vector<16xf32>
          scf.yield %max3A, %select_n3A_577 : vector<16xf32>, vector<16xi32>
        }
        %scan3A_533 = arith.constant 8 : i32
        %reduce_max3A = arith.constant true
        %reduce_max3A_534 = vector.broadcast %reduce_max3A : i1 to vector<16xi1>
        %reduce_max3A_535 = tpu.scan <max>, %scan3A_532#0 masked %reduce_max3A_534 : vector<16xf32>, vector<16xi1> -> vector<16xf32>
        %reduce_max3A_536 = vector.extract %reduce_max3A_535[15] : f32 from vector<16xf32>
        %broadcast_in_dim3A_537 = vector.broadcast %reduce_max3A_536 : f32 to vector<16xf32>
        %eq3A_538 = arith.cmpf oeq, %scan3A_532#0, %broadcast_in_dim3A_537 : vector<16xf32>
        %select_n3A_539 = arith.select %eq3A_538, %scan3A_532#1, %broadcast_in_dim3A_480 : vector<16xi1>, vector<16xi32>
        %reduce_min3A = arith.constant true
        %reduce_min3A_540 = vector.broadcast %reduce_min3A : i1 to vector<16xi1>
        %reduce_min3A_541 = arith.constant -2147483648 : i32
        %reduce_min3A_542 = vector.broadcast %reduce_min3A_541 : i32 to vector<16xi32>
        %reduce_min3A_543 = arith.xori %select_n3A_539, %reduce_min3A_542 : vector<16xi32>
        %reduce_min3A_544 = tpu.scan <min>, %reduce_min3A_543 masked %reduce_min3A_540 : vector<16xi32>, vector<16xi1> -> vector<16xi32>
        %reduce_min3A_545 = arith.xori %reduce_min3A_544, %reduce_min3A_542 : vector<16xi32>
        %reduce_min3A_546 = vector.extract %reduce_min3A_545[15] : i32 from vector<16xi32>
        %broadcast_in_dim3A_547 = vector.broadcast %reduce_min3A_546 : i32 to vector<16xi32>
        %scan3A_548 = arith.constant 0 : i32
        %scan3A_549 = arith.constant 0 : i32
        %scan3A_550 = arith.constant 8 : i32
        %scan3A_551 = arith.addi %scan3A_549, %scan3A_550 : i32
        %scan3A_552 = arith.constant 1 : i32
        %scan3A_553 = scf.for %scan3A_562 = %scan3A_549 to %scan3A_551 step %scan3A_552 iter_args(%scan3A_563 = %scan3A_548) -> (i32)  : i32 {
          %mul3A_564 = arith.constant 16 : i32
          %mul3A_565 = arith.muli %scan3A_562, %mul3A_564 : i32
          %get3A_566 = arith.index_cast %mul3A_565 : i32 to index
          %get3A_567 = tpu.vector_load %arg11[%get3A_566] {strides = array<i32>} : memref<128xf32, #tpu.memory_space<vmem>>, vector<16xf32>,
          %mul3A_568 = arith.constant 16 : i32
          %mul3A_569 = arith.muli %scan3A_562, %mul3A_568 : i32
          %get3A_570 = arith.index_cast %mul3A_569 : i32 to index
          %get3A_571 = tpu.vector_load %arg12[%get3A_570] {strides = array<i32>} : memref<128xi32, #tpu.memory_space<vmem>>, vector<16xi32>,
          %eq3A_572 = arith.cmpf oeq, %get3A_567, %broadcast_in_dim3A_537 : vector<16xf32>
          %eq3A_573 = arith.cmpi eq, %get3A_571, %broadcast_in_dim3A_547 : vector<16xi32>
          %and3A_574 = arith.andi %eq3A_572, %eq3A_573 : vector<16xi1>
          %select_n3A_575 = arith.select %and3A_574, %broadcast_in_dim3A_482, %get3A_567 : vector<16xi1>, vector<16xf32>
          %mul3A_576 = arith.constant 16 : i32
          %mul3A_577 = arith.muli %scan3A_562, %mul3A_576 : i32
          %swap3A_578 = arith.index_cast %mul3A_577 : i32 to index
          %swap3A_579 = tpu.vector_load %arg11[%swap3A_578] {strides = array<i32>} : memref<128xf32, #tpu.memory_space<vmem>>, vector<16xf32>,
          tpu.vector_store %arg11[%swap3A_578], %select_n3A_575 {strides = array<i32>} : memref<128xf32, #tpu.memory_space<vmem>>, vector<16xf32>,
          %scan3A_580 = arith.constant 0 : i32
          scf.yield %scan3A_580 : i32
        }
        %scan3A_554 = arith.constant 8 : i32
        %eq3A_555 = arith.constant 0 : i32
        %eq3A_556 = vector.broadcast %eq3A_555 : i32 to vector<16xi32>
        %eq3A_557 = arith.cmpi eq, %iota3A_478, %eq3A_556 : vector<16xi32>
        %broadcast_in_dim3A_558 = vector.broadcast %scan3A_526 : i32 to vector<16xi32>
        %broadcast_in_dim3A_559 = vector.broadcast %reduce_max3A_536 : f32 to vector<16xf32>
        tpu.vector_store_idx %arg13[%broadcast_in_dim3A_558], %broadcast_in_dim3A_559 masked %eq3A_557 : memref<32xf32, #tpu.memory_space<vmem>>[vector<16xi32>], vector<16xf32>, vector<16xi1>
        %broadcast_in_dim3A_560 = vector.broadcast %reduce_min3A_546 : i32 to vector<16xi32>
        tpu.vector_store_idx %arg14[%broadcast_in_dim3A_558], %broadcast_in_dim3A_560 masked %eq3A_557 : memref<32xi32, #tpu.memory_space<vmem>>[vector<16xi32>], vector<16xi32>, vector<16xi1>
        %scan3A_561 = arith.constant 0 : i32
        scf.yield %scan3A_561 : i32
      }
      %scan3A_489 = arith.constant 30 : i32
      %get3A_490 = arith.constant 0 : index
      %get3A_491 = tpu.vector_load %arg13[%get3A_490] {strides = array<i32>} : memref<32xf32, #tpu.memory_space<vmem>>, vector<16xf32>,
      %gt3A = arith.constant 5.000000e-01 : f32
      %gt3A_492 = vector.broadcast %gt3A : f32 to vector<16xf32>
      %gt3A_493 = arith.cmpf ogt, %get3A_491, %gt3A_492 : vector<16xf32>
      %convert_element_type3A_494 = arith.extui %gt3A_493 : vector<16xi1> to vector<16xi32>
      %convert_element_type3A_495 = arith.sitofp %convert_element_type3A_494 : vector<16xi32> to vector<16xf32>
      %swap3A_496 = arith.constant 0 : index
      %swap3A_497 = tpu.vector_load %arg15[%swap3A_496] {strides = array<i32>} : memref<32xf32, #tpu.memory_space<vmem>>, vector<16xf32>,
      tpu.vector_store %arg15[%swap3A_496], %convert_element_type3A_495 {strides = array<i32>} : memref<32xf32, #tpu.memory_space<vmem>>, vector<16xf32>,
      %get3A_498 = arith.constant 16 : index
      %get3A_499 = tpu.vector_load %arg13[%get3A_498] {strides = array<i32>} : memref<32xf32, #tpu.memory_space<vmem>>, vector<16xf32>,
      %gt3A_500 = arith.constant 5.000000e-01 : f32
      %gt3A_501 = vector.broadcast %gt3A_500 : f32 to vector<16xf32>
      %gt3A_502 = arith.cmpf ogt, %get3A_499, %gt3A_501 : vector<16xf32>
      %convert_element_type3A_503 = arith.extui %gt3A_502 : vector<16xi1> to vector<16xi32>
      %convert_element_type3A_504 = arith.sitofp %convert_element_type3A_503 : vector<16xi32> to vector<16xf32>
      %swap3A_505 = arith.constant 16 : index
      %swap3A_506 = tpu.vector_load %arg15[%swap3A_505] {strides = array<i32>} : memref<32xf32, #tpu.memory_space<vmem>>, vector<16xf32>,
      tpu.vector_store %arg15[%swap3A_505], %convert_element_type3A_504 {strides = array<i32>} : memref<32xf32, #tpu.memory_space<vmem>>, vector<16xf32>,
      "tpu.region"() ({
        %run_scoped3A = tpu.sem_alloc : memref<!tpu.dma_semaphore, #tpu.memory_space<semaphore_mem>>
        %dma_start3A_526 = arith.constant 0 : i32
        %dma_start3A_527 = tpu.memref_slice %arg5[%add3A_30, %dma_start3A_526] : memref<8x32xf32, #tpu.memory_space<hbm>> -> memref<1x32xf32, #tpu.memory_space<hbm>>
        %dma_start3A_528 = tpu.memref_squeeze %dma_start3A_527 : memref<1x32xf32, #tpu.memory_space<hbm>> -> memref<32xf32, #tpu.memory_space<hbm>>
        %dma_start3A_529 = arith.constant 0 : i32
        %dma_start3A_530 = tpu.memref_slice %arg5[%add3A_30, %dma_start3A_529] : memref<8x32xf32, #tpu.memory_space<hbm>> -> memref<1x32xf32, #tpu.memory_space<hbm>>
        %dma_start3A_531 = tpu.memref_squeeze %dma_start3A_530 : memref<1x32xf32, #tpu.memory_space<hbm>> -> memref<32xf32, #tpu.memory_space<hbm>>
        tpu.enqueue_dma source(%arg15 : memref<32xf32, #tpu.memory_space<vmem>>) target(%dma_start3A_531 : memref<32xf32, #tpu.memory_space<hbm>>) target_semaphore(%run_scoped3A : memref<!tpu.dma_semaphore, #tpu.memory_space<semaphore_mem>>)
        %dma_wait3A_532 = arith.constant 0 : i32
        %dma_wait3A_533 = tpu.memref_slice %arg5[%add3A_30, %dma_wait3A_532] : memref<8x32xf32, #tpu.memory_space<hbm>> -> memref<1x32xf32, #tpu.memory_space<hbm>>
        %dma_wait3A_534 = tpu.memref_squeeze %dma_wait3A_533 : memref<1x32xf32, #tpu.memory_space<hbm>> -> memref<32xf32, #tpu.memory_space<hbm>>
        %dma_wait3A_535 = arith.constant 0 : i32
        %dma_wait3A_536 = tpu.memref_slice %arg5[%add3A_30, %dma_wait3A_535] : memref<8x32xf32, #tpu.memory_space<hbm>> -> memref<1x32xf32, #tpu.memory_space<hbm>>
        %dma_wait3A_537 = tpu.memref_squeeze %dma_wait3A_536 : memref<1x32xf32, #tpu.memory_space<hbm>> -> memref<32xf32, #tpu.memory_space<hbm>>
        tpu.wait_dma2 semaphore(%run_scoped3A : memref<!tpu.dma_semaphore, #tpu.memory_space<semaphore_mem>>) src(%arg15 : memref<32xf32, #tpu.memory_space<vmem>>) dst(%dma_wait3A_537 : memref<32xf32, #tpu.memory_space<hbm>>)
        tpu.yield
      }) : () -> ()
      %mul3A_507 = arith.constant 50176 : i32
      %mul3A_508 = arith.muli %add3A_30, %mul3A_507 : i32
      %broadcast_in_dim3A_509 = vector.broadcast %mul3A_508 : i32 to vector<16xi32>
      %get3A_510 = arith.constant 0 : index
      %get3A_511 = tpu.vector_load %arg14[%get3A_510] {strides = array<i32>} : memref<32xi32, #tpu.memory_space<vmem>>, vector<16xi32>,
      %add3A_512 = arith.addi %broadcast_in_dim3A_509, %get3A_511 : vector<16xi32>
      %swap3A_513 = arith.constant 0 : index
      %swap3A_514 = tpu.vector_load %arg16[%swap3A_513] {strides = array<i32>} : memref<32xi32, #tpu.memory_space<vmem>>, vector<16xi32>,
      tpu.vector_store %arg16[%swap3A_513], %add3A_512 {strides = array<i32>} : memref<32xi32, #tpu.memory_space<vmem>>, vector<16xi32>,
      %get3A_515 = arith.constant 16 : index
      %get3A_516 = tpu.vector_load %arg14[%get3A_515] {strides = array<i32>} : memref<32xi32, #tpu.memory_space<vmem>>, vector<16xi32>,
      %add3A_517 = arith.addi %broadcast_in_dim3A_509, %get3A_516 : vector<16xi32>
      %swap3A_518 = arith.constant 16 : index
      %swap3A_519 = tpu.vector_load %arg16[%swap3A_518] {strides = array<i32>} : memref<32xi32, #tpu.memory_space<vmem>>, vector<16xi32>,
      tpu.vector_store %arg16[%swap3A_518], %add3A_517 {strides = array<i32>} : memref<32xi32, #tpu.memory_space<vmem>>, vector<16xi32>,
      %dma_start3A_520 = arith.constant 0 : i32
      %dma_start3A_521 = arith.constant 0 : i32
      %dma_start3A_522 = tpu.memref_slice %arg3[%dma_start3A_520, %dma_start3A_521] : memref<401408x128xf32, #tpu.memory_space<hbm>> -> memref<401408x128xf32, #tpu.memory_space<hbm>>
      tpu.enqueue_indirect_dma source(%dma_start3A_522 : memref<401408x128xf32, #tpu.memory_space<hbm>>) target(%arg19 : memref<32x128xf32, #tpu.memory_space<vmem>>) offsets(%arg16 : memref<32xi32, #tpu.memory_space<vmem>>) semaphore(%arg23 : memref<!tpu.dma_semaphore, #tpu.memory_space<semaphore_mem>>)
      %dma_wait3A_523 = arith.constant 0 : i32
      %dma_wait3A_524 = arith.constant 0 : i32
      %dma_wait3A_525 = tpu.memref_slice %arg3[%dma_wait3A_523, %dma_wait3A_524] : memref<401408x128xf32, #tpu.memory_space<hbm>> -> memref<401408x128xf32, #tpu.memory_space<hbm>>
      tpu.wait_indirect_dma semaphore(%arg23 : memref<!tpu.dma_semaphore, #tpu.memory_space<semaphore_mem>>) src(%dma_wait3A_525 : memref<401408x128xf32, #tpu.memory_space<hbm>>) dst(%arg19 : memref<32x128xf32, #tpu.memory_space<vmem>>)
      "tpu.region"() ({
        %run_scoped3A = tpu.sem_alloc : memref<!tpu.dma_semaphore, #tpu.memory_space<semaphore_mem>>
        %dma_start3A_526 = arith.constant 0 : i32
        %dma_start3A_527 = arith.constant 0 : i32
        %dma_start3A_528 = tpu.memref_slice %arg4[%add3A_30, %dma_start3A_526, %dma_start3A_527] : memref<8x32x128xf32, #tpu.memory_space<hbm>> -> memref<1x32x128xf32, #tpu.memory_space<hbm>>
        %dma_start3A_529 = tpu.memref_squeeze %dma_start3A_528 : memref<1x32x128xf32, #tpu.memory_space<hbm>> -> memref<32x128xf32, #tpu.memory_space<hbm>>
        %dma_start3A_530 = arith.constant 0 : i32
        %dma_start3A_531 = arith.constant 0 : i32
        %dma_start3A_532 = tpu.memref_slice %arg4[%add3A_30, %dma_start3A_530, %dma_start3A_531] : memref<8x32x128xf32, #tpu.memory_space<hbm>> -> memref<1x32x128xf32, #tpu.memory_space<hbm>>
        %dma_start3A_533 = tpu.memref_squeeze %dma_start3A_532 : memref<1x32x128xf32, #tpu.memory_space<hbm>> -> memref<32x128xf32, #tpu.memory_space<hbm>>
        tpu.enqueue_dma source(%arg19 : memref<32x128xf32, #tpu.memory_space<vmem>>) target(%dma_start3A_533 : memref<32x128xf32, #tpu.memory_space<hbm>>) target_semaphore(%run_scoped3A : memref<!tpu.dma_semaphore, #tpu.memory_space<semaphore_mem>>)
        %dma_wait3A_534 = arith.constant 0 : i32
        %dma_wait3A_535 = arith.constant 0 : i32
        %dma_wait3A_536 = tpu.memref_slice %arg4[%add3A_30, %dma_wait3A_534, %dma_wait3A_535] : memref<8x32x128xf32, #tpu.memory_space<hbm>> -> memref<1x32x128xf32, #tpu.memory_space<hbm>>
        %dma_wait3A_537 = tpu.memref_squeeze %dma_wait3A_536 : memref<1x32x128xf32, #tpu.memory_space<hbm>> -> memref<32x128xf32, #tpu.memory_space<hbm>>
        %dma_wait3A_538 = arith.constant 0 : i32
        %dma_wait3A_539 = arith.constant 0 : i32
        %dma_wait3A_540 = tpu.memref_slice %arg4[%add3A_30, %dma_wait3A_538, %dma_wait3A_539] : memref<8x32x128xf32, #tpu.memory_space<hbm>> -> memref<1x32x128xf32, #tpu.memory_space<hbm>>
        %dma_wait3A_541 = tpu.memref_squeeze %dma_wait3A_540 : memref<1x32x128xf32, #tpu.memory_space<hbm>> -> memref<32x128xf32, #tpu.memory_space<hbm>>
        tpu.wait_dma2 semaphore(%run_scoped3A : memref<!tpu.dma_semaphore, #tpu.memory_space<semaphore_mem>>) src(%arg19 : memref<32x128xf32, #tpu.memory_space<vmem>>) dst(%dma_wait3A_541 : memref<32x128xf32, #tpu.memory_space<hbm>>)
        tpu.yield
      }) : () -> ()
    } else {
    }
    return
  }
}

module attributes {stable_mosaic.version = 14 : i64} {
  func.func @mm(%arg0: memref<256x128xf32, #tpu.memory_space<vmem>>, %arg1: memref<128x64xf32, #tpu.memory_space<vmem>>, %arg2: memref<1x64xf32, #tpu.memory_space<vmem>>, %arg3: memref<64x64xf32, #tpu.memory_space<vmem>>, %arg4: memref<1x64xf32, #tpu.memory_space<vmem>>, %arg5: memref<256x64xf32, #tpu.memory_space<vmem>>) attributes {dimension_semantics = [], scalar_prefetch = 0 : i64, scratch_operands = 0 : i64, tpu.core_type = #tpu.core_type<tc>} {
    %get3A = arith.constant 0 : index
    %get3A_0 = arith.constant 0 : index
    %get3A_1 = vector.load %arg0[%get3A, %get3A_0] : memref<256x128xf32, #tpu.memory_space<vmem>>, vector<256x128xf32>
    %get3A_2 = arith.constant 0 : index
    %get3A_3 = arith.constant 0 : index
    %get3A_4 = vector.load %arg1[%get3A_2, %get3A_3] : memref<128x64xf32, #tpu.memory_space<vmem>>, vector<128x64xf32>
    %dot_general3A = arith.constant dense<0.000000e+00> : vector<256x64xf32>
    %dot_general3A_5 = tpu.matmul %get3A_1, %get3A_4, %dot_general3A {dimension_numbers = #tpu.dot_dimension_numbers<[1], [0], [0], [1], [0, 0, 1, 1], [], []>, transpose_lhs_hint = false} : vector<256x128xf32>, vector<128x64xf32>, vector<256x64xf32> -> vector<256x64xf32>
    %get3A_6 = arith.constant 0 : index
    %get3A_7 = arith.constant 0 : index
    %get3A_8 = vector.load %arg2[%get3A_6, %get3A_7] : memref<1x64xf32, #tpu.memory_space<vmem>>, vector<1x64xf32>
    %add3A = vector.broadcast %get3A_8 : vector<1x64xf32> to vector<256x64xf32>
    %add3A_9 = arith.addf %dot_general3A_5, %add3A : vector<256x64xf32>
    %max3A = arith.constant 0.000000e+00 : f32
    %max3A_10 = vector.broadcast %max3A : f32 to vector<256x64xf32>
    %max3A_11 = arith.maximumf %add3A_9, %max3A_10 : vector<256x64xf32>
    %get3A_12 = arith.constant 0 : index
    %get3A_13 = arith.constant 0 : index
    %get3A_14 = vector.load %arg3[%get3A_12, %get3A_13] : memref<64x64xf32, #tpu.memory_space<vmem>>, vector<64x64xf32>
    %dot_general3A_15 = arith.constant dense<0.000000e+00> : vector<256x64xf32>
    %dot_general3A_16 = tpu.matmul %max3A_11, %get3A_14, %dot_general3A_15 {dimension_numbers = #tpu.dot_dimension_numbers<[1], [0], [0], [1], [0, 0, 1, 1], [], []>, transpose_lhs_hint = false} : vector<256x64xf32>, vector<64x64xf32>, vector<256x64xf32> -> vector<256x64xf32>
    %get3A_17 = arith.constant 0 : index
    %get3A_18 = arith.constant 0 : index
    %get3A_19 = vector.load %arg4[%get3A_17, %get3A_18] : memref<1x64xf32, #tpu.memory_space<vmem>>, vector<1x64xf32>
    %add3A_20 = vector.broadcast %get3A_19 : vector<1x64xf32> to vector<256x64xf32>
    %add3A_21 = arith.addf %dot_general3A_16, %add3A_20 : vector<256x64xf32>
    %swap3A = arith.constant 0 : index
    %swap3A_22 = arith.constant 0 : index
    %swap3A_23 = vector.load %arg5[%swap3A, %swap3A_22] : memref<256x64xf32, #tpu.memory_space<vmem>>, vector<256x64xf32>
    tpu.vector_store %arg5[%swap3A, %swap3A_22], %add3A_21 {strides = array<i32>} : memref<256x64xf32, #tpu.memory_space<vmem>>, vector<256x64xf32>,
    return
  }
}

</mosaic_0001>

<sc_bundles>
// kernel: kernel.4.cloned.1.call-start
scs
__scs_entry_jumppad:
0x0: {  	(pc) =	sbr.rel $0x88, $3  }
0x1: {  	(tag) =	ssettag $0x0;
	lr =	simm.s32 $0x1  }
0x2: {  	[smem:$0x3F9B] =	sst lr;
	_ =	strace $0xD0000000  }
0x3: {  	_ = 	snop  }
0x4: {  	_ = 	snop  }
0x5: {  	_ = 	snop  }
0x6: {  	_ = 	snop  }
0x7: {  	_ = 	snop  }
__scs_overlays_trampoline_lowered:
0x8: {  	[smem:$0x3FAA] =	sst s0  }
0x9: {  	[smem:$0x3FAB] =	sst s1  }
0xa: {  	[smem:$0x3FAC] =	sst s2  }
0xb: {  	[smem:$0x3FAD] =	sst s3  }
0xc: {  	[smem:$0x3FAE] =	sst s4  }
0xd: {  	[smem:$0x3FAF] =	sst s5  }
0xe: {  	[smem:$0x3FB0] =	sst s6  }
0xf: {  	[smem:$0x3FB1] =	sst s7  }
0x10: {  	[smem:$0x3FB2] =	sst s8  }
0x11: {  	[smem:$0x3FB3] =	sst s9;
	s0 =	simm.s32 @!p0 $0x0  }
0x12: {  	s1 =	sld [smem:$0x3F99];
	s0 =	simm.s32 @p0 $0x1  }
0x13: {  	[smem:$0x3FB4] =	sst s0;
	s0 =	simm.s32 @!p1 $0x0  }
0x14: {  	s2 =	sld [smem:$0x3F98];
	s0 =	simm.s32 @p1 $0x1  }
0x15: {  	[smem:$0x3FB5] =	sst s0;
	s0 =	simm.s32 @!p2 $0x0  }
0x16: {  	s3 =	sld [smem:$0x3FDB];
	s0 =	simm.s32 @p2 $0x1  }
0x17: {  	s4 =	simm.s32 $0x1BF5;
	[smem:$0x3FB7] =	sst s0  }
0x18: {  	s0 =	sld [smem:$0x3F9A];
	_ =	swait.ge [sflag:s4], $0x0  }
0x19: {  	s7 =	sld [smem:$0x3F9B]  }
0x1a: {  	s8 =	sadd.s32 $0xFFFFE003, lr  }
0x1b: {  	s9 =	sadd.s32 $0xFFFFFEF7, lr;
	s5 =	simm.s32 $0xFFFFFFFF;
	p2 =	slt.u32 s8, $0xFFFFF086  }
0x1c: {  	p1 =	slt.u32 s9, $0xF7A;
	s5 =	simm.s32 @!p2 $0x0  }
0x1d: {  	s5 =	simm.s32 @p1 $0x1;
	p0 =	seq.s32 s7, s2  }
0x1e: {  	s7 =	smul.u32 @!p0 $0xF7A, s2;
	p2 =	seq.s32 @!p0 s5, $0x0  }
0x1f: {  	s9 =	smul.u32 $0xF7A, s1;
	s8 =	simm.s32 @!p0 $0x1BF5;
	p2 =	por !p2, p0  }
0x20: {  	[sflag:s8] =	ssyncset.s32 @!p0 $0xFFFFF086;
	s6 =	sadd.s32 @!p0 s3, s7;
	s7 =	simm.s32 @!p0 $0x108  }
0x21: {  	s3 =	sadd.s32 s3, s9;
	s6 =	sadd.s32 @!p0 $0x88, s6;
	s7 =	simm.s32 @p2 $0x1082  }
0x22: {  	[simem:s7], [sflag:s8] =	dma.local @!p0 [hbm:s6], $0xF7A  }
0x23: {  	s9 =	sor.u32 $0xD0000000, s2;
	s6 =	simm.s32 $0x108;
	_ =	swait.ge @!p0 [sflag:s8], $0x0  }
0x24: {  	s3 =	sadd.s32 $0x88, s3;
	s6 =	simm.s32 @!p1 $0x1082;
	[sflag:s4] =	ssyncset.s32 $0xFFFFF086  }
0x25: {  	[simem:s6], [sflag:s4] =	dma.local [hbm:s3], $0xF7A  }
0x26: {  	[smem:$0x3F9B] =	sst s1;
	(tag) =	ssettag s2;
	_ =	strace s9  }
0x27: {  	s1 =	sld [smem:$0x3FAB]  }
0x28: {  	s2 =	sld [smem:$0x3FAC]  }
0x29: {  	s4 =	sld [smem:$0x3FAE]  }
0x2a: {  	p0 =	seq.s32 s5, $0x0;
	s5 =	sld [smem:$0x3FAF]  }
0x2b: {  	s6 =	sld [smem:$0x3FB0]  }
0x2c: {  	s7 =	sld [smem:$0x3FB1]  }
0x2d: {  	s3 =	simm.s32 $0x108;
	s8 =	sld [smem:$0x3FB2]  }
0x2e: {  	s3 =	simm.s32 @!p0 $0x1082;
	s9 =	sld [smem:$0x3FB3]  }
0x2f: {  	lr =	sadd.s32 s0, s3;
	s0 =	sld [smem:$0x3FAA]  }
0x30: {  	s3 =	sld [smem:$0x3FAD]  }
0x31: {  	[smem:$0x3FB6] =	sst s10  }
0x32: {  	s10 =	sld [smem:$0x3FB4];
	_ =	sdelay $0x3  }
0x33: {  	p0 =	seq.s32 s10, $0x1;
	s10 =	sld [smem:$0x3FB6];
	_ =	sdelay $0x3  }
0x34: {  	[smem:$0x3FB6] =	sst s10  }
0x35: {  	s10 =	sld [smem:$0x3FB5];
	_ =	sdelay $0x3  }
0x36: {  	p1 =	seq.s32 s10, $0x1;
	s10 =	sld [smem:$0x3FB6];
	_ =	sdelay $0x3  }
0x37: {  	[smem:$0x3FB6] =	sst s10  }
0x38: {  	s10 =	sld [smem:$0x3FB7]  }
0x39: {  	_ = 	snop;
	(pc) =	sbr.ind lr, $3  }
0x3a: {  	_ = 	snop  }
0x3b: {  	_ = 	snop  }
0x3c: {  	p2 =	seq.s32 s10, $0x1;
	s10 =	sld [smem:$0x3FB6]  }
0x3d: {  	_ =	shalt  }
0x3e: {  	_ =	shalt  }
0x3f: {  	_ =	shalt  }
0x40: {  	_ =	shalt  }
0x41: {  	_ =	shalt  }
0x42: {  	_ =	shalt  }
0x43: {  	_ =	shalt  }
0x44: {  	_ =	shalt  }
0x45: {  	_ =	shalt  }
0x46: {  	_ =	shalt  }
0x47: {  	_ =	shalt  }
0x48: {  	_ =	shalt  }
0x49: {  	_ =	shalt  }
0x4a: {  	_ =	shalt  }
0x4b: {  	_ =	shalt  }
0x4c: {  	_ =	shalt  }
0x4d: {  	_ =	shalt  }
0x4e: {  	_ =	shalt  }
0x4f: {  	_ =	shalt  }
0x50: {  	_ =	shalt  }
0x51: {  	_ =	shalt  }
0x52: {  	_ =	shalt  }
0x53: {  	_ =	shalt  }
0x54: {  	_ =	shalt  }
0x55: {  	_ =	shalt  }
0x56: {  	_ =	shalt  }
0x57: {  	_ =	shalt  }
0x58: {  	_ =	shalt  }
0x59: {  	_ =	shalt  }
0x5a: {  	_ =	shalt  }
0x5b: {  	_ =	shalt  }
0x5c: {  	_ =	shalt  }
0x5d: {  	_ =	shalt  }
0x5e: {  	_ =	shalt  }
0x5f: {  	_ =	shalt  }
0x60: {  	_ =	shalt  }
0x61: {  	_ =	shalt  }
0x62: {  	_ =	shalt  }
0x63: {  	_ =	shalt  }
0x64: {  	_ =	shalt  }
0x65: {  	_ =	shalt  }
0x66: {  	_ =	shalt  }
0x67: {  	_ =	shalt  }
0x68: {  	_ =	shalt  }
0x69: {  	_ =	shalt  }
0x6a: {  	_ =	shalt  }
0x6b: {  	_ =	shalt  }
0x6c: {  	_ =	shalt  }
0x6d: {  	_ =	shalt  }
0x6e: {  	_ =	shalt  }
0x6f: {  	_ =	shalt  }
0x70: {  	_ =	shalt  }
0x71: {  	_ =	shalt  }
0x72: {  	_ =	shalt  }
0x73: {  	_ =	shalt  }
0x74: {  	_ =	shalt  }
0x75: {  	_ =	shalt  }
0x76: {  	_ =	shalt  }
0x77: {  	_ =	shalt  }
0x78: {  	_ =	shalt  }
0x79: {  	_ =	shalt  }
0x7a: {  	_ =	shalt  }
0x7b: {  	_ =	shalt  }
0x7c: {  	_ =	shalt  }
0x7d: {  	_ =	shalt  }
0x7e: {  	_ =	shalt  }
0x7f: {  	_ =	shalt  }
0x80: {  	_ =	shalt  }
0x81: {  	_ =	shalt  }
0x82: {  	_ =	shalt  }
0x83: {  	_ =	shalt  }
0x84: {  	_ =	shalt  }
0x85: {  	_ =	shalt  }
0x86: {  	_ =	shalt  }
0x87: {  	_ =	shalt  }
.Lfunc_end0:
.L_simem_size_0:
called_computation_lowered:
.L_overlay_start_0:
0x88: {  	s2 =	sld [smem:$0x3FD9]  }
0x89: {  	s3 =	sld [smem:$0x3FFE];
	_ =	sdelay $0x1  }
0x8a: {  	s1 =	srdreg.scid  }
0x8b: {  	s0 =	sand.u32 $0x1, s1  }
0x8c: {  	s14 =	sshll.u32 s0, $0xA;
	s2 =	sadd.s32 s3, s2  }
0x8d: {  	s2 =	sadd.s32 s2, s14  }
0x8e: {  	[smem:$0x3FC2] =	sst s2  }
0x8f: {  	_ = 	snop  }
0x90: {  	s2 =	sld [smem:$0x3FD0];
	_ =	sdelay $0x1  }
0x91: {  	s15 =	sld [smem:$0x3FC9]  }
0x92: {  	s5 =	simm.s32 $0xA;
	s6 =	simm.s32 $0x10;
	s4 =	sld [smem:$0x3FC8]  }
0x93: {  	[smem:s6], [sflag:s5] =	dma.local [hbm:s2], $0x1  }
0x94: {  	_ =	swait.eq [sflag:s5], $0x1  }
0x95: {  	[sflag:s5] =	ssyncset.done $0x0  }
0x96: {  	[sflag:s5] =	ssyncadd.s32 $0xFFFFFFFF  }
0x97: {  	s16 =	sld [smem:$0x11];
	(tm) =	ssettm $0x1  }
0x98: {  	s17 =	sld [smem:$0x3FFB];
	_ =	sdelay $0x3  }
0x99: {  	_ =	strace s17  }
0x9a: {  	s5 =	sld [smem:$0x3FFC];
	_ =	sdelay $0x3  }
0x9b: {  	_ =	strace s5  }
0x9c: {  	s5 =	sld [smem:$0x3FFD];
	_ =	sdelay $0x3  }
0x9d: {  	_ =	strace s5  }
0x9e: {  	_ =	strace $0x8FFFFFFF  }
0x9f: {  	s18 =	sld [smem:$0x3FDB];
	_ =	sdelay $0x1  }
0xa0: {  	s19 =	simm.s32 $_scs_section_size  }
0xa1: {  	s7 =	simm.s32 $_size__tile_overlayer_lowered;
	s8 =	simm.s32 $_tile_overlayer_lowered  }
0xa2: {  	s22 =	simm.s32 $0x1BFF;
	s21 =	sshll.u32 s8, $0x1;
	s5 =	sadd.s32 s19, s18  }
0xa3: {  	s9 =	simm.s32 $0x0;
	s20 =	sshll.u32 s7, $0x1;
	s7 =	sadd.s32 s21, s5  }
0xa4: {  	[timem:s9], [sflag:s22] =	dma.local [hbm:s7], s20  }
0xa5: {  	_ =	swait.ge [sflag:s22], s20  }
0xa6: {  	s6 =	ssub.s32 $0x0, s20;
	[sflag:s22] =	ssyncset.done $0x0  }
0xa7: {  	[sflag:s22] =	ssyncadd.s32 s6;
	_ =	sdelay $0x1  }
0xa8: {  	s23 =	simm.s32 $0x1B8B  }
0xa9: {  	_ =	swait.ge [sflag:s23], $0x1  }
0xaa: {  	[sflag:s23] =	ssyncset.done $0x0  }
0xab: {  	s25 =	simm.s32 $0x1B8E;
	s24 =	sld [smem:$0x3FFE];
	[sflag:s23] =	ssyncadd.s32 $0xFFFFFFFF  }
0xac: {  	s26 =	simm.s32 $execute0_lowered;
	[smem:$0x3FD2] =	sst s25  }
0xad: {  	s7 =	sshll.u32 s26, $0x1;
	_ =	strace $0x80000046;
	[dreg:$0x1] =	wrdreg $0xFFFFFFFF  }
0xae: {  	s28 =	simm.s32 $_size_execute0_lowered;
	s5 =	sadd.s32 s5, s7;
	[dreg:$0x0] =	wrdreg $0x0  }
0xaf: {  	s7 =	sshll.u32 s28, $0x1;
	[dreg:$0x2] =	wrdreg s5  }
0xb0: {  	[dreg:$0x3] =	wrdreg s7  }
0xb1: {  	[dreg:$0x4] =	wrdreg $0xC0  }
0xb2: {  	_ =	task [dreg:s9], $0x5FFFF  }
0xb3: {  	[dreg:$0x1] =	wrdreg $0xFFFFFFFF  }
0xb4: {  	[dreg:$0x0] =	wrdreg $0x60  }
0xb5: {  	[dreg:$0x2] =	wrdreg s4  }
0xb6: {  	[dreg:$0x3] =	wrdreg s15  }
0xb7: {  	[dreg:$0x4] =	wrdreg s24  }
0xb8: {  	[dreg:$0x5] =	wrdreg s16  }
0xb9: {  	[dreg:$0x6] =	wrdreg $0xB0800  }
0xba: {  	[dreg:$0x7] =	wrdreg $0xB0900  }
0xbb: {  	[dreg:$0x8] =	wrdreg $0xB0B00  }
0xbc: {  	[dreg:$0x9] =	wrdreg $0x9  }
0xbd: {  	_ =	task.clear_ibuf [dreg:s9], $0xAFFFF;
	_ =	strace $0x90000046  }
0xbe: {  	s29 =	simm.s32 $0x9;
	_ =	strace $0x80000048  }
0xbf: {  	_ =	swait.ge [sflag:s29], $0x1  }
0xc0: {  	[sflag:s29] =	ssyncadd.s32 $0xFFFFFFFF  }
0xc1: {  	_ =	strace $0x90000048  }
0xc2: {  	_ =	sfence  }
0xc3: {  	s30 =	sld [smem:$0x0];
	_ =	sdelay $0x2  }
0xc4: {  	s31 =	sshll.u32 s1, $0xD;
	s1 =	sshrl.u32 s1, $0x2  }
0xc5: {  	s3 =	sand.u32 $0x4000, s31;
	s1 =	sadd.s32 s1, s30  }
0xc6: {  	s0 =	sor.u32 s3, s0;
	s1 =	sshll.u32 s1, $0x11  }
0xc7: {  	s0 =	sor.u32 s1, s0  }
0xc8: {  	s0 =	sadd.s32 $0x8F2B, s0  }
0xc9: {  	[sflag:s0] =	ssyncadd.remote.s32 $0x1  }
0xca: {  	_ =	sfence.sel $0xFFFF  }
0xcb: {  	[dreg:$0x0] =	wrdreg $0xFFFFFFFF;
	(pc) =	sbr.abs _section_cstart, $3  }
0xcc: {  	[dreg:$0x1] =	wrdreg $0xFFFFFFFF  }
0xcd: {  	_ =	task.clear_ibuf [dreg:s9], $0x2FFFF;
	_ =	strace $0x9FFFFFFF  }
0xce: {  	(tm) =	ssettm $0x7FFFFFFF  }
0xcf: {  	_ =	shalt  }
tec
execute0_lowered:
.L_overlay_start_1:
0x0: {  	(tag) =	ssettag $0x1  }
0x1: {  	s0 =	rddreg [dreg:$0x0]  }
0x2: {  	s1 =	rddreg [dreg:$0x2]  }
0x3: {  	s3 =	rddreg [dreg:$0x3]  }
0x4: {  	s2 =	srdreg.scid;
	s17 =	rddreg [dreg:$0x5]  }
0x5: {  	s13 =	stileid.u32;
	s19 =	rddreg [dreg:$0x6];
	s29 =	simm.s32 $0x1  }
0x6: {  	s31 =	simm.s32 $0x2;
	s5 =	sand.u32 $0x1, s2;
	s2 =	rddreg [dreg:$0x4]  }
0x7: {  	s14 =	sshrl.u32 s13, $0x2;
	s20 =	sand.u32 $0x3, s13;
	s16 =	sshll.u32 s13, $0x4  }
0x8: {  	s22 =	sshll.u32 s13, $0x5;
	s4 =	sshll.u32 s5, $0x2;
	s7 =	smul.u32 $0x3800, s20  }
0x9: {  	s5 =	ssub.s32 $0x2, s5;
	s12 =	sadd.s32 s16, s2;
	s13 =	sshll.u32 s14, $0x6  }
0xa: {  	s24 =	smul.u32 $0x3100, s20;
	s16 =	sadd.s32 s22, s19;
	s23 =	sshll.u32 s14, $0x7  }
0xb: {  	p0 =	sne.s32 s20, $0x0;
	s20 =	simm.s32 $0x9D80;
	s18 =	sor.u32 s14, s4  }
0xc: {  	s4 =	simm.s32 $0x0;
	s8 =	sshrl.u32 s5, $0x1;
	s6 =	smul.u32 $0xE000, s18  }
0xd: {  	[smem:$0x7FF] =	sst s4;
	s15 =	sshll.u32 s18, $0x9;
	s21 =	ssub.s32 s5, s8  }
0xe: {  	s25 =	sshll.u32 s18, $0x4;
	s28 =	smul.u32 $0xC400, s18;
	s18 =	simm.s32 $0x9B80  }
0xf: {  	_ =	strace $0x80000047;
	s1 =	sadd.s32 s15, s1;
	s15 =	sadd.s32 s22, s17  }
0x10: {  	s17 =	sadd.s32 s23, s17;
	s26 =	sadd.s32 s3, s25;
	s21 =	smax.u32 s21, $0x1  }
0x11: {  	s22 =	simm.s32 $0x0;
	s6 =	sadd.s32 s7, s6;
	[dreg:$0x8] =	wrdreg s17  }
0x12: {  	[dreg:$0xa] =	wrdreg s26;
	s30 =	sadd.s32 $0x1200, s1;
	s1 =	simm.s32 $0x6980  }
.Ltmp0:
0x13: {  	s17 =	simm.s32 $0x9B00;
	s6 =	sshrl.u32 s6, $0x3;
	(pc) =	sbr.rel .LBB2_1-.Ltmp0, $4  }
0x14: {  	[dreg:$0xb] =	wrdreg s30;
	s5 =	sadd.s32 s0, s6;
	s0 =	sadd.s32 s23, s19  }
0x15: {  	s19 =	simm.s32 $0x9D00;
	s6 =	sadd.s32 $0x100, s5;
	s7 =	sadd.s32 $0x200, s5  }
0x16: {  	v1 =	vimm.s32 $0x0;
	s8 =	sadd.s32 $0x300, s5;
	s9 =	sadd.s32 $0x400, s5;
	s10 =	sadd.s32 $0x500, s5  }
0x17: {  	v2 =	vlaneseq.u32;
	v3 =	vimm.f32 $-2.000000000e+00;
	v0 =	vmov s28;
	s11 =	sadd.s32 $0x600, s5;
	[dreg:$0x9] =	wrdreg s0;
	s0 =	simm.s32 $0x3800  }
.LBB2_28:
0x18: {  	[spmem:s15] =	stream.linear.scatter [tilespmem:s17], [sflag:$0x2], $0x20, $0x38;
	[tilespmem:$0xB0D0] =	vst v63  }
0x19: {  	_ =	swait.ge [sflag:s31], $0x20  }
0x1a: {  	[sflag:s31] =	ssyncset.done $0x0  }
0x1b: {  	[sflag:s31] =	ssyncadd.s32 $0xFFFFFFE0  }
0x1c: {  	[spmem:s16] =	stream.linear.scatter [tilespmem:s18], [sflag:$0x2], $0x20, $0x38;
	[tilespmem:$0xB0D0] =	vst v63  }
.Ltmp1:
0x1d: {  	_ =	swait.ge [sflag:s31], $0x20;
	(pc) =	sbr.rel @!p0 .LBB2_29-.Ltmp1, $3  }
0x1e: {  	[sflag:s31] =	ssyncset.done $0x0  }
0x1f: {  	[sflag:s31] =	ssyncadd.s32 $0xFFFFFFE0  }
0x20: {  	[bflag:$0x0] =	sbarrier.arrive $0xFFFF;
	_ =	sdelay $0x1  }
.LBB2_32:
0x21: {  	s22 =	sadd.s32 $0x1, s22  }
0x22: {  	p1 =	sne.s32 s22, s21  }
.Ltmp2:
0x23: {  	_ = 	snop;
	(pc) =	sbr.rel @!p1 .LBB2_33-.Ltmp2, $1  }
0x24: {  	_ =	sdelay $0x3  }
.LBB2_1:
0x25: {  	[tilespmem:s4], [sflag:$0x1] =	stream.linear.gather [hbm4b:s5+s4], $0x800, $0x38;
	[tilespmem:$0xB0D0] =	vst v63  }
0x26: {  	s3 =	simm.s32 $0x800  }
0x27: {  	[tilespmem:s3], [sflag:$0x1] =	stream.linear.gather [hbm4b:s6+s4], $0x800, $0x38;
	[tilespmem:$0xB0D0] =	vst v63  }
0x28: {  	s14 =	simm.s32 $0x1000  }
0x29: {  	[tilespmem:s14], [sflag:$0x1] =	stream.linear.gather [hbm4b:s7+s4], $0x800, $0x38;
	[tilespmem:$0xB0D0] =	vst v63  }
0x2a: {  	s23 =	simm.s32 $0x1800  }
0x2b: {  	[tilespmem:s23], [sflag:$0x1] =	stream.linear.gather [hbm4b:s8+s4], $0x800, $0x38;
	[tilespmem:$0xB0D0] =	vst v63  }
0x2c: {  	s25 =	simm.s32 $0x2000  }
0x2d: {  	[tilespmem:s25], [sflag:$0x1] =	stream.linear.gather [hbm4b:s9+s4], $0x800, $0x38;
	[tilespmem:$0xB0D0] =	vst v63  }
0x2e: {  	s26 =	simm.s32 $0x2800  }
0x2f: {  	[tilespmem:s26], [sflag:$0x1] =	stream.linear.gather [hbm4b:s10+s4], $0x800, $0x38;
	[tilespmem:$0xB0D0] =	vst v63  }
0x30: {  	s28 =	simm.s32 $0x3000  }
0x31: {  	[tilespmem:s28], [sflag:$0x1] =	stream.linear.gather [hbm4b:s11+s4], $0x800, $0x38;
	[tilespmem:$0xB0D0] =	vst v63  }
0x32: {  	_ =	swait.ge [sflag:s29], $0x800  }
0x33: {  	[sflag:s29] =	ssyncset.done $0x0  }
0x34: {  	s30 =	simm.s32 $0x30;
	[sflag:s29] =	ssyncadd.s32 $0xFFFFF800  }
0x35: {  	v4 =	vld [tilespmem:s30+$0x420]  }
0x36: {  	v5 =	vld [tilespmem:s30+$0x410]  }
0x37: {  	v6 =	vld [tilespmem:s30+$0x400]  }
0x38: {  	v7 =	vld [tilespmem:s30+$0x3F0]  }
0x39: {  	v8 =	vld [tilespmem:s30+$0x3E0]  }
0x3a: {  	v9 =	vld [tilespmem:s30+$0x3D0];
	_ =	sdelay $0x1  }
0x3b: {  	v13 =	vimm.s32 $0x0;
	v11 =	vld [tilespmem:s30+$0x30];
	vm0 =	vgt.f32 v4, $9.950000040e-01  }
0x3c: {  	v12 =	vld [tilespmem:s30+$0x20];
	vm14 =	vgt.f32 v5, $9.950000040e-01;
	vm9 =	vgt.f32 v5, $5.000000000e-01;
	vm15 =	vgt.f32 v7, $9.950000040e-01  }
0x3d: {  	vm2 =	vgt.f32 v6, $9.950000040e-01;
	vm10 =	vgt.f32 v6, $5.000000000e-01;
	vm1 =	vgt.f32 v8, $9.950000040e-01  }
0x3e: {  	vm12 =	vgt.f32 v8, $5.000000000e-01;
	vm11 =	vgt.f32 v7, $5.000000000e-01;
	vm5 =	vgt.f32 v9, $9.950000040e-01  }
0x3f: {  	v63 =	vld [tilespmem:s30+$0x10];
	v13 =	vsel vm0, $0xFFFFFFFF, v13;
	vm0 =	vgt.f32 v4, $5.000000000e-01;
	v4 =	vimm.s32 $0x0  }
0x40: {  	v10 =	vld [tilespmem:s30+$0x40];
	vm3 =	vgt.f32 v9, $5.000000000e-01;
	vm4 =	vgt.f32 v11, $9.950000040e-01;
	v4 =	vsel vm0, $0xFFFFFFFF, v4  }
0x41: {  	v14 =	vld [tilespmem:s30+$0x0];
	v5 =	vimm.s32 $0x0;
	vm7 =	vgt.f32 v12, $9.950000040e-01;
	[tilespmem:$0x1FFA0] =	vst v4;
	v4 =	vimm.s32 $0x0  }
0x42: {  	vm6 =	vgt.f32 v12, $5.000000000e-01;
	v8 =	vimm.s32 $0x0;
	[tilespmem:$0x1FF90] =	vst v13;
	v4 =	vsel vm3, $0xFFFFFFFF, v4  }
0x43: {  	v8 =	vsel vm6, $0xFFFFFFFF, v8;
	vm3 =	vgt.f32 v11, $5.000000000e-01;
	[tilespmem:$0x1FFB0] =	vst v4;
	v4 =	vimm.s32 $0x0  }
0x44: {  	vm8 =	vgt.f32 v63, $5.000000000e-01;
	v9 =	vimm.s32 $0x0;
	[tilespmem:$0x1FFE0] =	vst v8;
	v4 =	vsel vm3, $0xFFFFFFFF, v4  }
0x45: {  	v7 =	vld [tilespmem:s30+$0xFFFFFFF0];
	v9 =	vsel vm8, $0xFFFFFFFF, v9;
	vm3 =	vgt.f32 v10, $5.000000000e-01;
	[tilespmem:$0x1FFC0] =	vst v4;
	v4 =	vimm.s32 $0x0  }
0x46: {  	v6 =	vld [tilespmem:s30+$0xFFFFFFE0];
	vm13 =	vgt.f32 v14, $5.000000000e-01;
	vm6 =	vgt.f32 v14, $9.950000040e-01;
	[tilespmem:$0x1FFF0] =	vst v9;
	v4 =	vsel vm3, $0xFFFFFFFF, v4  }
0x47: {  	s14 =	simm.s32 $0x2C0;
	vm0 =	vgt.f32 v10, $9.950000040e-01;
	v8 =	vld [tilespmem:s30+$0xFFFFFFD0];
	vm3 =	vgt.f32 v63, $9.950000040e-01;
	[tilespmem:$0x1FFD0] =	vst v4;
	v4 =	vimm.s32 $0x0  }
.LBB2_2:
0x48: {  	v9 =	vimm.s32 $0x0  }
0x49: {  	v9 =	vsel vm12, $0xFFFFFFFF, v9  }
0x4a: {  	[tilespmem:$0x1FF50] =	vst v9;
	v9 =	vimm.s32 $0x0  }
0x4b: {  	v9 =	vsel vm11, $0xFFFFFFFF, v9  }
0x4c: {  	[tilespmem:$0x1FF60] =	vst v9;
	v9 =	vimm.s32 $0x0  }
0x4d: {  	v9 =	vsel vm10, $0xFFFFFFFF, v9  }
0x4e: {  	[tilespmem:$0x1FF70] =	vst v9;
	v9 =	vimm.s32 $0x0  }
0x4f: {  	v9 =	vsel vm9, $0xFFFFFFFF, v9  }
0x50: {  	[tilespmem:$0x1FF80] =	vst v9;
	v9 =	vld [tilespmem:$0x1FFA0];
	_ =	sdelay $0x2  }
0x51: {  	v12 =	vsel vm7, $0x1, v1;
	vm11 =	vgt.f32 v8, $9.950000040e-01  }
0x52: {  	vm10 =	vgt.f32 v7, $5.000000000e-01;
	v18 =	vsel vm11, $0x1, v1;
	vm9 =	vgt.f32 v7, $9.950000040e-01  }
0x53: {  	v7 =	vimm.s32 $0x0;
	vm8 =	vnez.u8 v9;
	v9 =	vimm.s32 $0x0  }
0x54: {  	v7 =	vsel vm10, $0xFFFFFFFF, v7;
	v9 =	vsel vm8, $0xFFFFFFFF, v9;
	vm8 =	vgt.f32 v6, $9.950000040e-01  }
0x55: {  	v13 =	vsel vm4, $0x1, v1;
	v4 =	vadd.s32 v18, v4;
	[tilespmem:$0x1FF40] =	vst v7;
	v20 =	vsel vm8, $0x1, v1  }
0x56: {  	v14 =	vsel vm0, $0x1, v1;
	v15 =	vsel vm9, $0x1, v1;
	v48 =	vld [tilespmem:$0x1FF40];
	v4 =	vadd.s32 v20, v4  }
0x57: {  	v16 =	vsel vm6, $0x1, v1;
	v17 =	vsel vm3, $0x1, v1;
	v4 =	vadd.s32 v15, v4  }
0x58: {  	v49 =	vsel vm13, $0x1, v1;
	v50 =	vld [tilespmem:$0x1FFF0];
	vm10 =	vgt.f32 v8, $5.000000000e-01;
	v4 =	vadd.s32 v16, v4  }
0x59: {  	v52 =	vld [tilespmem:$0x1FFE0];
	vm12 =	vgt.f32 v6, $5.000000000e-01;
	v19 =	vsel vm10, $0x1, v1;
	v4 =	vadd.s32 v17, v4  }
0x5a: {  	v54 =	vld [tilespmem:$0x1FFC0];
	v47 =	vsel vm12, $0x1, v1;
	v5 =	vadd.s32 v19, v5;
	v4 =	vadd.s32 v12, v4  }
0x5b: {  	v56 =	vld [tilespmem:$0x1FFD0];
	v5 =	vadd.s32 v47, v5;
	vm0 =	vnez.u8 v48;
	v4 =	vadd.s32 v13, v4  }
0x5c: {  	v58 =	vld [tilespmem:$0x1FFB0];
	[tilespmem:$0x1FFA0] =	vst v9;
	v9 =	vsel vm5, $0x1, v1;
	v18 =	vsel vm0, $0x1, v1;
	v4 =	vadd.s32 v14, v4  }
0x5d: {  	vm0 =	vnez.u8 v50;
	v5 =	vadd.s32 v18, v5;
	v4 =	vadd.s32 v9, v4;
	v9 =	vld [tilespmem:$0x1FF50]  }
0x5e: {  	v15 =	vsel vm0, $0x1, v1;
	vm0 =	vnez.u8 v52;
	v5 =	vadd.s32 v49, v5  }
0x5f: {  	v5 =	vadd.s32 v15, v5;
	v15 =	vsel vm0, $0x1, v1;
	vm0 =	vnez.u8 v54  }
0x60: {  	v5 =	vadd.s32 v15, v5;
	v12 =	vsel vm0, $0x1, v1;
	vm0 =	vnez.u8 v56  }
0x61: {  	v5 =	vadd.s32 v12, v5;
	v12 =	vsel vm0, $0x1, v1;
	vm0 =	vnez.u8 v58  }
0x62: {  	v5 =	vadd.s32 v12, v5;
	v12 =	vsel vm0, $0x1, v1;
	vm0 =	vnez.u8 v9  }
0x63: {  	v5 =	vadd.s32 v12, v5;
	v9 =	vsel vm0, $0x1, v1  }
0x64: {  	v5 =	vadd.s32 v9, v5;
	v9 =	vld [tilespmem:$0x1FF60]  }
0x65: {  	s23 =	sshra.s32 s14, $0x2  }
0x66: {  	v53 =	vld [tilespmem:s23+$0x410]  }
0x67: {  	v57 =	vld [tilespmem:s23+$0x3F0]  }
0x68: {  	v59 =	vld [tilespmem:s23+$0x3E0]  }
0x69: {  	v10 =	vsel vm1, $0x1, v1;
	v60 =	vld [tilespmem:s23+$0x3D0];
	vm0 =	vnez.u8 v9  }
0x6a: {  	v11 =	vsel vm15, $0x1, v1;
	v62 =	vld [tilespmem:s23+$0x0];
	v4 =	vadd.s32 v10, v4;
	v9 =	vsel vm0, $0x1, v1  }
0x6b: {  	v6 =	vsel vm2, $0x1, v1;
	v4 =	vadd.s32 v11, v4;
	v5 =	vadd.s32 v9, v5;
	v9 =	vld [tilespmem:$0x1FF70]  }
0x6c: {  	v4 =	vadd.s32 v6, v4;
	v6 =	vld [tilespmem:$0x1FF80];
	_ =	sdelay $0x1  }
0x6d: {  	v63 =	vimm.s32 $0x0;
	vm15 =	vgt.f32 v57, $9.950000040e-01;
	v8 =	vld [tilespmem:$0x1FF90]  }
0x6e: {  	v61 =	vld [tilespmem:s23+$0x10];
	vm1 =	vgt.f32 v59, $9.950000040e-01;
	vm12 =	vgt.f32 v59, $5.000000000e-01;
	vm11 =	vgt.f32 v57, $5.000000000e-01  }
0x6f: {  	vm3 =	vgt.f32 v60, $5.000000000e-01;
	vm13 =	vgt.f32 v62, $5.000000000e-01;
	v10 =	vld [tilespmem:s23+$0x40];
	vm0 =	vnez.u8 v9  }
0x70: {  	vm9 =	vgt.f32 v53, $5.000000000e-01;
	v11 =	vld [tilespmem:s23+$0x30];
	v9 =	vsel vm0, $0x1, v1;
	vm0 =	vnez.u8 v6  }
0x71: {  	v7 =	vsel vm14, $0x1, v1;
	v5 =	vadd.s32 v9, v5;
	v6 =	vsel vm0, $0x1, v1;
	v9 =	vld [tilespmem:s23+$0x20]  }
0x72: {  	vm14 =	vgt.f32 v53, $9.950000040e-01;
	vm2 =	vnez.u8 v8;
	v5 =	vadd.s32 v6, v5;
	v6 =	vld [tilespmem:$0x1FFA0]  }
0x73: {  	v51 =	vld [tilespmem:s23+$0x420];
	v8 =	vsel vm2, $0x1, v1;
	vm8 =	vgt.f32 v61, $5.000000000e-01;
	v4 =	vadd.s32 v7, v4  }
0x74: {  	v12 =	vsel vm3, $0xFFFFFFFF, v63;
	v7 =	vimm.s32 $0x0;
	v4 =	vadd.s32 v8, v4  }
0x75: {  	vm4 =	vgt.f32 v11, $9.950000040e-01;
	vm3 =	vgt.f32 v11, $5.000000000e-01;
	v11 =	vimm.s32 $0x0  }
0x76: {  	v11 =	vsel vm3, $0xFFFFFFFF, v11;
	vm3 =	vgt.f32 v10, $5.000000000e-01;
	vm7 =	vgt.f32 v9, $9.950000040e-01  }
0x77: {  	v55 =	vld [tilespmem:s23+$0x400];
	[tilespmem:$0x1FFB0] =	vst v12;
	vm6 =	vgt.f32 v9, $5.000000000e-01;
	v9 =	vimm.s32 $0x0;
	vm0 =	vnez.u8 v6  }
0x78: {  	p1 =	sne.s32 s14, $0xEC0;
	[tilespmem:$0x1FFC0] =	vst v11;
	v9 =	vsel vm6, $0xFFFFFFFF, v9;
	v6 =	vsel vm0, $0x1, v1;
	vm0 =	vgt.f32 v51, $9.950000040e-01  }
.Ltmp3:
0x79: {  	[tilespmem:$0x1FFE0] =	vst v9;
	v9 =	vimm.s32 $0x0;
	v7 =	vsel vm0, $0xFFFFFFFF, v7;
	v5 =	vadd.s32 v6, v5;
	(pc) =	sbr.rel @p1 .LBB2_2-.Ltmp3, $4  }
0x7a: {  	vm0 =	vgt.f32 v51, $5.000000000e-01;
	v6 =	vimm.s32 $0x0;
	v9 =	vsel vm8, $0xFFFFFFFF, v9;
	[tilespmem:$0x1FF90] =	vst v7  }
0x7b: {  	v8 =	vld [tilespmem:s23+$0xFFFFFFD0];
	v6 =	vsel vm0, $0xFFFFFFFF, v6;
	vm0 =	vgt.f32 v10, $9.950000040e-01;
	v10 =	vimm.s32 $0x0;
	[tilespmem:$0x1FFF0] =	vst v9  }
0x7c: {  	vm10 =	vgt.f32 v55, $5.000000000e-01;
	vm2 =	vgt.f32 v55, $9.950000040e-01;
	v7 =	vld [tilespmem:s23+$0xFFFFFFF0];
	[tilespmem:$0x1FFA0] =	vst v6;
	v10 =	vsel vm3, $0xFFFFFFFF, v10  }
0x7d: {  	s14 =	sadd.s32 $0x200, s14;
	vm5 =	vgt.f32 v60, $9.950000040e-01;
	vm6 =	vgt.f32 v62, $9.950000040e-01;
	v6 =	vld [tilespmem:s23+$0xFFFFFFE0];
	vm3 =	vgt.f32 v61, $9.950000040e-01;
	[tilespmem:$0x1FFD0] =	vst v10  }
0x7e: {  	v11 =	vld [tilespmem:$0x1FF90];
	_ =	sdelay $0x2  }
0x7f: {  	v9 =	vsel vm2, $0x1, v1  }
0x80: {  	v13 =	vsel vm1, $0x1, v1;
	v16 =	vsel vm4, $0x1, v1;
	v17 =	vsel vm0, $0x1, v1  }
0x81: {  	vm4 =	vgt.f32 v8, $5.000000000e-01;
	vm0 =	vgt.f32 v7, $5.000000000e-01;
	vm2 =	vnez.u8 v11  }
0x82: {  	v19 =	vsel vm4, $0x1, v1;
	v11 =	vsel vm2, $0x1, v1;
	vm2 =	vgt.f32 v7, $9.950000040e-01  }
0x83: {  	vm1 =	vgt.f32 v6, $9.950000040e-01;
	v7 =	vsel vm2, $0x1, v1;
	vm2 =	vgt.f32 v8, $9.950000040e-01  }
0x84: {  	v8 =	vsel vm3, $0x1, v1;
	vm3 =	vgt.f32 v6, $5.000000000e-01;
	v6 =	vsel vm2, $0x1, v1  }
0x85: {  	v5 =	vadd.s32 v19, v5;
	v4 =	vadd.s32 v6, v4;
	v6 =	vsel vm3, $0x1, v1  }
0x86: {  	v5 =	vadd.s32 v6, v5;
	v6 =	vsel vm0, $0x1, v1  }
0x87: {  	_ =	swait.ge [sflag:s29], $0x800;
	v5 =	vadd.s32 v6, v5;
	v6 =	vsel vm13, $0x1, v1  }
0x88: {  	v5 =	vadd.s32 v6, v5;
	v6 =	vld [tilespmem:$0x1FFF0];
	_ =	sdelay $0x4  }
0x89: {  	vm0 =	vnez.u8 v6  }
0x8a: {  	v6 =	vsel vm0, $0x1, v1  }
0x8b: {  	v5 =	vadd.s32 v6, v5;
	v6 =	vld [tilespmem:$0x1FFE0];
	_ =	sdelay $0x4  }
0x8c: {  	vm0 =	vnez.u8 v6  }
0x8d: {  	v6 =	vsel vm0, $0x1, v1  }
0x8e: {  	v5 =	vadd.s32 v6, v5;
	v6 =	vld [tilespmem:$0x1FFC0];
	_ =	sdelay $0x4  }
0x8f: {  	vm0 =	vnez.u8 v6  }
0x90: {  	v6 =	vsel vm0, $0x1, v1  }
0x91: {  	v5 =	vadd.s32 v6, v5;
	v6 =	vld [tilespmem:$0x1FFD0];
	_ =	sdelay $0x4  }
0x92: {  	vm0 =	vnez.u8 v6  }
0x93: {  	v6 =	vsel vm0, $0x1, v1  }
0x94: {  	v5 =	vadd.s32 v6, v5;
	v6 =	vld [tilespmem:$0x1FFB0];
	_ =	sdelay $0x1  }
0x95: {  	v20 =	vsel vm1, $0x1, v1  }
0x96: {  	v4 =	vadd.s32 v20, v4  }
0x97: {  	v18 =	vsel vm6, $0x1, v1;
	v4 =	vadd.s32 v7, v4  }
0x98: {  	v12 =	vsel vm5, $0x1, v1;
	s14 =	simm.s32 $0x800;
	v4 =	vadd.s32 v18, v4;
	vm0 =	vnez.u8 v6  }
0x99: {  	v15 =	vsel vm7, $0x1, v1;
	[sflag:s29] =	ssyncset.done $0x0;
	s3 =	sand.u32 $0x3FFFF800, s14;
	v4 =	vadd.s32 v8, v4;
	v6 =	vsel vm0, $0x1, v1  }
0x9a: {  	[sflag:s29] =	ssyncadd.s32 $0xFFFFF800;
	s3 =	sadd.s32 $0x0, s3;
	v4 =	vadd.s32 v15, v4;
	v5 =	vadd.s32 v6, v5;
	v6 =	vsel vm12, $0x1, v1  }
0x9b: {  	v59 =	vld [tilespmem:s3+$0x430];
	v4 =	vadd.s32 v16, v4;
	v5 =	vadd.s32 v6, v5;
	v6 =	vsel vm11, $0x1, v1  }
0x9c: {  	v61 =	vld [tilespmem:s3+$0x410];
	v4 =	vadd.s32 v17, v4;
	v5 =	vadd.s32 v6, v5;
	v6 =	vsel vm10, $0x1, v1  }
0x9d: {  	v7 =	vld [tilespmem:s3+$0x450];
	v4 =	vadd.s32 v12, v4;
	v5 =	vadd.s32 v6, v5;
	v6 =	vsel vm9, $0x1, v1  }
0x9e: {  	v14 =	vsel vm15, $0x1, v1;
	v4 =	vadd.s32 v13, v4;
	v5 =	vadd.s32 v6, v5;
	v6 =	vld [tilespmem:$0x1FFA0]  }
0x9f: {  	v4 =	vadd.s32 v14, v4  }
0xa0: {  	v10 =	vsel vm14, $0x1, v1;
	v62 =	vld [tilespmem:s3+$0x400];
	v4 =	vadd.s32 v9, v4  }
0xa1: {  	v4 =	vadd.s32 v10, v4;
	v10 =	vld [tilespmem:s3+$0x60]  }
0xa2: {  	v63 =	vld [tilespmem:s3+$0x70];
	vm14 =	vgt.f32 v59, $9.950000040e-01;
	vm1 =	vgt.f32 v61, $9.950000040e-01;
	vm7 =	vgt.f32 v7, $5.000000000e-01  }
0xa3: {  	v8 =	vld [tilespmem:s3+$0x440];
	v4 =	vadd.s32 v11, v4;
	vm11 =	vgt.f32 v7, $9.950000040e-01;
	vm0 =	vnez.u8 v6  }
0xa4: {  	v11 =	vld [tilespmem:s3+$0x50];
	v7 =	vimm.s32 $0x0;
	v6 =	vsel vm0, $0x1, v1;
	vm0 =	vgt.f32 v61, $5.000000000e-01  }
0xa5: {  	vm4 =	vgt.f32 v62, $9.950000040e-01;
	vm2 =	vgt.f32 v62, $5.000000000e-01;
	v7 =	vsel vm0, $0xFFFFFFFF, v7  }
0xa6: {  	v60 =	vld [tilespmem:s3+$0x420];
	vm3 =	vgt.f32 v10, $5.000000000e-01;
	v5 =	vadd.s32 v6, v5;
	[tilespmem:$0x1FEF0] =	vst v7;
	v7 =	vimm.s32 $0x0  }
0xa7: {  	v6 =	vld [tilespmem:s3+$0x40];
	v7 =	vsel vm2, $0xFFFFFFFF, v7;
	vm2 =	vgt.f32 v10, $9.950000040e-01;
	v10 =	vimm.s32 $0x0  }
0xa8: {  	vm13 =	vgt.f32 v8, $9.950000040e-01;
	vm8 =	vgt.f32 v8, $5.000000000e-01;
	v10 =	vsel vm3, $0xFFFFFFFF, v10  }
0xa9: {  	v8 =	vld [tilespmem:s3+$0x20];
	vm6 =	vgt.f32 v11, $9.950000040e-01;
	vm3 =	vgt.f32 v63, $5.000000000e-01;
	[tilespmem:$0x1FF10] =	vst v10;
	v10 =	vimm.s32 $0x0  }
0xaa: {  	v9 =	vld [tilespmem:s3+$0x30];
	[tilespmem:$0x1FF00] =	vst v7;
	v10 =	vsel vm3, $0xFFFFFFFF, v10;
	vm3 =	vgt.f32 v11, $5.000000000e-01;
	v11 =	vimm.s32 $0x0  }
0xab: {  	vm12 =	vgt.f32 v60, $9.950000040e-01;
	vm10 =	vgt.f32 v60, $5.000000000e-01;
	v7 =	vld [tilespmem:s3+$0x10];
	[tilespmem:$0x1FF20] =	vst v10;
	v11 =	vsel vm3, $0xFFFFFFFF, v11  }
0xac: {  	s23 =	simm.s32 $0x200;
	vm9 =	vgt.f32 v59, $5.000000000e-01;
	vm0 =	vgt.f32 v63, $9.950000040e-01;
	vm15 =	vgt.f32 v6, $9.950000040e-01;
	v10 =	vld [tilespmem:s3+$0x0];
	[tilespmem:$0x1FF30] =	vst v11  }
.LBB2_4:
0xad: {  	v11 =	vimm.s32 $0x0  }
0xae: {  	v11 =	vsel vm10, $0xFFFFFFFF, v11  }
0xaf: {  	[tilespmem:$0x1FEB0] =	vst v11;
	v11 =	vimm.s32 $0x0  }
0xb0: {  	v11 =	vsel vm9, $0xFFFFFFFF, v11  }
0xb1: {  	[tilespmem:$0x1FEC0] =	vst v11;
	v11 =	vimm.s32 $0x0  }
0xb2: {  	v11 =	vsel vm8, $0xFFFFFFFF, v11  }
0xb3: {  	vm3 =	vgt.f32 v9, $5.000000000e-01;
	vm9 =	vgt.f32 v8, $9.950000040e-01;
	[tilespmem:$0x1FED0] =	vst v11;
	v11 =	vimm.s32 $0x0  }
0xb4: {  	v11 =	vsel vm7, $0xFFFFFFFF, v11;
	vm7 =	vgt.f32 v9, $9.950000040e-01;
	v9 =	vimm.s32 $0x0  }
0xb5: {  	v9 =	vsel vm3, $0xFFFFFFFF, v9;
	vm3 =	vgt.f32 v6, $5.000000000e-01;
	v6 =	vimm.s32 $0x0  }
0xb6: {  	vm10 =	vgt.f32 v10, $9.950000040e-01;
	vm8 =	vgt.f32 v7, $9.950000040e-01;
	v6 =	vsel vm3, $0xFFFFFFFF, v6  }
0xb7: {  	v18 =	vsel vm10, $0x1, v1;
	vm3 =	vgt.f32 v8, $5.000000000e-01;
	[tilespmem:$0x1FEA0] =	vst v6;
	v6 =	vimm.s32 $0x0  }
0xb8: {  	v20 =	vsel vm8, $0x1, v1;
	v4 =	vadd.s32 v18, v4;
	v6 =	vsel vm3, $0xFFFFFFFF, v6  }
0xb9: {  	v12 =	vsel vm6, $0x1, v1;
	v15 =	vsel vm9, $0x1, v1;
	v4 =	vadd.s32 v20, v4;
	[tilespmem:$0x1FE80] =	vst v6  }
0xba: {  	v13 =	vsel vm2, $0x1, v1;
	v16 =	vsel vm7, $0x1, v1;
	v4 =	vadd.s32 v15, v4;
	[tilespmem:$0x1FE90] =	vst v9;
	v48 =	vld [tilespmem:$0x1FE80]  }
0xbb: {  	v17 =	vsel vm15, $0x1, v1;
	vm5 =	vgt.f32 v10, $5.000000000e-01;
	v4 =	vadd.s32 v16, v4;
	v49 =	vld [tilespmem:$0x1FE90]  }
0xbc: {  	v14 =	vsel vm0, $0x1, v1;
	v19 =	vsel vm5, $0x1, v1;
	v4 =	vadd.s32 v17, v4;
	v50 =	vld [tilespmem:$0x1FEA0]  }
0xbd: {  	v52 =	vld [tilespmem:$0x1FF30];
	v5 =	vadd.s32 v19, v5;
	vm3 =	vgt.f32 v7, $5.000000000e-01;
	v4 =	vadd.s32 v12, v4  }
0xbe: {  	v54 =	vld [tilespmem:$0x1FF10];
	v9 =	vsel vm4, $0x1, v1;
	v47 =	vsel vm3, $0x1, v1;
	v4 =	vadd.s32 v13, v4  }
0xbf: {  	v56 =	vld [tilespmem:$0x1FF20];
	v5 =	vadd.s32 v47, v5;
	v4 =	vadd.s32 v14, v4;
	vm0 =	vnez.u8 v48  }
0xc0: {  	v58 =	vld [tilespmem:$0x1FF00];
	v4 =	vadd.s32 v9, v4;
	v18 =	vsel vm0, $0x1, v1;
	vm0 =	vnez.u8 v49  }
0xc1: {  	v9 =	vld [tilespmem:$0x1FEF0];
	v5 =	vadd.s32 v18, v5;
	v15 =	vsel vm0, $0x1, v1;
	vm0 =	vnez.u8 v50  }
0xc2: {  	v5 =	vadd.s32 v15, v5;
	v15 =	vsel vm0, $0x1, v1;
	vm0 =	vnez.u8 v52  }
0xc3: {  	v5 =	vadd.s32 v15, v5;
	v15 =	vsel vm0, $0x1, v1;
	vm0 =	vnez.u8 v54  }
0xc4: {  	v5 =	vadd.s32 v15, v5;
	v12 =	vsel vm0, $0x1, v1;
	vm0 =	vnez.u8 v56  }
0xc5: {  	v5 =	vadd.s32 v12, v5;
	v12 =	vsel vm0, $0x1, v1;
	vm0 =	vnez.u8 v58  }
0xc6: {  	v5 =	vadd.s32 v12, v5;
	v12 =	vsel vm0, $0x1, v1;
	vm0 =	vnez.u8 v9  }
0xc7: {  	v5 =	vadd.s32 v12, v5;
	v9 =	vsel vm0, $0x1, v1  }
0xc8: {  	s14 =	sadd.s32 $0x100, s14;
	v5 =	vadd.s32 v9, v5;
	v9 =	vld [tilespmem:$0x1FEB0]  }
0xc9: {  	s25 =	sshra.s32 s23, $0x2;
	s3 =	sand.u32 $0x3FFFF800, s14  }
0xca: {  	s25 =	sadd.s32 s25, s3  }
0xcb: {  	v51 =	vld [tilespmem:s25+$0x450]  }
0xcc: {  	v53 =	vld [tilespmem:s25+$0x440]  }
0xcd: {  	v55 =	vld [tilespmem:s25+$0x430];
	v10 =	vsel vm1, $0x1, v1;
	vm0 =	vnez.u8 v9  }
0xce: {  	v57 =	vld [tilespmem:s25+$0x420];
	[tilespmem:$0x1FEE0] =	vst v11;
	v11 =	vsel vm12, $0x1, v1;
	v4 =	vadd.s32 v10, v4;
	v9 =	vsel vm0, $0x1, v1  }
0xcf: {  	v6 =	vsel vm14, $0x1, v1;
	v4 =	vadd.s32 v11, v4;
	v5 =	vadd.s32 v9, v5;
	v9 =	vld [tilespmem:$0x1FEC0]  }
0xd0: {  	v4 =	vadd.s32 v6, v4;
	v6 =	vld [tilespmem:$0x1FED0]  }
0xd1: {  	v59 =	vld [tilespmem:s25+$0x410]  }
0xd2: {  	v60 =	vld [tilespmem:s25+$0x400]  }
0xd3: {  	v62 =	vld [tilespmem:s25+$0x50]  }
0xd4: {  	v63 =	vimm.s32 $0x0;
	vm8 =	vgt.f32 v53, $5.000000000e-01;
	v11 =	vld [tilespmem:s25+$0x60];
	vm0 =	vnez.u8 v9  }
0xd5: {  	vm7 =	vgt.f32 v51, $5.000000000e-01;
	v9 =	vsel vm0, $0x1, v1;
	vm0 =	vnez.u8 v6  }
0xd6: {  	v61 =	vld [tilespmem:s25+$0x70];
	vm12 =	vgt.f32 v57, $9.950000040e-01;
	v5 =	vadd.s32 v9, v5;
	v6 =	vsel vm0, $0x1, v1  }
0xd7: {  	vm9 =	vgt.f32 v55, $5.000000000e-01;
	vm1 =	vgt.f32 v59, $9.950000040e-01;
	v5 =	vadd.s32 v6, v5;
	v6 =	vld [tilespmem:$0x1FEE0]  }
0xd8: {  	vm10 =	vgt.f32 v57, $5.000000000e-01;
	vm2 =	vgt.f32 v60, $5.000000000e-01;
	vm6 =	vgt.f32 v62, $9.950000040e-01  }
0xd9: {  	v8 =	vsel vm11, $0x1, v1;
	vm11 =	vgt.f32 v51, $9.950000040e-01;
	vm3 =	vgt.f32 v11, $5.000000000e-01  }
0xda: {  	v12 =	vsel vm2, $0xFFFFFFFF, v63;
	vm2 =	vgt.f32 v11, $9.950000040e-01;
	v11 =	vimm.s32 $0x0  }
0xdb: {  	vm4 =	vgt.f32 v60, $9.950000040e-01;
	v7 =	vsel vm13, $0x1, v1;
	v11 =	vsel vm3, $0xFFFFFFFF, v11  }
0xdc: {  	p1 =	sne.s32 s23, $0xE00;
	vm3 =	vgt.f32 v61, $5.000000000e-01;
	[tilespmem:$0x1FF10] =	vst v11;
	v11 =	vimm.s32 $0x0;
	vm0 =	vnez.u8 v6;
	v6 =	vld [tilespmem:s25+$0x40]  }
.Ltmp4:
0xdd: {  	v10 =	vimm.s32 $0x0;
	v4 =	vadd.s32 v7, v4;
	v11 =	vsel vm3, $0xFFFFFFFF, v11;
	(pc) =	sbr.rel @p1 .LBB2_4-.Ltmp4, $4  }
0xde: {  	v4 =	vadd.s32 v8, v4;
	v8 =	vld [tilespmem:s25+$0x20];
	vm3 =	vgt.f32 v62, $5.000000000e-01;
	[tilespmem:$0x1FF20] =	vst v11;
	v11 =	vimm.s32 $0x0  }
0xdf: {  	[tilespmem:$0x1FF00] =	vst v12;
	v11 =	vsel vm3, $0xFFFFFFFF, v11;
	v9 =	vld [tilespmem:s25+$0x30];
	v7 =	vsel vm0, $0x1, v1;
	vm0 =	vgt.f32 v59, $5.000000000e-01  }
0xe0: {  	vm13 =	vgt.f32 v53, $9.950000040e-01;
	[tilespmem:$0x1FF30] =	vst v11;
	v5 =	vadd.s32 v7, v5;
	v7 =	vld [tilespmem:s25+$0x10];
	v10 =	vsel vm0, $0xFFFFFFFF, v10  }
0xe1: {  	s23 =	sadd.s32 $0x200, s23;
	vm14 =	vgt.f32 v55, $9.950000040e-01;
	vm0 =	vgt.f32 v61, $9.950000040e-01;
	[tilespmem:$0x1FEF0] =	vst v10;
	v10 =	vld [tilespmem:s25+$0x0];
	vm15 =	vgt.f32 v6, $9.950000040e-01  }
0xe2: {  	v14 =	vsel vm4, $0x1, v1;
	v15 =	vsel vm1, $0x1, v1  }
0xe3: {  	vm4 =	vgt.f32 v6, $5.000000000e-01;
	v6 =	vsel vm6, $0x1, v1;
	v16 =	vsel vm2, $0x1, v1  }
0xe4: {  	v17 =	vsel vm0, $0x1, v1;
	vm2 =	vgt.f32 v8, $9.950000040e-01;
	vm0 =	vgt.f32 v8, $5.000000000e-01  }
0xe5: {  	vm3 =	vgt.f32 v9, $9.950000040e-01;
	vm1 =	vgt.f32 v9, $5.000000000e-01;
	v8 =	vsel vm2, $0x1, v1  }
0xe6: {  	vm5 =	vgt.f32 v7, $9.950000040e-01;
	v18 =	vsel vm3, $0x1, v1;
	vm6 =	vgt.f32 v7, $5.000000000e-01  }
0xe7: {  	vm2 =	vgt.f32 v10, $9.950000040e-01;
	vm3 =	vgt.f32 v10, $5.000000000e-01;
	v10 =	vsel vm15, $0x1, v1  }
0xe8: {  	v20 =	vsel vm5, $0x1, v1;
	v7 =	vsel vm2, $0x1, v1;
	v19 =	vsel vm3, $0x1, v1  }
0xe9: {  	v4 =	vadd.s32 v7, v4;
	v5 =	vadd.s32 v19, v5;
	v7 =	vsel vm6, $0x1, v1  }
0xea: {  	v4 =	vadd.s32 v20, v4;
	v5 =	vadd.s32 v7, v5;
	v7 =	vsel vm0, $0x1, v1  }
0xeb: {  	v4 =	vadd.s32 v8, v4;
	v5 =	vadd.s32 v7, v5;
	v7 =	vsel vm1, $0x1, v1  }
0xec: {  	_ =	swait.ge [sflag:s29], $0x800;
	v4 =	vadd.s32 v18, v4;
	v5 =	vadd.s32 v7, v5;
	v7 =	vsel vm4, $0x1, v1  }
0xed: {  	v4 =	vadd.s32 v10, v4;
	v5 =	vadd.s32 v7, v5;
	v7 =	vld [tilespmem:$0x1FF30]  }
0xee: {  	v4 =	vadd.s32 v6, v4;
	v6 =	vld [tilespmem:$0x1FF10];
	_ =	sdelay $0x3  }
0xef: {  	vm0 =	vnez.u8 v7  }
0xf0: {  	v7 =	vsel vm0, $0x1, v1;
	vm0 =	vnez.u8 v6  }
0xf1: {  	v5 =	vadd.s32 v7, v5;
	v6 =	vsel vm0, $0x1, v1  }
0xf2: {  	v5 =	vadd.s32 v6, v5;
	v6 =	vld [tilespmem:$0x1FF20];
	_ =	sdelay $0x4  }
0xf3: {  	s14 =	simm.s32 $0x1000;
	vm0 =	vnez.u8 v6  }
0xf4: {  	[sflag:s29] =	ssyncset.done $0x0;
	s3 =	sand.u32 $0x3FFFF800, s14;
	v6 =	vsel vm0, $0x1, v1  }
0xf5: {  	[sflag:s29] =	ssyncadd.s32 $0xFFFFF800;
	s3 =	sadd.s32 $0x0, s3;
	v5 =	vadd.s32 v6, v5;
	v6 =	vld [tilespmem:$0x1FF00]  }
0xf6: {  	v59 =	vld [tilespmem:s3+$0x420]  }
0xf7: {  	v60 =	vld [tilespmem:s3+$0x410]  }
0xf8: {  	v61 =	vld [tilespmem:s3+$0x400]  }
0xf9: {  	v62 =	vld [tilespmem:s3+$0x60]  }
0xfa: {  	v63 =	vld [tilespmem:s3+$0x50];
	vm0 =	vnez.u8 v6  }
0xfb: {  	v8 =	vld [tilespmem:s3+$0x440];
	v6 =	vsel vm0, $0x1, v1  }
0xfc: {  	v11 =	vsel vm14, $0x1, v1;
	v5 =	vadd.s32 v6, v5;
	v6 =	vld [tilespmem:$0x1FEF0]  }
0xfd: {  	v12 =	vsel vm13, $0x1, v1;
	v13 =	vsel vm11, $0x1, v1;
	v10 =	vld [tilespmem:s3+$0x430];
	v4 =	vadd.s32 v16, v4  }
0xfe: {  	v9 =	vsel vm12, $0x1, v1;
	vm12 =	vgt.f32 v59, $9.950000040e-01;
	v4 =	vadd.s32 v17, v4  }
0xff: {  	vm1 =	vgt.f32 v60, $9.950000040e-01;
	vm2 =	vgt.f32 v61, $5.000000000e-01;
	v4 =	vadd.s32 v14, v4;
	v7 =	vld [tilespmem:s3+$0x450]  }
0x100: {  	vm3 =	vgt.f32 v62, $5.000000000e-01;
	vm6 =	vgt.f32 v63, $9.950000040e-01;
	v4 =	vadd.s32 v15, v4  }
0x101: {  	vm13 =	vgt.f32 v8, $9.950000040e-01;
	v4 =	vadd.s32 v9, v4;
	vm0 =	vnez.u8 v6  }
0x102: {  	vm14 =	vgt.f32 v10, $9.950000040e-01;
	v4 =	vadd.s32 v11, v4;
	v11 =	vld [tilespmem:s3+$0x70];
	v6 =	vsel vm0, $0x1, v1  }
0x103: {  	v4 =	vadd.s32 v12, v4;
	v5 =	vadd.s32 v6, v5;
	v6 =	vsel vm10, $0x1, v1  }
0x104: {  	vm11 =	vgt.f32 v7, $9.950000040e-01;
	vm0 =	vgt.f32 v60, $5.000000000e-01;
	v5 =	vadd.s32 v6, v5  }
0x105: {  	v6 =	vsel vm9, $0x1, v1;
	vm9 =	vgt.f32 v10, $5.000000000e-01;
	v10 =	vimm.s32 $0x0  }
0x106: {  	v5 =	vadd.s32 v6, v5;
	v6 =	vsel vm8, $0x1, v1;
	v10 =	vsel vm3, $0xFFFFFFFF, v10  }
0x107: {  	vm3 =	vgt.f32 v11, $5.000000000e-01;
	v5 =	vadd.s32 v6, v5;
	v6 =	vsel vm7, $0x1, v1  }
0x108: {  	vm7 =	vgt.f32 v7, $5.000000000e-01;
	v7 =	vimm.s32 $0x0;
	v5 =	vadd.s32 v6, v5;
	v6 =	vld [tilespmem:s3+$0x40]  }
0x109: {  	[tilespmem:$0x1FE50] =	vst v10;
	v10 =	vimm.s32 $0x0;
	v7 =	vsel vm0, $0xFFFFFFFF, v7;
	vm0 =	vgt.f32 v11, $9.950000040e-01  }
0x10a: {  	v9 =	vld [tilespmem:s3+$0x30];
	v10 =	vsel vm3, $0xFFFFFFFF, v10;
	vm3 =	vgt.f32 v63, $5.000000000e-01;
	v11 =	vimm.s32 $0x0;
	[tilespmem:$0x1FE30] =	vst v7  }
0x10b: {  	vm8 =	vgt.f32 v8, $5.000000000e-01;
	v8 =	vld [tilespmem:s3+$0x20];
	v7 =	vimm.s32 $0x0;
	[tilespmem:$0x1FE60] =	vst v10;
	v11 =	vsel vm3, $0xFFFFFFFF, v11  }
0x10c: {  	vm4 =	vgt.f32 v61, $9.950000040e-01;
	v4 =	vadd.s32 v13, v4;
	v10 =	vld [tilespmem:s3+$0x0];
	v7 =	vsel vm2, $0xFFFFFFFF, v7;
	[tilespmem:$0x1FE70] =	vst v11  }
0x10d: {  	s23 =	simm.s32 $0x200;
	vm10 =	vgt.f32 v59, $5.000000000e-01;
	vm2 =	vgt.f32 v62, $9.950000040e-01;
	[tilespmem:$0x1FE40] =	vst v7;
	v7 =	vld [tilespmem:s3+$0x10];
	vm15 =	vgt.f32 v6, $9.950000040e-01  }
.LBB2_6:
0x10e: {  	v11 =	vimm.s32 $0x0  }
0x10f: {  	v11 =	vsel vm10, $0xFFFFFFFF, v11  }
0x110: {  	[tilespmem:$0x1FDF0] =	vst v11;
	v11 =	vimm.s32 $0x0  }
0x111: {  	v11 =	vsel vm9, $0xFFFFFFFF, v11  }
0x112: {  	[tilespmem:$0x1FE00] =	vst v11;
	v11 =	vimm.s32 $0x0  }
0x113: {  	v11 =	vsel vm8, $0xFFFFFFFF, v11  }
0x114: {  	vm3 =	vgt.f32 v9, $5.000000000e-01;
	vm9 =	vgt.f32 v8, $9.950000040e-01;
	[tilespmem:$0x1FE10] =	vst v11;
	v11 =	vimm.s32 $0x0  }
0x115: {  	v11 =	vsel vm7, $0xFFFFFFFF, v11;
	vm7 =	vgt.f32 v9, $9.950000040e-01;
	v9 =	vimm.s32 $0x0  }
0x116: {  	v9 =	vsel vm3, $0xFFFFFFFF, v9;
	vm3 =	vgt.f32 v6, $5.000000000e-01;
	v6 =	vimm.s32 $0x0  }
0x117: {  	vm10 =	vgt.f32 v10, $9.950000040e-01;
	vm8 =	vgt.f32 v7, $9.950000040e-01;
	v6 =	vsel vm3, $0xFFFFFFFF, v6  }
0x118: {  	v18 =	vsel vm10, $0x1, v1;
	vm3 =	vgt.f32 v8, $5.000000000e-01;
	[tilespmem:$0x1FDE0] =	vst v6;
	v6 =	vimm.s32 $0x0  }
0x119: {  	v20 =	vsel vm8, $0x1, v1;
	v4 =	vadd.s32 v18, v4;
	v6 =	vsel vm3, $0xFFFFFFFF, v6  }
0x11a: {  	v12 =	vsel vm6, $0x1, v1;
	v15 =	vsel vm9, $0x1, v1;
	v4 =	vadd.s32 v20, v4;
	[tilespmem:$0x1FDC0] =	vst v6  }
0x11b: {  	v13 =	vsel vm2, $0x1, v1;
	v16 =	vsel vm7, $0x1, v1;
	v4 =	vadd.s32 v15, v4;
	[tilespmem:$0x1FDD0] =	vst v9;
	v48 =	vld [tilespmem:$0x1FDC0]  }
0x11c: {  	v17 =	vsel vm15, $0x1, v1;
	vm5 =	vgt.f32 v10, $5.000000000e-01;
	v4 =	vadd.s32 v16, v4;
	v49 =	vld [tilespmem:$0x1FDD0]  }
0x11d: {  	v14 =	vsel vm0, $0x1, v1;
	v19 =	vsel vm5, $0x1, v1;
	v4 =	vadd.s32 v17, v4;
	v50 =	vld [tilespmem:$0x1FDE0]  }
0x11e: {  	v52 =	vld [tilespmem:$0x1FE70];
	v5 =	vadd.s32 v19, v5;
	vm3 =	vgt.f32 v7, $5.000000000e-01;
	v4 =	vadd.s32 v12, v4  }
0x11f: {  	v54 =	vld [tilespmem:$0x1FE50];
	v9 =	vsel vm4, $0x1, v1;
	v47 =	vsel vm3, $0x1, v1;
	v4 =	vadd.s32 v13, v4  }
0x120: {  	v56 =	vld [tilespmem:$0x1FE60];
	v5 =	vadd.s32 v47, v5;
	v4 =	vadd.s32 v14, v4;
	vm0 =	vnez.u8 v48  }
0x121: {  	v58 =	vld [tilespmem:$0x1FE40];
	v4 =	vadd.s32 v9, v4;
	v18 =	vsel vm0, $0x1, v1;
	vm0 =	vnez.u8 v49  }
0x122: {  	v9 =	vld [tilespmem:$0x1FE30];
	v5 =	vadd.s32 v18, v5;
	v15 =	vsel vm0, $0x1, v1;
	vm0 =	vnez.u8 v50  }
0x123: {  	v5 =	vadd.s32 v15, v5;
	v15 =	vsel vm0, $0x1, v1;
	vm0 =	vnez.u8 v52  }
0x124: {  	v5 =	vadd.s32 v15, v5;
	v15 =	vsel vm0, $0x1, v1;
	vm0 =	vnez.u8 v54  }
0x125: {  	v5 =	vadd.s32 v15, v5;
	v12 =	vsel vm0, $0x1, v1;
	vm0 =	vnez.u8 v56  }
0x126: {  	v5 =	vadd.s32 v12, v5;
	v12 =	vsel vm0, $0x1, v1;
	vm0 =	vnez.u8 v58  }
0x127: {  	v5 =	vadd.s32 v12, v5;
	v12 =	vsel vm0, $0x1, v1;
	vm0 =	vnez.u8 v9  }
0x128: {  	v5 =	vadd.s32 v12, v5;
	v9 =	vsel vm0, $0x1, v1  }
0x129: {  	s14 =	sadd.s32 $0x100, s14;
	v5 =	vadd.s32 v9, v5;
	v9 =	vld [tilespmem:$0x1FDF0]  }
0x12a: {  	s25 =	sshra.s32 s23, $0x2;
	s3 =	sand.u32 $0x3FFFF800, s14  }
0x12b: {  	s25 =	sadd.s32 s25, s3  }
0x12c: {  	v51 =	vld [tilespmem:s25+$0x450]  }
0x12d: {  	v53 =	vld [tilespmem:s25+$0x440]  }
0x12e: {  	v55 =	vld [tilespmem:s25+$0x430];
	v10 =	vsel vm1, $0x1, v1;
	vm0 =	vnez.u8 v9  }
0x12f: {  	v57 =	vld [tilespmem:s25+$0x420];
	[tilespmem:$0x1FE20] =	vst v11;
	v11 =	vsel vm12, $0x1, v1;
	v4 =	vadd.s32 v10, v4;
	v9 =	vsel vm0, $0x1, v1  }
0x130: {  	v6 =	vsel vm14, $0x1, v1;
	v4 =	vadd.s32 v11, v4;
	v5 =	vadd.s32 v9, v5;
	v9 =	vld [tilespmem:$0x1FE00]  }
0x131: {  	v4 =	vadd.s32 v6, v4;
	v6 =	vld [tilespmem:$0x1FE10]  }
0x132: {  	v59 =	vld [tilespmem:s25+$0x410]  }
0x133: {  	v60 =	vld [tilespmem:s25+$0x400]  }
0x134: {  	v62 =	vld [tilespmem:s25+$0x50]  }
0x135: {  	v63 =	vimm.s32 $0x0;
	vm8 =	vgt.f32 v53, $5.000000000e-01;
	v11 =	vld [tilespmem:s25+$0x60];
	vm0 =	vnez.u8 v9  }
0x136: {  	vm7 =	vgt.f32 v51, $5.000000000e-01;
	v9 =	vsel vm0, $0x1, v1;
	vm0 =	vnez.u8 v6  }
0x137: {  	v61 =	vld [tilespmem:s25+$0x70];
	vm12 =	vgt.f32 v57, $9.950000040e-01;
	v5 =	vadd.s32 v9, v5;
	v6 =	vsel vm0, $0x1, v1  }
0x138: {  	vm9 =	vgt.f32 v55, $5.000000000e-01;
	vm1 =	vgt.f32 v59, $9.950000040e-01;
	v5 =	vadd.s32 v6, v5;
	v6 =	vld [tilespmem:$0x1FE20]  }
0x139: {  	vm10 =	vgt.f32 v57, $5.000000000e-01;
	vm2 =	vgt.f32 v60, $5.000000000e-01;
	vm6 =	vgt.f32 v62, $9.950000040e-01  }
0x13a: {  	v8 =	vsel vm11, $0x1, v1;
	vm11 =	vgt.f32 v51, $9.950000040e-01;
	vm3 =	vgt.f32 v11, $5.000000000e-01  }
0x13b: {  	v12 =	vsel vm2, $0xFFFFFFFF, v63;
	vm2 =	vgt.f32 v11, $9.950000040e-01;
	v11 =	vimm.s32 $0x0  }
0x13c: {  	vm4 =	vgt.f32 v60, $9.950000040e-01;
	v7 =	vsel vm13, $0x1, v1;
	v11 =	vsel vm3, $0xFFFFFFFF, v11  }
0x13d: {  	p1 =	sne.s32 s23, $0xE00;
	vm3 =	vgt.f32 v61, $5.000000000e-01;
	[tilespmem:$0x1FE50] =	vst v11;
	v11 =	vimm.s32 $0x0;
	vm0 =	vnez.u8 v6;
	v6 =	vld [tilespmem:s25+$0x40]  }
.Ltmp5:
0x13e: {  	v10 =	vimm.s32 $0x0;
	v4 =	vadd.s32 v7, v4;
	v11 =	vsel vm3, $0xFFFFFFFF, v11;
	(pc) =	sbr.rel @p1 .LBB2_6-.Ltmp5, $4  }
0x13f: {  	v4 =	vadd.s32 v8, v4;
	v8 =	vld [tilespmem:s25+$0x20];
	vm3 =	vgt.f32 v62, $5.000000000e-01;
	[tilespmem:$0x1FE60] =	vst v11;
	v11 =	vimm.s32 $0x0  }
0x140: {  	[tilespmem:$0x1FE40] =	vst v12;
	v11 =	vsel vm3, $0xFFFFFFFF, v11;
	v9 =	vld [tilespmem:s25+$0x30];
	v7 =	vsel vm0, $0x1, v1;
	vm0 =	vgt.f32 v59, $5.000000000e-01  }
0x141: {  	vm13 =	vgt.f32 v53, $9.950000040e-01;
	[tilespmem:$0x1FE70] =	vst v11;
	v5 =	vadd.s32 v7, v5;
	v7 =	vld [tilespmem:s25+$0x10];
	v10 =	vsel vm0, $0xFFFFFFFF, v10  }
0x142: {  	s23 =	sadd.s32 $0x200, s23;
	vm14 =	vgt.f32 v55, $9.950000040e-01;
	vm0 =	vgt.f32 v61, $9.950000040e-01;
	[tilespmem:$0x1FE30] =	vst v10;
	v10 =	vld [tilespmem:s25+$0x0];
	vm15 =	vgt.f32 v6, $9.950000040e-01  }
0x143: {  	v14 =	vsel vm4, $0x1, v1;
	v15 =	vsel vm1, $0x1, v1  }
0x144: {  	vm4 =	vgt.f32 v6, $5.000000000e-01;
	v6 =	vsel vm6, $0x1, v1;
	v16 =	vsel vm2, $0x1, v1  }
0x145: {  	v17 =	vsel vm0, $0x1, v1;
	vm2 =	vgt.f32 v8, $9.950000040e-01;
	vm0 =	vgt.f32 v8, $5.000000000e-01  }
0x146: {  	vm3 =	vgt.f32 v9, $9.950000040e-01;
	vm1 =	vgt.f32 v9, $5.000000000e-01;
	v8 =	vsel vm2, $0x1, v1  }
0x147: {  	vm5 =	vgt.f32 v7, $9.950000040e-01;
	v18 =	vsel vm3, $0x1, v1;
	vm6 =	vgt.f32 v7, $5.000000000e-01  }
0x148: {  	vm2 =	vgt.f32 v10, $9.950000040e-01;
	vm3 =	vgt.f32 v10, $5.000000000e-01;
	v10 =	vsel vm15, $0x1, v1  }
0x149: {  	v20 =	vsel vm5, $0x1, v1;
	v7 =	vsel vm2, $0x1, v1;
	v19 =	vsel vm3, $0x1, v1  }
0x14a: {  	v4 =	vadd.s32 v7, v4;
	v5 =	vadd.s32 v19, v5;
	v7 =	vsel vm6, $0x1, v1  }
0x14b: {  	v4 =	vadd.s32 v20, v4;
	v5 =	vadd.s32 v7, v5;
	v7 =	vsel vm0, $0x1, v1  }
0x14c: {  	v4 =	vadd.s32 v8, v4;
	v5 =	vadd.s32 v7, v5;
	v7 =	vsel vm1, $0x1, v1  }
0x14d: {  	_ =	swait.ge [sflag:s29], $0x800;
	v4 =	vadd.s32 v18, v4;
	v5 =	vadd.s32 v7, v5;
	v7 =	vsel vm4, $0x1, v1  }
0x14e: {  	v4 =	vadd.s32 v10, v4;
	v5 =	vadd.s32 v7, v5;
	v7 =	vld [tilespmem:$0x1FE70]  }
0x14f: {  	v4 =	vadd.s32 v6, v4;
	v6 =	vld [tilespmem:$0x1FE50];
	_ =	sdelay $0x3  }
0x150: {  	vm0 =	vnez.u8 v7  }
0x151: {  	v7 =	vsel vm0, $0x1, v1;
	vm0 =	vnez.u8 v6  }
0x152: {  	v5 =	vadd.s32 v7, v5;
	v6 =	vsel vm0, $0x1, v1  }
0x153: {  	v5 =	vadd.s32 v6, v5;
	v6 =	vld [tilespmem:$0x1FE60];
	_ =	sdelay $0x4  }
0x154: {  	s14 =	simm.s32 $0x1800;
	vm0 =	vnez.u8 v6  }
0x155: {  	[sflag:s29] =	ssyncset.done $0x0;
	s3 =	sand.u32 $0x3FFFF800, s14;
	v6 =	vsel vm0, $0x1, v1  }
0x156: {  	[sflag:s29] =	ssyncadd.s32 $0xFFFFF800;
	s3 =	sadd.s32 $0x0, s3;
	v5 =	vadd.s32 v6, v5;
	v6 =	vld [tilespmem:$0x1FE40]  }
0x157: {  	v59 =	vld [tilespmem:s3+$0x420]  }
0x158: {  	v60 =	vld [tilespmem:s3+$0x410]  }
0x159: {  	v61 =	vld [tilespmem:s3+$0x400]  }
0x15a: {  	v62 =	vld [tilespmem:s3+$0x60]  }
0x15b: {  	v63 =	vld [tilespmem:s3+$0x50];
	vm0 =	vnez.u8 v6  }
0x15c: {  	v8 =	vld [tilespmem:s3+$0x440];
	v6 =	vsel vm0, $0x1, v1  }
0x15d: {  	v11 =	vsel vm14, $0x1, v1;
	v5 =	vadd.s32 v6, v5;
	v6 =	vld [tilespmem:$0x1FE30]  }
0x15e: {  	v12 =	vsel vm13, $0x1, v1;
	v13 =	vsel vm11, $0x1, v1;
	v10 =	vld [tilespmem:s3+$0x430];
	v4 =	vadd.s32 v16, v4  }
0x15f: {  	v9 =	vsel vm12, $0x1, v1;
	vm12 =	vgt.f32 v59, $9.950000040e-01;
	v4 =	vadd.s32 v17, v4  }
0x160: {  	vm1 =	vgt.f32 v60, $9.950000040e-01;
	vm2 =	vgt.f32 v61, $5.000000000e-01;
	v4 =	vadd.s32 v14, v4;
	v7 =	vld [tilespmem:s3+$0x450]  }
0x161: {  	vm3 =	vgt.f32 v62, $5.000000000e-01;
	vm6 =	vgt.f32 v63, $9.950000040e-01;
	v4 =	vadd.s32 v15, v4  }
0x162: {  	vm13 =	vgt.f32 v8, $9.950000040e-01;
	v4 =	vadd.s32 v9, v4;
	vm0 =	vnez.u8 v6  }
0x163: {  	vm14 =	vgt.f32 v10, $9.950000040e-01;
	v4 =	vadd.s32 v11, v4;
	v11 =	vld [tilespmem:s3+$0x70];
	v6 =	vsel vm0, $0x1, v1  }
0x164: {  	v4 =	vadd.s32 v12, v4;
	v5 =	vadd.s32 v6, v5;
	v6 =	vsel vm10, $0x1, v1  }
0x165: {  	vm11 =	vgt.f32 v7, $9.950000040e-01;
	vm0 =	vgt.f32 v60, $5.000000000e-01;
	v5 =	vadd.s32 v6, v5  }
0x166: {  	v6 =	vsel vm9, $0x1, v1;
	vm9 =	vgt.f32 v10, $5.000000000e-01;
	v10 =	vimm.s32 $0x0  }
0x167: {  	v5 =	vadd.s32 v6, v5;
	v6 =	vsel vm8, $0x1, v1;
	v10 =	vsel vm3, $0xFFFFFFFF, v10  }
0x168: {  	vm3 =	vgt.f32 v11, $5.000000000e-01;
	v5 =	vadd.s32 v6, v5;
	v6 =	vsel vm7, $0x1, v1  }
0x169: {  	vm7 =	vgt.f32 v7, $5.000000000e-01;
	v7 =	vimm.s32 $0x0;
	v5 =	vadd.s32 v6, v5;
	v6 =	vld [tilespmem:s3+$0x40]  }
0x16a: {  	[tilespmem:$0x1FD90] =	vst v10;
	v10 =	vimm.s32 $0x0;
	v7 =	vsel vm0, $0xFFFFFFFF, v7;
	vm0 =	vgt.f32 v11, $9.950000040e-01  }
0x16b: {  	v9 =	vld [tilespmem:s3+$0x30];
	v10 =	vsel vm3, $0xFFFFFFFF, v10;
	vm3 =	vgt.f32 v63, $5.000000000e-01;
	v11 =	vimm.s32 $0x0;
	[tilespmem:$0x1FD70] =	vst v7  }
0x16c: {  	vm8 =	vgt.f32 v8, $5.000000000e-01;
	v8 =	vld [tilespmem:s3+$0x20];
	v7 =	vimm.s32 $0x0;
	[tilespmem:$0x1FDA0] =	vst v10;
	v11 =	vsel vm3, $0xFFFFFFFF, v11  }
0x16d: {  	vm4 =	vgt.f32 v61, $9.950000040e-01;
	v4 =	vadd.s32 v13, v4;
	v10 =	vld [tilespmem:s3+$0x0];
	v7 =	vsel vm2, $0xFFFFFFFF, v7;
	[tilespmem:$0x1FDB0] =	vst v11  }
0x16e: {  	s23 =	simm.s32 $0x200;
	vm10 =	vgt.f32 v59, $5.000000000e-01;
	vm2 =	vgt.f32 v62, $9.950000040e-01;
	[tilespmem:$0x1FD80] =	vst v7;
	v7 =	vld [tilespmem:s3+$0x10];
	vm15 =	vgt.f32 v6, $9.950000040e-01  }
.LBB2_8:
0x16f: {  	v11 =	vimm.s32 $0x0  }
0x170: {  	v11 =	vsel vm10, $0xFFFFFFFF, v11  }
0x171: {  	[tilespmem:$0x1FD30] =	vst v11;
	v11 =	vimm.s32 $0x0  }
0x172: {  	v11 =	vsel vm9, $0xFFFFFFFF, v11  }
0x173: {  	[tilespmem:$0x1FD40] =	vst v11;
	v11 =	vimm.s32 $0x0  }
0x174: {  	v11 =	vsel vm8, $0xFFFFFFFF, v11  }
0x175: {  	vm3 =	vgt.f32 v9, $5.000000000e-01;
	vm9 =	vgt.f32 v8, $9.950000040e-01;
	[tilespmem:$0x1FD50] =	vst v11;
	v11 =	vimm.s32 $0x0  }
0x176: {  	v11 =	vsel vm7, $0xFFFFFFFF, v11;
	vm7 =	vgt.f32 v9, $9.950000040e-01;
	v9 =	vimm.s32 $0x0  }
0x177: {  	v9 =	vsel vm3, $0xFFFFFFFF, v9;
	vm3 =	vgt.f32 v6, $5.000000000e-01;
	v6 =	vimm.s32 $0x0  }
0x178: {  	vm10 =	vgt.f32 v10, $9.950000040e-01;
	vm8 =	vgt.f32 v7, $9.950000040e-01;
	v6 =	vsel vm3, $0xFFFFFFFF, v6  }
0x179: {  	v18 =	vsel vm10, $0x1, v1;
	vm3 =	vgt.f32 v8, $5.000000000e-01;
	[tilespmem:$0x1FD20] =	vst v6;
	v6 =	vimm.s32 $0x0  }
0x17a: {  	v20 =	vsel vm8, $0x1, v1;
	v4 =	vadd.s32 v18, v4;
	v6 =	vsel vm3, $0xFFFFFFFF, v6  }
0x17b: {  	v12 =	vsel vm6, $0x1, v1;
	v15 =	vsel vm9, $0x1, v1;
	v4 =	vadd.s32 v20, v4;
	[tilespmem:$0x1FD00] =	vst v6  }
0x17c: {  	v13 =	vsel vm2, $0x1, v1;
	v16 =	vsel vm7, $0x1, v1;
	v4 =	vadd.s32 v15, v4;
	[tilespmem:$0x1FD10] =	vst v9;
	v48 =	vld [tilespmem:$0x1FD00]  }
0x17d: {  	v17 =	vsel vm15, $0x1, v1;
	vm5 =	vgt.f32 v10, $5.000000000e-01;
	v4 =	vadd.s32 v16, v4;
	v49 =	vld [tilespmem:$0x1FD10]  }
0x17e: {  	v14 =	vsel vm0, $0x1, v1;
	v19 =	vsel vm5, $0x1, v1;
	v4 =	vadd.s32 v17, v4;
	v50 =	vld [tilespmem:$0x1FD20]  }
0x17f: {  	v52 =	vld [tilespmem:$0x1FDB0];
	v5 =	vadd.s32 v19, v5;
	vm3 =	vgt.f32 v7, $5.000000000e-01;
	v4 =	vadd.s32 v12, v4  }
0x180: {  	v54 =	vld [tilespmem:$0x1FD90];
	v9 =	vsel vm4, $0x1, v1;
	v47 =	vsel vm3, $0x1, v1;
	v4 =	vadd.s32 v13, v4  }
0x181: {  	v56 =	vld [tilespmem:$0x1FDA0];
	v5 =	vadd.s32 v47, v5;
	v4 =	vadd.s32 v14, v4;
	vm0 =	vnez.u8 v48  }
0x182: {  	v58 =	vld [tilespmem:$0x1FD80];
	v4 =	vadd.s32 v9, v4;
	v18 =	vsel vm0, $0x1, v1;
	vm0 =	vnez.u8 v49  }
0x183: {  	v9 =	vld [tilespmem:$0x1FD70];
	v5 =	vadd.s32 v18, v5;
	v15 =	vsel vm0, $0x1, v1;
	vm0 =	vnez.u8 v50  }
0x184: {  	v5 =	vadd.s32 v15, v5;
	v15 =	vsel vm0, $0x1, v1;
	vm0 =	vnez.u8 v52  }
0x185: {  	v5 =	vadd.s32 v15, v5;
	v15 =	vsel vm0, $0x1, v1;
	vm0 =	vnez.u8 v54  }
0x186: {  	v5 =	vadd.s32 v15, v5;
	v12 =	vsel vm0, $0x1, v1;
	vm0 =	vnez.u8 v56  }
0x187: {  	v5 =	vadd.s32 v12, v5;
	v12 =	vsel vm0, $0x1, v1;
	vm0 =	vnez.u8 v58  }
0x188: {  	v5 =	vadd.s32 v12, v5;
	v12 =	vsel vm0, $0x1, v1;
	vm0 =	vnez.u8 v9  }
0x189: {  	v5 =	vadd.s32 v12, v5;
	v9 =	vsel vm0, $0x1, v1  }
0x18a: {  	s14 =	sadd.s32 $0x100, s14;
	v5 =	vadd.s32 v9, v5;
	v9 =	vld [tilespmem:$0x1FD30]  }
0x18b: {  	s25 =	sshra.s32 s23, $0x2;
	s3 =	sand.u32 $0x3FFFF800, s14  }
0x18c: {  	s25 =	sadd.s32 s25, s3  }
0x18d: {  	v51 =	vld [tilespmem:s25+$0x450]  }
0x18e: {  	v53 =	vld [tilespmem:s25+$0x440]  }
0x18f: {  	v55 =	vld [tilespmem:s25+$0x430];
	v10 =	vsel vm1, $0x1, v1;
	vm0 =	vnez.u8 v9  }
0x190: {  	v57 =	vld [tilespmem:s25+$0x420];
	[tilespmem:$0x1FD60] =	vst v11;
	v11 =	vsel vm12, $0x1, v1;
	v4 =	vadd.s32 v10, v4;
	v9 =	vsel vm0, $0x1, v1  }
0x191: {  	v6 =	vsel vm14, $0x1, v1;
	v4 =	vadd.s32 v11, v4;
	v5 =	vadd.s32 v9, v5;
	v9 =	vld [tilespmem:$0x1FD40]  }
0x192: {  	v4 =	vadd.s32 v6, v4;
	v6 =	vld [tilespmem:$0x1FD50]  }
0x193: {  	v59 =	vld [tilespmem:s25+$0x410]  }
0x194: {  	v60 =	vld [tilespmem:s25+$0x400]  }
0x195: {  	v62 =	vld [tilespmem:s25+$0x50]  }
0x196: {  	v63 =	vimm.s32 $0x0;
	vm8 =	vgt.f32 v53, $5.000000000e-01;
	v11 =	vld [tilespmem:s25+$0x60];
	vm0 =	vnez.u8 v9  }
0x197: {  	vm7 =	vgt.f32 v51, $5.000000000e-01;
	v9 =	vsel vm0, $0x1, v1;
	vm0 =	vnez.u8 v6  }
0x198: {  	v61 =	vld [tilespmem:s25+$0x70];
	vm12 =	vgt.f32 v57, $9.950000040e-01;
	v5 =	vadd.s32 v9, v5;
	v6 =	vsel vm0, $0x1, v1  }
0x199: {  	vm9 =	vgt.f32 v55, $5.000000000e-01;
	vm1 =	vgt.f32 v59, $9.950000040e-01;
	v5 =	vadd.s32 v6, v5;
	v6 =	vld [tilespmem:$0x1FD60]  }
0x19a: {  	vm10 =	vgt.f32 v57, $5.000000000e-01;
	vm2 =	vgt.f32 v60, $5.000000000e-01;
	vm6 =	vgt.f32 v62, $9.950000040e-01  }
0x19b: {  	v8 =	vsel vm11, $0x1, v1;
	vm11 =	vgt.f32 v51, $9.950000040e-01;
	vm3 =	vgt.f32 v11, $5.000000000e-01  }
0x19c: {  	v12 =	vsel vm2, $0xFFFFFFFF, v63;
	vm2 =	vgt.f32 v11, $9.950000040e-01;
	v11 =	vimm.s32 $0x0  }
0x19d: {  	vm4 =	vgt.f32 v60, $9.950000040e-01;
	v7 =	vsel vm13, $0x1, v1;
	v11 =	vsel vm3, $0xFFFFFFFF, v11  }
0x19e: {  	p1 =	sne.s32 s23, $0xE00;
	vm3 =	vgt.f32 v61, $5.000000000e-01;
	[tilespmem:$0x1FD90] =	vst v11;
	v11 =	vimm.s32 $0x0;
	vm0 =	vnez.u8 v6;
	v6 =	vld [tilespmem:s25+$0x40]  }
.Ltmp6:
0x19f: {  	v10 =	vimm.s32 $0x0;
	v4 =	vadd.s32 v7, v4;
	v11 =	vsel vm3, $0xFFFFFFFF, v11;
	(pc) =	sbr.rel @p1 .LBB2_8-.Ltmp6, $4  }
0x1a0: {  	v4 =	vadd.s32 v8, v4;
	v8 =	vld [tilespmem:s25+$0x20];
	vm3 =	vgt.f32 v62, $5.000000000e-01;
	[tilespmem:$0x1FDA0] =	vst v11;
	v11 =	vimm.s32 $0x0  }
0x1a1: {  	[tilespmem:$0x1FD80] =	vst v12;
	v11 =	vsel vm3, $0xFFFFFFFF, v11;
	v9 =	vld [tilespmem:s25+$0x30];
	v7 =	vsel vm0, $0x1, v1;
	vm0 =	vgt.f32 v59, $5.000000000e-01  }
0x1a2: {  	vm13 =	vgt.f32 v53, $9.950000040e-01;
	[tilespmem:$0x1FDB0] =	vst v11;
	v5 =	vadd.s32 v7, v5;
	v7 =	vld [tilespmem:s25+$0x10];
	v10 =	vsel vm0, $0xFFFFFFFF, v10  }
0x1a3: {  	s23 =	sadd.s32 $0x200, s23;
	vm14 =	vgt.f32 v55, $9.950000040e-01;
	vm0 =	vgt.f32 v61, $9.950000040e-01;
	[tilespmem:$0x1FD70] =	vst v10;
	v10 =	vld [tilespmem:s25+$0x0];
	vm15 =	vgt.f32 v6, $9.950000040e-01  }
0x1a4: {  	v14 =	vsel vm4, $0x1, v1;
	v15 =	vsel vm1, $0x1, v1  }
0x1a5: {  	vm4 =	vgt.f32 v6, $5.000000000e-01;
	v6 =	vsel vm6, $0x1, v1;
	v16 =	vsel vm2, $0x1, v1  }
0x1a6: {  	v17 =	vsel vm0, $0x1, v1;
	vm2 =	vgt.f32 v8, $9.950000040e-01;
	vm0 =	vgt.f32 v8, $5.000000000e-01  }
0x1a7: {  	vm3 =	vgt.f32 v9, $9.950000040e-01;
	vm1 =	vgt.f32 v9, $5.000000000e-01;
	v8 =	vsel vm2, $0x1, v1  }
0x1a8: {  	vm5 =	vgt.f32 v7, $9.950000040e-01;
	v18 =	vsel vm3, $0x1, v1;
	vm6 =	vgt.f32 v7, $5.000000000e-01  }
0x1a9: {  	vm2 =	vgt.f32 v10, $9.950000040e-01;
	vm3 =	vgt.f32 v10, $5.000000000e-01;
	v10 =	vsel vm15, $0x1, v1  }
0x1aa: {  	v20 =	vsel vm5, $0x1, v1;
	v7 =	vsel vm2, $0x1, v1;
	v19 =	vsel vm3, $0x1, v1  }
0x1ab: {  	v4 =	vadd.s32 v7, v4;
	v5 =	vadd.s32 v19, v5;
	v7 =	vsel vm6, $0x1, v1  }
0x1ac: {  	v4 =	vadd.s32 v20, v4;
	v5 =	vadd.s32 v7, v5;
	v7 =	vsel vm0, $0x1, v1  }
0x1ad: {  	v4 =	vadd.s32 v8, v4;
	v5 =	vadd.s32 v7, v5;
	v7 =	vsel vm1, $0x1, v1  }
0x1ae: {  	_ =	swait.ge [sflag:s29], $0x800;
	v4 =	vadd.s32 v18, v4;
	v5 =	vadd.s32 v7, v5;
	v7 =	vsel vm4, $0x1, v1  }
0x1af: {  	v4 =	vadd.s32 v10, v4;
	v5 =	vadd.s32 v7, v5;
	v7 =	vld [tilespmem:$0x1FDB0]  }
0x1b0: {  	v4 =	vadd.s32 v6, v4;
	v6 =	vld [tilespmem:$0x1FD90];
	_ =	sdelay $0x3  }
0x1b1: {  	vm0 =	vnez.u8 v7  }
0x1b2: {  	v7 =	vsel vm0, $0x1, v1;
	vm0 =	vnez.u8 v6  }
0x1b3: {  	v5 =	vadd.s32 v7, v5;
	v6 =	vsel vm0, $0x1, v1  }
0x1b4: {  	v5 =	vadd.s32 v6, v5;
	v6 =	vld [tilespmem:$0x1FDA0];
	_ =	sdelay $0x4  }
0x1b5: {  	s14 =	simm.s32 $0x2000;
	vm0 =	vnez.u8 v6  }
0x1b6: {  	[sflag:s29] =	ssyncset.done $0x0;
	s3 =	sand.u32 $0x3FFFF800, s14;
	v6 =	vsel vm0, $0x1, v1  }
0x1b7: {  	[sflag:s29] =	ssyncadd.s32 $0xFFFFF800;
	s3 =	sadd.s32 $0x0, s3;
	v5 =	vadd.s32 v6, v5;
	v6 =	vld [tilespmem:$0x1FD80]  }
0x1b8: {  	v59 =	vld [tilespmem:s3+$0x420]  }
0x1b9: {  	v60 =	vld [tilespmem:s3+$0x410]  }
0x1ba: {  	v61 =	vld [tilespmem:s3+$0x400]  }
0x1bb: {  	v62 =	vld [tilespmem:s3+$0x60]  }
0x1bc: {  	v63 =	vld [tilespmem:s3+$0x50];
	vm0 =	vnez.u8 v6  }
0x1bd: {  	v8 =	vld [tilespmem:s3+$0x440];
	v6 =	vsel vm0, $0x1, v1  }
0x1be: {  	v11 =	vsel vm14, $0x1, v1;
	v5 =	vadd.s32 v6, v5;
	v6 =	vld [tilespmem:$0x1FD70]  }
0x1bf: {  	v12 =	vsel vm13, $0x1, v1;
	v13 =	vsel vm11, $0x1, v1;
	v10 =	vld [tilespmem:s3+$0x430];
	v4 =	vadd.s32 v16, v4  }
0x1c0: {  	v9 =	vsel vm12, $0x1, v1;
	vm12 =	vgt.f32 v59, $9.950000040e-01;
	v4 =	vadd.s32 v17, v4  }
0x1c1: {  	vm1 =	vgt.f32 v60, $9.950000040e-01;
	vm2 =	vgt.f32 v61, $5.000000000e-01;
	v4 =	vadd.s32 v14, v4;
	v7 =	vld [tilespmem:s3+$0x450]  }
0x1c2: {  	vm3 =	vgt.f32 v62, $5.000000000e-01;
	vm6 =	vgt.f32 v63, $9.950000040e-01;
	v4 =	vadd.s32 v15, v4  }
0x1c3: {  	vm13 =	vgt.f32 v8, $9.950000040e-01;
	v4 =	vadd.s32 v9, v4;
	vm0 =	vnez.u8 v6  }
0x1c4: {  	vm14 =	vgt.f32 v10, $9.950000040e-01;
	v4 =	vadd.s32 v11, v4;
	v11 =	vld [tilespmem:s3+$0x70];
	v6 =	vsel vm0, $0x1, v1  }
0x1c5: {  	v4 =	vadd.s32 v12, v4;
	v5 =	vadd.s32 v6, v5;
	v6 =	vsel vm10, $0x1, v1  }
0x1c6: {  	vm11 =	vgt.f32 v7, $9.950000040e-01;
	vm0 =	vgt.f32 v60, $5.000000000e-01;
	v5 =	vadd.s32 v6, v5  }
0x1c7: {  	v6 =	vsel vm9, $0x1, v1;
	vm9 =	vgt.f32 v10, $5.000000000e-01;
	v10 =	vimm.s32 $0x0  }
0x1c8: {  	v5 =	vadd.s32 v6, v5;
	v6 =	vsel vm8, $0x1, v1;
	v10 =	vsel vm3, $0xFFFFFFFF, v10  }
0x1c9: {  	vm3 =	vgt.f32 v11, $5.000000000e-01;
	v5 =	vadd.s32 v6, v5;
	v6 =	vsel vm7, $0x1, v1  }
0x1ca: {  	vm7 =	vgt.f32 v7, $5.000000000e-01;
	v7 =	vimm.s32 $0x0;
	v5 =	vadd.s32 v6, v5;
	v6 =	vld [tilespmem:s3+$0x40]  }
0x1cb: {  	[tilespmem:$0x1FCD0] =	vst v10;
	v10 =	vimm.s32 $0x0;
	v7 =	vsel vm0, $0xFFFFFFFF, v7;
	vm0 =	vgt.f32 v11, $9.950000040e-01  }
0x1cc: {  	v9 =	vld [tilespmem:s3+$0x30];
	v10 =	vsel vm3, $0xFFFFFFFF, v10;
	vm3 =	vgt.f32 v63, $5.000000000e-01;
	v11 =	vimm.s32 $0x0;
	[tilespmem:$0x1FCB0] =	vst v7  }
0x1cd: {  	vm8 =	vgt.f32 v8, $5.000000000e-01;
	v8 =	vld [tilespmem:s3+$0x20];
	v7 =	vimm.s32 $0x0;
	[tilespmem:$0x1FCE0] =	vst v10;
	v11 =	vsel vm3, $0xFFFFFFFF, v11  }
0x1ce: {  	vm4 =	vgt.f32 v61, $9.950000040e-01;
	v4 =	vadd.s32 v13, v4;
	v10 =	vld [tilespmem:s3+$0x0];
	v7 =	vsel vm2, $0xFFFFFFFF, v7;
	[tilespmem:$0x1FCF0] =	vst v11  }
0x1cf: {  	s23 =	simm.s32 $0x200;
	vm10 =	vgt.f32 v59, $5.000000000e-01;
	vm2 =	vgt.f32 v62, $9.950000040e-01;
	[tilespmem:$0x1FCC0] =	vst v7;
	v7 =	vld [tilespmem:s3+$0x10];
	vm15 =	vgt.f32 v6, $9.950000040e-01  }
.LBB2_10:
0x1d0: {  	v11 =	vimm.s32 $0x0  }
0x1d1: {  	v11 =	vsel vm10, $0xFFFFFFFF, v11  }
0x1d2: {  	[tilespmem:$0x1FC70] =	vst v11;
	v11 =	vimm.s32 $0x0  }
0x1d3: {  	v11 =	vsel vm9, $0xFFFFFFFF, v11  }
0x1d4: {  	[tilespmem:$0x1FC80] =	vst v11;
	v11 =	vimm.s32 $0x0  }
0x1d5: {  	v11 =	vsel vm8, $0xFFFFFFFF, v11  }
0x1d6: {  	vm3 =	vgt.f32 v9, $5.000000000e-01;
	vm9 =	vgt.f32 v8, $9.950000040e-01;
	[tilespmem:$0x1FC90] =	vst v11;
	v11 =	vimm.s32 $0x0  }
0x1d7: {  	v11 =	vsel vm7, $0xFFFFFFFF, v11;
	vm7 =	vgt.f32 v9, $9.950000040e-01;
	v9 =	vimm.s32 $0x0  }
0x1d8: {  	v9 =	vsel vm3, $0xFFFFFFFF, v9;
	vm3 =	vgt.f32 v6, $5.000000000e-01;
	v6 =	vimm.s32 $0x0  }
0x1d9: {  	vm10 =	vgt.f32 v10, $9.950000040e-01;
	vm8 =	vgt.f32 v7, $9.950000040e-01;
	v6 =	vsel vm3, $0xFFFFFFFF, v6  }
0x1da: {  	v18 =	vsel vm10, $0x1, v1;
	vm3 =	vgt.f32 v8, $5.000000000e-01;
	[tilespmem:$0x1FC60] =	vst v6;
	v6 =	vimm.s32 $0x0  }
0x1db: {  	v20 =	vsel vm8, $0x1, v1;
	v4 =	vadd.s32 v18, v4;
	v6 =	vsel vm3, $0xFFFFFFFF, v6  }
0x1dc: {  	v12 =	vsel vm6, $0x1, v1;
	v15 =	vsel vm9, $0x1, v1;
	v4 =	vadd.s32 v20, v4;
	[tilespmem:$0x1FC40] =	vst v6  }
0x1dd: {  	v13 =	vsel vm2, $0x1, v1;
	v16 =	vsel vm7, $0x1, v1;
	v4 =	vadd.s32 v15, v4;
	[tilespmem:$0x1FC50] =	vst v9;
	v48 =	vld [tilespmem:$0x1FC40]  }
0x1de: {  	v17 =	vsel vm15, $0x1, v1;
	vm5 =	vgt.f32 v10, $5.000000000e-01;
	v4 =	vadd.s32 v16, v4;
	v49 =	vld [tilespmem:$0x1FC50]  }
0x1df: {  	v14 =	vsel vm0, $0x1, v1;
	v19 =	vsel vm5, $0x1, v1;
	v4 =	vadd.s32 v17, v4;
	v50 =	vld [tilespmem:$0x1FC60]  }
0x1e0: {  	v52 =	vld [tilespmem:$0x1FCF0];
	v5 =	vadd.s32 v19, v5;
	vm3 =	vgt.f32 v7, $5.000000000e-01;
	v4 =	vadd.s32 v12, v4  }
0x1e1: {  	v54 =	vld [tilespmem:$0x1FCD0];
	v9 =	vsel vm4, $0x1, v1;
	v47 =	vsel vm3, $0x1, v1;
	v4 =	vadd.s32 v13, v4  }
0x1e2: {  	v56 =	vld [tilespmem:$0x1FCE0];
	v5 =	vadd.s32 v47, v5;
	v4 =	vadd.s32 v14, v4;
	vm0 =	vnez.u8 v48  }
0x1e3: {  	v58 =	vld [tilespmem:$0x1FCC0];
	v4 =	vadd.s32 v9, v4;
	v18 =	vsel vm0, $0x1, v1;
	vm0 =	vnez.u8 v49  }
0x1e4: {  	v9 =	vld [tilespmem:$0x1FCB0];
	v5 =	vadd.s32 v18, v5;
	v15 =	vsel vm0, $0x1, v1;
	vm0 =	vnez.u8 v50  }
0x1e5: {  	v5 =	vadd.s32 v15, v5;
	v15 =	vsel vm0, $0x1, v1;
	vm0 =	vnez.u8 v52  }
0x1e6: {  	v5 =	vadd.s32 v15, v5;
	v15 =	vsel vm0, $0x1, v1;
	vm0 =	vnez.u8 v54  }
0x1e7: {  	v5 =	vadd.s32 v15, v5;
	v12 =	vsel vm0, $0x1, v1;
	vm0 =	vnez.u8 v56  }
0x1e8: {  	v5 =	vadd.s32 v12, v5;
	v12 =	vsel vm0, $0x1, v1;
	vm0 =	vnez.u8 v58  }
0x1e9: {  	v5 =	vadd.s32 v12, v5;
	v12 =	vsel vm0, $0x1, v1;
	vm0 =	vnez.u8 v9  }
0x1ea: {  	v5 =	vadd.s32 v12, v5;
	v9 =	vsel vm0, $0x1, v1  }
0x1eb: {  	s14 =	sadd.s32 $0x100, s14;
	v5 =	vadd.s32 v9, v5;
	v9 =	vld [tilespmem:$0x1FC70]  }
0x1ec: {  	s25 =	sshra.s32 s23, $0x2;
	s3 =	sand.u32 $0x3FFFF800, s14  }
0x1ed: {  	s25 =	sadd.s32 s25, s3  }
0x1ee: {  	v51 =	vld [tilespmem:s25+$0x450]  }
0x1ef: {  	v53 =	vld [tilespmem:s25+$0x440]  }
0x1f0: {  	v55 =	vld [tilespmem:s25+$0x430];
	v10 =	vsel vm1, $0x1, v1;
	vm0 =	vnez.u8 v9  }
0x1f1: {  	v57 =	vld [tilespmem:s25+$0x420];
	[tilespmem:$0x1FCA0] =	vst v11;
	v11 =	vsel vm12, $0x1, v1;
	v4 =	vadd.s32 v10, v4;
	v9 =	vsel vm0, $0x1, v1  }
0x1f2: {  	v6 =	vsel vm14, $0x1, v1;
	v4 =	vadd.s32 v11, v4;
	v5 =	vadd.s32 v9, v5;
	v9 =	vld [tilespmem:$0x1FC80]  }
0x1f3: {  	v4 =	vadd.s32 v6, v4;
	v6 =	vld [tilespmem:$0x1FC90]  }
0x1f4: {  	v59 =	vld [tilespmem:s25+$0x410]  }
0x1f5: {  	v60 =	vld [tilespmem:s25+$0x400]  }
0x1f6: {  	v62 =	vld [tilespmem:s25+$0x50]  }
0x1f7: {  	v63 =	vimm.s32 $0x0;
	vm8 =	vgt.f32 v53, $5.000000000e-01;
	v11 =	vld [tilespmem:s25+$0x60];
	vm0 =	vnez.u8 v9  }
0x1f8: {  	vm7 =	vgt.f32 v51, $5.000000000e-01;
	v9 =	vsel vm0, $0x1, v1;
	vm0 =	vnez.u8 v6  }
0x1f9: {  	v61 =	vld [tilespmem:s25+$0x70];
	vm12 =	vgt.f32 v57, $9.950000040e-01;
	v5 =	vadd.s32 v9, v5;
	v6 =	vsel vm0, $0x1, v1  }
0x1fa: {  	vm9 =	vgt.f32 v55, $5.000000000e-01;
	vm1 =	vgt.f32 v59, $9.950000040e-01;
	v5 =	vadd.s32 v6, v5;
	v6 =	vld [tilespmem:$0x1FCA0]  }
0x1fb: {  	vm10 =	vgt.f32 v57, $5.000000000e-01;
	vm2 =	vgt.f32 v60, $5.000000000e-01;
	vm6 =	vgt.f32 v62, $9.950000040e-01  }
0x1fc: {  	v8 =	vsel vm11, $0x1, v1;
	vm11 =	vgt.f32 v51, $9.950000040e-01;
	vm3 =	vgt.f32 v11, $5.000000000e-01  }
0x1fd: {  	v12 =	vsel vm2, $0xFFFFFFFF, v63;
	vm2 =	vgt.f32 v11, $9.950000040e-01;
	v11 =	vimm.s32 $0x0  }
0x1fe: {  	vm4 =	vgt.f32 v60, $9.950000040e-01;
	v7 =	vsel vm13, $0x1, v1;
	v11 =	vsel vm3, $0xFFFFFFFF, v11  }
0x1ff: {  	p1 =	sne.s32 s23, $0xE00;
	vm3 =	vgt.f32 v61, $5.000000000e-01;
	[tilespmem:$0x1FCD0] =	vst v11;
	v11 =	vimm.s32 $0x0;
	vm0 =	vnez.u8 v6;
	v6 =	vld [tilespmem:s25+$0x40]  }
.Ltmp7:
0x200: {  	v10 =	vimm.s32 $0x0;
	v4 =	vadd.s32 v7, v4;
	v11 =	vsel vm3, $0xFFFFFFFF, v11;
	(pc) =	sbr.rel @p1 .LBB2_10-.Ltmp7, $4  }
0x201: {  	v4 =	vadd.s32 v8, v4;
	v8 =	vld [tilespmem:s25+$0x20];
	vm3 =	vgt.f32 v62, $5.000000000e-01;
	[tilespmem:$0x1FCE0] =	vst v11;
	v11 =	vimm.s32 $0x0  }
0x202: {  	[tilespmem:$0x1FCC0] =	vst v12;
	v11 =	vsel vm3, $0xFFFFFFFF, v11;
	v9 =	vld [tilespmem:s25+$0x30];
	v7 =	vsel vm0, $0x1, v1;
	vm0 =	vgt.f32 v59, $5.000000000e-01  }
0x203: {  	vm13 =	vgt.f32 v53, $9.950000040e-01;
	[tilespmem:$0x1FCF0] =	vst v11;
	v5 =	vadd.s32 v7, v5;
	v7 =	vld [tilespmem:s25+$0x10];
	v10 =	vsel vm0, $0xFFFFFFFF, v10  }
0x204: {  	s23 =	sadd.s32 $0x200, s23;
	vm14 =	vgt.f32 v55, $9.950000040e-01;
	vm0 =	vgt.f32 v61, $9.950000040e-01;
	[tilespmem:$0x1FCB0] =	vst v10;
	v10 =	vld [tilespmem:s25+$0x0];
	vm15 =	vgt.f32 v6, $9.950000040e-01  }
0x205: {  	v14 =	vsel vm4, $0x1, v1;
	v15 =	vsel vm1, $0x1, v1  }
0x206: {  	vm4 =	vgt.f32 v6, $5.000000000e-01;
	v6 =	vsel vm6, $0x1, v1;
	v16 =	vsel vm2, $0x1, v1  }
0x207: {  	v17 =	vsel vm0, $0x1, v1;
	vm2 =	vgt.f32 v8, $9.950000040e-01;
	vm0 =	vgt.f32 v8, $5.000000000e-01  }
0x208: {  	vm3 =	vgt.f32 v9, $9.950000040e-01;
	vm1 =	vgt.f32 v9, $5.000000000e-01;
	v8 =	vsel vm2, $0x1, v1  }
0x209: {  	vm5 =	vgt.f32 v7, $9.950000040e-01;
	v18 =	vsel vm3, $0x1, v1;
	vm6 =	vgt.f32 v7, $5.000000000e-01  }
0x20a: {  	vm2 =	vgt.f32 v10, $9.950000040e-01;
	vm3 =	vgt.f32 v10, $5.000000000e-01;
	v10 =	vsel vm15, $0x1, v1  }
0x20b: {  	v20 =	vsel vm5, $0x1, v1;
	v7 =	vsel vm2, $0x1, v1;
	v19 =	vsel vm3, $0x1, v1  }
0x20c: {  	v4 =	vadd.s32 v7, v4;
	v5 =	vadd.s32 v19, v5;
	v7 =	vsel vm6, $0x1, v1  }
0x20d: {  	v4 =	vadd.s32 v20, v4;
	v5 =	vadd.s32 v7, v5;
	v7 =	vsel vm0, $0x1, v1  }
0x20e: {  	v4 =	vadd.s32 v8, v4;
	v5 =	vadd.s32 v7, v5;
	v7 =	vsel vm1, $0x1, v1  }
0x20f: {  	_ =	swait.ge [sflag:s29], $0x800;
	v4 =	vadd.s32 v18, v4;
	v5 =	vadd.s32 v7, v5;
	v7 =	vsel vm4, $0x1, v1  }
0x210: {  	v4 =	vadd.s32 v10, v4;
	v5 =	vadd.s32 v7, v5;
	v7 =	vld [tilespmem:$0x1FCF0]  }
0x211: {  	v4 =	vadd.s32 v6, v4;
	v6 =	vld [tilespmem:$0x1FCD0];
	_ =	sdelay $0x3  }
0x212: {  	vm0 =	vnez.u8 v7  }
0x213: {  	v7 =	vsel vm0, $0x1, v1;
	vm0 =	vnez.u8 v6  }
0x214: {  	v5 =	vadd.s32 v7, v5;
	v6 =	vsel vm0, $0x1, v1  }
0x215: {  	v5 =	vadd.s32 v6, v5;
	v6 =	vld [tilespmem:$0x1FCE0];
	_ =	sdelay $0x4  }
0x216: {  	s14 =	simm.s32 $0x2800;
	vm0 =	vnez.u8 v6  }
0x217: {  	[sflag:s29] =	ssyncset.done $0x0;
	s3 =	sand.u32 $0x3FFFF800, s14;
	v6 =	vsel vm0, $0x1, v1  }
0x218: {  	[sflag:s29] =	ssyncadd.s32 $0xFFFFF800;
	s3 =	sadd.s32 $0x0, s3;
	v5 =	vadd.s32 v6, v5;
	v6 =	vld [tilespmem:$0x1FCC0]  }
0x219: {  	v59 =	vld [tilespmem:s3+$0x420]  }
0x21a: {  	v60 =	vld [tilespmem:s3+$0x410]  }
0x21b: {  	v61 =	vld [tilespmem:s3+$0x400]  }
0x21c: {  	v62 =	vld [tilespmem:s3+$0x60]  }
0x21d: {  	v63 =	vld [tilespmem:s3+$0x50];
	vm0 =	vnez.u8 v6  }
0x21e: {  	v8 =	vld [tilespmem:s3+$0x440];
	v6 =	vsel vm0, $0x1, v1  }
0x21f: {  	v11 =	vsel vm14, $0x1, v1;
	v5 =	vadd.s32 v6, v5;
	v6 =	vld [tilespmem:$0x1FCB0]  }
0x220: {  	v12 =	vsel vm13, $0x1, v1;
	v13 =	vsel vm11, $0x1, v1;
	v10 =	vld [tilespmem:s3+$0x430];
	v4 =	vadd.s32 v16, v4  }
0x221: {  	v9 =	vsel vm12, $0x1, v1;
	vm12 =	vgt.f32 v59, $9.950000040e-01;
	v4 =	vadd.s32 v17, v4  }
0x222: {  	vm1 =	vgt.f32 v60, $9.950000040e-01;
	vm2 =	vgt.f32 v61, $5.000000000e-01;
	v4 =	vadd.s32 v14, v4;
	v7 =	vld [tilespmem:s3+$0x450]  }
0x223: {  	vm3 =	vgt.f32 v62, $5.000000000e-01;
	vm6 =	vgt.f32 v63, $9.950000040e-01;
	v4 =	vadd.s32 v15, v4  }
0x224: {  	vm13 =	vgt.f32 v8, $9.950000040e-01;
	v4 =	vadd.s32 v9, v4;
	vm0 =	vnez.u8 v6  }
0x225: {  	vm14 =	vgt.f32 v10, $9.950000040e-01;
	v4 =	vadd.s32 v11, v4;
	v11 =	vld [tilespmem:s3+$0x70];
	v6 =	vsel vm0, $0x1, v1  }
0x226: {  	v4 =	vadd.s32 v12, v4;
	v5 =	vadd.s32 v6, v5;
	v6 =	vsel vm10, $0x1, v1  }
0x227: {  	vm11 =	vgt.f32 v7, $9.950000040e-01;
	vm0 =	vgt.f32 v60, $5.000000000e-01;
	v5 =	vadd.s32 v6, v5  }
0x228: {  	v6 =	vsel vm9, $0x1, v1;
	vm9 =	vgt.f32 v10, $5.000000000e-01;
	v10 =	vimm.s32 $0x0  }
0x229: {  	v5 =	vadd.s32 v6, v5;
	v6 =	vsel vm8, $0x1, v1;
	v10 =	vsel vm3, $0xFFFFFFFF, v10  }
0x22a: {  	vm3 =	vgt.f32 v11, $5.000000000e-01;
	v5 =	vadd.s32 v6, v5;
	v6 =	vsel vm7, $0x1, v1  }
0x22b: {  	vm7 =	vgt.f32 v7, $5.000000000e-01;
	v7 =	vimm.s32 $0x0;
	v5 =	vadd.s32 v6, v5;
	v6 =	vld [tilespmem:s3+$0x40]  }
0x22c: {  	[tilespmem:$0x1FC10] =	vst v10;
	v10 =	vimm.s32 $0x0;
	v7 =	vsel vm0, $0xFFFFFFFF, v7;
	vm0 =	vgt.f32 v11, $9.950000040e-01  }
0x22d: {  	v9 =	vld [tilespmem:s3+$0x30];
	v10 =	vsel vm3, $0xFFFFFFFF, v10;
	vm3 =	vgt.f32 v63, $5.000000000e-01;
	v11 =	vimm.s32 $0x0;
	[tilespmem:$0x1FBF0] =	vst v7  }
0x22e: {  	vm8 =	vgt.f32 v8, $5.000000000e-01;
	v8 =	vld [tilespmem:s3+$0x20];
	v7 =	vimm.s32 $0x0;
	[tilespmem:$0x1FC20] =	vst v10;
	v11 =	vsel vm3, $0xFFFFFFFF, v11  }
0x22f: {  	vm4 =	vgt.f32 v61, $9.950000040e-01;
	v4 =	vadd.s32 v13, v4;
	v10 =	vld [tilespmem:s3+$0x0];
	v7 =	vsel vm2, $0xFFFFFFFF, v7;
	[tilespmem:$0x1FC30] =	vst v11  }
0x230: {  	s23 =	simm.s32 $0x200;
	vm10 =	vgt.f32 v59, $5.000000000e-01;
	vm2 =	vgt.f32 v62, $9.950000040e-01;
	[tilespmem:$0x1FC00] =	vst v7;
	v7 =	vld [tilespmem:s3+$0x10];
	vm15 =	vgt.f32 v6, $9.950000040e-01  }
.LBB2_12:
0x231: {  	v11 =	vimm.s32 $0x0  }
0x232: {  	v11 =	vsel vm10, $0xFFFFFFFF, v11  }
0x233: {  	[tilespmem:$0x1FBB0] =	vst v11;
	v11 =	vimm.s32 $0x0  }
0x234: {  	v11 =	vsel vm9, $0xFFFFFFFF, v11  }
0x235: {  	[tilespmem:$0x1FBC0] =	vst v11;
	v11 =	vimm.s32 $0x0  }
0x236: {  	v11 =	vsel vm8, $0xFFFFFFFF, v11  }
0x237: {  	vm3 =	vgt.f32 v9, $5.000000000e-01;
	vm9 =	vgt.f32 v8, $9.950000040e-01;
	[tilespmem:$0x1FBD0] =	vst v11;
	v11 =	vimm.s32 $0x0  }
0x238: {  	v11 =	vsel vm7, $0xFFFFFFFF, v11;
	vm7 =	vgt.f32 v9, $9.950000040e-01;
	v9 =	vimm.s32 $0x0  }
0x239: {  	v9 =	vsel vm3, $0xFFFFFFFF, v9;
	vm3 =	vgt.f32 v6, $5.000000000e-01;
	v6 =	vimm.s32 $0x0  }
0x23a: {  	vm10 =	vgt.f32 v10, $9.950000040e-01;
	vm8 =	vgt.f32 v7, $9.950000040e-01;
	v6 =	vsel vm3, $0xFFFFFFFF, v6  }
0x23b: {  	v18 =	vsel vm10, $0x1, v1;
	vm3 =	vgt.f32 v8, $5.000000000e-01;
	[tilespmem:$0x1FBA0] =	vst v6;
	v6 =	vimm.s32 $0x0  }
0x23c: {  	v20 =	vsel vm8, $0x1, v1;
	v4 =	vadd.s32 v18, v4;
	v6 =	vsel vm3, $0xFFFFFFFF, v6  }
0x23d: {  	v12 =	vsel vm6, $0x1, v1;
	v15 =	vsel vm9, $0x1, v1;
	v4 =	vadd.s32 v20, v4;
	[tilespmem:$0x1FB80] =	vst v6  }
0x23e: {  	v13 =	vsel vm2, $0x1, v1;
	v16 =	vsel vm7, $0x1, v1;
	v4 =	vadd.s32 v15, v4;
	[tilespmem:$0x1FB90] =	vst v9;
	v48 =	vld [tilespmem:$0x1FB80]  }
0x23f: {  	v17 =	vsel vm15, $0x1, v1;
	vm5 =	vgt.f32 v10, $5.000000000e-01;
	v4 =	vadd.s32 v16, v4;
	v49 =	vld [tilespmem:$0x1FB90]  }
0x240: {  	v14 =	vsel vm0, $0x1, v1;
	v19 =	vsel vm5, $0x1, v1;
	v4 =	vadd.s32 v17, v4;
	v50 =	vld [tilespmem:$0x1FBA0]  }
0x241: {  	v52 =	vld [tilespmem:$0x1FC30];
	v5 =	vadd.s32 v19, v5;
	vm3 =	vgt.f32 v7, $5.000000000e-01;
	v4 =	vadd.s32 v12, v4  }
0x242: {  	v54 =	vld [tilespmem:$0x1FC10];
	v9 =	vsel vm4, $0x1, v1;
	v47 =	vsel vm3, $0x1, v1;
	v4 =	vadd.s32 v13, v4  }
0x243: {  	v56 =	vld [tilespmem:$0x1FC20];
	v5 =	vadd.s32 v47, v5;
	v4 =	vadd.s32 v14, v4;
	vm0 =	vnez.u8 v48  }
0x244: {  	v58 =	vld [tilespmem:$0x1FC00];
	v4 =	vadd.s32 v9, v4;
	v18 =	vsel vm0, $0x1, v1;
	vm0 =	vnez.u8 v49  }
0x245: {  	v9 =	vld [tilespmem:$0x1FBF0];
	v5 =	vadd.s32 v18, v5;
	v15 =	vsel vm0, $0x1, v1;
	vm0 =	vnez.u8 v50  }
0x246: {  	v5 =	vadd.s32 v15, v5;
	v15 =	vsel vm0, $0x1, v1;
	vm0 =	vnez.u8 v52  }
0x247: {  	v5 =	vadd.s32 v15, v5;
	v15 =	vsel vm0, $0x1, v1;
	vm0 =	vnez.u8 v54  }
0x248: {  	v5 =	vadd.s32 v15, v5;
	v12 =	vsel vm0, $0x1, v1;
	vm0 =	vnez.u8 v56  }
0x249: {  	v5 =	vadd.s32 v12, v5;
	v12 =	vsel vm0, $0x1, v1;
	vm0 =	vnez.u8 v58  }
0x24a: {  	v5 =	vadd.s32 v12, v5;
	v12 =	vsel vm0, $0x1, v1;
	vm0 =	vnez.u8 v9  }
0x24b: {  	v5 =	vadd.s32 v12, v5;
	v9 =	vsel vm0, $0x1, v1  }
0x24c: {  	s14 =	sadd.s32 $0x100, s14;
	v5 =	vadd.s32 v9, v5;
	v9 =	vld [tilespmem:$0x1FBB0]  }
0x24d: {  	s25 =	sshra.s32 s23, $0x2;
	s3 =	sand.u32 $0x3FFFF800, s14  }
0x24e: {  	s25 =	sadd.s32 s25, s3  }
0x24f: {  	v51 =	vld [tilespmem:s25+$0x450]  }
0x250: {  	v53 =	vld [tilespmem:s25+$0x440]  }
0x251: {  	v55 =	vld [tilespmem:s25+$0x430];
	v10 =	vsel vm1, $0x1, v1;
	vm0 =	vnez.u8 v9  }
0x252: {  	v57 =	vld [tilespmem:s25+$0x420];
	[tilespmem:$0x1FBE0] =	vst v11;
	v11 =	vsel vm12, $0x1, v1;
	v4 =	vadd.s32 v10, v4;
	v9 =	vsel vm0, $0x1, v1  }
0x253: {  	v6 =	vsel vm14, $0x1, v1;
	v4 =	vadd.s32 v11, v4;
	v5 =	vadd.s32 v9, v5;
	v9 =	vld [tilespmem:$0x1FBC0]  }
0x254: {  	v4 =	vadd.s32 v6, v4;
	v6 =	vld [tilespmem:$0x1FBD0]  }
0x255: {  	v59 =	vld [tilespmem:s25+$0x410]  }
0x256: {  	v60 =	vld [tilespmem:s25+$0x400]  }
0x257: {  	v62 =	vld [tilespmem:s25+$0x50]  }
0x258: {  	v63 =	vimm.s32 $0x0;
	vm8 =	vgt.f32 v53, $5.000000000e-01;
	v11 =	vld [tilespmem:s25+$0x60];
	vm0 =	vnez.u8 v9  }
0x259: {  	vm7 =	vgt.f32 v51, $5.000000000e-01;
	v9 =	vsel vm0, $0x1, v1;
	vm0 =	vnez.u8 v6  }
0x25a: {  	v61 =	vld [tilespmem:s25+$0x70];
	vm12 =	vgt.f32 v57, $9.950000040e-01;
	v5 =	vadd.s32 v9, v5;
	v6 =	vsel vm0, $0x1, v1  }
0x25b: {  	vm9 =	vgt.f32 v55, $5.000000000e-01;
	vm1 =	vgt.f32 v59, $9.950000040e-01;
	v5 =	vadd.s32 v6, v5;
	v6 =	vld [tilespmem:$0x1FBE0]  }
0x25c: {  	vm10 =	vgt.f32 v57, $5.000000000e-01;
	vm2 =	vgt.f32 v60, $5.000000000e-01;
	vm6 =	vgt.f32 v62, $9.950000040e-01  }
0x25d: {  	v8 =	vsel vm11, $0x1, v1;
	vm11 =	vgt.f32 v51, $9.950000040e-01;
	vm3 =	vgt.f32 v11, $5.000000000e-01  }
0x25e: {  	v12 =	vsel vm2, $0xFFFFFFFF, v63;
	vm2 =	vgt.f32 v11, $9.950000040e-01;
	v11 =	vimm.s32 $0x0  }
0x25f: {  	vm4 =	vgt.f32 v60, $9.950000040e-01;
	v7 =	vsel vm13, $0x1, v1;
	v11 =	vsel vm3, $0xFFFFFFFF, v11  }
0x260: {  	p1 =	sne.s32 s23, $0xE00;
	vm3 =	vgt.f32 v61, $5.000000000e-01;
	[tilespmem:$0x1FC10] =	vst v11;
	v11 =	vimm.s32 $0x0;
	vm0 =	vnez.u8 v6;
	v6 =	vld [tilespmem:s25+$0x40]  }
.Ltmp8:
0x261: {  	v10 =	vimm.s32 $0x0;
	v4 =	vadd.s32 v7, v4;
	v11 =	vsel vm3, $0xFFFFFFFF, v11;
	(pc) =	sbr.rel @p1 .LBB2_12-.Ltmp8, $4  }
0x262: {  	v4 =	vadd.s32 v8, v4;
	v8 =	vld [tilespmem:s25+$0x20];
	vm3 =	vgt.f32 v62, $5.000000000e-01;
	[tilespmem:$0x1FC20] =	vst v11;
	v11 =	vimm.s32 $0x0  }
0x263: {  	[tilespmem:$0x1FC00] =	vst v12;
	v11 =	vsel vm3, $0xFFFFFFFF, v11;
	v9 =	vld [tilespmem:s25+$0x30];
	v7 =	vsel vm0, $0x1, v1;
	vm0 =	vgt.f32 v59, $5.000000000e-01  }
0x264: {  	vm13 =	vgt.f32 v53, $9.950000040e-01;
	[tilespmem:$0x1FC30] =	vst v11;
	v5 =	vadd.s32 v7, v5;
	v7 =	vld [tilespmem:s25+$0x10];
	v10 =	vsel vm0, $0xFFFFFFFF, v10  }
0x265: {  	s23 =	sadd.s32 $0x200, s23;
	vm14 =	vgt.f32 v55, $9.950000040e-01;
	vm0 =	vgt.f32 v61, $9.950000040e-01;
	[tilespmem:$0x1FBF0] =	vst v10;
	v10 =	vld [tilespmem:s25+$0x0];
	vm15 =	vgt.f32 v6, $9.950000040e-01  }
0x266: {  	v14 =	vsel vm4, $0x1, v1;
	v15 =	vsel vm1, $0x1, v1  }
0x267: {  	vm4 =	vgt.f32 v6, $5.000000000e-01;
	v6 =	vsel vm6, $0x1, v1;
	v16 =	vsel vm2, $0x1, v1  }
0x268: {  	v17 =	vsel vm0, $0x1, v1;
	vm2 =	vgt.f32 v8, $9.950000040e-01;
	vm0 =	vgt.f32 v8, $5.000000000e-01  }
0x269: {  	vm3 =	vgt.f32 v9, $9.950000040e-01;
	vm1 =	vgt.f32 v9, $5.000000000e-01;
	v8 =	vsel vm2, $0x1, v1  }
0x26a: {  	vm5 =	vgt.f32 v7, $9.950000040e-01;
	v18 =	vsel vm3, $0x1, v1;
	vm6 =	vgt.f32 v7, $5.000000000e-01  }
0x26b: {  	vm2 =	vgt.f32 v10, $9.950000040e-01;
	vm3 =	vgt.f32 v10, $5.000000000e-01;
	v10 =	vsel vm15, $0x1, v1  }
0x26c: {  	v20 =	vsel vm5, $0x1, v1;
	v7 =	vsel vm2, $0x1, v1;
	v19 =	vsel vm3, $0x1, v1  }
0x26d: {  	v4 =	vadd.s32 v7, v4;
	v5 =	vadd.s32 v19, v5;
	v7 =	vsel vm6, $0x1, v1  }
0x26e: {  	v4 =	vadd.s32 v20, v4;
	v5 =	vadd.s32 v7, v5;
	v7 =	vsel vm0, $0x1, v1  }
0x26f: {  	v4 =	vadd.s32 v8, v4;
	v5 =	vadd.s32 v7, v5;
	v7 =	vsel vm1, $0x1, v1  }
0x270: {  	_ =	swait.ge [sflag:s29], $0x800;
	v4 =	vadd.s32 v18, v4;
	v5 =	vadd.s32 v7, v5;
	v7 =	vsel vm4, $0x1, v1  }
0x271: {  	v4 =	vadd.s32 v10, v4;
	v5 =	vadd.s32 v7, v5;
	v7 =	vld [tilespmem:$0x1FC30]  }
0x272: {  	v4 =	vadd.s32 v6, v4;
	v6 =	vld [tilespmem:$0x1FC10];
	_ =	sdelay $0x3  }
0x273: {  	vm0 =	vnez.u8 v7  }
0x274: {  	v7 =	vsel vm0, $0x1, v1;
	vm0 =	vnez.u8 v6  }
0x275: {  	v5 =	vadd.s32 v7, v5;
	v6 =	vsel vm0, $0x1, v1  }
0x276: {  	v5 =	vadd.s32 v6, v5;
	v6 =	vld [tilespmem:$0x1FC20];
	_ =	sdelay $0x4  }
0x277: {  	vm0 =	vnez.u8 v6  }
0x278: {  	s14 =	simm.s32 $0x3000;
	v6 =	vsel vm0, $0x1, v1  }
0x279: {  	[sflag:s29] =	ssyncset.done $0x0;
	s3 =	sand.u32 $0x3FFFF800, s14;
	v5 =	vadd.s32 v6, v5;
	v6 =	vld [tilespmem:$0x1FC00]  }
0x27a: {  	[sflag:s29] =	ssyncadd.s32 $0xFFFFF800;
	s3 =	sadd.s32 $0x0, s3  }
0x27b: {  	v59 =	vld [tilespmem:s3+$0x420]  }
0x27c: {  	v60 =	vld [tilespmem:s3+$0x410]  }
0x27d: {  	v62 =	vld [tilespmem:s3+$0x60]  }
0x27e: {  	v63 =	vld [tilespmem:s3+$0x50];
	vm0 =	vnez.u8 v6  }
0x27f: {  	v8 =	vld [tilespmem:s3+$0x440];
	v6 =	vsel vm0, $0x1, v1  }
0x280: {  	v11 =	vsel vm14, $0x1, v1;
	v12 =	vsel vm13, $0x1, v1;
	v5 =	vadd.s32 v6, v5;
	v6 =	vld [tilespmem:$0x1FBF0]  }
0x281: {  	v13 =	vsel vm11, $0x1, v1;
	v61 =	vsel vm7, $0x1, v1;
	v10 =	vld [tilespmem:s3+$0x430];
	v4 =	vadd.s32 v16, v4  }
0x282: {  	v9 =	vsel vm12, $0x1, v1;
	vm12 =	vgt.f32 v59, $9.950000040e-01;
	v4 =	vadd.s32 v17, v4  }
0x283: {  	vm1 =	vgt.f32 v60, $9.950000040e-01;
	vm2 =	vgt.f32 v62, $9.950000040e-01;
	v4 =	vadd.s32 v14, v4  }
0x284: {  	vm6 =	vgt.f32 v62, $5.000000000e-01;
	vm5 =	vgt.f32 v63, $5.000000000e-01;
	v4 =	vadd.s32 v15, v4  }
0x285: {  	vm13 =	vgt.f32 v8, $9.950000040e-01;
	v4 =	vadd.s32 v9, v4;
	v9 =	vld [tilespmem:s3+$0x400];
	vm0 =	vnez.u8 v6  }
0x286: {  	vm14 =	vgt.f32 v10, $9.950000040e-01;
	vm7 =	vgt.f32 v10, $5.000000000e-01;
	v7 =	vld [tilespmem:s3+$0x450];
	v6 =	vsel vm0, $0x1, v1  }
0x287: {  	v4 =	vadd.s32 v11, v4;
	v11 =	vld [tilespmem:s3+$0x70];
	v5 =	vadd.s32 v6, v5;
	v6 =	vsel vm10, $0x1, v1  }
0x288: {  	v10 =	vimm.s32 $0x0;
	v5 =	vadd.s32 v6, v5;
	v6 =	vsel vm9, $0x1, v1  }
0x289: {  	v10 =	vsel vm6, $0xFFFFFFFF, v10;
	v5 =	vadd.s32 v6, v5;
	v6 =	vsel vm8, $0x1, v1  }
0x28a: {  	[tilespmem:$0x1FB50] =	vst v10;
	v10 =	vimm.s32 $0x0;
	v4 =	vadd.s32 v12, v4;
	v6 =	vadd.s32 v6, v5  }
0x28b: {  	vm4 =	vgt.f32 v9, $9.950000040e-01;
	v5 =	vadd.s32 v13, v4;
	v4 =	vadd.s32 v61, v6;
	v6 =	vld [tilespmem:s3+$0x40]  }
0x28c: {  	vm11 =	vgt.f32 v9, $5.000000000e-01;
	vm3 =	vgt.f32 v7, $5.000000000e-01;
	vm6 =	vgt.f32 v11, $5.000000000e-01  }
0x28d: {  	v9 =	vld [tilespmem:s3+$0x10];
	v10 =	vsel vm6, $0xFFFFFFFF, v10;
	vm0 =	vgt.f32 v8, $5.000000000e-01;
	v8 =	vimm.s32 $0x0  }
0x28e: {  	[tilespmem:$0x1FB60] =	vst v10;
	v10 =	vld [tilespmem:s3+$0x0];
	v8 =	vsel vm0, $0xFFFFFFFF, v8;
	vm0 =	vgt.f32 v11, $9.950000040e-01;
	v11 =	vimm.s32 $0x0  }
0x28f: {  	vm6 =	vgt.f32 v63, $9.950000040e-01;
	vm9 =	vgt.f32 v7, $9.950000040e-01;
	[tilespmem:$0x1FB40] =	vst v8;
	v7 =	vld [tilespmem:s3+$0x30];
	v11 =	vsel vm5, $0xFFFFFFFF, v11  }
0x290: {  	s23 =	simm.s32 $0x200;
	vm10 =	vgt.f32 v60, $5.000000000e-01;
	v8 =	vld [tilespmem:s3+$0x20];
	vm8 =	vgt.f32 v59, $5.000000000e-01;
	[tilespmem:$0x1FB70] =	vst v11;
	vm15 =	vgt.f32 v6, $9.950000040e-01  }
.LBB2_14:
0x291: {  	v11 =	vimm.s32 $0x0  }
0x292: {  	v11 =	vsel vm11, $0xFFFFFFFF, v11  }
0x293: {  	[tilespmem:$0x1FAF0] =	vst v11;
	v11 =	vimm.s32 $0x0  }
0x294: {  	v11 =	vsel vm10, $0xFFFFFFFF, v11  }
0x295: {  	[tilespmem:$0x1FB00] =	vst v11;
	v11 =	vimm.s32 $0x0  }
0x296: {  	v11 =	vsel vm8, $0xFFFFFFFF, v11  }
0x297: {  	[tilespmem:$0x1FB10] =	vst v11;
	v11 =	vimm.s32 $0x0  }
0x298: {  	v11 =	vsel vm7, $0xFFFFFFFF, v11  }
0x299: {  	vm7 =	vgt.f32 v7, $9.950000040e-01;
	[tilespmem:$0x1FB20] =	vst v11;
	v11 =	vimm.s32 $0x0  }
0x29a: {  	v11 =	vsel vm3, $0xFFFFFFFF, v11;
	vm3 =	vgt.f32 v7, $5.000000000e-01;
	v7 =	vimm.s32 $0x0  }
0x29b: {  	v7 =	vsel vm3, $0xFFFFFFFF, v7;
	vm3 =	vgt.f32 v6, $5.000000000e-01;
	v6 =	vimm.s32 $0x0  }
0x29c: {  	v6 =	vsel vm3, $0xFFFFFFFF, v6  }
0x29d: {  	v12 =	vsel vm6, $0x1, v1;
	vm5 =	vgt.f32 v8, $5.000000000e-01;
	[tilespmem:$0x1FAE0] =	vst v6;
	v6 =	vimm.s32 $0x0  }
0x29e: {  	v13 =	vsel vm2, $0x1, v1;
	v6 =	vsel vm5, $0xFFFFFFFF, v6;
	vm5 =	vgt.f32 v10, $9.950000040e-01  }
0x29f: {  	v14 =	vsel vm0, $0x1, v1;
	vm8 =	vgt.f32 v9, $9.950000040e-01;
	[tilespmem:$0x1FAC0] =	vst v6;
	v18 =	vsel vm5, $0x1, v1  }
0x2a0: {  	v20 =	vsel vm8, $0x1, v1;
	vm3 =	vgt.f32 v8, $9.950000040e-01;
	v5 =	vadd.s32 v18, v5;
	v49 =	vld [tilespmem:$0x1FAC0]  }
0x2a1: {  	v17 =	vsel vm15, $0x1, v1;
	[tilespmem:$0x1FAD0] =	vst v7;
	v15 =	vsel vm3, $0x1, v1;
	v5 =	vadd.s32 v20, v5  }
0x2a2: {  	vm10 =	vgt.f32 v10, $5.000000000e-01;
	v16 =	vsel vm7, $0x1, v1;
	v50 =	vld [tilespmem:$0x1FAD0];
	v5 =	vadd.s32 v15, v5  }
0x2a3: {  	vm11 =	vgt.f32 v9, $5.000000000e-01;
	v9 =	vsel vm4, $0x1, v1;
	v51 =	vld [tilespmem:$0x1FAE0];
	v5 =	vadd.s32 v16, v5  }
0x2a4: {  	v53 =	vld [tilespmem:$0x1FB70];
	v19 =	vsel vm10, $0x1, v1;
	v48 =	vsel vm11, $0x1, v1;
	v5 =	vadd.s32 v17, v5  }
0x2a5: {  	v55 =	vld [tilespmem:$0x1FB50];
	v4 =	vadd.s32 v19, v4;
	vm0 =	vnez.u8 v49;
	v5 =	vadd.s32 v12, v5  }
0x2a6: {  	v57 =	vld [tilespmem:$0x1FB60];
	v4 =	vadd.s32 v48, v4;
	v18 =	vsel vm0, $0x1, v1;
	v5 =	vadd.s32 v13, v5  }
0x2a7: {  	v59 =	vld [tilespmem:$0x1FAF0];
	vm0 =	vnez.u8 v50;
	v4 =	vadd.s32 v18, v4;
	v5 =	vadd.s32 v14, v5  }
0x2a8: {  	v15 =	vsel vm0, $0x1, v1;
	vm0 =	vnez.u8 v51;
	v5 =	vadd.s32 v9, v5;
	v9 =	vld [tilespmem:$0x1FB00]  }
0x2a9: {  	v4 =	vadd.s32 v15, v4;
	v15 =	vsel vm0, $0x1, v1;
	vm0 =	vnez.u8 v53  }
0x2aa: {  	v4 =	vadd.s32 v15, v4;
	v15 =	vsel vm0, $0x1, v1;
	vm0 =	vnez.u8 v55  }
0x2ab: {  	v4 =	vadd.s32 v15, v4;
	v12 =	vsel vm0, $0x1, v1;
	vm0 =	vnez.u8 v57  }
0x2ac: {  	v4 =	vadd.s32 v12, v4;
	v12 =	vsel vm0, $0x1, v1;
	vm0 =	vnez.u8 v59  }
0x2ad: {  	v4 =	vadd.s32 v12, v4;
	v12 =	vsel vm0, $0x1, v1;
	vm0 =	vnez.u8 v9  }
0x2ae: {  	v4 =	vadd.s32 v12, v4;
	v9 =	vsel vm0, $0x1, v1  }
0x2af: {  	v4 =	vadd.s32 v9, v4;
	v9 =	vld [tilespmem:$0x1FB10];
	_ =	sdelay $0x1  }
0x2b0: {  	s14 =	sadd.s32 $0x100, s14  }
0x2b1: {  	s25 =	sshra.s32 s23, $0x2;
	s3 =	sand.u32 $0x3FFFF800, s14  }
0x2b2: {  	s25 =	sadd.s32 s25, s3  }
0x2b3: {  	v56 =	vld [tilespmem:s25+$0x430];
	v10 =	vsel vm1, $0x1, v1;
	vm0 =	vnez.u8 v9  }
0x2b4: {  	v58 =	vld [tilespmem:s25+$0x420];
	[tilespmem:$0x1FB30] =	vst v11;
	v11 =	vsel vm12, $0x1, v1;
	v5 =	vadd.s32 v10, v5;
	v9 =	vsel vm0, $0x1, v1  }
0x2b5: {  	v6 =	vsel vm14, $0x1, v1;
	v5 =	vadd.s32 v11, v5;
	v4 =	vadd.s32 v9, v4;
	v9 =	vld [tilespmem:$0x1FB20]  }
0x2b6: {  	v5 =	vadd.s32 v6, v5;
	v6 =	vld [tilespmem:$0x1FB40]  }
0x2b7: {  	v60 =	vld [tilespmem:s25+$0x410]  }
0x2b8: {  	v61 =	vld [tilespmem:s25+$0x400]  }
0x2b9: {  	v52 =	vld [tilespmem:s25+$0x450]  }
0x2ba: {  	v54 =	vld [tilespmem:s25+$0x440];
	vm0 =	vnez.u8 v9  }
0x2bb: {  	vm7 =	vgt.f32 v56, $5.000000000e-01;
	v11 =	vld [tilespmem:s25+$0x60];
	v9 =	vsel vm0, $0x1, v1;
	vm0 =	vnez.u8 v6  }
0x2bc: {  	v62 =	vld [tilespmem:s25+$0x70];
	vm10 =	vgt.f32 v60, $5.000000000e-01;
	v4 =	vadd.s32 v9, v4;
	v6 =	vsel vm0, $0x1, v1  }
0x2bd: {  	vm8 =	vgt.f32 v58, $5.000000000e-01;
	vm4 =	vgt.f32 v61, $9.950000040e-01;
	v4 =	vadd.s32 v6, v4;
	v6 =	vld [tilespmem:$0x1FB30]  }
0x2be: {  	v63 =	vld [tilespmem:s25+$0x50];
	vm11 =	vgt.f32 v61, $5.000000000e-01;
	vm12 =	vgt.f32 v58, $9.950000040e-01;
	v7 =	vsel vm13, $0x1, v1  }
0x2bf: {  	v8 =	vsel vm9, $0x1, v1;
	vm9 =	vgt.f32 v52, $9.950000040e-01;
	vm13 =	vgt.f32 v54, $9.950000040e-01  }
0x2c0: {  	vm2 =	vgt.f32 v11, $9.950000040e-01;
	vm6 =	vgt.f32 v11, $5.000000000e-01;
	v11 =	vimm.s32 $0x0  }
0x2c1: {  	vm3 =	vgt.f32 v52, $5.000000000e-01;
	vm1 =	vgt.f32 v60, $9.950000040e-01;
	v11 =	vsel vm6, $0xFFFFFFFF, v11  }
0x2c2: {  	p1 =	sne.s32 s23, $0xE00;
	vm6 =	vgt.f32 v62, $5.000000000e-01;
	[tilespmem:$0x1FB50] =	vst v11;
	v11 =	vimm.s32 $0x0;
	vm0 =	vnez.u8 v6;
	v6 =	vld [tilespmem:s25+$0x40]  }
.Ltmp9:
0x2c3: {  	vm5 =	vgt.f32 v63, $5.000000000e-01;
	v5 =	vadd.s32 v7, v5;
	v11 =	vsel vm6, $0xFFFFFFFF, v11;
	(pc) =	sbr.rel @p1 .LBB2_14-.Ltmp9, $4  }
0x2c4: {  	v10 =	vld [tilespmem:s25+$0x0];
	v5 =	vadd.s32 v8, v5;
	v8 =	vimm.s32 $0x0;
	[tilespmem:$0x1FB60] =	vst v11;
	v11 =	vimm.s32 $0x0  }
0x2c5: {  	v11 =	vsel vm5, $0xFFFFFFFF, v11;
	v9 =	vld [tilespmem:s25+$0x10];
	v7 =	vsel vm0, $0x1, v1;
	vm0 =	vgt.f32 v54, $5.000000000e-01  }
0x2c6: {  	vm14 =	vgt.f32 v56, $9.950000040e-01;
	[tilespmem:$0x1FB70] =	vst v11;
	v4 =	vadd.s32 v7, v4;
	v7 =	vld [tilespmem:s25+$0x30];
	v8 =	vsel vm0, $0xFFFFFFFF, v8  }
0x2c7: {  	s23 =	sadd.s32 $0x200, s23;
	vm6 =	vgt.f32 v63, $9.950000040e-01;
	vm0 =	vgt.f32 v62, $9.950000040e-01;
	[tilespmem:$0x1FB40] =	vst v8;
	v8 =	vld [tilespmem:s25+$0x20];
	vm15 =	vgt.f32 v6, $9.950000040e-01  }
0x2c8: {  	_ =	sdelay $0x1  }
0x2c9: {  	v15 =	vsel vm1, $0x1, v1;
	v18 =	vsel vm2, $0x1, v1  }
0x2ca: {  	v19 =	vsel vm0, $0x1, v1;
	vm0 =	vgt.f32 v10, $9.950000040e-01;
	vm1 =	vgt.f32 v7, $9.950000040e-01  }
0x2cb: {  	vm2 =	vgt.f32 v8, $9.950000040e-01;
	v21 =	vsel vm1, $0x1, v1;
	vm1 =	vgt.f32 v10, $5.000000000e-01  }
0x2cc: {  	v10 =	vsel vm0, $0x1, v1;
	vm0 =	vgt.f32 v9, $9.950000040e-01;
	v23 =	vsel vm1, $0x1, v1  }
0x2cd: {  	vm1 =	vgt.f32 v8, $5.000000000e-01;
	v8 =	vsel vm0, $0x1, v1;
	vm0 =	vgt.f32 v9, $5.000000000e-01  }
0x2ce: {  	v5 =	vadd.s32 v10, v5;
	v9 =	vsel vm0, $0x1, v1;
	v4 =	vadd.s32 v23, v4  }
0x2cf: {  	v10 =	vsel vm1, $0x1, v1;
	vm0 =	vgt.f32 v7, $5.000000000e-01;
	v4 =	vadd.s32 v9, v4  }
0x2d0: {  	v7 =	vsel vm0, $0x1, v1;
	v4 =	vadd.s32 v10, v4  }
0x2d1: {  	v4 =	vadd.s32 v7, v4;
	v7 =	vld [tilespmem:$0x1FB70];
	_ =	sdelay $0x3  }
0x2d2: {  	vm0 =	vgt.f32 v6, $5.000000000e-01  }
0x2d3: {  	v6 =	vsel vm0, $0x1, v1;
	vm0 =	vnez.u8 v7  }
0x2d4: {  	v4 =	vadd.s32 v6, v4;
	v6 =	vld [tilespmem:$0x1FB50];
	v7 =	vsel vm0, $0x1, v1  }
0x2d5: {  	v4 =	vadd.s32 v7, v4;
	v7 =	vld [tilespmem:$0x1FB60];
	_ =	sdelay $0x2  }
0x2d6: {  	v17 =	vsel vm6, $0x1, v1  }
0x2d7: {  	v22 =	vsel vm15, $0x1, v1;
	v20 =	vsel vm2, $0x1, v1;
	vm0 =	vnez.u8 v6  }
0x2d8: {  	v5 =	vadd.s32 v8, v5;
	v6 =	vsel vm0, $0x1, v1;
	vm0 =	vnez.u8 v7  }
0x2d9: {  	v5 =	vadd.s32 v20, v5;
	v4 =	vadd.s32 v6, v4;
	v7 =	vsel vm0, $0x1, v1  }
0x2da: {  	v5 =	vadd.s32 v21, v5;
	v6 =	vsel vm11, $0x1, v1;
	v4 =	vadd.s32 v7, v4  }
0x2db: {  	v5 =	vadd.s32 v22, v5;
	v7 =	vsel vm10, $0x1, v1;
	v4 =	vadd.s32 v6, v4  }
0x2dc: {  	v5 =	vadd.s32 v17, v5;
	v6 =	vsel vm8, $0x1, v1;
	v4 =	vadd.s32 v7, v4  }
0x2dd: {  	v5 =	vadd.s32 v18, v5;
	v4 =	vadd.s32 v6, v4;
	v6 =	vld [tilespmem:$0x1FB40]  }
0x2de: {  	v14 =	vsel vm4, $0x1, v1;
	v5 =	vadd.s32 v19, v5  }
0x2df: {  	v5 =	vadd.s32 v14, v5  }
0x2e0: {  	v11 =	vsel vm14, $0x1, v1;
	v16 =	vsel vm12, $0x1, v1;
	v5 =	vadd.s32 v15, v5  }
0x2e1: {  	v12 =	vsel vm13, $0x1, v1;
	v13 =	vsel vm9, $0x1, v1;
	v5 =	vadd.s32 v16, v5  }
0x2e2: {  	v5 =	vadd.s32 v11, v5;
	v7 =	vsel vm7, $0x1, v1;
	vm0 =	vnez.u8 v6  }
0x2e3: {  	v5 =	vadd.s32 v12, v5;
	v4 =	vadd.s32 v7, v4;
	v6 =	vsel vm0, $0x1, v1  }
0x2e4: {  	v5 =	vadd.s32 v13, v5;
	v4 =	vadd.s32 v6, v4;
	v6 =	vsel vm3, $0x1, v1  }
0x2e5: {  	(xrf0) =	vadd.scan.msk.s32 $0xffff, v5;
	v4 =	vadd.s32 v6, v4  }
0x2e6: {  	(xrf0) =	vadd.scan.msk.s32 $0xffff, v4;
	_ =	sdelay $0x4  }
0x2e7: {  	v4, _, _ =	vpop (xrf0)  }
0x2e8: {  	v5, _, _ =	vpop (xrf0)  }
0x2e9: {  	v5 =	vbroadcast v5, $0xF  }
0x2ea: {  	vm0 =	vcmask $0x704;
	v4 =	vbroadcast v4, $0xF  }
0x2eb: {  	v5 =	vnsel vm0, $0x0, v5;
	vm0 =	vcmask $0x3F04  }
0x2ec: {  	v4 =	vsel vm0, v5, v4  }
0x2ed: {  	s3 =	simm.s32 $0x9F00;
	[tilespmem:$0x9F00] =	vst v4  }
0x2ee: {  	[spmem:s12] =	stream.linear.scatter [tilespmem:s3], [sflag:$0x2], $0x10, $0x38;
	[tilespmem:$0xB0D0] =	vst v63  }
0x2ef: {  	_ =	swait.ge [sflag:s31], $0x10  }
0x2f0: {  	[sflag:s31] =	ssyncset.done $0x0  }
0x2f1: {  	[sflag:s31] =	ssyncadd.s32 $0xFFFFFFF0  }
0x2f2: {  	s23 =	simm.s32 $0x9F80;
	[bflag:$0x0] =	sbarrier.arrive $0xFFFF  }
0x2f3: {  	[tilespmem:s23], [sflag:$0x2] =	stream.linear.gather [spmem:s2], $0x100, $0x38;
	[tilespmem:$0xB0D0] =	vst v63  }
0x2f4: {  	_ =	swait.ge [sflag:s31], $0x100  }
0x2f5: {  	[sflag:s31] =	ssyncset.done $0x0  }
0x2f6: {  	[sflag:s31] =	ssyncadd.s32 $0xFFFFFF00  }
0x2f7: {  	v4 =	vld [tilespmem:s13+$0x9F80];
	_ =	sdelay $0x1  }
0x2f8: {  	v5 =	vld [tilespmem:s13+$0x9F90];
	_ =	sdelay $0x1  }
0x2f9: {  	v6 =	vld [tilespmem:s13+$0x9FA0]  }
0x2fa: {  	(v2sf) =	vpush v4, $0x0  }
0x2fb: {  	(v2sf) =	vpush v4, $0x1  }
0x2fc: {  	(v2sf) =	vpush v5, $0x0  }
0x2fd: {  	v4 =	vld [tilespmem:s13+$0x9FB0];
	(v2sf) =	vpush v5, $0x1  }
0x2fe: {  	(v2sf) =	vpush v6, $0x0  }
0x2ff: {  	(v2sf) =	vpush v6, $0x1;
	_ =	sdelay $0x2  }
0x300: {  	(v2sf) =	vpush v4, $0x0  }
0x301: {  	(v2sf) =	vpush v4, $0x1;
	_ =	sdelay $0x5  }
0x302: {  	s3 =	spop (v2sf)  }
0x303: {  	s14 =	spop (v2sf)  }
0x304: {  	p1 =	slt.s32 s3, $0x1E;
	s23 =	spop (v2sf)  }
0x305: {  	s3 =	simm.s32 @!p1 $0x1E;
	p1 =	slt.s32 s14, $0x1E;
	s25 =	spop (v2sf)  }
0x306: {  	s14 =	simm.s32 @!p1 $0x1E;
	s26 =	spop (v2sf)  }
0x307: {  	p1 =	slt.s32 s23, $0x1E;
	p2 =	slt.s32 s25, $0x1E;
	s28 =	spop (v2sf)  }
0x308: {  	s23 =	simm.s32 @!p1 $0x1E;
	s25 =	simm.s32 @!p2 $0x1E;
	p1 =	slt.s32 s28, $0x1E  }
0x309: {  	s3 =	sadd.s32 s3, s23;
	s14 =	sadd.s32 s14, s25;
	s28 =	simm.s32 @!p1 $0x1E  }
0x30a: {  	s25 =	spop (v2sf);
	p1 =	slt.s32 s26, $0x1E;
	s23 =	sadd.s32 s28, s14  }
0x30b: {  	s14 =	simm.s32 $0x0;
	s28 =	spop (v2sf);
	s26 =	simm.s32 @!p1 $0x1E  }
0x30c: {  	s30 =	sand.u32 $0x3800, s14;
	s14 =	sand.u32 $0x380, s14;
	p2 =	slt.s32 s28, $0x1E  }
0x30d: {  	p1 =	slt.s32 s25, $0x1E;
	s14 =	sor.u32 s14, s30;
	s28 =	simm.s32 @!p2 $0x1E  }
0x30e: {  	v5 =	vimm.s32 $0x0;
	s3 =	sadd.s32 s26, s3;
	s25 =	simm.s32 @!p1 $0x1E;
	s23 =	sadd.s32 s28, s23;
	v6 =	vld [tilespmem:s14+$0x0]  }
0x30f: {  	(v2sf) =	vpush v5, $0x0;
	s3 =	sadd.s32 s25, s3;
	p1 =	sgt.s32 s23, $0x1D;
	s23 =	simm.f32 $5.000000000e-01  }
0x310: {  	p2 =	sgt.s32 s3, $0x1D;
	s23 =	simm.s32 @!p1 $0xBF800000  }
0x311: {  	s23 =	simm.s32 @p2 $0x3F7EB852  }
0x312: {  	v4 =	vmov s23  }
0x313: {  	vm0 =	vgt.f32 v6, v4  }
0x314: {  	v7 =	vmpcnt.ones.xlane vm0;
	_ =	sdelay $0x1  }
0x315: {  	v7 =	vadd.s32 v5, v7  }
0x316: {  	(v2sf) =	vpush v7, $0x0;
	_ =	sdelay $0x6  }
0x317: {  	s25 =	spop (v2sf)  }
0x318: {  	[tilespmem:s25+$0x3800] =	vst.msk vm0, v6;
	v5 =	vor.u32 s24, v2  }
0x319: {  	[tilespmem:s25+$0x6980] =	vst.msk vm0, v5  }
0x31a: {  	v6 =	vld [tilespmem:s14+$0x10];
	_ =	sdelay $0x4  }
0x31b: {  	v5 =	vor.u32 $0x10, v2;
	vm0 =	vgt.f32 v6, v4;
	s26 =	spop (v2sf)  }
0x31c: {  	v8 =	vmpcnt.ones.xlane vm0;
	[tilespmem:s26+$0x3800] =	vst.msk vm0, v6;
	v6 =	vor.u32 s24, v5  }
0x31d: {  	[tilespmem:s26+$0x6980] =	vst.msk vm0, v6  }
0x31e: {  	v6 =	vadd.s32 v7, v8;
	v7 =	vld [tilespmem:s14+$0x20]  }
0x31f: {  	(v2sf) =	vpush v6, $0x0;
	_ =	sdelay $0x3  }
0x320: {  	vm0 =	vgt.f32 v7, v4  }
0x321: {  	v8 =	vmpcnt.ones.xlane vm0;
	_ =	sdelay $0x1  }
0x322: {  	v9 =	vadd.s32 v6, v8  }
0x323: {  	(v2sf) =	vpush v9, $0x0;
	_ =	sdelay $0x6  }
0x324: {  	v8 =	vor.u32 $0x20, v2;
	s23 =	spop (v2sf)  }
0x325: {  	v6 =	vadd.s32 s24, v8;
	[tilespmem:s23+$0x3800] =	vst.msk vm0, v7  }
0x326: {  	[tilespmem:s23+$0x6980] =	vst.msk vm0, v6  }
0x327: {  	v7 =	vld [tilespmem:s14+$0x30];
	_ =	sdelay $0x4  }
0x328: {  	v6 =	vor.u32 $0x30, v2;
	vm0 =	vgt.f32 v7, v4;
	s25 =	spop (v2sf)  }
0x329: {  	v10 =	vmpcnt.ones.xlane vm0;
	[tilespmem:s25+$0x3800] =	vst.msk vm0, v7;
	v7 =	vadd.s32 s24, v6  }
0x32a: {  	[tilespmem:s25+$0x6980] =	vst.msk vm0, v7  }
0x32b: {  	v7 =	vadd.s32 v9, v10;
	v9 =	vld [tilespmem:s14+$0x40]  }
0x32c: {  	(v2sf) =	vpush v7, $0x0;
	_ =	sdelay $0x3  }
0x32d: {  	vm0 =	vgt.f32 v9, v4  }
0x32e: {  	v10 =	vmpcnt.ones.xlane vm0;
	_ =	sdelay $0x1  }
0x32f: {  	v11 =	vadd.s32 v7, v10  }
0x330: {  	(v2sf) =	vpush v11, $0x0;
	_ =	sdelay $0x6  }
0x331: {  	v10 =	vor.u32 $0x40, v2;
	s26 =	spop (v2sf)  }
0x332: {  	v7 =	vadd.s32 s24, v10;
	[tilespmem:s26+$0x3800] =	vst.msk vm0, v9  }
0x333: {  	[tilespmem:s26+$0x6980] =	vst.msk vm0, v7  }
0x334: {  	v9 =	vld [tilespmem:s14+$0x50];
	_ =	sdelay $0x4  }
0x335: {  	v7 =	vor.u32 $0x50, v2;
	vm0 =	vgt.f32 v9, v4;
	s23 =	spop (v2sf)  }
0x336: {  	v12 =	vmpcnt.ones.xlane vm0;
	[tilespmem:s23+$0x3800] =	vst.msk vm0, v9;
	v9 =	vadd.s32 s24, v7  }
0x337: {  	[tilespmem:s23+$0x6980] =	vst.msk vm0, v9  }
0x338: {  	v9 =	vadd.s32 v11, v12;
	v11 =	vld [tilespmem:s14+$0x60]  }
0x339: {  	(v2sf) =	vpush v9, $0x0;
	_ =	sdelay $0x3  }
0x33a: {  	vm0 =	vgt.f32 v11, v4  }
0x33b: {  	v12 =	vmpcnt.ones.xlane vm0;
	_ =	sdelay $0x1  }
0x33c: {  	v13 =	vadd.s32 v9, v12  }
0x33d: {  	(v2sf) =	vpush v13, $0x0;
	_ =	sdelay $0x6  }
0x33e: {  	v12 =	vor.u32 $0x60, v2;
	s25 =	spop (v2sf)  }
0x33f: {  	v9 =	vadd.s32 s24, v12;
	[tilespmem:s25+$0x3800] =	vst.msk vm0, v11  }
0x340: {  	[tilespmem:s25+$0x6980] =	vst.msk vm0, v9  }
0x341: {  	v11 =	vld [tilespmem:s14+$0x70];
	_ =	sdelay $0x4  }
0x342: {  	v9 =	vor.u32 $0x70, v2;
	vm0 =	vgt.f32 v11, v4;
	s26 =	spop (v2sf)  }
0x343: {  	v14 =	vmpcnt.ones.xlane vm0;
	[tilespmem:s26+$0x3800] =	vst.msk vm0, v11;
	v11 =	vadd.s32 s24, v9  }
0x344: {  	[tilespmem:s26+$0x6980] =	vst.msk vm0, v11  }
0x345: {  	v11 =	vadd.s32 v13, v14;
	v13 =	vld [tilespmem:s14+$0x400]  }
0x346: {  	(v2sf) =	vpush v11, $0x0;
	_ =	sdelay $0x3  }
0x347: {  	vm0 =	vgt.f32 v13, v4  }
0x348: {  	v14 =	vmpcnt.ones.xlane vm0;
	_ =	sdelay $0x1  }
0x349: {  	v14 =	vadd.s32 v11, v14  }
0x34a: {  	(v2sf) =	vpush v14, $0x0;
	_ =	sdelay $0x6  }
0x34b: {  	v15 =	vor.u32 $0x80, v2;
	s23 =	spop (v2sf)  }
0x34c: {  	v11 =	vadd.s32 s24, v15;
	[tilespmem:s23+$0x3800] =	vst.msk vm0, v13  }
0x34d: {  	[tilespmem:s23+$0x6980] =	vst.msk vm0, v11  }
0x34e: {  	v13 =	vld [tilespmem:s14+$0x410];
	_ =	sdelay $0x4  }
0x34f: {  	v11 =	vor.u32 $0x90, v2;
	vm0 =	vgt.f32 v13, v4;
	s25 =	spop (v2sf)  }
0x350: {  	v16 =	vmpcnt.ones.xlane vm0;
	[tilespmem:s25+$0x3800] =	vst.msk vm0, v13;
	v13 =	vadd.s32 s24, v11  }
0x351: {  	[tilespmem:s25+$0x6980] =	vst.msk vm0, v13  }
0x352: {  	v13 =	vadd.s32 v14, v16;
	v14 =	vld [tilespmem:s14+$0x420]  }
0x353: {  	(v2sf) =	vpush v13, $0x0;
	_ =	sdelay $0x3  }
0x354: {  	vm0 =	vgt.f32 v14, v4  }
0x355: {  	v16 =	vmpcnt.ones.xlane vm0;
	_ =	sdelay $0x1  }
0x356: {  	v17 =	vadd.s32 v13, v16  }
0x357: {  	(v2sf) =	vpush v17, $0x0;
	_ =	sdelay $0x6  }
0x358: {  	v16 =	vor.u32 $0xA0, v2;
	s26 =	spop (v2sf)  }
0x359: {  	v13 =	vadd.s32 s24, v16;
	[tilespmem:s26+$0x3800] =	vst.msk vm0, v14  }
0x35a: {  	[tilespmem:s26+$0x6980] =	vst.msk vm0, v13  }
0x35b: {  	v14 =	vld [tilespmem:s14+$0x430];
	_ =	sdelay $0x4  }
0x35c: {  	v13 =	vor.u32 $0xB0, v2;
	vm0 =	vgt.f32 v14, v4;
	s23 =	spop (v2sf)  }
0x35d: {  	v18 =	vmpcnt.ones.xlane vm0;
	[tilespmem:s23+$0x3800] =	vst.msk vm0, v14;
	v14 =	vadd.s32 s24, v13  }
0x35e: {  	[tilespmem:s23+$0x6980] =	vst.msk vm0, v14  }
0x35f: {  	v14 =	vadd.s32 v17, v18;
	v19 =	vld [tilespmem:s14+$0x440]  }
0x360: {  	(v2sf) =	vpush v14, $0x0;
	_ =	sdelay $0x3  }
0x361: {  	vm0 =	vgt.f32 v19, v4  }
0x362: {  	v17 =	vmpcnt.ones.xlane vm0;
	_ =	sdelay $0x1  }
0x363: {  	v18 =	vadd.s32 v14, v17  }
0x364: {  	(v2sf) =	vpush v18, $0x0;
	_ =	sdelay $0x6  }
0x365: {  	v17 =	vor.u32 $0xC0, v2;
	s25 =	spop (v2sf)  }
0x366: {  	v14 =	vadd.s32 s24, v17;
	[tilespmem:s25+$0x3800] =	vst.msk vm0, v19  }
0x367: {  	[tilespmem:s25+$0x6980] =	vst.msk vm0, v14  }
0x368: {  	v20 =	vld [tilespmem:s14+$0x450];
	_ =	sdelay $0x3  }
0x369: {  	s26 =	simm.s32 $0x100  }
0x36a: {  	s26 =	sand.u32 $0x3800, s26;
	s23 =	simm.s32 $0x80;
	v14 =	vor.u32 $0xD0, v2;
	vm0 =	vgt.f32 v20, v4;
	s30 =	spop (v2sf)  }
0x36b: {  	s28 =	sand.u32 $0x380, s23;
	s25 =	simm.s32 $0x200;
	s14 =	smov.u32 s24;
	v19 =	vmpcnt.ones.xlane vm0;
	[tilespmem:s30+$0x3800] =	vst.msk vm0, v20;
	v20 =	vadd.s32 s24, v14  }
.LBB2_16:
0x36c: {  	s28 =	sor.u32 s28, s26  }
0x36d: {  	[tilespmem:s30+$0x6980] =	vst.msk vm0, v20;
	v18 =	vadd.s32 v18, v19;
	s14 =	sadd.s32 $0xE0, s14;
	s26 =	smov.u32 s25;
	s3 =	sadd.s32 $0x100, s25  }
0x36e: {  	p1 =	sne.s32 s25, $0x3700;
	v19 =	vld [tilespmem:s28+$0x0];
	(v2sf) =	vpush v18, $0x0;
	_ =	sdelay $0x4  }
0x36f: {  	vm0 =	vgt.f32 v19, v4  }
0x370: {  	v20 =	vmpcnt.ones.xlane vm0;
	_ =	sdelay $0x1  }
0x371: {  	v18 =	vadd.s32 v18, v20  }
0x372: {  	(v2sf) =	vpush v18, $0x0;
	_ =	sdelay $0x5  }
0x373: {  	s25 =	spop (v2sf)  }
0x374: {  	v20 =	vor.u32 s14, v2;
	[tilespmem:s25+$0x3800] =	vst.msk vm0, v19  }
0x375: {  	[tilespmem:s25+$0x6980] =	vst.msk vm0, v20  }
0x376: {  	v19 =	vld [tilespmem:s28+$0x10];
	_ =	sdelay $0x4  }
0x377: {  	vm0 =	vgt.f32 v19, v4  }
0x378: {  	v20 =	vmpcnt.ones.xlane vm0;
	s25 =	spop (v2sf)  }
0x379: {  	[tilespmem:s25+$0x3800] =	vst.msk vm0, v19;
	v19 =	vor.u32 s14, v5  }
0x37a: {  	[tilespmem:s25+$0x6980] =	vst.msk vm0, v19;
	v18 =	vadd.s32 v18, v20  }
0x37b: {  	v19 =	vld [tilespmem:s28+$0x20];
	(v2sf) =	vpush v18, $0x0;
	_ =	sdelay $0x4  }
0x37c: {  	vm0 =	vgt.f32 v19, v4  }
0x37d: {  	v20 =	vmpcnt.ones.xlane vm0;
	_ =	sdelay $0x1  }
0x37e: {  	v18 =	vadd.s32 v18, v20  }
0x37f: {  	(v2sf) =	vpush v18, $0x0;
	_ =	sdelay $0x5  }
0x380: {  	s25 =	spop (v2sf)  }
0x381: {  	[tilespmem:s25+$0x3800] =	vst.msk vm0, v19;
	v19 =	vadd.s32 s14, v8  }
0x382: {  	[tilespmem:s25+$0x6980] =	vst.msk vm0, v19  }
0x383: {  	v19 =	vld [tilespmem:s28+$0x30];
	_ =	sdelay $0x4  }
0x384: {  	vm0 =	vgt.f32 v19, v4  }
0x385: {  	v20 =	vmpcnt.ones.xlane vm0;
	s25 =	spop (v2sf)  }
0x386: {  	[tilespmem:s25+$0x3800] =	vst.msk vm0, v19;
	v19 =	vadd.s32 s14, v6  }
0x387: {  	[tilespmem:s25+$0x6980] =	vst.msk vm0, v19;
	v18 =	vadd.s32 v18, v20  }
0x388: {  	v19 =	vld [tilespmem:s28+$0x40];
	(v2sf) =	vpush v18, $0x0;
	_ =	sdelay $0x4  }
0x389: {  	vm0 =	vgt.f32 v19, v4  }
0x38a: {  	v20 =	vmpcnt.ones.xlane vm0;
	_ =	sdelay $0x1  }
0x38b: {  	v18 =	vadd.s32 v18, v20  }
0x38c: {  	(v2sf) =	vpush v18, $0x0;
	_ =	sdelay $0x5  }
0x38d: {  	s25 =	spop (v2sf)  }
0x38e: {  	[tilespmem:s25+$0x3800] =	vst.msk vm0, v19;
	v19 =	vadd.s32 s14, v10  }
0x38f: {  	[tilespmem:s25+$0x6980] =	vst.msk vm0, v19  }
0x390: {  	v19 =	vld [tilespmem:s28+$0x50];
	_ =	sdelay $0x4  }
0x391: {  	vm0 =	vgt.f32 v19, v4  }
0x392: {  	v20 =	vmpcnt.ones.xlane vm0;
	s25 =	spop (v2sf)  }
0x393: {  	[tilespmem:s25+$0x3800] =	vst.msk vm0, v19;
	v19 =	vadd.s32 s14, v7  }
0x394: {  	[tilespmem:s25+$0x6980] =	vst.msk vm0, v19;
	v18 =	vadd.s32 v18, v20  }
0x395: {  	v19 =	vld [tilespmem:s28+$0x60];
	(v2sf) =	vpush v18, $0x0;
	_ =	sdelay $0x4  }
0x396: {  	vm0 =	vgt.f32 v19, v4  }
0x397: {  	v20 =	vmpcnt.ones.xlane vm0;
	_ =	sdelay $0x1  }
0x398: {  	v18 =	vadd.s32 v18, v20  }
0x399: {  	(v2sf) =	vpush v18, $0x0;
	_ =	sdelay $0x5  }
0x39a: {  	s25 =	spop (v2sf)  }
0x39b: {  	[tilespmem:s25+$0x3800] =	vst.msk vm0, v19;
	v19 =	vadd.s32 s14, v12  }
0x39c: {  	[tilespmem:s25+$0x6980] =	vst.msk vm0, v19  }
0x39d: {  	v19 =	vld [tilespmem:s28+$0x70];
	_ =	sdelay $0x4  }
0x39e: {  	vm0 =	vgt.f32 v19, v4  }
0x39f: {  	v20 =	vmpcnt.ones.xlane vm0;
	s25 =	spop (v2sf)  }
0x3a0: {  	[tilespmem:s25+$0x3800] =	vst.msk vm0, v19;
	v19 =	vadd.s32 s14, v9  }
0x3a1: {  	[tilespmem:s25+$0x6980] =	vst.msk vm0, v19;
	v18 =	vadd.s32 v18, v20  }
0x3a2: {  	v19 =	vld [tilespmem:s28+$0x400];
	(v2sf) =	vpush v18, $0x0;
	_ =	sdelay $0x4  }
0x3a3: {  	vm0 =	vgt.f32 v19, v4  }
0x3a4: {  	v20 =	vmpcnt.ones.xlane vm0;
	_ =	sdelay $0x1  }
0x3a5: {  	v18 =	vadd.s32 v18, v20  }
0x3a6: {  	(v2sf) =	vpush v18, $0x0;
	_ =	sdelay $0x5  }
0x3a7: {  	s25 =	spop (v2sf)  }
0x3a8: {  	[tilespmem:s25+$0x3800] =	vst.msk vm0, v19;
	v19 =	vadd.s32 s14, v15  }
0x3a9: {  	[tilespmem:s25+$0x6980] =	vst.msk vm0, v19  }
0x3aa: {  	v19 =	vld [tilespmem:s28+$0x410];
	_ =	sdelay $0x4  }
0x3ab: {  	vm0 =	vgt.f32 v19, v4  }
0x3ac: {  	v20 =	vmpcnt.ones.xlane vm0;
	s25 =	spop (v2sf)  }
0x3ad: {  	[tilespmem:s25+$0x3800] =	vst.msk vm0, v19;
	v19 =	vadd.s32 s14, v11  }
0x3ae: {  	[tilespmem:s25+$0x6980] =	vst.msk vm0, v19;
	v18 =	vadd.s32 v18, v20  }
0x3af: {  	v19 =	vld [tilespmem:s28+$0x420];
	(v2sf) =	vpush v18, $0x0;
	_ =	sdelay $0x4  }
0x3b0: {  	vm0 =	vgt.f32 v19, v4  }
0x3b1: {  	v20 =	vmpcnt.ones.xlane vm0;
	_ =	sdelay $0x1  }
0x3b2: {  	v18 =	vadd.s32 v18, v20  }
0x3b3: {  	(v2sf) =	vpush v18, $0x0;
	_ =	sdelay $0x5  }
0x3b4: {  	s25 =	spop (v2sf)  }
0x3b5: {  	[tilespmem:s25+$0x3800] =	vst.msk vm0, v19;
	v19 =	vadd.s32 s14, v16  }
0x3b6: {  	[tilespmem:s25+$0x6980] =	vst.msk vm0, v19  }
0x3b7: {  	v19 =	vld [tilespmem:s28+$0x430];
	_ =	sdelay $0x4  }
0x3b8: {  	vm0 =	vgt.f32 v19, v4  }
0x3b9: {  	v20 =	vmpcnt.ones.xlane vm0;
	s25 =	spop (v2sf)  }
0x3ba: {  	[tilespmem:s25+$0x3800] =	vst.msk vm0, v19;
	v19 =	vadd.s32 s14, v13  }
0x3bb: {  	[tilespmem:s25+$0x6980] =	vst.msk vm0, v19;
	v18 =	vadd.s32 v18, v20  }
0x3bc: {  	v19 =	vld [tilespmem:s28+$0x440];
	(v2sf) =	vpush v18, $0x0;
	_ =	sdelay $0x4  }
0x3bd: {  	vm0 =	vgt.f32 v19, v4  }
0x3be: {  	v20 =	vmpcnt.ones.xlane vm0;
	_ =	sdelay $0x1  }
0x3bf: {  	v18 =	vadd.s32 v18, v20  }
0x3c0: {  	(v2sf) =	vpush v18, $0x0;
	_ =	sdelay $0x5  }
0x3c1: {  	s25 =	spop (v2sf)  }
0x3c2: {  	[tilespmem:s25+$0x3800] =	vst.msk vm0, v19;
	v19 =	vadd.s32 s14, v17  }
0x3c3: {  	[tilespmem:s25+$0x6980] =	vst.msk vm0, v19  }
0x3c4: {  	v20 =	vld [tilespmem:s28+$0x450];
	_ =	sdelay $0x2  }
.Ltmp10:
0x3c5: {  	(pc) =	sbr.rel @p1 .LBB2_16-.Ltmp10, $4  }
0x3c6: {  	_ = 	snop  }
0x3c7: {  	vm0 =	vgt.f32 v20, v4  }
0x3c8: {  	s23 =	sadd.s32 $0x80, s23;
	v19 =	vmpcnt.ones.xlane vm0;
	s30 =	spop (v2sf)  }
0x3c9: {  	s26 =	sand.u32 $0x3800, s26;
	s25 =	smov.u32 s3;
	s28 =	sand.u32 $0x380, s23;
	[tilespmem:s30+$0x3800] =	vst.msk vm0, v20;
	v20 =	vadd.s32 s14, v14  }
0x3ca: {  	v18 =	vadd.s32 v18, v19  }
0x3cb: {  	(v2sf) =	vpush v18, $0x0;
	_ =	sdelay $0x8  }
0x3cc: {  	s23 =	sor.u32 s28, s26;
	[tilespmem:s30+$0x6980] =	vst.msk vm0, v20  }
0x3cd: {  	v39 =	vld [tilespmem:s23+$0x0];
	_ =	sdelay $0x4  }
0x3ce: {  	s14 =	sadd.s32 $0xE0, s14;
	vm14 =	vgt.f32 v39, v4;
	s3 =	spop (v2sf)  }
0x3cf: {  	v41 =	vor.u32 s14, v2;
	v40 =	vmpcnt.ones.xlane vm14;
	[tilespmem:s3+$0x3800] =	vst.msk vm14, v39  }
0x3d0: {  	[tilespmem:s3+$0x6980] =	vst.msk vm14, v41  }
0x3d1: {  	v18 =	vadd.s32 v18, v40;
	v19 =	vld [tilespmem:s23+$0x10]  }
0x3d2: {  	(v2sf) =	vpush v18, $0x0;
	_ =	sdelay $0x3  }
0x3d3: {  	vm15 =	vgt.f32 v19, v4  }
0x3d4: {  	v42 =	vmpcnt.ones.xlane vm15;
	_ =	sdelay $0x1  }
0x3d5: {  	v18 =	vadd.s32 v18, v42  }
0x3d6: {  	(v2sf) =	vpush v18, $0x0;
	_ =	sdelay $0x6  }
0x3d7: {  	s30 =	spop (v2sf)  }
0x3d8: {  	v5 =	vor.u32 s14, v5;
	[tilespmem:s30+$0x3800] =	vst.msk vm15, v19  }
0x3d9: {  	[tilespmem:s30+$0x6980] =	vst.msk vm15, v5  }
0x3da: {  	v5 =	vld [tilespmem:s23+$0x20];
	_ =	sdelay $0x4  }
0x3db: {  	vm4 =	vgt.f32 v5, v4;
	s25 =	spop (v2sf)  }
0x3dc: {  	v43 =	vmpcnt.ones.xlane vm4;
	[tilespmem:s25+$0x3800] =	vst.msk vm4, v5;
	v5 =	vadd.s32 s14, v8  }
0x3dd: {  	[tilespmem:s25+$0x6980] =	vst.msk vm4, v5  }
0x3de: {  	v5 =	vadd.s32 v18, v43;
	v44 =	vld [tilespmem:s23+$0x30]  }
0x3df: {  	(v2sf) =	vpush v5, $0x0;
	_ =	sdelay $0x3  }
0x3e0: {  	vm5 =	vgt.f32 v44, v4  }
0x3e1: {  	v45 =	vmpcnt.ones.xlane vm5;
	_ =	sdelay $0x1  }
0x3e2: {  	v5 =	vadd.s32 v5, v45  }
0x3e3: {  	(v2sf) =	vpush v5, $0x0;
	_ =	sdelay $0x6  }
0x3e4: {  	s26 =	spop (v2sf)  }
0x3e5: {  	v6 =	vadd.s32 s14, v6;
	[tilespmem:s26+$0x3800] =	vst.msk vm5, v44  }
0x3e6: {  	[tilespmem:s26+$0x6980] =	vst.msk vm5, v6  }
0x3e7: {  	v6 =	vld [tilespmem:s23+$0x40];
	_ =	sdelay $0x4  }
0x3e8: {  	vm6 =	vgt.f32 v6, v4;
	s28 =	spop (v2sf)  }
0x3e9: {  	v47 =	vadd.s32 s14, v10;
	v46 =	vmpcnt.ones.xlane vm6;
	[tilespmem:s28+$0x3800] =	vst.msk vm6, v6  }
0x3ea: {  	[tilespmem:s28+$0x6980] =	vst.msk vm6, v47  }
0x3eb: {  	v5 =	vadd.s32 v5, v46;
	v6 =	vld [tilespmem:s23+$0x50]  }
0x3ec: {  	(v2sf) =	vpush v5, $0x0;
	_ =	sdelay $0x3  }
0x3ed: {  	vm7 =	vgt.f32 v6, v4  }
0x3ee: {  	v48 =	vmpcnt.ones.xlane vm7;
	_ =	sdelay $0x1  }
0x3ef: {  	v5 =	vadd.s32 v5, v48  }
0x3f0: {  	(v2sf) =	vpush v5, $0x0;
	_ =	sdelay $0x6  }
0x3f1: {  	s30 =	spop (v2sf)  }
0x3f2: {  	v49 =	vadd.s32 s14, v7;
	[tilespmem:s30+$0x3800] =	vst.msk vm7, v6  }
0x3f3: {  	[tilespmem:s30+$0x6980] =	vst.msk vm7, v49  }
0x3f4: {  	v6 =	vld [tilespmem:s23+$0x60];
	_ =	sdelay $0x4  }
0x3f5: {  	vm8 =	vgt.f32 v6, v4;
	s25 =	spop (v2sf)  }
0x3f6: {  	v51 =	vadd.s32 s14, v12;
	v50 =	vmpcnt.ones.xlane vm8;
	[tilespmem:s25+$0x3800] =	vst.msk vm8, v6  }
0x3f7: {  	[tilespmem:s25+$0x6980] =	vst.msk vm8, v51  }
0x3f8: {  	v5 =	vadd.s32 v5, v50;
	v6 =	vld [tilespmem:s23+$0x70]  }
0x3f9: {  	(v2sf) =	vpush v5, $0x0;
	_ =	sdelay $0x3  }
0x3fa: {  	vm9 =	vgt.f32 v6, v4  }
0x3fb: {  	v52 =	vmpcnt.ones.xlane vm9;
	_ =	sdelay $0x1  }
0x3fc: {  	v5 =	vadd.s32 v5, v52  }
0x3fd: {  	(v2sf) =	vpush v5, $0x0;
	_ =	sdelay $0x6  }
0x3fe: {  	s26 =	spop (v2sf)  }
0x3ff: {  	v53 =	vadd.s32 s14, v9;
	[tilespmem:s26+$0x3800] =	vst.msk vm9, v6  }
0x400: {  	[tilespmem:s26+$0x6980] =	vst.msk vm9, v53  }
0x401: {  	v6 =	vld [tilespmem:s23+$0x400];
	_ =	sdelay $0x4  }
0x402: {  	vm10 =	vgt.f32 v6, v4;
	s28 =	spop (v2sf)  }
0x403: {  	v55 =	vadd.s32 s14, v15;
	v54 =	vmpcnt.ones.xlane vm10;
	[tilespmem:s28+$0x3800] =	vst.msk vm10, v6  }
0x404: {  	[tilespmem:s28+$0x6980] =	vst.msk vm10, v55  }
0x405: {  	v5 =	vadd.s32 v5, v54;
	v6 =	vld [tilespmem:s23+$0x410]  }
0x406: {  	(v2sf) =	vpush v5, $0x0;
	_ =	sdelay $0x3  }
0x407: {  	vm11 =	vgt.f32 v6, v4  }
0x408: {  	v56 =	vmpcnt.ones.xlane vm11;
	_ =	sdelay $0x1  }
0x409: {  	v5 =	vadd.s32 v5, v56  }
0x40a: {  	(v2sf) =	vpush v5, $0x0;
	_ =	sdelay $0x6  }
0x40b: {  	s30 =	spop (v2sf)  }
0x40c: {  	v57 =	vadd.s32 s14, v11;
	[tilespmem:s30+$0x3800] =	vst.msk vm11, v6  }
0x40d: {  	[tilespmem:s30+$0x6980] =	vst.msk vm11, v57  }
0x40e: {  	v6 =	vld [tilespmem:s23+$0x420];
	_ =	sdelay $0x4  }
0x40f: {  	vm12 =	vgt.f32 v6, v4;
	s25 =	spop (v2sf)  }
0x410: {  	v59 =	vadd.s32 s14, v16;
	v58 =	vmpcnt.ones.xlane vm12;
	[tilespmem:s25+$0x3800] =	vst.msk vm12, v6  }
0x411: {  	[tilespmem:s25+$0x6980] =	vst.msk vm12, v59  }
0x412: {  	v5 =	vadd.s32 v5, v58;
	v6 =	vld [tilespmem:s23+$0x430]  }
0x413: {  	(v2sf) =	vpush v5, $0x0;
	_ =	sdelay $0x3  }
0x414: {  	vm13 =	vgt.f32 v6, v4  }
0x415: {  	v60 =	vmpcnt.ones.xlane vm13;
	_ =	sdelay $0x1  }
0x416: {  	v5 =	vadd.s32 v5, v60  }
0x417: {  	(v2sf) =	vpush v5, $0x0;
	_ =	sdelay $0x6  }
0x418: {  	s26 =	spop (v2sf)  }
0x419: {  	v61 =	vadd.s32 s14, v13;
	[tilespmem:s26+$0x3800] =	vst.msk vm13, v6  }
0x41a: {  	[tilespmem:s26+$0x6980] =	vst.msk vm13, v61  }
0x41b: {  	v6 =	vld [tilespmem:s23+$0x440];
	_ =	sdelay $0x4  }
0x41c: {  	vm14 =	vgt.f32 v6, v4;
	s28 =	spop (v2sf)  }
0x41d: {  	v62 =	vadd.s32 s14, v17;
	[tilespmem:s28+$0x3800] =	vst.msk vm14, v6  }
0x41e: {  	[tilespmem:s28+$0x6980] =	vst.msk vm14, v62  }
0x41f: {  	v6 =	vld [tilespmem:s23+$0x450];
	_ =	sdelay $0x4  }
0x420: {  	v63 =	vmpcnt.ones.xlane vm14;
	vm15 =	vgt.f32 v6, v4  }
0x421: {  	v4 =	vmpcnt.ones.xlane vm15  }
0x422: {  	v5 =	vadd.s32 v5, v63  }
0x423: {  	(v2sf) =	vpush v5, $0x0;
	v4 =	vadd.s32 v5, v4  }
0x424: {  	(v2sf) =	vpush v4, $0x0;
	_ =	sdelay $0xa  }
0x425: {  	v4 =	vbroadcast v4, $0x0;
	_ =	sdelay $0x1  }
0x426: {  	v4 =	vadd.s32 v2, v4  }
0x427: {  	s30 =	spop (v2sf)  }
0x428: {  	s25 =	spop (v2sf)  }
0x429: {  	v5 =	vadd.s32 s14, v14;
	[tilespmem:s30+$0x3800] =	vst.msk vm15, v6;
	s26 =	sadd.s32 $0xF, s25  }
0x42a: {  	[tilespmem:s30+$0x6980] =	vst.msk vm15, v5;
	s28 =	sand.u32 $0xF, s26  }
0x42b: {  	[tilespmem:v4+s0+$0x0] =	vst.idx.msk $0xffff, v3;
	s23 =	sshra.s32 s26, $0x1F;
	p1 =	slt.s32 s26, $0x1;
	p2 =	sne.s32 s28, $0x0  }
.Ltmp11:
0x42c: {  	[tilespmem:v4+s1+$0x0] =	vst.idx.msk $0xffff, v1;
	s30 =	sshrl.u32 s23, $0x1C;
	p1 =	por !p1, !p2;
	(pc) =	sbr.rel .LBB2_18-.Ltmp11, $4  }
0x42d: {  	s14 =	simm.s32 $0x1;
	[tilespmem:$0x9B00] =	vst v3;
	s3 =	sadd.s32 s30, s26;
	p1 =	por !p1, !p1  }
0x42e: {  	[tilespmem:$0x9B10] =	vst v3;
	s3 =	sshra.s32 s3, $0x4;
	s14 =	simm.s32 @!p1 $0x0  }
0x42f: {  	[tilespmem:$0x9B80] =	vst v1;
	s14 =	ssub.s32 s3, s14  }
0x430: {  	[tilespmem:$0x9B90] =	vst v1;
	s23 =	simm.s32 $0x0;
	p1 =	slt.s32 s14, $0x1  }
.LBB2_26:
0x431: {  	vm0 =	veq.f32 v6, v4;
	vm1 =	veq.s32 v7, v5  }
0x432: {  	vm0 =	vmand vm0, vm1  }
0x433: {  	v6 =	vsel vm0, $0xC0000000, v6  }
0x434: {  	[tilespmem:s25+$0x0] =	vst v6  }
.LBB2_27:
0x435: {  	v6 =	vmov s23;
	s23 =	sadd.s32 $0x1, s23  }
0x436: {  	p2 =	sne.s32 s23, $0x1E  }
.Ltmp12:
0x437: {  	_ = 	snop;
	(pc) =	sbr.rel @!p2 .LBB2_28-.Ltmp12, $3  }
0x438: {  	_ =	sdelay $0x1  }
0x439: {  	[tilespmem:v6+s17+$0x0] =	vst.idx.msk $0x1, v4  }
0x43a: {  	[tilespmem:v6+s18+$0x0] =	vst.idx.msk $0x1, v5  }
.LBB2_18:
.Ltmp13:
0x43b: {  	(pc) =	sbr.rel @p1 .LBB2_19-.Ltmp13, $2  }
0x43c: {  	_ =	sdelay $0x2  }
0x43d: {  	v5 =	vimm.f32 $-2.000000000e+00  }
0x43e: {  	s3 =	simm.s32 $0x6980  }
0x43f: {  	s25 =	simm.s32 $0x3800;
	p2 =	sne.s32 s14, $0x1;
	v7 =	vld [tilespmem:s3+$0x0]  }
.Ltmp14:
0x440: {  	v6 =	vld [tilespmem:s25+$0x0];
	(pc) =	sbr.rel @!p2 .LBB2_22-.Ltmp14, $3  }
0x441: {  	_ =	sdelay $0x1  }
0x442: {  	v4 =	vimm.s32 $0x40000000  }
0x443: {  	s26 =	sadd.s32 $0xFFFFFFFF, s14;
	s28 =	simm.s32 $0x6990;
	vm0 =	vlt.s32 v4, v7  }
.LBB2_21:
0x444: {  	v8 =	vld [tilespmem:s28+$0x0];
	p2 =	sne.s32 s26, $0x1;
	s26 =	sadd.s32 $0xFFFFFFFF, s26;
	vm1 =	veq.f32 v6, v5;
	v9 =	vsel vm0, v4, v7;
	s25 =	sadd.s32 $0x10, s25;
	v10 =	vmov v6  }
.Ltmp15:
0x445: {  	v6 =	vld [tilespmem:s25+$0x0];
	vm0 =	vgt.f32 v10, v5;
	v4 =	vsel vm1, v9, v4;
	(pc) =	sbr.rel @p2 .LBB2_21-.Ltmp15, $2  }
0x446: {  	v4 =	vsel vm0, v7, v4;
	_ =	sdelay $0x2  }
0x447: {  	s28 =	sadd.s32 $0x10, s28;
	v5 =	vmax.f32 v5, v10;
	vm0 =	vlt.s32 v4, v8;
	v7 =	vmov v8  }
.LBB2_22:
.Ltmp16:
0x448: {  	(pc) =	sbr.rel .LBB2_23-.Ltmp16, $4  }
0x449: {  	vm1 =	veq.f32 v6, v5;
	v8 =	vsel vm0, v4, v7  }
0x44a: {  	vm15 =	vgt.f32 v6, v5;
	v4 =	vsel vm1, v8, v4  }
0x44b: {  	v4 =	vsel vm15, v7, v4  }
0x44c: {  	v5 =	vmax.f32 v5, v6;
	v6 =	vxor.u32 $0x80000000, v4  }
.LBB2_19:
0x44d: {  	v6 =	vimm.s32 $0xC0000000  }
.LBB2_23:
0x44e: {  	(xrf0) =	vmax.scan.msk.f32 $0xffff, v5;
	_ =	sdelay $0x5  }
0x44f: {  	v4, _, _ =	vpop (xrf0)  }
0x450: {  	v4 =	vbroadcast v4, $0xF;
	_ =	sdelay $0x1  }
0x451: {  	vm0 =	veq.f32 v5, v4  }
0x452: {  	v5 =	vnsel vm0, $0xC0000000, v6  }
0x453: {  	(xrf0) =	vmin.scan.msk.u32 $0xffff, v5;
	_ =	sdelay $0x5  }
0x454: {  	v5, _, _ =	vpop (xrf0)  }
0x455: {  	(v2sf) =	vpush v5, $0xF;
	_ =	sdelay $0xc  }
.Ltmp17:
0x456: {  	_ = 	snop;
	(pc) =	sbr.rel @p1 .LBB2_27-.Ltmp17, $4  }
0x457: {  	_ = 	snop  }
0x458: {  	s3 =	spop (v2sf)  }
0x459: {  	s3 =	sxor.u32 $0x80000000, s3  }
0x45a: {  	v5 =	vmov s3  }
0x45b: {  	s25 =	simm.s32 $0x3800  }
0x45c: {  	s26 =	simm.s32 $0x6980;
	p2 =	sne.s32 s14, $0x1;
	v6 =	vld [tilespmem:s25+$0x0]  }
.Ltmp18:
0x45d: {  	v7 =	vld [tilespmem:s26+$0x0];
	(pc) =	sbr.rel @!p2 .LBB2_26-.Ltmp18, $2  }
0x45e: {  	_ =	sdelay $0x2  }
0x45f: {  	s28 =	sadd.s32 $0xFFFFFFFF, s14  }
.LBB2_25:
0x460: {  	p2 =	sne.s32 s28, $0x1;
	_ =	sdelay $0x3  }
0x461: {  	vm0 =	veq.f32 v6, v4;
	vm1 =	veq.s32 v7, v5  }
.Ltmp19:
0x462: {  	vm0 =	vmand vm0, vm1;
	(pc) =	sbr.rel @p2 .LBB2_25-.Ltmp19, $4  }
0x463: {  	v6 =	vsel vm0, $0xC0000000, v6  }
0x464: {  	[tilespmem:s25+$0x0] =	vst v6;
	s25 =	sadd.s32 $0x10, s25  }
0x465: {  	s26 =	sadd.s32 $0x10, s26;
	v6 =	vld [tilespmem:s25+$0x0]  }
0x466: {  	s28 =	sadd.s32 $0xFFFFFFFF, s28;
	v7 =	vld [tilespmem:s26+$0x0]  }
.Ltmp20:
0x467: {  	_ = 	snop;
	(pc) =	sbr.rel .LBB2_26-.Ltmp20, $1  }
0x468: {  	_ =	sdelay $0x3  }
.LBB2_29:
0x469: {  	s3 =	rddreg [dreg:$0x8];
	s14 =	simm.s32 $0x9C00  }
0x46a: {  	[tilespmem:s14], [sflag:$0x2] =	stream.linear.gather [spmem:s3], $0x80, $0x38;
	[tilespmem:$0xB0D0] =	vst v63  }
0x46b: {  	_ =	swait.ge [sflag:s31], $0x80  }
0x46c: {  	[sflag:s31] =	ssyncset.done $0x0  }
0x46d: {  	s30 =	simm.s32 $0x9C80;
	s28 =	rddreg [dreg:$0x9];
	[sflag:s31] =	ssyncadd.s32 $0xFFFFFF80  }
0x46e: {  	[tilespmem:s30], [sflag:$0x2] =	stream.linear.gather [spmem:s28], $0x80, $0x38;
	[tilespmem:$0xB0D0] =	vst v63  }
0x46f: {  	_ =	swait.ge [sflag:s31], $0x80  }
0x470: {  	[sflag:s31] =	ssyncset.done $0x0  }
0x471: {  	[sflag:s31] =	ssyncadd.s32 $0xFFFFFF80  }
0x472: {  	v5 =	vld [tilespmem:$0x9C80]  }
0x473: {  	v4 =	vld [tilespmem:$0x9C00];
	_ =	sdelay $0x2  }
0x474: {  	v6 =	vld [tilespmem:$0x9C90]  }
0x475: {  	v7 =	vld [tilespmem:$0x9C10];
	vm0 =	vlt.s32 v5, $0x40000000  }
0x476: {  	vm1 =	veq.f32 v4, $-2.000000000e+00;
	v8 =	vnsel vm0, $0x40000000, v5  }
0x477: {  	vm0 =	vgt.f32 v4, $-2.000000000e+00;
	v8 =	vnsel vm1, $0x40000000, v8  }
0x478: {  	v10 =	vld [tilespmem:$0x9CA0];
	v8 =	vsel vm0, v5, v8  }
0x479: {  	v9 =	vld [tilespmem:$0x9C20];
	v11 =	vmax.f32 v4, $-2.000000000e+00;
	vm0 =	vlt.s32 v8, v6  }
0x47a: {  	vm1 =	veq.f32 v7, v11;
	v12 =	vsel vm0, v8, v6  }
0x47b: {  	vm0 =	vgt.f32 v7, v11;
	v8 =	vsel vm1, v12, v8  }
0x47c: {  	v13 =	vld [tilespmem:$0x9CB0];
	v6 =	vsel vm0, v6, v8  }
0x47d: {  	v11 =	vmax.f32 v11, v7;
	v8 =	vld [tilespmem:$0x9C30];
	vm0 =	vlt.s32 v6, v10  }
0x47e: {  	vm1 =	veq.f32 v9, v11;
	v12 =	vsel vm0, v6, v10  }
0x47f: {  	vm0 =	vgt.f32 v9, v11;
	v6 =	vsel vm1, v12, v6  }
0x480: {  	v14 =	vld [tilespmem:$0x9CC0];
	v10 =	vsel vm0, v10, v6  }
0x481: {  	v15 =	vmax.f32 v11, v9;
	v6 =	vld [tilespmem:$0x9C40];
	vm0 =	vlt.s32 v10, v13  }
0x482: {  	vm1 =	veq.f32 v8, v15;
	v11 =	vsel vm0, v10, v13  }
0x483: {  	v16 =	vld [tilespmem:$0x9CD0];
	vm0 =	vgt.f32 v8, v15;
	v10 =	vsel vm1, v11, v10  }
0x484: {  	v12 =	vld [tilespmem:$0x9C50];
	v13 =	vsel vm0, v13, v10  }
0x485: {  	v15 =	vmax.f32 v15, v8;
	v11 =	vld [tilespmem:$0x9C60];
	vm0 =	vlt.s32 v13, v14  }
0x486: {  	v10 =	vld [tilespmem:$0x9C70];
	vm1 =	veq.f32 v6, v15;
	v17 =	vsel vm0, v13, v14  }
0x487: {  	vm0 =	vgt.f32 v6, v15;
	v13 =	vsel vm1, v17, v13  }
0x488: {  	v15 =	vmax.f32 v15, v6;
	v13 =	vsel vm0, v14, v13;
	v14 =	vld [tilespmem:$0x9CE0]  }
0x489: {  	v62 =	vmax.f32 v15, v12;
	vm0 =	vlt.s32 v13, v16  }
0x48a: {  	vm1 =	veq.f32 v12, v15;
	v18 =	vmax.f32 v62, v11;
	v19 =	vsel vm0, v13, v16  }
0x48b: {  	v20 =	vmax.f32 v18, v10;
	vm0 =	vgt.f32 v12, v15;
	v13 =	vsel vm1, v19, v13  }
0x48c: {  	(xrf0) =	vmax.scan.msk.f32 $0xffff, v20;
	v15 =	vld [tilespmem:$0x9CF0];
	v13 =	vsel vm0, v16, v13  }
0x48d: {  	vm0 =	vlt.s32 v13, v14  }
0x48e: {  	vm1 =	veq.f32 v11, v62;
	v16 =	vsel vm0, v13, v14  }
0x48f: {  	vm0 =	vgt.f32 v11, v62;
	v13 =	vsel vm1, v16, v13  }
0x490: {  	v13 =	vsel vm0, v14, v13  }
0x491: {  	vm0 =	vlt.s32 v13, v15  }
0x492: {  	vm1 =	veq.f32 v10, v18;
	v14, _, _ =	vpop (xrf0);
	v63 =	vsel vm0, v13, v15  }
0x493: {  	vm0 =	vgt.f32 v10, v18;
	v16 =	vsel vm1, v63, v13;
	v13 =	vbroadcast v14, $0xF  }
0x494: {  	v14 =	vsel vm0, v15, v16  }
0x495: {  	vm0 =	veq.f32 v20, v13;
	v14 =	vxor.u32 $0x80000000, v14  }
0x496: {  	v14 =	vnsel vm0, $0xC0000000, v14  }
0x497: {  	(xrf0) =	vmin.scan.msk.u32 $0xffff, v14;
	_ =	sdelay $0x3  }
0x498: {  	[tilespmem:$0x9D00] =	vst v3  }
0x499: {  	[tilespmem:$0x9D10] =	vst v3;
	vm8 =	veq.f32 v7, v13;
	vm9 =	veq.f32 v9, v13;
	vm5 =	veq.f32 v6, v13  }
0x49a: {  	[tilespmem:$0x9D80] =	vst v1;
	vm2 =	veq.f32 v4, v13;
	vm6 =	veq.f32 v8, v13;
	vm7 =	veq.f32 v12, v13;
	v14, _, _ =	vpop (xrf0)  }
0x49b: {  	s23 =	simm.s32 $0x1;
	s14 =	simm.s32 $0x0;
	[tilespmem:$0x9D90] =	vst v1;
	vm4 =	veq.f32 v11, v13;
	vm3 =	veq.f32 v10, v13;
	(v2sf) =	vpush v14, $0xF  }
.LBB2_30:
0x49c: {  	_ =	sdelay $0x1  }
0x49d: {  	p1 =	sne.s32 s23, $0x1D;
	s3 =	smov.u32 s23;
	s23 =	sadd.s32 $0x1, s23  }
0x49e: {  	_ =	sdelay $0x6  }
0x49f: {  	v14 =	vld [tilespmem:$0x9CA0]  }
0x4a0: {  	v15 =	vld [tilespmem:$0x9C90]  }
0x4a1: {  	v16 =	vld [tilespmem:$0x9CD0]  }
0x4a2: {  	v17 =	vld [tilespmem:$0x9CC0]  }
0x4a3: {  	v18 =	vld [tilespmem:$0x9CB0];
	s25 =	spop (v2sf)  }
0x4a4: {  	v19 =	vmov s14;
	s14 =	smov.u32 s3;
	s25 =	sxor.u32 $0x80000000, s25  }
0x4a5: {  	vm0 =	veq.s32 v5, s25;
	vm1 =	veq.s32 v15, s25;
	vm10 =	veq.s32 v14, s25;
	v5 =	vld [tilespmem:$0x9CE0]  }
0x4a6: {  	vm1 =	vmand vm8, vm1;
	vm8 =	vmand vm9, vm10;
	vm9 =	veq.s32 v16, s25;
	v14 =	vld [tilespmem:$0x9CF0]  }
0x4a7: {  	v7 =	vsel vm1, $0xC0000000, v7;
	v9 =	vsel vm8, $0xC0000000, v9;
	vm1 =	veq.s32 v17, s25  }
0x4a8: {  	vm8 =	veq.s32 v18, s25;
	[tilespmem:$0x9C10] =	vst v7;
	vm1 =	vmand vm5, vm1;
	vm5 =	vmand vm7, vm9  }
0x4a9: {  	vm6 =	vmand vm6, vm8;
	[tilespmem:$0x9C20] =	vst v9;
	v6 =	vsel vm1, $0xC0000000, v6;
	v7 =	vsel vm5, $0xC0000000, v12  }
0x4aa: {  	vm0 =	vmand vm2, vm0;
	v8 =	vsel vm6, $0xC0000000, v8;
	[tilespmem:$0x9C50] =	vst v7;
	vm1 =	veq.s32 v5, s25  }
0x4ab: {  	v4 =	vsel vm0, $0xC0000000, v4;
	[tilespmem:$0x9C30] =	vst v8;
	vm0 =	vmand vm4, vm1;
	vm1 =	veq.s32 v14, s25  }
0x4ac: {  	[tilespmem:$0x9C40] =	vst v6;
	v5 =	vsel vm0, $0xC0000000, v11;
	vm0 =	vmand vm3, vm1  }
0x4ad: {  	[tilespmem:$0x9C60] =	vst v5;
	v5 =	vsel vm0, $0xC0000000, v10  }
0x4ae: {  	[tilespmem:$0x9C70] =	vst v5  }
0x4af: {  	v5 =	vmov s25;
	[tilespmem:$0x9C00] =	vst v4  }
0x4b0: {  	[tilespmem:v19+s19+$0x0] =	vst.idx.msk $0x1, v13  }
0x4b1: {  	[tilespmem:v19+s20+$0x0] =	vst.idx.msk $0x1, v5  }
0x4b2: {  	v5 =	vld [tilespmem:$0x9C80]  }
0x4b3: {  	v4 =	vld [tilespmem:$0x9C00]  }
0x4b4: {  	v6 =	vld [tilespmem:$0x9C40]  }
0x4b5: {  	v13 =	vld [tilespmem:$0x9C90]  }
0x4b6: {  	v7 =	vld [tilespmem:$0x9C10]  }
0x4b7: {  	vm0 =	vlt.s32 v5, $0x40000000;
	v9 =	vld [tilespmem:$0x9C20]  }
0x4b8: {  	vm1 =	vgt.f32 v4, $-2.000000000e+00;
	vm2 =	veq.f32 v4, $-2.000000000e+00;
	v10 =	vnsel vm0, $0x40000000, v5;
	v8 =	vld [tilespmem:$0x9C30]  }
0x4b9: {  	v10 =	vnsel vm2, $0x40000000, v10;
	v12 =	vld [tilespmem:$0x9C50]  }
0x4ba: {  	v15 =	vmax.f32 v4, $-2.000000000e+00;
	v14 =	vsel vm1, v5, v10;
	v16 =	vld [tilespmem:$0x9CA0]  }
0x4bb: {  	vm0 =	veq.f32 v7, v15;
	vm1 =	vlt.s32 v14, v13;
	v17 =	vmax.f32 v15, v7;
	v11 =	vld [tilespmem:$0x9C60]  }
0x4bc: {  	v18 =	vsel vm1, v14, v13;
	v19 =	vmax.f32 v17, v9;
	v10 =	vld [tilespmem:$0x9C70]  }
0x4bd: {  	vm1 =	vgt.f32 v7, v15;
	v14 =	vsel vm0, v18, v14;
	v15 =	vmax.f32 v19, v8  }
0x4be: {  	v13 =	vsel vm1, v13, v14;
	v14 =	vld [tilespmem:$0x9CB0];
	v18 =	vmax.f32 v15, v6  }
0x4bf: {  	vm0 =	vlt.s32 v13, v16;
	vm1 =	veq.f32 v12, v18;
	v20 =	vmax.f32 v18, v12  }
0x4c0: {  	vm2 =	veq.f32 v9, v17;
	v21 =	vsel vm0, v13, v16;
	v22 =	vmax.f32 v20, v11  }
0x4c1: {  	vm0 =	vgt.f32 v9, v17;
	v13 =	vsel vm2, v21, v13;
	v17 =	vmax.f32 v22, v10  }
0x4c2: {  	vm4 =	vgt.f32 v12, v18;
	vm2 =	veq.f32 v11, v20;
	v13 =	vsel vm0, v16, v13;
	v16 =	vld [tilespmem:$0x9CC0];
	(xrf0) =	vmax.scan.msk.f32 $0xffff, v17  }
0x4c3: {  	vm3 =	vgt.f32 v11, v20;
	vm0 =	vgt.f32 v10, v22;
	vm5 =	vlt.s32 v13, v14  }
0x4c4: {  	vm6 =	veq.f32 v8, v19;
	v18 =	vsel vm5, v13, v14  }
0x4c5: {  	vm5 =	vgt.f32 v8, v19;
	v13 =	vsel vm6, v18, v13  }
0x4c6: {  	v13 =	vsel vm5, v14, v13;
	v14 =	vld [tilespmem:$0x9CD0]  }
0x4c7: {  	vm5 =	vlt.s32 v13, v16  }
0x4c8: {  	vm6 =	veq.f32 v6, v15;
	v18 =	vsel vm5, v13, v16;
	v19, _, _ =	vpop (xrf0)  }
0x4c9: {  	vm5 =	vgt.f32 v6, v15;
	v13 =	vsel vm6, v18, v13  }
0x4ca: {  	v13 =	vsel vm5, v16, v13;
	v15 =	vld [tilespmem:$0x9CE0]  }
0x4cb: {  	vm5 =	vlt.s32 v13, v14  }
0x4cc: {  	v16 =	vsel vm5, v13, v14  }
0x4cd: {  	v13 =	vsel vm1, v16, v13  }
0x4ce: {  	v13 =	vsel vm4, v14, v13;
	v14 =	vld [tilespmem:$0x9CF0]  }
0x4cf: {  	vm1 =	vlt.s32 v13, v15  }
0x4d0: {  	v16 =	vsel vm1, v13, v15  }
0x4d1: {  	v13 =	vsel vm2, v16, v13  }
0x4d2: {  	v13 =	vsel vm3, v15, v13  }
0x4d3: {  	vm1 =	vlt.s32 v13, v14  }
0x4d4: {  	vm2 =	veq.f32 v10, v22;
	v15 =	vsel vm1, v13, v14  }
0x4d5: {  	v15 =	vsel vm2, v15, v13;
	v13 =	vbroadcast v19, $0xF  }
0x4d6: {  	v14 =	vsel vm0, v14, v15  }
0x4d7: {  	vm0 =	veq.f32 v17, v13;
	v14 =	vxor.u32 $0x80000000, v14;
	vm8 =	veq.f32 v7, v13  }
0x4d8: {  	vm9 =	veq.f32 v9, v13;
	vm5 =	veq.f32 v6, v13;
	v14 =	vnsel vm0, $0xC0000000, v14  }
0x4d9: {  	vm2 =	veq.f32 v4, v13;
	vm6 =	veq.f32 v8, v13;
	vm7 =	veq.f32 v12, v13;
	(xrf0) =	vmin.scan.msk.u32 $0xffff, v14  }
0x4da: {  	vm4 =	veq.f32 v11, v13;
	vm3 =	veq.f32 v10, v13;
	_ =	sdelay $0x1  }
.Ltmp21:
0x4db: {  	(pc) =	sbr.rel @p1 .LBB2_30-.Ltmp21, $3  }
0x4dc: {  	_ =	sdelay $0x1  }
0x4dd: {  	v14, _, _ =	vpop (xrf0)  }
0x4de: {  	(v2sf) =	vpush v14, $0xF  }
0x4df: {  	_ =	sdelay $0xa  }
0x4e0: {  	v14 =	vld [tilespmem:$0x9C90]  }
0x4e1: {  	v15 =	vld [tilespmem:$0x9CA0]  }
0x4e2: {  	v16 =	vld [tilespmem:$0x9CD0]  }
0x4e3: {  	v18 =	vld [tilespmem:$0x9CC0];
	s3 =	spop (v2sf)  }
0x4e4: {  	v17 =	vld [tilespmem:$0x9CB0];
	s3 =	sxor.u32 $0x80000000, s3  }
0x4e5: {  	vm0 =	veq.s32 v14, s3  }
0x4e6: {  	v61 =	vld [tilespmem:$0x9CE0];
	v19 =	vmov s14;
	vm1 =	veq.s32 v15, s3;
	vm0 =	vmand vm8, vm0  }
0x4e7: {  	v62 =	vld [tilespmem:$0x9CF0];
	vm12 =	veq.s32 v16, s3;
	vm1 =	vmand vm9, vm1;
	v7 =	vsel vm0, $0xC0000000, v7  }
0x4e8: {  	vm15 =	veq.s32 v18, s3;
	vm14 =	vmand vm7, vm12;
	v9 =	vsel vm1, $0xC0000000, v9;
	[tilespmem:$0x9C10] =	vst v7  }
0x4e9: {  	vm13 =	veq.s32 v17, s3;
	vm8 =	vmand vm5, vm15;
	v63 =	vsel vm14, $0xC0000000, v12;
	[tilespmem:$0x9C20] =	vst v9  }
0x4ea: {  	vm11 =	veq.s32 v5, s3;
	vm0 =	vmand vm6, vm13;
	v6 =	vsel vm8, $0xC0000000, v6;
	[tilespmem:$0x9C50] =	vst v63  }
0x4eb: {  	vm9 =	veq.s32 v61, s3;
	vm13 =	vmand vm2, vm11;
	v8 =	vsel vm0, $0xC0000000, v8;
	[tilespmem:$0x9C40] =	vst v6  }
0x4ec: {  	vm10 =	veq.s32 v62, s3;
	vm0 =	vmand vm4, vm9;
	v4 =	vsel vm13, $0xC0000000, v4;
	[tilespmem:$0x9C30] =	vst v8  }
0x4ed: {  	vm12 =	vmand vm3, vm10;
	v5 =	vsel vm0, $0xC0000000, v11;
	[tilespmem:$0x9C00] =	vst v4  }
0x4ee: {  	[tilespmem:$0x9C60] =	vst v5;
	v5 =	vsel vm12, $0xC0000000, v10  }
0x4ef: {  	[tilespmem:$0x9C70] =	vst v5  }
0x4f0: {  	v4 =	vmov s3;
	[tilespmem:v19+s19+$0x0] =	vst.idx.msk $0x1, v13  }
0x4f1: {  	[tilespmem:v19+s20+$0x0] =	vst.idx.msk $0x1, v4  }
0x4f2: {  	v4 =	vld [tilespmem:$0x9D00]  }
0x4f3: {  	v5 =	vld [tilespmem:$0x9D10];
	_ =	sdelay $0x3  }
0x4f4: {  	vm14 =	vgt.f32 v4, $5.000000000e-01  }
0x4f5: {  	vm15 =	vgt.f32 v5, $5.000000000e-01;
	v4 =	vsel vm14, $0x3F800000, v1  }
0x4f6: {  	[tilespmem:$0x9E00] =	vst v4;
	v4 =	vsel vm15, $0x3F800000, v1  }
0x4f7: {  	s23 =	rddreg [dreg:$0xa];
	s25 =	simm.s32 $0x9E00;
	[tilespmem:$0x9E10] =	vst v4  }
0x4f8: {  	[hbm4b:s23+s4] =	stream.linear.scatter [tilespmem:s25], [sflag:$0x2], $0x80, $0x38;
	[tilespmem:$0xB0D0] =	vst v63  }
0x4f9: {  	_ =	swait.ge [sflag:s31], $0x80  }
0x4fa: {  	[sflag:s31] =	ssyncset.done $0x0  }
0x4fb: {  	[sflag:s31] =	ssyncadd.s32 $0xFFFFFF80  }
0x4fc: {  	v4 =	vld [tilespmem:$0x9D80]  }
0x4fd: {  	v5 =	vld [tilespmem:$0x9D90];
	_ =	sdelay $0x3  }
0x4fe: {  	v4 =	vadd.s32 v0, v4  }
0x4ff: {  	s28 =	simm.s32 $0x20;
	[tilespmem:$0x9E80] =	vst v4;
	v4 =	vadd.s32 v0, v5  }
0x500: {  	s23 =	simm.s32 $0x9E80;
	s25 =	simm.s32 $0xA080;
	s26 =	rddreg [dreg:$0x1];
	[tilespmem:$0x9E90] =	vst v4  }
0x501: {  	[tilespmem:s25], [sflag:$0x1] =	stream.indirect.gather [hbm4b:s26+s28], $0x80, s23, s28, $0xb8;
	[tilespmem:$0xB0D0] =	vst v63  }
0x502: {  	_ =	swait.ge [sflag:s29], $0x1000  }
0x503: {  	[sflag:s29] =	ssyncset.done $0x0  }
.Ltmp22:
0x504: {  	s30 =	rddreg [dreg:$0xb];
	[sflag:s29] =	ssyncadd.s32 $0xFFFFF000;
	(pc) =	sbr.rel .LBB2_32-.Ltmp22, $4  }
0x505: {  	[hbm4b:s30+s4] =	stream.linear.scatter [tilespmem:s25], [sflag:$0x2], $0x1000, $0x38;
	[tilespmem:$0xB0D0] =	vst v63  }
0x506: {  	_ =	swait.ge [sflag:s31], $0x1000  }
0x507: {  	[sflag:s31] =	ssyncset.done $0x0  }
0x508: {  	[sflag:s31] =	ssyncadd.s32 $0xFFFFF000  }
.LBB2_33:
0x509: {  	_ =	sfence.sel $0x180000  }
0x50a: {  	[bflag:$0x0] =	sbarrier.arrive $0xFFFF  }
0x50b: {  	_ =	strace $0x90000047  }
0x50c: {  	s0 =	stileid.u32;
	[bflag:$0x2] =	sbarrier.arrive $0xFFFF  }
0x50d: {  	p0 =	sne.s32 s0, $0x0;
	s0 =	rddreg [dreg:$0x7]  }
0x50e: {  	s0 =	sadd.s32 @!p0 $0x100000, s0  }
0x50f: {  	[sflag:s0] =	ssyncadd.tile.s32 @!p0 $0x1;
	_ =	shalt  }
.Lfunc_end2:
_tile_overlayer_lowered:
.L_overlay_start_2:
0x510: {  	(tag) =	ssettag $0x2  }
0x511: {  	s0 =	rddreg [dreg:$0x0];
	s2 =	stileid.u32  }
0x512: {  	s1 =	rddreg [dreg:$0x1];
	p0 =	sne.s32 s2, $0x0  }
0x513: {  	s3 =	rddreg [dreg:$0x2];
	[bflag:$0x3] =	sbarrier.arrive $0xFFFF;
	s2 =	simm.s32 @!p0 $0x1C02  }
0x514: {  	[timem:s3], [sflag:s2] =	dma.local @!p0 [hbm:s0], s1  }
0x515: {  	s0 =	simm.s32 @!p0 $0x2  }
0x516: {  	_ =	swait.ge @!p0 [sflag:s0], s1  }
0x517: {  	s1 =	ssub.s32 @!p0 $0x0, s1;
	[sflag:s0] =	ssyncset.done @!p0 $0x0  }
0x518: {  	[sflag:s0] =	ssyncadd.s32 @!p0 s1  }
0x519: {  	[bflag:$0x3] =	sbarrier.arrive $0xFFFF  }
0x51a: {  	_ =	shalt  }

</sc_bundles>
